<compile_context>
chip_gen: v7x
topology: tpu7x:2x2x1
jax: 0.10.2.dev20260603
libtpu: 0.0.44.dev20260713+nightly
codegen_flags: <defaults>
</compile_context>

<pallas_src>
import functools

import jax
import jax.numpy as jnp
from jax import lax
from jax.experimental import pallas as pl
from jax.experimental.pallas import tpu as pltpu
from jax.experimental.pallas import tpu_sc as plsc

N = 10000
E = 320000
F = 128
NC, NS, LANES = 2, 16, 16
NW = NC * NS
EDGES_PER_TILE = E // NW
CHUNK = 80
N_CHUNKS = EDGES_PER_TILE // CHUNK
DBUF = 5
ABUF = 4
ACHUNK = 64
AG_CHUNKS = E // ACHUNK
N_PAD = 10240
DEG_PER_TILE = N_PAD // NS
ROWS_PER_TILE = N_PAD // NS

_mesh = plsc.VectorSubcoreMesh(
    core_axis_name="c", subcore_axis_name="s", num_cores=NC, num_subcores=NS
)


@functools.partial(
    pl.kernel,
    out_type=jax.ShapeDtypeStruct((NC * N_PAD,), jnp.float32),
    mesh=_mesh,
    scratch_types=[
        pltpu.VMEM((EDGES_PER_TILE,), jnp.int32),
        pltpu.VMEM((DBUF, CHUNK), jnp.int32),
        pltpu.VMEM((CHUNK,), jnp.float32),
        pltpu.VMEM((DEG_PER_TILE,), jnp.float32),
        pltpu.VMEM_SHARED((N_PAD,), jnp.float32),
        pltpu.SemaphoreType.DMA,
    ] + [pltpu.SemaphoreType.DMA] * DBUF,
)
def _deg_kernel(ei_hbm, out_hbm, pk_v, dst_v, ones_v, zbuf_v, deg_sh, isem,
                *ssem):
    cid = lax.axis_index("c")
    sid = lax.axis_index("s")
    wid = cid * NS + sid

    idx_cp = pltpu.async_copy(
        ei_hbm.at[pl.ds(E + wid * EDGES_PER_TILE, EDGES_PER_TILE)], pk_v, isem
    )

    zeros16 = jnp.zeros((LANES,), jnp.float32)
    for i in range(CHUNK // LANES):
        ones_v[pl.ds(i * LANES, LANES)] = zeros16 + 1.0

    @pl.loop(0, DEG_PER_TILE // LANES)
    def _(i):
        zbuf_v[pl.ds(i * LANES, LANES)] = zeros16

    pltpu.sync_copy(zbuf_v, deg_sh.at[pl.ds(sid * DEG_PER_TILE, DEG_PER_TILE)])
    plsc.subcore_barrier()
    idx_cp.wait()

    def _fire(k, b):
        for j in range(CHUNK // LANES):
            dst_v[b, pl.ds(j * LANES, LANES)] = (
                pk_v[pl.ds(k * CHUNK + j * LANES, LANES)])
        pltpu.async_copy(ones_v, deg_sh.at[dst_v.at[b]], ssem[b], add=True)

    def _drain(b):
        pltpu.make_async_copy(ones_v, deg_sh.at[dst_v.at[b]], ssem[b]).wait()

    for b in range(DBUF):
        _fire(b, b)

    @pl.loop(DBUF, N_CHUNKS, step=DBUF)
    def _(i):
        for b in range(DBUF):
            _drain(b)
            _fire(i + b, b)

    for b in range(DBUF):
        _drain(b)

    plsc.subcore_barrier()
    pltpu.sync_copy(
        deg_sh.at[pl.ds(sid * DEG_PER_TILE, DEG_PER_TILE)],
        out_hbm.at[pl.ds(cid * N_PAD + sid * DEG_PER_TILE, DEG_PER_TILE)],
    )


@functools.partial(
    pl.kernel,
    out_type=jax.ShapeDtypeStruct((NC * N_PAD, F), jnp.float32),
    mesh=_mesh,
    scratch_types=[
        pltpu.VMEM((ABUF, ACHUNK), jnp.int32),
        pltpu.VMEM((ABUF, ACHUNK), jnp.int32),
        pltpu.VMEM((ABUF, ACHUNK, F), jnp.float32),
        pltpu.VMEM_SHARED((N_PAD, F), jnp.float32),
    ] + [pltpu.SemaphoreType.DMA] * (4 * ABUF),
)
def _agg_kernel(xs_hbm, ei_hbm, out_hbm, src_v, dst_v, rows_v, acc_sh, *sems):
    issem = sems[:ABUF]
    idsem = sems[ABUF:2 * ABUF]
    gsem = sems[2 * ABUF:3 * ABUF]
    ssem = sems[3 * ABUF:]
    cid = lax.axis_index("c")
    sid = lax.axis_index("s")
    wid = cid * NS + sid
    my_n = jnp.where(wid < AG_CHUNKS % NW,
                     AG_CHUNKS // NW + 1, AG_CHUNKS // NW)

    def _isfire(k, b):
        off = (wid + k * NW) * ACHUNK
        pltpu.async_copy(ei_hbm.at[pl.ds(off, ACHUNK)], src_v.at[b], issem[b])

    def _iswait(b):
        pltpu.make_async_copy(ei_hbm.at[pl.ds(0, ACHUNK)],
                              src_v.at[b], issem[b]).wait()

    def _idfire(k, b):
        off = E + (wid + k * NW) * ACHUNK
        pltpu.async_copy(ei_hbm.at[pl.ds(off, ACHUNK)], dst_v.at[b], idsem[b])

    def _idwait(b):
        pltpu.make_async_copy(ei_hbm.at[pl.ds(0, ACHUNK)],
                              dst_v.at[b], idsem[b]).wait()

    for b in range(ABUF):
        _isfire(b, b)
        _idfire(b, b)

    zeros16 = jnp.zeros((LANES,), jnp.float32)

    @pl.loop(0, ACHUNK)
    def _(r):
        for j in range(F // LANES):
            rows_v[0, r, pl.ds(j * LANES, LANES)] = zeros16

    @pl.loop(0, ROWS_PER_TILE // ACHUNK)
    def _(i):
        pltpu.sync_copy(
            rows_v.at[0],
            acc_sh.at[pl.ds(sid * ROWS_PER_TILE + i * ACHUNK, ACHUNK)]
        )

    plsc.subcore_barrier()

    def _gather(b):
        _iswait(b)
        pltpu.async_copy(xs_hbm.at[src_v.at[b]], rows_v.at[b], gsem[b])

    def _gwait(b):
        pltpu.make_async_copy(xs_hbm.at[src_v.at[b]], rows_v.at[b],
                              gsem[b]).wait()

    def _scatter(b):
        _idwait(b)
        pltpu.async_copy(rows_v.at[b], acc_sh.at[dst_v.at[b]], ssem[b],
                         add=True)

    def _swait(b):
        pltpu.make_async_copy(rows_v.at[b], acc_sh.at[dst_v.at[b]],
                              ssem[b]).wait()

    for b in range(ABUF):
        _gather(b)

    @pl.loop(0, my_n, step=ABUF)
    def _(i):
        for b in range(ABUF):
            @pl.when(i + b < my_n)
            def _():
                _gwait(b)
                @pl.when(i + b + ABUF < my_n)
                def _():
                    _isfire(i + b + ABUF, b)
                _scatter(b)
        for b in range(ABUF):
            nk = i + b + ABUF

            @pl.when(nk < my_n)
            def _():
                _swait(b)
                _idfire(nk, b)
                _gather(b)

    for b in range(ABUF):
        _swait(b)

    plsc.subcore_barrier()
    pltpu.sync_copy(
        acc_sh.at[pl.ds(sid * ROWS_PER_TILE, ROWS_PER_TILE)],
        out_hbm.at[pl.ds(cid * N_PAD + sid * ROWS_PER_TILE, ROWS_PER_TILE)],
    )


_RB = 1000
_GRID = N // _RB

_DN = (((1,), (1,)), ((), ()))


def _dinv_col(deg_ref):
    return lax.rsqrt(deg_ref[:, 0:1] + deg_ref[:, 1:2] + 1.0)


def _scale_body(deg_ref, x_ref, o_ref):
    o_ref[...] = x_ref[...] * _dinv_col(deg_ref)


def _mm_body(deg_ref, p_ref, xs_ref, w1_ref, b1_ref, w2_ref, o_ref):
    dinv = _dinv_col(deg_ref)
    agg = (p_ref[0] + p_ref[1] + xs_ref[...]) * dinv
    h = lax.dot_general(agg, w1_ref[...], _DN,
                        preferred_element_type=jnp.float32)
    h = jnp.maximum(h + b1_ref[...], 0.0)
    hw = lax.dot_general(h, w2_ref[...], _DN,
                         preferred_element_type=jnp.float32)
    o_ref[...] = hw * dinv


def _fin_body(deg_ref, q_ref, hws_ref, b2_ref, o_ref):
    dinv = _dinv_col(deg_ref)
    z = (q_ref[0] + q_ref[1] + hws_ref[...]) * dinv + b2_ref[...]
    m = jnp.max(z, axis=1, keepdims=True)
    e = jnp.exp(z - m)
    s = jnp.sum(e, axis=1, keepdims=True)
    o_ref[...] = z - m - jnp.log(s)


_deg_spec = pl.BlockSpec((_RB, NC), lambda i: (i, 0))
_row_spec = pl.BlockSpec((_RB, F), lambda i: (i, 0))
_pair_spec = pl.BlockSpec((NC, _RB, F), lambda i: (0, i, 0))

_scale_call = pl.pallas_call(
    _scale_body,
    out_shape=jax.ShapeDtypeStruct((N, F), jnp.float32),
    grid=(_GRID,),
    in_specs=[_deg_spec, _row_spec],
    out_specs=_row_spec,
)

_mm_call = pl.pallas_call(
    _mm_body,
    out_shape=jax.ShapeDtypeStruct((N, F), jnp.float32),
    grid=(_GRID,),
    in_specs=[
        _deg_spec,
        _pair_spec,
        _row_spec,
        pl.BlockSpec((256, F), lambda i: (0, 0)),
        pl.BlockSpec((1, 256), lambda i: (0, 0)),
        pl.BlockSpec((F, 256), lambda i: (0, 0)),
    ],
    out_specs=_row_spec,
)

_fin_call = pl.pallas_call(
    _fin_body,
    out_shape=jax.ShapeDtypeStruct((N, F), jnp.float32),
    grid=(_GRID,),
    in_specs=[
        _deg_spec,
        _pair_spec,
        _row_spec,
        pl.BlockSpec((1, F), lambda i: (0, 0)),
    ],
    out_specs=_row_spec,
)


def kernel(x, edge_index, W1, b1, W2, b2):
    ei_flat = edge_index.reshape(2 * E)

    degT = _deg_kernel(ei_flat).reshape(NC, N_PAD).T
    xs = _scale_call(degT, x)
    P = _agg_kernel(xs, ei_flat).reshape(NC, N_PAD, F)
    hws = _mm_call(degT, P, xs, W1, b1.reshape(1, -1), W2)
    Q = _agg_kernel(hws, ei_flat).reshape(NC, N_PAD, F)
    return _fin_call(degT, Q, hws, b2.reshape(1, -1))

# --- scband reference (transcript-rebuilt; emitter-appended) ---
"""Pipeline reference for scband-gnn-15247133901672 (READ-ONLY COPY).

The authoritative reference and input builder live on the scoring server;
editing this copy changes nothing except your own understanding.
"""

import jax, jax.numpy as jnp
import numpy as np

IN_FEAT = 128
HID_FEAT = 256
OUT_FEAT = 128
N_NODES = 10000
N_EDGES = 320000


def _glorot(key, shape):
    fan_out, fan_in = shape
    limit = np.sqrt(6.0 / (fan_in + fan_out))
    return jax.random.uniform(key, shape, dtype=jnp.float32, minval=-limit, maxval=limit)


def setup_inputs(seed: int = 0) -> dict:
    key = jax.random.key(seed)
    k1, k2, k3, k4 = jax.random.split(key, 4)
    x = jax.random.normal(k1, (N_NODES, IN_FEAT), dtype=jnp.float32)
    edge_index = jax.random.randint(k2, (2, N_EDGES), 0, N_NODES, dtype=jnp.int32)
    W1 = _glorot(k3, (HID_FEAT, IN_FEAT))
    b1 = jnp.zeros((HID_FEAT,), dtype=jnp.float32)
    W2 = _glorot(k4, (OUT_FEAT, HID_FEAT))
    b2 = jnp.zeros((OUT_FEAT,), dtype=jnp.float32)
    return {"x": x, "edge_index": edge_index, "W1": W1, "b1": b1, "W2": W2, "b2": b2}


def gcn_conv(x, edge_index, W, b):
    # Faithful PyG GCNConv: add self-loops, symmetric normalization,
    # linear transform, scatter-add aggregation from src to dst, bias.
    N = x.shape[0]
    src = edge_index[0]
    dst = edge_index[1]
    loop = jnp.arange(N, dtype=src.dtype)
    src = jnp.concatenate([src, loop])
    dst = jnp.concatenate([dst, loop])
    ew = jnp.ones(src.shape[0], dtype=x.dtype)
    deg = jnp.zeros((N,), dtype=x.dtype).at[dst].add(ew)
    deg_inv_sqrt = jnp.where(deg > 0, 1.0 / jnp.sqrt(deg), 0.0)
    norm = deg_inv_sqrt[src] * ew * deg_inv_sqrt[dst]
    xw = x @ W.T
    msg = xw[src] * norm[:, None]
    out = jnp.zeros((N, W.shape[0]), dtype=x.dtype).at[dst].add(msg)
    return out + b


def reference(x, edge_index, W1, b1, W2, b2):
    h = jax.nn.relu(gcn_conv(x, edge_index, W1, b1))
    # F.dropout(training=False) in eval mode -> identity
    h = gcn_conv(h, edge_index, W2, b2)
    return jax.nn.log_softmax(h, axis=1)

if __name__ == "__main__":
    import jax
    _d = setup_inputs()
    print(jax.jit(kernel)(*tuple(_d.values())))

</pallas_src>

<mosaic_0001>
#map = affine_map<(d0, d1) -> (0, 0)>
#map1 = affine_map<(d0, d1) -> (0)>
module attributes {stable_mosaic.version = 14 : i64} {
  func.func @_agg_kernel(%arg0: i32, %arg1: i32, %arg2: memref<10000x128xf32, #tpu.memory_space<hbm>>, %arg3: memref<640000xi32, #tpu.memory_space<hbm>>, %arg4: memref<20480x128xf32, #tpu.memory_space<hbm>>, %arg5: memref<4x64xi32, #tpu.memory_space<vmem>>, %arg6: memref<4x64xi32, #tpu.memory_space<vmem>>, %arg7: memref<4x64x128xf32, #tpu.memory_space<vmem>>, %arg8: memref<10240x128xf32, #tpu.memory_space<vmem_shared>>, %arg9: memref<!tpu.dma_semaphore, #tpu.memory_space<semaphore_mem>>, %arg10: memref<!tpu.dma_semaphore, #tpu.memory_space<semaphore_mem>>, %arg11: memref<!tpu.dma_semaphore, #tpu.memory_space<semaphore_mem>>, %arg12: memref<!tpu.dma_semaphore, #tpu.memory_space<semaphore_mem>>, %arg13: memref<!tpu.dma_semaphore, #tpu.memory_space<semaphore_mem>>, %arg14: memref<!tpu.dma_semaphore, #tpu.memory_space<semaphore_mem>>, %arg15: memref<!tpu.dma_semaphore, #tpu.memory_space<semaphore_mem>>, %arg16: memref<!tpu.dma_semaphore, #tpu.memory_space<semaphore_mem>>, %arg17: memref<!tpu.dma_semaphore, #tpu.memory_space<semaphore_mem>>, %arg18: memref<!tpu.dma_semaphore, #tpu.memory_space<semaphore_mem>>, %arg19: memref<!tpu.dma_semaphore, #tpu.memory_space<semaphore_mem>>, %arg20: memref<!tpu.dma_semaphore, #tpu.memory_space<semaphore_mem>>, %arg21: memref<!tpu.dma_semaphore, #tpu.memory_space<semaphore_mem>>, %arg22: memref<!tpu.dma_semaphore, #tpu.memory_space<semaphore_mem>>, %arg23: memref<!tpu.dma_semaphore, #tpu.memory_space<semaphore_mem>>, %arg24: memref<!tpu.dma_semaphore, #tpu.memory_space<semaphore_mem>>) attributes {dimension_semantics = [#tpu.dimension_semantics<core_parallel>, #tpu.dimension_semantics<subcore_parallel>], iteration_bounds = array<i64: 2, 16>, scalar_prefetch = 0 : i64, scratch_operands = 20 : i64, tpu.core_type = #tpu.core_type<sc_vector_subcore>, window_params = [{transform_indices = #map}, {transform_indices = #map1}, {transform_indices = #map}]} {
    %mul3A = arith.constant 16 : i32
    %mul3A_0 = arith.muli %arg0, %mul3A : i32
    %add3A = arith.addi %mul3A_0, %arg1 : i32
    %lt3A = arith.constant 8 : i32
    %lt3A_1 = arith.cmpi slt, %add3A, %lt3A : i32
    %jit3A = arith.constant 157 : i32
    %jit3A_2 = arith.constant 156 : i32
    %select_n3A = arith.select %lt3A_1, %jit3A, %jit3A_2 : i32
    %add3A_3 = arith.constant 0 : i32
    %add3A_4 = arith.addi %add3A, %add3A_3 : i32
    %mul3A_5 = arith.constant 64 : i32
    %mul3A_6 = arith.muli %add3A_4, %mul3A_5 : i32
    %dma_start3A = arith.constant 0 : i32
    %dma_start3A_7 = arith.constant 0 : i32
    %dma_start3A_8 = tpu.memref_slice %arg5[%dma_start3A, %dma_start3A_7] : memref<4x64xi32, #tpu.memory_space<vmem>> -> memref<1x64xi32, #tpu.memory_space<vmem>>
    %dma_start3A_9 = tpu.memref_squeeze %dma_start3A_8 : memref<1x64xi32, #tpu.memory_space<vmem>> -> memref<64xi32, #tpu.memory_space<vmem>>
    %dma_start3A_10 = tpu.memref_slice %arg3[%mul3A_6] : memref<640000xi32, #tpu.memory_space<hbm>> -> memref<64xi32, #tpu.memory_space<hbm>>
    %dma_start3A_11 = arith.constant 0 : i32
    %dma_start3A_12 = tpu.memref_slice %arg5[%dma_start3A, %dma_start3A_11] : memref<4x64xi32, #tpu.memory_space<vmem>> -> memref<1x64xi32, #tpu.memory_space<vmem>>
    %dma_start3A_13 = tpu.memref_squeeze %dma_start3A_12 : memref<1x64xi32, #tpu.memory_space<vmem>> -> memref<64xi32, #tpu.memory_space<vmem>>
    %dma_start3A_14 = tpu.memref_slice %arg3[%mul3A_6] : memref<640000xi32, #tpu.memory_space<hbm>> -> memref<64xi32, #tpu.memory_space<hbm>>
    tpu.enqueue_dma source(%dma_start3A_14 : memref<64xi32, #tpu.memory_space<hbm>>) target(%dma_start3A_13 : memref<64xi32, #tpu.memory_space<vmem>>) target_semaphore(%arg9 : memref<!tpu.dma_semaphore, #tpu.memory_space<semaphore_mem>>)
    %add3A_15 = arith.constant 0 : i32
    %add3A_16 = arith.addi %add3A, %add3A_15 : i32
    %mul3A_17 = arith.constant 64 : i32
    %mul3A_18 = arith.muli %add3A_16, %mul3A_17 : i32
    %add3A_19 = arith.constant 320000 : i32
    %add3A_20 = arith.addi %add3A_19, %mul3A_18 : i32
    %dma_start3A_21 = arith.constant 0 : i32
    %dma_start3A_22 = arith.constant 0 : i32
    %dma_start3A_23 = tpu.memref_slice %arg6[%dma_start3A_21, %dma_start3A_22] : memref<4x64xi32, #tpu.memory_space<vmem>> -> memref<1x64xi32, #tpu.memory_space<vmem>>
    %dma_start3A_24 = tpu.memref_squeeze %dma_start3A_23 : memref<1x64xi32, #tpu.memory_space<vmem>> -> memref<64xi32, #tpu.memory_space<vmem>>
    %dma_start3A_25 = tpu.memref_slice %arg3[%add3A_20] : memref<640000xi32, #tpu.memory_space<hbm>> -> memref<64xi32, #tpu.memory_space<hbm>>
    %dma_start3A_26 = arith.constant 0 : i32
    %dma_start3A_27 = tpu.memref_slice %arg6[%dma_start3A_21, %dma_start3A_26] : memref<4x64xi32, #tpu.memory_space<vmem>> -> memref<1x64xi32, #tpu.memory_space<vmem>>
    %dma_start3A_28 = tpu.memref_squeeze %dma_start3A_27 : memref<1x64xi32, #tpu.memory_space<vmem>> -> memref<64xi32, #tpu.memory_space<vmem>>
    %dma_start3A_29 = tpu.memref_slice %arg3[%add3A_20] : memref<640000xi32, #tpu.memory_space<hbm>> -> memref<64xi32, #tpu.memory_space<hbm>>
    tpu.enqueue_dma source(%dma_start3A_29 : memref<64xi32, #tpu.memory_space<hbm>>) target(%dma_start3A_28 : memref<64xi32, #tpu.memory_space<vmem>>) target_semaphore(%arg13 : memref<!tpu.dma_semaphore, #tpu.memory_space<semaphore_mem>>)
    %add3A_30 = arith.constant 32 : i32
    %add3A_31 = arith.addi %add3A, %add3A_30 : i32
    %mul3A_32 = arith.constant 64 : i32
    %mul3A_33 = arith.muli %add3A_31, %mul3A_32 : i32
    %dma_start3A_34 = arith.constant 1 : i32
    %dma_start3A_35 = arith.constant 0 : i32
    %dma_start3A_36 = tpu.memref_slice %arg5[%dma_start3A_34, %dma_start3A_35] : memref<4x64xi32, #tpu.memory_space<vmem>> -> memref<1x64xi32, #tpu.memory_space<vmem>>
    %dma_start3A_37 = tpu.memref_squeeze %dma_start3A_36 : memref<1x64xi32, #tpu.memory_space<vmem>> -> memref<64xi32, #tpu.memory_space<vmem>>
    %dma_start3A_38 = tpu.memref_slice %arg3[%mul3A_33] : memref<640000xi32, #tpu.memory_space<hbm>> -> memref<64xi32, #tpu.memory_space<hbm>>
    %dma_start3A_39 = arith.constant 0 : i32
    %dma_start3A_40 = tpu.memref_slice %arg5[%dma_start3A_34, %dma_start3A_39] : memref<4x64xi32, #tpu.memory_space<vmem>> -> memref<1x64xi32, #tpu.memory_space<vmem>>
    %dma_start3A_41 = tpu.memref_squeeze %dma_start3A_40 : memref<1x64xi32, #tpu.memory_space<vmem>> -> memref<64xi32, #tpu.memory_space<vmem>>
    %dma_start3A_42 = tpu.memref_slice %arg3[%mul3A_33] : memref<640000xi32, #tpu.memory_space<hbm>> -> memref<64xi32, #tpu.memory_space<hbm>>
    tpu.enqueue_dma source(%dma_start3A_42 : memref<64xi32, #tpu.memory_space<hbm>>) target(%dma_start3A_41 : memref<64xi32, #tpu.memory_space<vmem>>) target_semaphore(%arg10 : memref<!tpu.dma_semaphore, #tpu.memory_space<semaphore_mem>>)
    %add3A_43 = arith.constant 32 : i32
    %add3A_44 = arith.addi %add3A, %add3A_43 : i32
    %mul3A_45 = arith.constant 64 : i32
    %mul3A_46 = arith.muli %add3A_44, %mul3A_45 : i32
    %add3A_47 = arith.constant 320000 : i32
    %add3A_48 = arith.addi %add3A_47, %mul3A_46 : i32
    %dma_start3A_49 = arith.constant 1 : i32
    %dma_start3A_50 = arith.constant 0 : i32
    %dma_start3A_51 = tpu.memref_slice %arg6[%dma_start3A_49, %dma_start3A_50] : memref<4x64xi32, #tpu.memory_space<vmem>> -> memref<1x64xi32, #tpu.memory_space<vmem>>
    %dma_start3A_52 = tpu.memref_squeeze %dma_start3A_51 : memref<1x64xi32, #tpu.memory_space<vmem>> -> memref<64xi32, #tpu.memory_space<vmem>>
    %dma_start3A_53 = tpu.memref_slice %arg3[%add3A_48] : memref<640000xi32, #tpu.memory_space<hbm>> -> memref<64xi32, #tpu.memory_space<hbm>>
    %dma_start3A_54 = arith.constant 0 : i32
    %dma_start3A_55 = tpu.memref_slice %arg6[%dma_start3A_49, %dma_start3A_54] : memref<4x64xi32, #tpu.memory_space<vmem>> -> memref<1x64xi32, #tpu.memory_space<vmem>>
    %dma_start3A_56 = tpu.memref_squeeze %dma_start3A_55 : memref<1x64xi32, #tpu.memory_space<vmem>> -> memref<64xi32, #tpu.memory_space<vmem>>
    %dma_start3A_57 = tpu.memref_slice %arg3[%add3A_48] : memref<640000xi32, #tpu.memory_space<hbm>> -> memref<64xi32, #tpu.memory_space<hbm>>
    tpu.enqueue_dma source(%dma_start3A_57 : memref<64xi32, #tpu.memory_space<hbm>>) target(%dma_start3A_56 : memref<64xi32, #tpu.memory_space<vmem>>) target_semaphore(%arg14 : memref<!tpu.dma_semaphore, #tpu.memory_space<semaphore_mem>>)
    %add3A_58 = arith.constant 64 : i32
    %add3A_59 = arith.addi %add3A, %add3A_58 : i32
    %mul3A_60 = arith.constant 64 : i32
    %mul3A_61 = arith.muli %add3A_59, %mul3A_60 : i32
    %dma_start3A_62 = arith.constant 2 : i32
    %dma_start3A_63 = arith.constant 0 : i32
    %dma_start3A_64 = tpu.memref_slice %arg5[%dma_start3A_62, %dma_start3A_63] : memref<4x64xi32, #tpu.memory_space<vmem>> -> memref<1x64xi32, #tpu.memory_space<vmem>>
    %dma_start3A_65 = tpu.memref_squeeze %dma_start3A_64 : memref<1x64xi32, #tpu.memory_space<vmem>> -> memref<64xi32, #tpu.memory_space<vmem>>
    %dma_start3A_66 = tpu.memref_slice %arg3[%mul3A_61] : memref<640000xi32, #tpu.memory_space<hbm>> -> memref<64xi32, #tpu.memory_space<hbm>>
    %dma_start3A_67 = arith.constant 0 : i32
    %dma_start3A_68 = tpu.memref_slice %arg5[%dma_start3A_62, %dma_start3A_67] : memref<4x64xi32, #tpu.memory_space<vmem>> -> memref<1x64xi32, #tpu.memory_space<vmem>>
    %dma_start3A_69 = tpu.memref_squeeze %dma_start3A_68 : memref<1x64xi32, #tpu.memory_space<vmem>> -> memref<64xi32, #tpu.memory_space<vmem>>
    %dma_start3A_70 = tpu.memref_slice %arg3[%mul3A_61] : memref<640000xi32, #tpu.memory_space<hbm>> -> memref<64xi32, #tpu.memory_space<hbm>>
    tpu.enqueue_dma source(%dma_start3A_70 : memref<64xi32, #tpu.memory_space<hbm>>) target(%dma_start3A_69 : memref<64xi32, #tpu.memory_space<vmem>>) target_semaphore(%arg11 : memref<!tpu.dma_semaphore, #tpu.memory_space<semaphore_mem>>)
    %add3A_71 = arith.constant 64 : i32
    %add3A_72 = arith.addi %add3A, %add3A_71 : i32
    %mul3A_73 = arith.constant 64 : i32
    %mul3A_74 = arith.muli %add3A_72, %mul3A_73 : i32
    %add3A_75 = arith.constant 320000 : i32
    %add3A_76 = arith.addi %add3A_75, %mul3A_74 : i32
    %dma_start3A_77 = arith.constant 2 : i32
    %dma_start3A_78 = arith.constant 0 : i32
    %dma_start3A_79 = tpu.memref_slice %arg6[%dma_start3A_77, %dma_start3A_78] : memref<4x64xi32, #tpu.memory_space<vmem>> -> memref<1x64xi32, #tpu.memory_space<vmem>>
    %dma_start3A_80 = tpu.memref_squeeze %dma_start3A_79 : memref<1x64xi32, #tpu.memory_space<vmem>> -> memref<64xi32, #tpu.memory_space<vmem>>
    %dma_start3A_81 = tpu.memref_slice %arg3[%add3A_76] : memref<640000xi32, #tpu.memory_space<hbm>> -> memref<64xi32, #tpu.memory_space<hbm>>
    %dma_start3A_82 = arith.constant 0 : i32
    %dma_start3A_83 = tpu.memref_slice %arg6[%dma_start3A_77, %dma_start3A_82] : memref<4x64xi32, #tpu.memory_space<vmem>> -> memref<1x64xi32, #tpu.memory_space<vmem>>
    %dma_start3A_84 = tpu.memref_squeeze %dma_start3A_83 : memref<1x64xi32, #tpu.memory_space<vmem>> -> memref<64xi32, #tpu.memory_space<vmem>>
    %dma_start3A_85 = tpu.memref_slice %arg3[%add3A_76] : memref<640000xi32, #tpu.memory_space<hbm>> -> memref<64xi32, #tpu.memory_space<hbm>>
    tpu.enqueue_dma source(%dma_start3A_85 : memref<64xi32, #tpu.memory_space<hbm>>) target(%dma_start3A_84 : memref<64xi32, #tpu.memory_space<vmem>>) target_semaphore(%arg15 : memref<!tpu.dma_semaphore, #tpu.memory_space<semaphore_mem>>)
    %add3A_86 = arith.constant 96 : i32
    %add3A_87 = arith.addi %add3A, %add3A_86 : i32
    %mul3A_88 = arith.constant 64 : i32
    %mul3A_89 = arith.muli %add3A_87, %mul3A_88 : i32
    %dma_start3A_90 = arith.constant 3 : i32
    %dma_start3A_91 = arith.constant 0 : i32
    %dma_start3A_92 = tpu.memref_slice %arg5[%dma_start3A_90, %dma_start3A_91] : memref<4x64xi32, #tpu.memory_space<vmem>> -> memref<1x64xi32, #tpu.memory_space<vmem>>
    %dma_start3A_93 = tpu.memref_squeeze %dma_start3A_92 : memref<1x64xi32, #tpu.memory_space<vmem>> -> memref<64xi32, #tpu.memory_space<vmem>>
    %dma_start3A_94 = tpu.memref_slice %arg3[%mul3A_89] : memref<640000xi32, #tpu.memory_space<hbm>> -> memref<64xi32, #tpu.memory_space<hbm>>
    %dma_start3A_95 = arith.constant 0 : i32
    %dma_start3A_96 = tpu.memref_slice %arg5[%dma_start3A_90, %dma_start3A_95] : memref<4x64xi32, #tpu.memory_space<vmem>> -> memref<1x64xi32, #tpu.memory_space<vmem>>
    %dma_start3A_97 = tpu.memref_squeeze %dma_start3A_96 : memref<1x64xi32, #tpu.memory_space<vmem>> -> memref<64xi32, #tpu.memory_space<vmem>>
    %dma_start3A_98 = tpu.memref_slice %arg3[%mul3A_89] : memref<640000xi32, #tpu.memory_space<hbm>> -> memref<64xi32, #tpu.memory_space<hbm>>
    tpu.enqueue_dma source(%dma_start3A_98 : memref<64xi32, #tpu.memory_space<hbm>>) target(%dma_start3A_97 : memref<64xi32, #tpu.memory_space<vmem>>) target_semaphore(%arg12 : memref<!tpu.dma_semaphore, #tpu.memory_space<semaphore_mem>>)
    %add3A_99 = arith.constant 96 : i32
    %add3A_100 = arith.addi %add3A, %add3A_99 : i32
    %mul3A_101 = arith.constant 64 : i32
    %mul3A_102 = arith.muli %add3A_100, %mul3A_101 : i32
    %add3A_103 = arith.constant 320000 : i32
    %add3A_104 = arith.addi %add3A_103, %mul3A_102 : i32
    %dma_start3A_105 = arith.constant 3 : i32
    %dma_start3A_106 = arith.constant 0 : i32
    %dma_start3A_107 = tpu.memref_slice %arg6[%dma_start3A_105, %dma_start3A_106] : memref<4x64xi32, #tpu.memory_space<vmem>> -> memref<1x64xi32, #tpu.memory_space<vmem>>
    %dma_start3A_108 = tpu.memref_squeeze %dma_start3A_107 : memref<1x64xi32, #tpu.memory_space<vmem>> -> memref<64xi32, #tpu.memory_space<vmem>>
    %dma_start3A_109 = tpu.memref_slice %arg3[%add3A_104] : memref<640000xi32, #tpu.memory_space<hbm>> -> memref<64xi32, #tpu.memory_space<hbm>>
    %dma_start3A_110 = arith.constant 0 : i32
    %dma_start3A_111 = tpu.memref_slice %arg6[%dma_start3A_105, %dma_start3A_110] : memref<4x64xi32, #tpu.memory_space<vmem>> -> memref<1x64xi32, #tpu.memory_space<vmem>>
    %dma_start3A_112 = tpu.memref_squeeze %dma_start3A_111 : memref<1x64xi32, #tpu.memory_space<vmem>> -> memref<64xi32, #tpu.memory_space<vmem>>
    %dma_start3A_113 = tpu.memref_slice %arg3[%add3A_104] : memref<640000xi32, #tpu.memory_space<hbm>> -> memref<64xi32, #tpu.memory_space<hbm>>
    tpu.enqueue_dma source(%dma_start3A_113 : memref<64xi32, #tpu.memory_space<hbm>>) target(%dma_start3A_112 : memref<64xi32, #tpu.memory_space<vmem>>) target_semaphore(%arg16 : memref<!tpu.dma_semaphore, #tpu.memory_space<semaphore_mem>>)
    %broadcast_in_dim3A = arith.constant 0.000000e+00 : f32
    %broadcast_in_dim3A_114 = vector.broadcast %broadcast_in_dim3A : f32 to vector<16xf32>
    %scan3A = arith.constant 0 : i32
    %scan3A_115 = arith.constant 64 : i32
    %scan3A_116 = arith.addi %scan3A, %scan3A_115 : i32
    %scan3A_117 = arith.constant 1 : i32
    scf.for %scan3A_287 = %scan3A to %scan3A_116 step %scan3A_117  : i32 {
      %mul3A_288 = arith.constant 1 : i32
      %mul3A_289 = arith.muli %scan3A_287, %mul3A_288 : i32
      %add3A_290 = arith.constant 0 : i32
      %add3A_291 = arith.addi %add3A_290, %mul3A_289 : i32
      %swap3A = arith.constant 0 : i32
      %swap3A_292 = arith.index_cast %swap3A : i32 to index
      %swap3A_293 = arith.index_cast %add3A_291 : i32 to index
      %swap3A_294 = arith.constant 0 : index
      %swap3A_295 = tpu.vector_load %arg7[%swap3A_292, %swap3A_293, %swap3A_294] {strides = array<i32>} : memref<4x64x128xf32, #tpu.memory_space<vmem>>, vector<1x1x16xf32>,
      %swap3A_296 = vector.shape_cast %swap3A_295 : vector<1x1x16xf32> to vector<16xf32>
      %swap3A_297 = vector.shape_cast %broadcast_in_dim3A_114 : vector<16xf32> to vector<1x1x16xf32>
      tpu.vector_store %arg7[%swap3A_292, %swap3A_293, %swap3A_294], %swap3A_297 {strides = array<i32>} : memref<4x64x128xf32, #tpu.memory_space<vmem>>, vector<1x1x16xf32>,
      %swap3A_298 = arith.constant 0 : i32
      %swap3A_299 = arith.index_cast %swap3A_298 : i32 to index
      %swap3A_300 = arith.index_cast %add3A_291 : i32 to index
      %swap3A_301 = arith.constant 16 : index
      %swap3A_302 = tpu.vector_load %arg7[%swap3A_299, %swap3A_300, %swap3A_301] {strides = array<i32>} : memref<4x64x128xf32, #tpu.memory_space<vmem>>, vector<1x1x16xf32>,
      %swap3A_303 = vector.shape_cast %swap3A_302 : vector<1x1x16xf32> to vector<16xf32>
      %swap3A_304 = vector.shape_cast %broadcast_in_dim3A_114 : vector<16xf32> to vector<1x1x16xf32>
      tpu.vector_store %arg7[%swap3A_299, %swap3A_300, %swap3A_301], %swap3A_304 {strides = array<i32>} : memref<4x64x128xf32, #tpu.memory_space<vmem>>, vector<1x1x16xf32>,
      %swap3A_305 = arith.constant 0 : i32
      %swap3A_306 = arith.index_cast %swap3A_305 : i32 to index
      %swap3A_307 = arith.index_cast %add3A_291 : i32 to index
      %swap3A_308 = arith.constant 32 : index
      %swap3A_309 = tpu.vector_load %arg7[%swap3A_306, %swap3A_307, %swap3A_308] {strides = array<i32>} : memref<4x64x128xf32, #tpu.memory_space<vmem>>, vector<1x1x16xf32>,
      %swap3A_310 = vector.shape_cast %swap3A_309 : vector<1x1x16xf32> to vector<16xf32>
      %swap3A_311 = vector.shape_cast %broadcast_in_dim3A_114 : vector<16xf32> to vector<1x1x16xf32>
      tpu.vector_store %arg7[%swap3A_306, %swap3A_307, %swap3A_308], %swap3A_311 {strides = array<i32>} : memref<4x64x128xf32, #tpu.memory_space<vmem>>, vector<1x1x16xf32>,
      %swap3A_312 = arith.constant 0 : i32
      %swap3A_313 = arith.index_cast %swap3A_312 : i32 to index
      %swap3A_314 = arith.index_cast %add3A_291 : i32 to index
      %swap3A_315 = arith.constant 48 : index
      %swap3A_316 = tpu.vector_load %arg7[%swap3A_313, %swap3A_314, %swap3A_315] {strides = array<i32>} : memref<4x64x128xf32, #tpu.memory_space<vmem>>, vector<1x1x16xf32>,
      %swap3A_317 = vector.shape_cast %swap3A_316 : vector<1x1x16xf32> to vector<16xf32>
      %swap3A_318 = vector.shape_cast %broadcast_in_dim3A_114 : vector<16xf32> to vector<1x1x16xf32>
      tpu.vector_store %arg7[%swap3A_313, %swap3A_314, %swap3A_315], %swap3A_318 {strides = array<i32>} : memref<4x64x128xf32, #tpu.memory_space<vmem>>, vector<1x1x16xf32>,
      %swap3A_319 = arith.constant 0 : i32
      %swap3A_320 = arith.index_cast %swap3A_319 : i32 to index
      %swap3A_321 = arith.index_cast %add3A_291 : i32 to index
      %swap3A_322 = arith.constant 64 : index
      %swap3A_323 = tpu.vector_load %arg7[%swap3A_320, %swap3A_321, %swap3A_322] {strides = array<i32>} : memref<4x64x128xf32, #tpu.memory_space<vmem>>, vector<1x1x16xf32>,
      %swap3A_324 = vector.shape_cast %swap3A_323 : vector<1x1x16xf32> to vector<16xf32>
      %swap3A_325 = vector.shape_cast %broadcast_in_dim3A_114 : vector<16xf32> to vector<1x1x16xf32>
      tpu.vector_store %arg7[%swap3A_320, %swap3A_321, %swap3A_322], %swap3A_325 {strides = array<i32>} : memref<4x64x128xf32, #tpu.memory_space<vmem>>, vector<1x1x16xf32>,
      %swap3A_326 = arith.constant 0 : i32
      %swap3A_327 = arith.index_cast %swap3A_326 : i32 to index
      %swap3A_328 = arith.index_cast %add3A_291 : i32 to index
      %swap3A_329 = arith.constant 80 : index
      %swap3A_330 = tpu.vector_load %arg7[%swap3A_327, %swap3A_328, %swap3A_329] {strides = array<i32>} : memref<4x64x128xf32, #tpu.memory_space<vmem>>, vector<1x1x16xf32>,
      %swap3A_331 = vector.shape_cast %swap3A_330 : vector<1x1x16xf32> to vector<16xf32>
      %swap3A_332 = vector.shape_cast %broadcast_in_dim3A_114 : vector<16xf32> to vector<1x1x16xf32>
      tpu.vector_store %arg7[%swap3A_327, %swap3A_328, %swap3A_329], %swap3A_332 {strides = array<i32>} : memref<4x64x128xf32, #tpu.memory_space<vmem>>, vector<1x1x16xf32>,
      %swap3A_333 = arith.constant 0 : i32
      %swap3A_334 = arith.index_cast %swap3A_333 : i32 to index
      %swap3A_335 = arith.index_cast %add3A_291 : i32 to index
      %swap3A_336 = arith.constant 96 : index
      %swap3A_337 = tpu.vector_load %arg7[%swap3A_334, %swap3A_335, %swap3A_336] {strides = array<i32>} : memref<4x64x128xf32, #tpu.memory_space<vmem>>, vector<1x1x16xf32>,
      %swap3A_338 = vector.shape_cast %swap3A_337 : vector<1x1x16xf32> to vector<16xf32>
      %swap3A_339 = vector.shape_cast %broadcast_in_dim3A_114 : vector<16xf32> to vector<1x1x16xf32>
      tpu.vector_store %arg7[%swap3A_334, %swap3A_335, %swap3A_336], %swap3A_339 {strides = array<i32>} : memref<4x64x128xf32, #tpu.memory_space<vmem>>, vector<1x1x16xf32>,
      %swap3A_340 = arith.constant 0 : i32
      %swap3A_341 = arith.index_cast %swap3A_340 : i32 to index
      %swap3A_342 = arith.index_cast %add3A_291 : i32 to index
      %swap3A_343 = arith.constant 112 : index
      %swap3A_344 = tpu.vector_load %arg7[%swap3A_341, %swap3A_342, %swap3A_343] {strides = array<i32>} : memref<4x64x128xf32, #tpu.memory_space<vmem>>, vector<1x1x16xf32>,
      %swap3A_345 = vector.shape_cast %swap3A_344 : vector<1x1x16xf32> to vector<16xf32>
      %swap3A_346 = vector.shape_cast %broadcast_in_dim3A_114 : vector<16xf32> to vector<1x1x16xf32>
      tpu.vector_store %arg7[%swap3A_341, %swap3A_342, %swap3A_343], %swap3A_346 {strides = array<i32>} : memref<4x64x128xf32, #tpu.memory_space<vmem>>, vector<1x1x16xf32>,
    }
    %scan3A_118 = arith.constant 64 : i32
    %scan3A_119 = arith.constant 0 : i32
    %scan3A_120 = arith.constant 10 : i32
    %scan3A_121 = arith.addi %scan3A_119, %scan3A_120 : i32
    %scan3A_122 = arith.constant 1 : i32
    scf.for %scan3A_287 = %scan3A_119 to %scan3A_121 step %scan3A_122  : i32 {
      %mul3A_288 = arith.constant 1 : i32
      %mul3A_289 = arith.muli %scan3A_287, %mul3A_288 : i32
      %add3A_290 = arith.constant 0 : i32
      %add3A_291 = arith.addi %add3A_290, %mul3A_289 : i32
      %mul3A_292 = arith.constant 640 : i32
      %mul3A_293 = arith.muli %arg1, %mul3A_292 : i32
      %mul3A_294 = arith.constant 64 : i32
      %mul3A_295 = arith.muli %add3A_291, %mul3A_294 : i32
      %add3A_296 = arith.addi %mul3A_293, %mul3A_295 : i32
      %run_scoped3A = arith.constant 0 : i32
      "tpu.region"() ({
        %run_scoped3A_297 = tpu.sem_alloc : memref<!tpu.dma_semaphore, #tpu.memory_space<semaphore_mem>>
        %dma_start3A_298 = arith.constant 0 : i32
        %dma_start3A_299 = arith.constant 0 : i32
        %dma_start3A_300 = tpu.memref_slice %arg7[%run_scoped3A, %dma_start3A_298, %dma_start3A_299] : memref<4x64x128xf32, #tpu.memory_space<vmem>> -> memref<1x64x128xf32, #tpu.memory_space<vmem>>
        %dma_start3A_301 = tpu.memref_squeeze %dma_start3A_300 : memref<1x64x128xf32, #tpu.memory_space<vmem>> -> memref<64x128xf32, #tpu.memory_space<vmem>>
        %dma_start3A_302 = arith.constant 0 : i32
        %dma_start3A_303 = tpu.memref_slice %arg8[%add3A_296, %dma_start3A_302] : memref<10240x128xf32, #tpu.memory_space<vmem_shared>> -> memref<64x128xf32, #tpu.memory_space<vmem_shared>>
        %dma_start3A_304 = arith.constant 0 : i32
        %dma_start3A_305 = tpu.memref_slice %arg8[%add3A_296, %dma_start3A_304] : memref<10240x128xf32, #tpu.memory_space<vmem_shared>> -> memref<64x128xf32, #tpu.memory_space<vmem_shared>>
        %dma_start3A_306 = arith.constant 0 : i32
        %dma_start3A_307 = arith.constant 0 : i32
        %dma_start3A_308 = tpu.memref_slice %arg7[%run_scoped3A, %dma_start3A_306, %dma_start3A_307] : memref<4x64x128xf32, #tpu.memory_space<vmem>> -> memref<1x64x128xf32, #tpu.memory_space<vmem>>
        %dma_start3A_309 = tpu.memref_squeeze %dma_start3A_308 : memref<1x64x128xf32, #tpu.memory_space<vmem>> -> memref<64x128xf32, #tpu.memory_space<vmem>>
        tpu.enqueue_dma source(%dma_start3A_309 : memref<64x128xf32, #tpu.memory_space<vmem>>) target(%dma_start3A_305 : memref<64x128xf32, #tpu.memory_space<vmem_shared>>) target_semaphore(%run_scoped3A_297 : memref<!tpu.dma_semaphore, #tpu.memory_space<semaphore_mem>>)
        %dma_wait3A_310 = arith.constant 0 : i32
        %dma_wait3A_311 = arith.constant 0 : i32
        %dma_wait3A_312 = tpu.memref_slice %arg7[%run_scoped3A, %dma_wait3A_310, %dma_wait3A_311] : memref<4x64x128xf32, #tpu.memory_space<vmem>> -> memref<1x64x128xf32, #tpu.memory_space<vmem>>
        %dma_wait3A_313 = tpu.memref_squeeze %dma_wait3A_312 : memref<1x64x128xf32, #tpu.memory_space<vmem>> -> memref<64x128xf32, #tpu.memory_space<vmem>>
        %dma_wait3A_314 = arith.constant 0 : i32
        %dma_wait3A_315 = tpu.memref_slice %arg8[%add3A_296, %dma_wait3A_314] : memref<10240x128xf32, #tpu.memory_space<vmem_shared>> -> memref<64x128xf32, #tpu.memory_space<vmem_shared>>
        %dma_wait3A_316 = arith.constant 0 : i32
        %dma_wait3A_317 = tpu.memref_slice %arg8[%add3A_296, %dma_wait3A_316] : memref<10240x128xf32, #tpu.memory_space<vmem_shared>> -> memref<64x128xf32, #tpu.memory_space<vmem_shared>>
        %dma_wait3A_318 = arith.constant 0 : i32
        %dma_wait3A_319 = arith.constant 0 : i32
        %dma_wait3A_320 = tpu.memref_slice %arg7[%run_scoped3A, %dma_wait3A_318, %dma_wait3A_319] : memref<4x64x128xf32, #tpu.memory_space<vmem>> -> memref<1x64x128xf32, #tpu.memory_space<vmem>>
        %dma_wait3A_321 = tpu.memref_squeeze %dma_wait3A_320 : memref<1x64x128xf32, #tpu.memory_space<vmem>> -> memref<64x128xf32, #tpu.memory_space<vmem>>
        tpu.wait_dma2 semaphore(%run_scoped3A_297 : memref<!tpu.dma_semaphore, #tpu.memory_space<semaphore_mem>>) src(%dma_wait3A_321 : memref<64x128xf32, #tpu.memory_space<vmem>>) dst(%dma_wait3A_317 : memref<64x128xf32, #tpu.memory_space<vmem_shared>>)
        tpu.yield
      }) : () -> ()
    }
    %scan3A_123 = arith.constant 10 : i32
    %barrier3A = arith.constant 0 : index
    tpu.barrier barrier_id(%barrier3A)
    %dma_wait3A = arith.constant 0 : i32
    %dma_wait3A_124 = arith.constant 0 : i32
    %dma_wait3A_125 = tpu.memref_slice %arg5[%dma_wait3A, %dma_wait3A_124] : memref<4x64xi32, #tpu.memory_space<vmem>> -> memref<1x64xi32, #tpu.memory_space<vmem>>
    %dma_wait3A_126 = tpu.memref_squeeze %dma_wait3A_125 : memref<1x64xi32, #tpu.memory_space<vmem>> -> memref<64xi32, #tpu.memory_space<vmem>>
    %dma_wait3A_127 = arith.constant 0 : i32
    %dma_wait3A_128 = tpu.memref_slice %arg3[%dma_wait3A_127] : memref<640000xi32, #tpu.memory_space<hbm>> -> memref<64xi32, #tpu.memory_space<hbm>>
    %dma_wait3A_129 = arith.constant 0 : i32
    %dma_wait3A_130 = tpu.memref_slice %arg5[%dma_wait3A, %dma_wait3A_129] : memref<4x64xi32, #tpu.memory_space<vmem>> -> memref<1x64xi32, #tpu.memory_space<vmem>>
    %dma_wait3A_131 = tpu.memref_squeeze %dma_wait3A_130 : memref<1x64xi32, #tpu.memory_space<vmem>> -> memref<64xi32, #tpu.memory_space<vmem>>
    %dma_wait3A_132 = arith.constant 0 : i32
    %dma_wait3A_133 = tpu.memref_slice %arg3[%dma_wait3A_132] : memref<640000xi32, #tpu.memory_space<hbm>> -> memref<64xi32, #tpu.memory_space<hbm>>
    tpu.wait_dma2 semaphore(%arg9 : memref<!tpu.dma_semaphore, #tpu.memory_space<semaphore_mem>>) src(%dma_wait3A_133 : memref<64xi32, #tpu.memory_space<hbm>>) dst(%dma_wait3A_131 : memref<64xi32, #tpu.memory_space<vmem>>)
    %dma_start3A_134 = arith.constant 0 : i32
    %dma_start3A_135 = arith.constant 0 : i32
    %dma_start3A_136 = arith.constant 0 : i32
    %dma_start3A_137 = arith.constant 0 : i32
    %dma_start3A_138 = tpu.memref_slice %arg7[%dma_start3A_135, %dma_start3A_136, %dma_start3A_137] : memref<4x64x128xf32, #tpu.memory_space<vmem>> -> memref<1x64x128xf32, #tpu.memory_space<vmem>>
    %dma_start3A_139 = tpu.memref_squeeze %dma_start3A_138 : memref<1x64x128xf32, #tpu.memory_space<vmem>> -> memref<64x128xf32, #tpu.memory_space<vmem>>
    %dma_start3A_140 = arith.constant 0 : i32
    %dma_start3A_141 = tpu.memref_slice %arg5[%dma_start3A_134, %dma_start3A_140] : memref<4x64xi32, #tpu.memory_space<vmem>> -> memref<1x64xi32, #tpu.memory_space<vmem>>
    %dma_start3A_142 = tpu.memref_squeeze %dma_start3A_141 : memref<1x64xi32, #tpu.memory_space<vmem>> -> memref<64xi32, #tpu.memory_space<vmem>>
    %dma_start3A_143 = arith.constant 0 : i32
    %dma_start3A_144 = arith.constant 0 : i32
    %dma_start3A_145 = tpu.memref_slice %arg2[%dma_start3A_143, %dma_start3A_144] : memref<10000x128xf32, #tpu.memory_space<hbm>> -> memref<10000x128xf32, #tpu.memory_space<hbm>>
    tpu.enqueue_indirect_dma source(%dma_start3A_145 : memref<10000x128xf32, #tpu.memory_space<hbm>>) target(%dma_start3A_139 : memref<64x128xf32, #tpu.memory_space<vmem>>) offsets(%dma_start3A_142 : memref<64xi32, #tpu.memory_space<vmem>>) semaphore(%arg17 : memref<!tpu.dma_semaphore, #tpu.memory_space<semaphore_mem>>)
    %dma_wait3A_146 = arith.constant 1 : i32
    %dma_wait3A_147 = arith.constant 0 : i32
    %dma_wait3A_148 = tpu.memref_slice %arg5[%dma_wait3A_146, %dma_wait3A_147] : memref<4x64xi32, #tpu.memory_space<vmem>> -> memref<1x64xi32, #tpu.memory_space<vmem>>
    %dma_wait3A_149 = tpu.memref_squeeze %dma_wait3A_148 : memref<1x64xi32, #tpu.memory_space<vmem>> -> memref<64xi32, #tpu.memory_space<vmem>>
    %dma_wait3A_150 = arith.constant 0 : i32
    %dma_wait3A_151 = tpu.memref_slice %arg3[%dma_wait3A_150] : memref<640000xi32, #tpu.memory_space<hbm>> -> memref<64xi32, #tpu.memory_space<hbm>>
    %dma_wait3A_152 = arith.constant 0 : i32
    %dma_wait3A_153 = tpu.memref_slice %arg5[%dma_wait3A_146, %dma_wait3A_152] : memref<4x64xi32, #tpu.memory_space<vmem>> -> memref<1x64xi32, #tpu.memory_space<vmem>>
    %dma_wait3A_154 = tpu.memref_squeeze %dma_wait3A_153 : memref<1x64xi32, #tpu.memory_space<vmem>> -> memref<64xi32, #tpu.memory_space<vmem>>
    %dma_wait3A_155 = arith.constant 0 : i32
    %dma_wait3A_156 = tpu.memref_slice %arg3[%dma_wait3A_155] : memref<640000xi32, #tpu.memory_space<hbm>> -> memref<64xi32, #tpu.memory_space<hbm>>
    tpu.wait_dma2 semaphore(%arg10 : memref<!tpu.dma_semaphore, #tpu.memory_space<semaphore_mem>>) src(%dma_wait3A_156 : memref<64xi32, #tpu.memory_space<hbm>>) dst(%dma_wait3A_154 : memref<64xi32, #tpu.memory_space<vmem>>)
    %dma_start3A_157 = arith.constant 1 : i32
    %dma_start3A_158 = arith.constant 1 : i32
    %dma_start3A_159 = arith.constant 0 : i32
    %dma_start3A_160 = arith.constant 0 : i32
    %dma_start3A_161 = tpu.memref_slice %arg7[%dma_start3A_158, %dma_start3A_159, %dma_start3A_160] : memref<4x64x128xf32, #tpu.memory_space<vmem>> -> memref<1x64x128xf32, #tpu.memory_space<vmem>>
    %dma_start3A_162 = tpu.memref_squeeze %dma_start3A_161 : memref<1x64x128xf32, #tpu.memory_space<vmem>> -> memref<64x128xf32, #tpu.memory_space<vmem>>
    %dma_start3A_163 = arith.constant 0 : i32
    %dma_start3A_164 = tpu.memref_slice %arg5[%dma_start3A_157, %dma_start3A_163] : memref<4x64xi32, #tpu.memory_space<vmem>> -> memref<1x64xi32, #tpu.memory_space<vmem>>
    %dma_start3A_165 = tpu.memref_squeeze %dma_start3A_164 : memref<1x64xi32, #tpu.memory_space<vmem>> -> memref<64xi32, #tpu.memory_space<vmem>>
    %dma_start3A_166 = arith.constant 0 : i32
    %dma_start3A_167 = arith.constant 0 : i32
    %dma_start3A_168 = tpu.memref_slice %arg2[%dma_start3A_166, %dma_start3A_167] : memref<10000x128xf32, #tpu.memory_space<hbm>> -> memref<10000x128xf32, #tpu.memory_space<hbm>>
    tpu.enqueue_indirect_dma source(%dma_start3A_168 : memref<10000x128xf32, #tpu.memory_space<hbm>>) target(%dma_start3A_162 : memref<64x128xf32, #tpu.memory_space<vmem>>) offsets(%dma_start3A_165 : memref<64xi32, #tpu.memory_space<vmem>>) semaphore(%arg18 : memref<!tpu.dma_semaphore, #tpu.memory_space<semaphore_mem>>)
    %dma_wait3A_169 = arith.constant 2 : i32
    %dma_wait3A_170 = arith.constant 0 : i32
    %dma_wait3A_171 = tpu.memref_slice %arg5[%dma_wait3A_169, %dma_wait3A_170] : memref<4x64xi32, #tpu.memory_space<vmem>> -> memref<1x64xi32, #tpu.memory_space<vmem>>
    %dma_wait3A_172 = tpu.memref_squeeze %dma_wait3A_171 : memref<1x64xi32, #tpu.memory_space<vmem>> -> memref<64xi32, #tpu.memory_space<vmem>>
    %dma_wait3A_173 = arith.constant 0 : i32
    %dma_wait3A_174 = tpu.memref_slice %arg3[%dma_wait3A_173] : memref<640000xi32, #tpu.memory_space<hbm>> -> memref<64xi32, #tpu.memory_space<hbm>>
    %dma_wait3A_175 = arith.constant 0 : i32
    %dma_wait3A_176 = tpu.memref_slice %arg5[%dma_wait3A_169, %dma_wait3A_175] : memref<4x64xi32, #tpu.memory_space<vmem>> -> memref<1x64xi32, #tpu.memory_space<vmem>>
    %dma_wait3A_177 = tpu.memref_squeeze %dma_wait3A_176 : memref<1x64xi32, #tpu.memory_space<vmem>> -> memref<64xi32, #tpu.memory_space<vmem>>
    %dma_wait3A_178 = arith.constant 0 : i32
    %dma_wait3A_179 = tpu.memref_slice %arg3[%dma_wait3A_178] : memref<640000xi32, #tpu.memory_space<hbm>> -> memref<64xi32, #tpu.memory_space<hbm>>
    tpu.wait_dma2 semaphore(%arg11 : memref<!tpu.dma_semaphore, #tpu.memory_space<semaphore_mem>>) src(%dma_wait3A_179 : memref<64xi32, #tpu.memory_space<hbm>>) dst(%dma_wait3A_177 : memref<64xi32, #tpu.memory_space<vmem>>)
    %dma_start3A_180 = arith.constant 2 : i32
    %dma_start3A_181 = arith.constant 2 : i32
    %dma_start3A_182 = arith.constant 0 : i32
    %dma_start3A_183 = arith.constant 0 : i32
    %dma_start3A_184 = tpu.memref_slice %arg7[%dma_start3A_181, %dma_start3A_182, %dma_start3A_183] : memref<4x64x128xf32, #tpu.memory_space<vmem>> -> memref<1x64x128xf32, #tpu.memory_space<vmem>>
    %dma_start3A_185 = tpu.memref_squeeze %dma_start3A_184 : memref<1x64x128xf32, #tpu.memory_space<vmem>> -> memref<64x128xf32, #tpu.memory_space<vmem>>
    %dma_start3A_186 = arith.constant 0 : i32
    %dma_start3A_187 = tpu.memref_slice %arg5[%dma_start3A_180, %dma_start3A_186] : memref<4x64xi32, #tpu.memory_space<vmem>> -> memref<1x64xi32, #tpu.memory_space<vmem>>
    %dma_start3A_188 = tpu.memref_squeeze %dma_start3A_187 : memref<1x64xi32, #tpu.memory_space<vmem>> -> memref<64xi32, #tpu.memory_space<vmem>>
    %dma_start3A_189 = arith.constant 0 : i32
    %dma_start3A_190 = arith.constant 0 : i32
    %dma_start3A_191 = tpu.memref_slice %arg2[%dma_start3A_189, %dma_start3A_190] : memref<10000x128xf32, #tpu.memory_space<hbm>> -> memref<10000x128xf32, #tpu.memory_space<hbm>>
    tpu.enqueue_indirect_dma source(%dma_start3A_191 : memref<10000x128xf32, #tpu.memory_space<hbm>>) target(%dma_start3A_185 : memref<64x128xf32, #tpu.memory_space<vmem>>) offsets(%dma_start3A_188 : memref<64xi32, #tpu.memory_space<vmem>>) semaphore(%arg19 : memref<!tpu.dma_semaphore, #tpu.memory_space<semaphore_mem>>)
    %dma_wait3A_192 = arith.constant 3 : i32
    %dma_wait3A_193 = arith.constant 0 : i32
    %dma_wait3A_194 = tpu.memref_slice %arg5[%dma_wait3A_192, %dma_wait3A_193] : memref<4x64xi32, #tpu.memory_space<vmem>> -> memref<1x64xi32, #tpu.memory_space<vmem>>
    %dma_wait3A_195 = tpu.memref_squeeze %dma_wait3A_194 : memref<1x64xi32, #tpu.memory_space<vmem>> -> memref<64xi32, #tpu.memory_space<vmem>>
    %dma_wait3A_196 = arith.constant 0 : i32
    %dma_wait3A_197 = tpu.memref_slice %arg3[%dma_wait3A_196] : memref<640000xi32, #tpu.memory_space<hbm>> -> memref<64xi32, #tpu.memory_space<hbm>>
    %dma_wait3A_198 = arith.constant 0 : i32
    %dma_wait3A_199 = tpu.memref_slice %arg5[%dma_wait3A_192, %dma_wait3A_198] : memref<4x64xi32, #tpu.memory_space<vmem>> -> memref<1x64xi32, #tpu.memory_space<vmem>>
    %dma_wait3A_200 = tpu.memref_squeeze %dma_wait3A_199 : memref<1x64xi32, #tpu.memory_space<vmem>> -> memref<64xi32, #tpu.memory_space<vmem>>
    %dma_wait3A_201 = arith.constant 0 : i32
    %dma_wait3A_202 = tpu.memref_slice %arg3[%dma_wait3A_201] : memref<640000xi32, #tpu.memory_space<hbm>> -> memref<64xi32, #tpu.memory_space<hbm>>
    tpu.wait_dma2 semaphore(%arg12 : memref<!tpu.dma_semaphore, #tpu.memory_space<semaphore_mem>>) src(%dma_wait3A_202 : memref<64xi32, #tpu.memory_space<hbm>>) dst(%dma_wait3A_200 : memref<64xi32, #tpu.memory_space<vmem>>)
    %dma_start3A_203 = arith.constant 3 : i32
    %dma_start3A_204 = arith.constant 3 : i32
    %dma_start3A_205 = arith.constant 0 : i32
    %dma_start3A_206 = arith.constant 0 : i32
    %dma_start3A_207 = tpu.memref_slice %arg7[%dma_start3A_204, %dma_start3A_205, %dma_start3A_206] : memref<4x64x128xf32, #tpu.memory_space<vmem>> -> memref<1x64x128xf32, #tpu.memory_space<vmem>>
    %dma_start3A_208 = tpu.memref_squeeze %dma_start3A_207 : memref<1x64x128xf32, #tpu.memory_space<vmem>> -> memref<64x128xf32, #tpu.memory_space<vmem>>
    %dma_start3A_209 = arith.constant 0 : i32
    %dma_start3A_210 = tpu.memref_slice %arg5[%dma_start3A_203, %dma_start3A_209] : memref<4x64xi32, #tpu.memory_space<vmem>> -> memref<1x64xi32, #tpu.memory_space<vmem>>
    %dma_start3A_211 = tpu.memref_squeeze %dma_start3A_210 : memref<1x64xi32, #tpu.memory_space<vmem>> -> memref<64xi32, #tpu.memory_space<vmem>>
    %dma_start3A_212 = arith.constant 0 : i32
    %dma_start3A_213 = arith.constant 0 : i32
    %dma_start3A_214 = tpu.memref_slice %arg2[%dma_start3A_212, %dma_start3A_213] : memref<10000x128xf32, #tpu.memory_space<hbm>> -> memref<10000x128xf32, #tpu.memory_space<hbm>>
    tpu.enqueue_indirect_dma source(%dma_start3A_214 : memref<10000x128xf32, #tpu.memory_space<hbm>>) target(%dma_start3A_208 : memref<64x128xf32, #tpu.memory_space<vmem>>) offsets(%dma_start3A_211 : memref<64xi32, #tpu.memory_space<vmem>>) semaphore(%arg20 : memref<!tpu.dma_semaphore, #tpu.memory_space<semaphore_mem>>)
    %sub3A = arith.constant 0 : i32
    %sub3A_215 = arith.subi %select_n3A, %sub3A : i32
    %sub3A_216 = arith.constant 4 : i32
    %sub3A_217 = arith.constant 1 : i32
    %sub3A_218 = arith.subi %sub3A_216, %sub3A_217 : i32
    %add3A_219 = arith.addi %sub3A_215, %sub3A_218 : i32
    %div3A = arith.constant 4 : i32
    %div3A_220 = arith.divsi %add3A_219, %div3A : i32
    %while3A = arith.constant 4 : i32
    %while3A_221 = arith.constant 0 : i32
    %while3A_222 = arith.constant 0 : i32
    %while3A_223 = arith.subi %div3A_220, %while3A_222 : i32
    %while3A_224 = arith.addi %while3A_222, %while3A_223 : i32
    %while3A_225 = arith.constant 1 : i32
    %while3A_226 = arith.divsi %while3A_223, %while3A_225 : i32
    %while3A_227 = arith.muli %while3A_226, %while3A_225 : i32
    %while3A_228 = arith.addi %while3A_222, %while3A_227 : i32
    %while3A_229 = arith.constant 1 : i32
    scf.for %while3A_287 = %while3A_222 to %while3A_228 step %while3A_229  : i32 {
      %mul3A_288 = arith.muli %while3A_287, %while3A : i32
      %add3A_289 = arith.addi %while3A_221, %mul3A_288 : i32
      %add3A_290 = arith.constant 0 : i32
      %add3A_291 = arith.addi %add3A_289, %add3A_290 : i32
      %lt3A_292 = arith.cmpi slt, %add3A_291, %select_n3A : i32
      %convert_element_type3A = arith.extui %lt3A_292 : i1 to i32
      %cond3A = arith.constant 0 : i32
      %cond3A_293 = arith.cmpi ne, %convert_element_type3A, %cond3A : i32
      scf.if %cond3A_293 {
        %dma_wait3A_344 = arith.constant 0 : i32
        %dma_wait3A_345 = arith.constant 0 : i32
        %dma_wait3A_346 = arith.constant 0 : i32
        %dma_wait3A_347 = arith.constant 0 : i32
        %dma_wait3A_348 = tpu.memref_slice %arg7[%dma_wait3A_345, %dma_wait3A_346, %dma_wait3A_347] : memref<4x64x128xf32, #tpu.memory_space<vmem>> -> memref<1x64x128xf32, #tpu.memory_space<vmem>>
        %dma_wait3A_349 = tpu.memref_squeeze %dma_wait3A_348 : memref<1x64x128xf32, #tpu.memory_space<vmem>> -> memref<64x128xf32, #tpu.memory_space<vmem>>
        %dma_wait3A_350 = arith.constant 0 : i32
        %dma_wait3A_351 = tpu.memref_slice %arg5[%dma_wait3A_344, %dma_wait3A_350] : memref<4x64xi32, #tpu.memory_space<vmem>> -> memref<1x64xi32, #tpu.memory_space<vmem>>
        %dma_wait3A_352 = tpu.memref_squeeze %dma_wait3A_351 : memref<1x64xi32, #tpu.memory_space<vmem>> -> memref<64xi32, #tpu.memory_space<vmem>>
        %dma_wait3A_353 = arith.constant 0 : i32
        %dma_wait3A_354 = arith.constant 0 : i32
        %dma_wait3A_355 = tpu.memref_slice %arg2[%dma_wait3A_353, %dma_wait3A_354] : memref<10000x128xf32, #tpu.memory_space<hbm>> -> memref<10000x128xf32, #tpu.memory_space<hbm>>
        tpu.wait_indirect_dma semaphore(%arg17 : memref<!tpu.dma_semaphore, #tpu.memory_space<semaphore_mem>>) src(%dma_wait3A_355 : memref<10000x128xf32, #tpu.memory_space<hbm>>) dst(%dma_wait3A_349 : memref<64x128xf32, #tpu.memory_space<vmem>>)
        %add3A_356 = arith.constant 0 : i32
        %add3A_357 = arith.addi %add3A_289, %add3A_356 : i32
        %add3A_358 = arith.constant 4 : i32
        %add3A_359 = arith.addi %add3A_357, %add3A_358 : i32
        %lt3A_360 = arith.cmpi slt, %add3A_359, %select_n3A : i32
        %convert_element_type3A_361 = arith.extui %lt3A_360 : i1 to i32
        %cond3A_362 = arith.constant 0 : i32
        %cond3A_363 = arith.cmpi ne, %convert_element_type3A_361, %cond3A_362 : i32
        scf.if %cond3A_363 {
          %add3A_387 = arith.constant 0 : i32
          %add3A_388 = arith.addi %add3A_289, %add3A_387 : i32
          %add3A_389 = arith.constant 4 : i32
          %add3A_390 = arith.addi %add3A_388, %add3A_389 : i32
          %mul3A_391 = arith.constant 32 : i32
          %mul3A_392 = arith.muli %add3A_390, %mul3A_391 : i32
          %add3A_393 = arith.addi %add3A, %mul3A_392 : i32
          %mul3A_394 = arith.constant 64 : i32
          %mul3A_395 = arith.muli %add3A_393, %mul3A_394 : i32
          %dma_start3A_396 = arith.constant 0 : i32
          %dma_start3A_397 = arith.constant 0 : i32
          %dma_start3A_398 = tpu.memref_slice %arg5[%dma_start3A_396, %dma_start3A_397] : memref<4x64xi32, #tpu.memory_space<vmem>> -> memref<1x64xi32, #tpu.memory_space<vmem>>
          %dma_start3A_399 = tpu.memref_squeeze %dma_start3A_398 : memref<1x64xi32, #tpu.memory_space<vmem>> -> memref<64xi32, #tpu.memory_space<vmem>>
          %dma_start3A_400 = tpu.memref_slice %arg3[%mul3A_395] : memref<640000xi32, #tpu.memory_space<hbm>> -> memref<64xi32, #tpu.memory_space<hbm>>
          %dma_start3A_401 = arith.constant 0 : i32
          %dma_start3A_402 = tpu.memref_slice %arg5[%dma_start3A_396, %dma_start3A_401] : memref<4x64xi32, #tpu.memory_space<vmem>> -> memref<1x64xi32, #tpu.memory_space<vmem>>
          %dma_start3A_403 = tpu.memref_squeeze %dma_start3A_402 : memref<1x64xi32, #tpu.memory_space<vmem>> -> memref<64xi32, #tpu.memory_space<vmem>>
          %dma_start3A_404 = tpu.memref_slice %arg3[%mul3A_395] : memref<640000xi32, #tpu.memory_space<hbm>> -> memref<64xi32, #tpu.memory_space<hbm>>
          tpu.enqueue_dma source(%dma_start3A_404 : memref<64xi32, #tpu.memory_space<hbm>>) target(%dma_start3A_403 : memref<64xi32, #tpu.memory_space<vmem>>) target_semaphore(%arg9 : memref<!tpu.dma_semaphore, #tpu.memory_space<semaphore_mem>>)
        } else {
        }
        %dma_wait3A_364 = arith.constant 0 : i32
        %dma_wait3A_365 = arith.constant 0 : i32
        %dma_wait3A_366 = tpu.memref_slice %arg6[%dma_wait3A_364, %dma_wait3A_365] : memref<4x64xi32, #tpu.memory_space<vmem>> -> memref<1x64xi32, #tpu.memory_space<vmem>>
        %dma_wait3A_367 = tpu.memref_squeeze %dma_wait3A_366 : memref<1x64xi32, #tpu.memory_space<vmem>> -> memref<64xi32, #tpu.memory_space<vmem>>
        %dma_wait3A_368 = arith.constant 0 : i32
        %dma_wait3A_369 = tpu.memref_slice %arg3[%dma_wait3A_368] : memref<640000xi32, #tpu.memory_space<hbm>> -> memref<64xi32, #tpu.memory_space<hbm>>
        %dma_wait3A_370 = arith.constant 0 : i32
        %dma_wait3A_371 = tpu.memref_slice %arg6[%dma_wait3A_364, %dma_wait3A_370] : memref<4x64xi32, #tpu.memory_space<vmem>> -> memref<1x64xi32, #tpu.memory_space<vmem>>
        %dma_wait3A_372 = tpu.memref_squeeze %dma_wait3A_371 : memref<1x64xi32, #tpu.memory_space<vmem>> -> memref<64xi32, #tpu.memory_space<vmem>>
        %dma_wait3A_373 = arith.constant 0 : i32
        %dma_wait3A_374 = tpu.memref_slice %arg3[%dma_wait3A_373] : memref<640000xi32, #tpu.memory_space<hbm>> -> memref<64xi32, #tpu.memory_space<hbm>>
        tpu.wait_dma2 semaphore(%arg13 : memref<!tpu.dma_semaphore, #tpu.memory_space<semaphore_mem>>) src(%dma_wait3A_374 : memref<64xi32, #tpu.memory_space<hbm>>) dst(%dma_wait3A_372 : memref<64xi32, #tpu.memory_space<vmem>>)
        %dma_start3A_375 = arith.constant 0 : i32
        %dma_start3A_376 = arith.constant 0 : i32
        %dma_start3A_377 = arith.constant 0 : i32
        %dma_start3A_378 = arith.constant 0 : i32
        %dma_start3A_379 = tpu.memref_slice %arg7[%dma_start3A_375, %dma_start3A_377, %dma_start3A_378] : memref<4x64x128xf32, #tpu.memory_space<vmem>> -> memref<1x64x128xf32, #tpu.memory_space<vmem>>
        %dma_start3A_380 = tpu.memref_squeeze %dma_start3A_379 : memref<1x64x128xf32, #tpu.memory_space<vmem>> -> memref<64x128xf32, #tpu.memory_space<vmem>>
        %dma_start3A_381 = arith.constant 0 : i32
        %dma_start3A_382 = tpu.memref_slice %arg6[%dma_start3A_376, %dma_start3A_381] : memref<4x64xi32, #tpu.memory_space<vmem>> -> memref<1x64xi32, #tpu.memory_space<vmem>>
        %dma_start3A_383 = tpu.memref_squeeze %dma_start3A_382 : memref<1x64xi32, #tpu.memory_space<vmem>> -> memref<64xi32, #tpu.memory_space<vmem>>
        %dma_start3A_384 = arith.constant 0 : i32
        %dma_start3A_385 = arith.constant 0 : i32
        %dma_start3A_386 = tpu.memref_slice %arg8[%dma_start3A_384, %dma_start3A_385] : memref<10240x128xf32, #tpu.memory_space<vmem_shared>> -> memref<10240x128xf32, #tpu.memory_space<vmem_shared>>
        tpu.enqueue_indirect_dma source(%dma_start3A_380 : memref<64x128xf32, #tpu.memory_space<vmem>>) target(%dma_start3A_386 : memref<10240x128xf32, #tpu.memory_space<vmem_shared>>) offsets(%dma_start3A_383 : memref<64xi32, #tpu.memory_space<vmem>>) semaphore(%arg21 : memref<!tpu.dma_semaphore, #tpu.memory_space<semaphore_mem>>) {add = true}
      } else {
      }
      %add3A_294 = arith.constant 1 : i32
      %add3A_295 = arith.addi %add3A_289, %add3A_294 : i32
      %lt3A_296 = arith.cmpi slt, %add3A_295, %select_n3A : i32
      %convert_element_type3A_297 = arith.extui %lt3A_296 : i1 to i32
      %cond3A_298 = arith.constant 0 : i32
      %cond3A_299 = arith.cmpi ne, %convert_element_type3A_297, %cond3A_298 : i32
      scf.if %cond3A_299 {
        %dma_wait3A_344 = arith.constant 1 : i32
        %dma_wait3A_345 = arith.constant 1 : i32
        %dma_wait3A_346 = arith.constant 0 : i32
        %dma_wait3A_347 = arith.constant 0 : i32
        %dma_wait3A_348 = tpu.memref_slice %arg7[%dma_wait3A_345, %dma_wait3A_346, %dma_wait3A_347] : memref<4x64x128xf32, #tpu.memory_space<vmem>> -> memref<1x64x128xf32, #tpu.memory_space<vmem>>
        %dma_wait3A_349 = tpu.memref_squeeze %dma_wait3A_348 : memref<1x64x128xf32, #tpu.memory_space<vmem>> -> memref<64x128xf32, #tpu.memory_space<vmem>>
        %dma_wait3A_350 = arith.constant 0 : i32
        %dma_wait3A_351 = tpu.memref_slice %arg5[%dma_wait3A_344, %dma_wait3A_350] : memref<4x64xi32, #tpu.memory_space<vmem>> -> memref<1x64xi32, #tpu.memory_space<vmem>>
        %dma_wait3A_352 = tpu.memref_squeeze %dma_wait3A_351 : memref<1x64xi32, #tpu.memory_space<vmem>> -> memref<64xi32, #tpu.memory_space<vmem>>
        %dma_wait3A_353 = arith.constant 0 : i32
        %dma_wait3A_354 = arith.constant 0 : i32
        %dma_wait3A_355 = tpu.memref_slice %arg2[%dma_wait3A_353, %dma_wait3A_354] : memref<10000x128xf32, #tpu.memory_space<hbm>> -> memref<10000x128xf32, #tpu.memory_space<hbm>>
        tpu.wait_indirect_dma semaphore(%arg18 : memref<!tpu.dma_semaphore, #tpu.memory_space<semaphore_mem>>) src(%dma_wait3A_355 : memref<10000x128xf32, #tpu.memory_space<hbm>>) dst(%dma_wait3A_349 : memref<64x128xf32, #tpu.memory_space<vmem>>)
        %add3A_356 = arith.constant 1 : i32
        %add3A_357 = arith.addi %add3A_289, %add3A_356 : i32
        %add3A_358 = arith.constant 4 : i32
        %add3A_359 = arith.addi %add3A_357, %add3A_358 : i32
        %lt3A_360 = arith.cmpi slt, %add3A_359, %select_n3A : i32
        %convert_element_type3A_361 = arith.extui %lt3A_360 : i1 to i32
        %cond3A_362 = arith.constant 0 : i32
        %cond3A_363 = arith.cmpi ne, %convert_element_type3A_361, %cond3A_362 : i32
        scf.if %cond3A_363 {
          %add3A_387 = arith.constant 1 : i32
          %add3A_388 = arith.addi %add3A_289, %add3A_387 : i32
          %add3A_389 = arith.constant 4 : i32
          %add3A_390 = arith.addi %add3A_388, %add3A_389 : i32
          %mul3A_391 = arith.constant 32 : i32
          %mul3A_392 = arith.muli %add3A_390, %mul3A_391 : i32
          %add3A_393 = arith.addi %add3A, %mul3A_392 : i32
          %mul3A_394 = arith.constant 64 : i32
          %mul3A_395 = arith.muli %add3A_393, %mul3A_394 : i32
          %dma_start3A_396 = arith.constant 1 : i32
          %dma_start3A_397 = arith.constant 0 : i32
          %dma_start3A_398 = tpu.memref_slice %arg5[%dma_start3A_396, %dma_start3A_397] : memref<4x64xi32, #tpu.memory_space<vmem>> -> memref<1x64xi32, #tpu.memory_space<vmem>>
          %dma_start3A_399 = tpu.memref_squeeze %dma_start3A_398 : memref<1x64xi32, #tpu.memory_space<vmem>> -> memref<64xi32, #tpu.memory_space<vmem>>
          %dma_start3A_400 = tpu.memref_slice %arg3[%mul3A_395] : memref<640000xi32, #tpu.memory_space<hbm>> -> memref<64xi32, #tpu.memory_space<hbm>>
          %dma_start3A_401 = arith.constant 0 : i32
          %dma_start3A_402 = tpu.memref_slice %arg5[%dma_start3A_396, %dma_start3A_401] : memref<4x64xi32, #tpu.memory_space<vmem>> -> memref<1x64xi32, #tpu.memory_space<vmem>>
          %dma_start3A_403 = tpu.memref_squeeze %dma_start3A_402 : memref<1x64xi32, #tpu.memory_space<vmem>> -> memref<64xi32, #tpu.memory_space<vmem>>
          %dma_start3A_404 = tpu.memref_slice %arg3[%mul3A_395] : memref<640000xi32, #tpu.memory_space<hbm>> -> memref<64xi32, #tpu.memory_space<hbm>>
          tpu.enqueue_dma source(%dma_start3A_404 : memref<64xi32, #tpu.memory_space<hbm>>) target(%dma_start3A_403 : memref<64xi32, #tpu.memory_space<vmem>>) target_semaphore(%arg10 : memref<!tpu.dma_semaphore, #tpu.memory_space<semaphore_mem>>)
        } else {
        }
        %dma_wait3A_364 = arith.constant 1 : i32
        %dma_wait3A_365 = arith.constant 0 : i32
        %dma_wait3A_366 = tpu.memref_slice %arg6[%dma_wait3A_364, %dma_wait3A_365] : memref<4x64xi32, #tpu.memory_space<vmem>> -> memref<1x64xi32, #tpu.memory_space<vmem>>
        %dma_wait3A_367 = tpu.memref_squeeze %dma_wait3A_366 : memref<1x64xi32, #tpu.memory_space<vmem>> -> memref<64xi32, #tpu.memory_space<vmem>>
        %dma_wait3A_368 = arith.constant 0 : i32
        %dma_wait3A_369 = tpu.memref_slice %arg3[%dma_wait3A_368] : memref<640000xi32, #tpu.memory_space<hbm>> -> memref<64xi32, #tpu.memory_space<hbm>>
        %dma_wait3A_370 = arith.constant 0 : i32
        %dma_wait3A_371 = tpu.memref_slice %arg6[%dma_wait3A_364, %dma_wait3A_370] : memref<4x64xi32, #tpu.memory_space<vmem>> -> memref<1x64xi32, #tpu.memory_space<vmem>>
        %dma_wait3A_372 = tpu.memref_squeeze %dma_wait3A_371 : memref<1x64xi32, #tpu.memory_space<vmem>> -> memref<64xi32, #tpu.memory_space<vmem>>
        %dma_wait3A_373 = arith.constant 0 : i32
        %dma_wait3A_374 = tpu.memref_slice %arg3[%dma_wait3A_373] : memref<640000xi32, #tpu.memory_space<hbm>> -> memref<64xi32, #tpu.memory_space<hbm>>
        tpu.wait_dma2 semaphore(%arg14 : memref<!tpu.dma_semaphore, #tpu.memory_space<semaphore_mem>>) src(%dma_wait3A_374 : memref<64xi32, #tpu.memory_space<hbm>>) dst(%dma_wait3A_372 : memref<64xi32, #tpu.memory_space<vmem>>)
        %dma_start3A_375 = arith.constant 1 : i32
        %dma_start3A_376 = arith.constant 1 : i32
        %dma_start3A_377 = arith.constant 0 : i32
        %dma_start3A_378 = arith.constant 0 : i32
        %dma_start3A_379 = tpu.memref_slice %arg7[%dma_start3A_375, %dma_start3A_377, %dma_start3A_378] : memref<4x64x128xf32, #tpu.memory_space<vmem>> -> memref<1x64x128xf32, #tpu.memory_space<vmem>>
        %dma_start3A_380 = tpu.memref_squeeze %dma_start3A_379 : memref<1x64x128xf32, #tpu.memory_space<vmem>> -> memref<64x128xf32, #tpu.memory_space<vmem>>
        %dma_start3A_381 = arith.constant 0 : i32
        %dma_start3A_382 = tpu.memref_slice %arg6[%dma_start3A_376, %dma_start3A_381] : memref<4x64xi32, #tpu.memory_space<vmem>> -> memref<1x64xi32, #tpu.memory_space<vmem>>
        %dma_start3A_383 = tpu.memref_squeeze %dma_start3A_382 : memref<1x64xi32, #tpu.memory_space<vmem>> -> memref<64xi32, #tpu.memory_space<vmem>>
        %dma_start3A_384 = arith.constant 0 : i32
        %dma_start3A_385 = arith.constant 0 : i32
        %dma_start3A_386 = tpu.memref_slice %arg8[%dma_start3A_384, %dma_start3A_385] : memref<10240x128xf32, #tpu.memory_space<vmem_shared>> -> memref<10240x128xf32, #tpu.memory_space<vmem_shared>>
        tpu.enqueue_indirect_dma source(%dma_start3A_380 : memref<64x128xf32, #tpu.memory_space<vmem>>) target(%dma_start3A_386 : memref<10240x128xf32, #tpu.memory_space<vmem_shared>>) offsets(%dma_start3A_383 : memref<64xi32, #tpu.memory_space<vmem>>) semaphore(%arg22 : memref<!tpu.dma_semaphore, #tpu.memory_space<semaphore_mem>>) {add = true}
      } else {
      }
      %add3A_300 = arith.constant 2 : i32
      %add3A_301 = arith.addi %add3A_289, %add3A_300 : i32
      %lt3A_302 = arith.cmpi slt, %add3A_301, %select_n3A : i32
      %convert_element_type3A_303 = arith.extui %lt3A_302 : i1 to i32
      %cond3A_304 = arith.constant 0 : i32
      %cond3A_305 = arith.cmpi ne, %convert_element_type3A_303, %cond3A_304 : i32
      scf.if %cond3A_305 {
        %dma_wait3A_344 = arith.constant 2 : i32
        %dma_wait3A_345 = arith.constant 2 : i32
        %dma_wait3A_346 = arith.constant 0 : i32
        %dma_wait3A_347 = arith.constant 0 : i32
        %dma_wait3A_348 = tpu.memref_slice %arg7[%dma_wait3A_345, %dma_wait3A_346, %dma_wait3A_347] : memref<4x64x128xf32, #tpu.memory_space<vmem>> -> memref<1x64x128xf32, #tpu.memory_space<vmem>>
        %dma_wait3A_349 = tpu.memref_squeeze %dma_wait3A_348 : memref<1x64x128xf32, #tpu.memory_space<vmem>> -> memref<64x128xf32, #tpu.memory_space<vmem>>
        %dma_wait3A_350 = arith.constant 0 : i32
        %dma_wait3A_351 = tpu.memref_slice %arg5[%dma_wait3A_344, %dma_wait3A_350] : memref<4x64xi32, #tpu.memory_space<vmem>> -> memref<1x64xi32, #tpu.memory_space<vmem>>
        %dma_wait3A_352 = tpu.memref_squeeze %dma_wait3A_351 : memref<1x64xi32, #tpu.memory_space<vmem>> -> memref<64xi32, #tpu.memory_space<vmem>>
        %dma_wait3A_353 = arith.constant 0 : i32
        %dma_wait3A_354 = arith.constant 0 : i32
        %dma_wait3A_355 = tpu.memref_slice %arg2[%dma_wait3A_353, %dma_wait3A_354] : memref<10000x128xf32, #tpu.memory_space<hbm>> -> memref<10000x128xf32, #tpu.memory_space<hbm>>
        tpu.wait_indirect_dma semaphore(%arg19 : memref<!tpu.dma_semaphore, #tpu.memory_space<semaphore_mem>>) src(%dma_wait3A_355 : memref<10000x128xf32, #tpu.memory_space<hbm>>) dst(%dma_wait3A_349 : memref<64x128xf32, #tpu.memory_space<vmem>>)
        %add3A_356 = arith.constant 2 : i32
        %add3A_357 = arith.addi %add3A_289, %add3A_356 : i32
        %add3A_358 = arith.constant 4 : i32
        %add3A_359 = arith.addi %add3A_357, %add3A_358 : i32
        %lt3A_360 = arith.cmpi slt, %add3A_359, %select_n3A : i32
        %convert_element_type3A_361 = arith.extui %lt3A_360 : i1 to i32
        %cond3A_362 = arith.constant 0 : i32
        %cond3A_363 = arith.cmpi ne, %convert_element_type3A_361, %cond3A_362 : i32
        scf.if %cond3A_363 {
          %add3A_387 = arith.constant 2 : i32
          %add3A_388 = arith.addi %add3A_289, %add3A_387 : i32
          %add3A_389 = arith.constant 4 : i32
          %add3A_390 = arith.addi %add3A_388, %add3A_389 : i32
          %mul3A_391 = arith.constant 32 : i32
          %mul3A_392 = arith.muli %add3A_390, %mul3A_391 : i32
          %add3A_393 = arith.addi %add3A, %mul3A_392 : i32
          %mul3A_394 = arith.constant 64 : i32
          %mul3A_395 = arith.muli %add3A_393, %mul3A_394 : i32
          %dma_start3A_396 = arith.constant 2 : i32
          %dma_start3A_397 = arith.constant 0 : i32
          %dma_start3A_398 = tpu.memref_slice %arg5[%dma_start3A_396, %dma_start3A_397] : memref<4x64xi32, #tpu.memory_space<vmem>> -> memref<1x64xi32, #tpu.memory_space<vmem>>
          %dma_start3A_399 = tpu.memref_squeeze %dma_start3A_398 : memref<1x64xi32, #tpu.memory_space<vmem>> -> memref<64xi32, #tpu.memory_space<vmem>>
          %dma_start3A_400 = tpu.memref_slice %arg3[%mul3A_395] : memref<640000xi32, #tpu.memory_space<hbm>> -> memref<64xi32, #tpu.memory_space<hbm>>
          %dma_start3A_401 = arith.constant 0 : i32
          %dma_start3A_402 = tpu.memref_slice %arg5[%dma_start3A_396, %dma_start3A_401] : memref<4x64xi32, #tpu.memory_space<vmem>> -> memref<1x64xi32, #tpu.memory_space<vmem>>
          %dma_start3A_403 = tpu.memref_squeeze %dma_start3A_402 : memref<1x64xi32, #tpu.memory_space<vmem>> -> memref<64xi32, #tpu.memory_space<vmem>>
          %dma_start3A_404 = tpu.memref_slice %arg3[%mul3A_395] : memref<640000xi32, #tpu.memory_space<hbm>> -> memref<64xi32, #tpu.memory_space<hbm>>
          tpu.enqueue_dma source(%dma_start3A_404 : memref<64xi32, #tpu.memory_space<hbm>>) target(%dma_start3A_403 : memref<64xi32, #tpu.memory_space<vmem>>) target_semaphore(%arg11 : memref<!tpu.dma_semaphore, #tpu.memory_space<semaphore_mem>>)
        } else {
        }
        %dma_wait3A_364 = arith.constant 2 : i32
        %dma_wait3A_365 = arith.constant 0 : i32
        %dma_wait3A_366 = tpu.memref_slice %arg6[%dma_wait3A_364, %dma_wait3A_365] : memref<4x64xi32, #tpu.memory_space<vmem>> -> memref<1x64xi32, #tpu.memory_space<vmem>>
        %dma_wait3A_367 = tpu.memref_squeeze %dma_wait3A_366 : memref<1x64xi32, #tpu.memory_space<vmem>> -> memref<64xi32, #tpu.memory_space<vmem>>
        %dma_wait3A_368 = arith.constant 0 : i32
        %dma_wait3A_369 = tpu.memref_slice %arg3[%dma_wait3A_368] : memref<640000xi32, #tpu.memory_space<hbm>> -> memref<64xi32, #tpu.memory_space<hbm>>
        %dma_wait3A_370 = arith.constant 0 : i32
        %dma_wait3A_371 = tpu.memref_slice %arg6[%dma_wait3A_364, %dma_wait3A_370] : memref<4x64xi32, #tpu.memory_space<vmem>> -> memref<1x64xi32, #tpu.memory_space<vmem>>
        %dma_wait3A_372 = tpu.memref_squeeze %dma_wait3A_371 : memref<1x64xi32, #tpu.memory_space<vmem>> -> memref<64xi32, #tpu.memory_space<vmem>>
        %dma_wait3A_373 = arith.constant 0 : i32
        %dma_wait3A_374 = tpu.memref_slice %arg3[%dma_wait3A_373] : memref<640000xi32, #tpu.memory_space<hbm>> -> memref<64xi32, #tpu.memory_space<hbm>>
        tpu.wait_dma2 semaphore(%arg15 : memref<!tpu.dma_semaphore, #tpu.memory_space<semaphore_mem>>) src(%dma_wait3A_374 : memref<64xi32, #tpu.memory_space<hbm>>) dst(%dma_wait3A_372 : memref<64xi32, #tpu.memory_space<vmem>>)
        %dma_start3A_375 = arith.constant 2 : i32
        %dma_start3A_376 = arith.constant 2 : i32
        %dma_start3A_377 = arith.constant 0 : i32
        %dma_start3A_378 = arith.constant 0 : i32
        %dma_start3A_379 = tpu.memref_slice %arg7[%dma_start3A_375, %dma_start3A_377, %dma_start3A_378] : memref<4x64x128xf32, #tpu.memory_space<vmem>> -> memref<1x64x128xf32, #tpu.memory_space<vmem>>
        %dma_start3A_380 = tpu.memref_squeeze %dma_start3A_379 : memref<1x64x128xf32, #tpu.memory_space<vmem>> -> memref<64x128xf32, #tpu.memory_space<vmem>>
        %dma_start3A_381 = arith.constant 0 : i32
        %dma_start3A_382 = tpu.memref_slice %arg6[%dma_start3A_376, %dma_start3A_381] : memref<4x64xi32, #tpu.memory_space<vmem>> -> memref<1x64xi32, #tpu.memory_space<vmem>>
        %dma_start3A_383 = tpu.memref_squeeze %dma_start3A_382 : memref<1x64xi32, #tpu.memory_space<vmem>> -> memref<64xi32, #tpu.memory_space<vmem>>
        %dma_start3A_384 = arith.constant 0 : i32
        %dma_start3A_385 = arith.constant 0 : i32
        %dma_start3A_386 = tpu.memref_slice %arg8[%dma_start3A_384, %dma_start3A_385] : memref<10240x128xf32, #tpu.memory_space<vmem_shared>> -> memref<10240x128xf32, #tpu.memory_space<vmem_shared>>
        tpu.enqueue_indirect_dma source(%dma_start3A_380 : memref<64x128xf32, #tpu.memory_space<vmem>>) target(%dma_start3A_386 : memref<10240x128xf32, #tpu.memory_space<vmem_shared>>) offsets(%dma_start3A_383 : memref<64xi32, #tpu.memory_space<vmem>>) semaphore(%arg23 : memref<!tpu.dma_semaphore, #tpu.memory_space<semaphore_mem>>) {add = true}
      } else {
      }
      %add3A_306 = arith.constant 3 : i32
      %add3A_307 = arith.addi %add3A_289, %add3A_306 : i32
      %lt3A_308 = arith.cmpi slt, %add3A_307, %select_n3A : i32
      %convert_element_type3A_309 = arith.extui %lt3A_308 : i1 to i32
      %cond3A_310 = arith.constant 0 : i32
      %cond3A_311 = arith.cmpi ne, %convert_element_type3A_309, %cond3A_310 : i32
      scf.if %cond3A_311 {
        %dma_wait3A_344 = arith.constant 3 : i32
        %dma_wait3A_345 = arith.constant 3 : i32
        %dma_wait3A_346 = arith.constant 0 : i32
        %dma_wait3A_347 = arith.constant 0 : i32
        %dma_wait3A_348 = tpu.memref_slice %arg7[%dma_wait3A_345, %dma_wait3A_346, %dma_wait3A_347] : memref<4x64x128xf32, #tpu.memory_space<vmem>> -> memref<1x64x128xf32, #tpu.memory_space<vmem>>
        %dma_wait3A_349 = tpu.memref_squeeze %dma_wait3A_348 : memref<1x64x128xf32, #tpu.memory_space<vmem>> -> memref<64x128xf32, #tpu.memory_space<vmem>>
        %dma_wait3A_350 = arith.constant 0 : i32
        %dma_wait3A_351 = tpu.memref_slice %arg5[%dma_wait3A_344, %dma_wait3A_350] : memref<4x64xi32, #tpu.memory_space<vmem>> -> memref<1x64xi32, #tpu.memory_space<vmem>>
        %dma_wait3A_352 = tpu.memref_squeeze %dma_wait3A_351 : memref<1x64xi32, #tpu.memory_space<vmem>> -> memref<64xi32, #tpu.memory_space<vmem>>
        %dma_wait3A_353 = arith.constant 0 : i32
        %dma_wait3A_354 = arith.constant 0 : i32
        %dma_wait3A_355 = tpu.memref_slice %arg2[%dma_wait3A_353, %dma_wait3A_354] : memref<10000x128xf32, #tpu.memory_space<hbm>> -> memref<10000x128xf32, #tpu.memory_space<hbm>>
        tpu.wait_indirect_dma semaphore(%arg20 : memref<!tpu.dma_semaphore, #tpu.memory_space<semaphore_mem>>) src(%dma_wait3A_355 : memref<10000x128xf32, #tpu.memory_space<hbm>>) dst(%dma_wait3A_349 : memref<64x128xf32, #tpu.memory_space<vmem>>)
        %add3A_356 = arith.constant 3 : i32
        %add3A_357 = arith.addi %add3A_289, %add3A_356 : i32
        %add3A_358 = arith.constant 4 : i32
        %add3A_359 = arith.addi %add3A_357, %add3A_358 : i32
        %lt3A_360 = arith.cmpi slt, %add3A_359, %select_n3A : i32
        %convert_element_type3A_361 = arith.extui %lt3A_360 : i1 to i32
        %cond3A_362 = arith.constant 0 : i32
        %cond3A_363 = arith.cmpi ne, %convert_element_type3A_361, %cond3A_362 : i32
        scf.if %cond3A_363 {
          %add3A_387 = arith.constant 3 : i32
          %add3A_388 = arith.addi %add3A_289, %add3A_387 : i32
          %add3A_389 = arith.constant 4 : i32
          %add3A_390 = arith.addi %add3A_388, %add3A_389 : i32
          %mul3A_391 = arith.constant 32 : i32
          %mul3A_392 = arith.muli %add3A_390, %mul3A_391 : i32
          %add3A_393 = arith.addi %add3A, %mul3A_392 : i32
          %mul3A_394 = arith.constant 64 : i32
          %mul3A_395 = arith.muli %add3A_393, %mul3A_394 : i32
          %dma_start3A_396 = arith.constant 3 : i32
          %dma_start3A_397 = arith.constant 0 : i32
          %dma_start3A_398 = tpu.memref_slice %arg5[%dma_start3A_396, %dma_start3A_397] : memref<4x64xi32, #tpu.memory_space<vmem>> -> memref<1x64xi32, #tpu.memory_space<vmem>>
          %dma_start3A_399 = tpu.memref_squeeze %dma_start3A_398 : memref<1x64xi32, #tpu.memory_space<vmem>> -> memref<64xi32, #tpu.memory_space<vmem>>
          %dma_start3A_400 = tpu.memref_slice %arg3[%mul3A_395] : memref<640000xi32, #tpu.memory_space<hbm>> -> memref<64xi32, #tpu.memory_space<hbm>>
          %dma_start3A_401 = arith.constant 0 : i32
          %dma_start3A_402 = tpu.memref_slice %arg5[%dma_start3A_396, %dma_start3A_401] : memref<4x64xi32, #tpu.memory_space<vmem>> -> memref<1x64xi32, #tpu.memory_space<vmem>>
          %dma_start3A_403 = tpu.memref_squeeze %dma_start3A_402 : memref<1x64xi32, #tpu.memory_space<vmem>> -> memref<64xi32, #tpu.memory_space<vmem>>
          %dma_start3A_404 = tpu.memref_slice %arg3[%mul3A_395] : memref<640000xi32, #tpu.memory_space<hbm>> -> memref<64xi32, #tpu.memory_space<hbm>>
          tpu.enqueue_dma source(%dma_start3A_404 : memref<64xi32, #tpu.memory_space<hbm>>) target(%dma_start3A_403 : memref<64xi32, #tpu.memory_space<vmem>>) target_semaphore(%arg12 : memref<!tpu.dma_semaphore, #tpu.memory_space<semaphore_mem>>)
        } else {
        }
        %dma_wait3A_364 = arith.constant 3 : i32
        %dma_wait3A_365 = arith.constant 0 : i32
        %dma_wait3A_366 = tpu.memref_slice %arg6[%dma_wait3A_364, %dma_wait3A_365] : memref<4x64xi32, #tpu.memory_space<vmem>> -> memref<1x64xi32, #tpu.memory_space<vmem>>
        %dma_wait3A_367 = tpu.memref_squeeze %dma_wait3A_366 : memref<1x64xi32, #tpu.memory_space<vmem>> -> memref<64xi32, #tpu.memory_space<vmem>>
        %dma_wait3A_368 = arith.constant 0 : i32
        %dma_wait3A_369 = tpu.memref_slice %arg3[%dma_wait3A_368] : memref<640000xi32, #tpu.memory_space<hbm>> -> memref<64xi32, #tpu.memory_space<hbm>>
        %dma_wait3A_370 = arith.constant 0 : i32
        %dma_wait3A_371 = tpu.memref_slice %arg6[%dma_wait3A_364, %dma_wait3A_370] : memref<4x64xi32, #tpu.memory_space<vmem>> -> memref<1x64xi32, #tpu.memory_space<vmem>>
        %dma_wait3A_372 = tpu.memref_squeeze %dma_wait3A_371 : memref<1x64xi32, #tpu.memory_space<vmem>> -> memref<64xi32, #tpu.memory_space<vmem>>
        %dma_wait3A_373 = arith.constant 0 : i32
        %dma_wait3A_374 = tpu.memref_slice %arg3[%dma_wait3A_373] : memref<640000xi32, #tpu.memory_space<hbm>> -> memref<64xi32, #tpu.memory_space<hbm>>
        tpu.wait_dma2 semaphore(%arg16 : memref<!tpu.dma_semaphore, #tpu.memory_space<semaphore_mem>>) src(%dma_wait3A_374 : memref<64xi32, #tpu.memory_space<hbm>>) dst(%dma_wait3A_372 : memref<64xi32, #tpu.memory_space<vmem>>)
        %dma_start3A_375 = arith.constant 3 : i32
        %dma_start3A_376 = arith.constant 3 : i32
        %dma_start3A_377 = arith.constant 0 : i32
        %dma_start3A_378 = arith.constant 0 : i32
        %dma_start3A_379 = tpu.memref_slice %arg7[%dma_start3A_375, %dma_start3A_377, %dma_start3A_378] : memref<4x64x128xf32, #tpu.memory_space<vmem>> -> memref<1x64x128xf32, #tpu.memory_space<vmem>>
        %dma_start3A_380 = tpu.memref_squeeze %dma_start3A_379 : memref<1x64x128xf32, #tpu.memory_space<vmem>> -> memref<64x128xf32, #tpu.memory_space<vmem>>
        %dma_start3A_381 = arith.constant 0 : i32
        %dma_start3A_382 = tpu.memref_slice %arg6[%dma_start3A_376, %dma_start3A_381] : memref<4x64xi32, #tpu.memory_space<vmem>> -> memref<1x64xi32, #tpu.memory_space<vmem>>
        %dma_start3A_383 = tpu.memref_squeeze %dma_start3A_382 : memref<1x64xi32, #tpu.memory_space<vmem>> -> memref<64xi32, #tpu.memory_space<vmem>>
        %dma_start3A_384 = arith.constant 0 : i32
        %dma_start3A_385 = arith.constant 0 : i32
        %dma_start3A_386 = tpu.memref_slice %arg8[%dma_start3A_384, %dma_start3A_385] : memref<10240x128xf32, #tpu.memory_space<vmem_shared>> -> memref<10240x128xf32, #tpu.memory_space<vmem_shared>>
        tpu.enqueue_indirect_dma source(%dma_start3A_380 : memref<64x128xf32, #tpu.memory_space<vmem>>) target(%dma_start3A_386 : memref<10240x128xf32, #tpu.memory_space<vmem_shared>>) offsets(%dma_start3A_383 : memref<64xi32, #tpu.memory_space<vmem>>) semaphore(%arg24 : memref<!tpu.dma_semaphore, #tpu.memory_space<semaphore_mem>>) {add = true}
      } else {
      }
      %add3A_312 = arith.constant 0 : i32
      %add3A_313 = arith.addi %add3A_289, %add3A_312 : i32
      %add3A_314 = arith.constant 4 : i32
      %add3A_315 = arith.addi %add3A_313, %add3A_314 : i32
      %lt3A_316 = arith.cmpi slt, %add3A_315, %select_n3A : i32
      %convert_element_type3A_317 = arith.extui %lt3A_316 : i1 to i32
      %cond3A_318 = arith.constant 0 : i32
      %cond3A_319 = arith.cmpi ne, %convert_element_type3A_317, %cond3A_318 : i32
      scf.if %cond3A_319 {
        %dma_wait3A_344 = arith.constant 0 : i32
        %dma_wait3A_345 = arith.constant 0 : i32
        %dma_wait3A_346 = arith.constant 0 : i32
        %dma_wait3A_347 = arith.constant 0 : i32
        %dma_wait3A_348 = tpu.memref_slice %arg7[%dma_wait3A_344, %dma_wait3A_346, %dma_wait3A_347] : memref<4x64x128xf32, #tpu.memory_space<vmem>> -> memref<1x64x128xf32, #tpu.memory_space<vmem>>
        %dma_wait3A_349 = tpu.memref_squeeze %dma_wait3A_348 : memref<1x64x128xf32, #tpu.memory_space<vmem>> -> memref<64x128xf32, #tpu.memory_space<vmem>>
        %dma_wait3A_350 = arith.constant 0 : i32
        %dma_wait3A_351 = tpu.memref_slice %arg6[%dma_wait3A_345, %dma_wait3A_350] : memref<4x64xi32, #tpu.memory_space<vmem>> -> memref<1x64xi32, #tpu.memory_space<vmem>>
        %dma_wait3A_352 = tpu.memref_squeeze %dma_wait3A_351 : memref<1x64xi32, #tpu.memory_space<vmem>> -> memref<64xi32, #tpu.memory_space<vmem>>
        %dma_wait3A_353 = arith.constant 0 : i32
        %dma_wait3A_354 = arith.constant 0 : i32
        %dma_wait3A_355 = tpu.memref_slice %arg8[%dma_wait3A_353, %dma_wait3A_354] : memref<10240x128xf32, #tpu.memory_space<vmem_shared>> -> memref<10240x128xf32, #tpu.memory_space<vmem_shared>>
        tpu.wait_indirect_dma semaphore(%arg21 : memref<!tpu.dma_semaphore, #tpu.memory_space<semaphore_mem>>) src(%dma_wait3A_349 : memref<64x128xf32, #tpu.memory_space<vmem>>) dst(%dma_wait3A_355 : memref<10240x128xf32, #tpu.memory_space<vmem_shared>>)
        %mul3A_356 = arith.constant 32 : i32
        %mul3A_357 = arith.muli %add3A_315, %mul3A_356 : i32
        %add3A_358 = arith.addi %add3A, %mul3A_357 : i32
        %mul3A_359 = arith.constant 64 : i32
        %mul3A_360 = arith.muli %add3A_358, %mul3A_359 : i32
        %add3A_361 = arith.constant 320000 : i32
        %add3A_362 = arith.addi %add3A_361, %mul3A_360 : i32
        %dma_start3A_363 = arith.constant 0 : i32
        %dma_start3A_364 = arith.constant 0 : i32
        %dma_start3A_365 = tpu.memref_slice %arg6[%dma_start3A_363, %dma_start3A_364] : memref<4x64xi32, #tpu.memory_space<vmem>> -> memref<1x64xi32, #tpu.memory_space<vmem>>
        %dma_start3A_366 = tpu.memref_squeeze %dma_start3A_365 : memref<1x64xi32, #tpu.memory_space<vmem>> -> memref<64xi32, #tpu.memory_space<vmem>>
        %dma_start3A_367 = tpu.memref_slice %arg3[%add3A_362] : memref<640000xi32, #tpu.memory_space<hbm>> -> memref<64xi32, #tpu.memory_space<hbm>>
        %dma_start3A_368 = arith.constant 0 : i32
        %dma_start3A_369 = tpu.memref_slice %arg6[%dma_start3A_363, %dma_start3A_368] : memref<4x64xi32, #tpu.memory_space<vmem>> -> memref<1x64xi32, #tpu.memory_space<vmem>>
        %dma_start3A_370 = tpu.memref_squeeze %dma_start3A_369 : memref<1x64xi32, #tpu.memory_space<vmem>> -> memref<64xi32, #tpu.memory_space<vmem>>
        %dma_start3A_371 = tpu.memref_slice %arg3[%add3A_362] : memref<640000xi32, #tpu.memory_space<hbm>> -> memref<64xi32, #tpu.memory_space<hbm>>
        tpu.enqueue_dma source(%dma_start3A_371 : memref<64xi32, #tpu.memory_space<hbm>>) target(%dma_start3A_370 : memref<64xi32, #tpu.memory_space<vmem>>) target_semaphore(%arg13 : memref<!tpu.dma_semaphore, #tpu.memory_space<semaphore_mem>>)
        %dma_wait3A_372 = arith.constant 0 : i32
        %dma_wait3A_373 = arith.constant 0 : i32
        %dma_wait3A_374 = tpu.memref_slice %arg5[%dma_wait3A_372, %dma_wait3A_373] : memref<4x64xi32, #tpu.memory_space<vmem>> -> memref<1x64xi32, #tpu.memory_space<vmem>>
        %dma_wait3A_375 = tpu.memref_squeeze %dma_wait3A_374 : memref<1x64xi32, #tpu.memory_space<vmem>> -> memref<64xi32, #tpu.memory_space<vmem>>
        %dma_wait3A_376 = arith.constant 0 : i32
        %dma_wait3A_377 = tpu.memref_slice %arg3[%dma_wait3A_376] : memref<640000xi32, #tpu.memory_space<hbm>> -> memref<64xi32, #tpu.memory_space<hbm>>
        %dma_wait3A_378 = arith.constant 0 : i32
        %dma_wait3A_379 = tpu.memref_slice %arg5[%dma_wait3A_372, %dma_wait3A_378] : memref<4x64xi32, #tpu.memory_space<vmem>> -> memref<1x64xi32, #tpu.memory_space<vmem>>
        %dma_wait3A_380 = tpu.memref_squeeze %dma_wait3A_379 : memref<1x64xi32, #tpu.memory_space<vmem>> -> memref<64xi32, #tpu.memory_space<vmem>>
        %dma_wait3A_381 = arith.constant 0 : i32
        %dma_wait3A_382 = tpu.memref_slice %arg3[%dma_wait3A_381] : memref<640000xi32, #tpu.memory_space<hbm>> -> memref<64xi32, #tpu.memory_space<hbm>>
        tpu.wait_dma2 semaphore(%arg9 : memref<!tpu.dma_semaphore, #tpu.memory_space<semaphore_mem>>) src(%dma_wait3A_382 : memref<64xi32, #tpu.memory_space<hbm>>) dst(%dma_wait3A_380 : memref<64xi32, #tpu.memory_space<vmem>>)
        %dma_start3A_383 = arith.constant 0 : i32
        %dma_start3A_384 = arith.constant 0 : i32
        %dma_start3A_385 = arith.constant 0 : i32
        %dma_start3A_386 = arith.constant 0 : i32
        %dma_start3A_387 = tpu.memref_slice %arg7[%dma_start3A_384, %dma_start3A_385, %dma_start3A_386] : memref<4x64x128xf32, #tpu.memory_space<vmem>> -> memref<1x64x128xf32, #tpu.memory_space<vmem>>
        %dma_start3A_388 = tpu.memref_squeeze %dma_start3A_387 : memref<1x64x128xf32, #tpu.memory_space<vmem>> -> memref<64x128xf32, #tpu.memory_space<vmem>>
        %dma_start3A_389 = arith.constant 0 : i32
        %dma_start3A_390 = tpu.memref_slice %arg5[%dma_start3A_383, %dma_start3A_389] : memref<4x64xi32, #tpu.memory_space<vmem>> -> memref<1x64xi32, #tpu.memory_space<vmem>>
        %dma_start3A_391 = tpu.memref_squeeze %dma_start3A_390 : memref<1x64xi32, #tpu.memory_space<vmem>> -> memref<64xi32, #tpu.memory_space<vmem>>
        %dma_start3A_392 = arith.constant 0 : i32
        %dma_start3A_393 = arith.constant 0 : i32
        %dma_start3A_394 = tpu.memref_slice %arg2[%dma_start3A_392, %dma_start3A_393] : memref<10000x128xf32, #tpu.memory_space<hbm>> -> memref<10000x128xf32, #tpu.memory_space<hbm>>
        tpu.enqueue_indirect_dma source(%dma_start3A_394 : memref<10000x128xf32, #tpu.memory_space<hbm>>) target(%dma_start3A_388 : memref<64x128xf32, #tpu.memory_space<vmem>>) offsets(%dma_start3A_391 : memref<64xi32, #tpu.memory_space<vmem>>) semaphore(%arg17 : memref<!tpu.dma_semaphore, #tpu.memory_space<semaphore_mem>>)
      } else {
      }
      %add3A_320 = arith.constant 1 : i32
      %add3A_321 = arith.addi %add3A_289, %add3A_320 : i32
      %add3A_322 = arith.constant 4 : i32
      %add3A_323 = arith.addi %add3A_321, %add3A_322 : i32
      %lt3A_324 = arith.cmpi slt, %add3A_323, %select_n3A : i32
      %convert_element_type3A_325 = arith.extui %lt3A_324 : i1 to i32
      %cond3A_326 = arith.constant 0 : i32
      %cond3A_327 = arith.cmpi ne, %convert_element_type3A_325, %cond3A_326 : i32
      scf.if %cond3A_327 {
        %dma_wait3A_344 = arith.constant 1 : i32
        %dma_wait3A_345 = arith.constant 1 : i32
        %dma_wait3A_346 = arith.constant 0 : i32
        %dma_wait3A_347 = arith.constant 0 : i32
        %dma_wait3A_348 = tpu.memref_slice %arg7[%dma_wait3A_344, %dma_wait3A_346, %dma_wait3A_347] : memref<4x64x128xf32, #tpu.memory_space<vmem>> -> memref<1x64x128xf32, #tpu.memory_space<vmem>>
        %dma_wait3A_349 = tpu.memref_squeeze %dma_wait3A_348 : memref<1x64x128xf32, #tpu.memory_space<vmem>> -> memref<64x128xf32, #tpu.memory_space<vmem>>
        %dma_wait3A_350 = arith.constant 0 : i32
        %dma_wait3A_351 = tpu.memref_slice %arg6[%dma_wait3A_345, %dma_wait3A_350] : memref<4x64xi32, #tpu.memory_space<vmem>> -> memref<1x64xi32, #tpu.memory_space<vmem>>
        %dma_wait3A_352 = tpu.memref_squeeze %dma_wait3A_351 : memref<1x64xi32, #tpu.memory_space<vmem>> -> memref<64xi32, #tpu.memory_space<vmem>>
        %dma_wait3A_353 = arith.constant 0 : i32
        %dma_wait3A_354 = arith.constant 0 : i32
        %dma_wait3A_355 = tpu.memref_slice %arg8[%dma_wait3A_353, %dma_wait3A_354] : memref<10240x128xf32, #tpu.memory_space<vmem_shared>> -> memref<10240x128xf32, #tpu.memory_space<vmem_shared>>
        tpu.wait_indirect_dma semaphore(%arg22 : memref<!tpu.dma_semaphore, #tpu.memory_space<semaphore_mem>>) src(%dma_wait3A_349 : memref<64x128xf32, #tpu.memory_space<vmem>>) dst(%dma_wait3A_355 : memref<10240x128xf32, #tpu.memory_space<vmem_shared>>)
        %mul3A_356 = arith.constant 32 : i32
        %mul3A_357 = arith.muli %add3A_323, %mul3A_356 : i32
        %add3A_358 = arith.addi %add3A, %mul3A_357 : i32
        %mul3A_359 = arith.constant 64 : i32
        %mul3A_360 = arith.muli %add3A_358, %mul3A_359 : i32
        %add3A_361 = arith.constant 320000 : i32
        %add3A_362 = arith.addi %add3A_361, %mul3A_360 : i32
        %dma_start3A_363 = arith.constant 1 : i32
        %dma_start3A_364 = arith.constant 0 : i32
        %dma_start3A_365 = tpu.memref_slice %arg6[%dma_start3A_363, %dma_start3A_364] : memref<4x64xi32, #tpu.memory_space<vmem>> -> memref<1x64xi32, #tpu.memory_space<vmem>>
        %dma_start3A_366 = tpu.memref_squeeze %dma_start3A_365 : memref<1x64xi32, #tpu.memory_space<vmem>> -> memref<64xi32, #tpu.memory_space<vmem>>
        %dma_start3A_367 = tpu.memref_slice %arg3[%add3A_362] : memref<640000xi32, #tpu.memory_space<hbm>> -> memref<64xi32, #tpu.memory_space<hbm>>
        %dma_start3A_368 = arith.constant 0 : i32
        %dma_start3A_369 = tpu.memref_slice %arg6[%dma_start3A_363, %dma_start3A_368] : memref<4x64xi32, #tpu.memory_space<vmem>> -> memref<1x64xi32, #tpu.memory_space<vmem>>
        %dma_start3A_370 = tpu.memref_squeeze %dma_start3A_369 : memref<1x64xi32, #tpu.memory_space<vmem>> -> memref<64xi32, #tpu.memory_space<vmem>>
        %dma_start3A_371 = tpu.memref_slice %arg3[%add3A_362] : memref<640000xi32, #tpu.memory_space<hbm>> -> memref<64xi32, #tpu.memory_space<hbm>>
        tpu.enqueue_dma source(%dma_start3A_371 : memref<64xi32, #tpu.memory_space<hbm>>) target(%dma_start3A_370 : memref<64xi32, #tpu.memory_space<vmem>>) target_semaphore(%arg14 : memref<!tpu.dma_semaphore, #tpu.memory_space<semaphore_mem>>)
        %dma_wait3A_372 = arith.constant 1 : i32
        %dma_wait3A_373 = arith.constant 0 : i32
        %dma_wait3A_374 = tpu.memref_slice %arg5[%dma_wait3A_372, %dma_wait3A_373] : memref<4x64xi32, #tpu.memory_space<vmem>> -> memref<1x64xi32, #tpu.memory_space<vmem>>
        %dma_wait3A_375 = tpu.memref_squeeze %dma_wait3A_374 : memref<1x64xi32, #tpu.memory_space<vmem>> -> memref<64xi32, #tpu.memory_space<vmem>>
        %dma_wait3A_376 = arith.constant 0 : i32
        %dma_wait3A_377 = tpu.memref_slice %arg3[%dma_wait3A_376] : memref<640000xi32, #tpu.memory_space<hbm>> -> memref<64xi32, #tpu.memory_space<hbm>>
        %dma_wait3A_378 = arith.constant 0 : i32
        %dma_wait3A_379 = tpu.memref_slice %arg5[%dma_wait3A_372, %dma_wait3A_378] : memref<4x64xi32, #tpu.memory_space<vmem>> -> memref<1x64xi32, #tpu.memory_space<vmem>>
        %dma_wait3A_380 = tpu.memref_squeeze %dma_wait3A_379 : memref<1x64xi32, #tpu.memory_space<vmem>> -> memref<64xi32, #tpu.memory_space<vmem>>
        %dma_wait3A_381 = arith.constant 0 : i32
        %dma_wait3A_382 = tpu.memref_slice %arg3[%dma_wait3A_381] : memref<640000xi32, #tpu.memory_space<hbm>> -> memref<64xi32, #tpu.memory_space<hbm>>
        tpu.wait_dma2 semaphore(%arg10 : memref<!tpu.dma_semaphore, #tpu.memory_space<semaphore_mem>>) src(%dma_wait3A_382 : memref<64xi32, #tpu.memory_space<hbm>>) dst(%dma_wait3A_380 : memref<64xi32, #tpu.memory_space<vmem>>)
        %dma_start3A_383 = arith.constant 1 : i32
        %dma_start3A_384 = arith.constant 1 : i32
        %dma_start3A_385 = arith.constant 0 : i32
        %dma_start3A_386 = arith.constant 0 : i32
        %dma_start3A_387 = tpu.memref_slice %arg7[%dma_start3A_384, %dma_start3A_385, %dma_start3A_386] : memref<4x64x128xf32, #tpu.memory_space<vmem>> -> memref<1x64x128xf32, #tpu.memory_space<vmem>>
        %dma_start3A_388 = tpu.memref_squeeze %dma_start3A_387 : memref<1x64x128xf32, #tpu.memory_space<vmem>> -> memref<64x128xf32, #tpu.memory_space<vmem>>
        %dma_start3A_389 = arith.constant 0 : i32
        %dma_start3A_390 = tpu.memref_slice %arg5[%dma_start3A_383, %dma_start3A_389] : memref<4x64xi32, #tpu.memory_space<vmem>> -> memref<1x64xi32, #tpu.memory_space<vmem>>
        %dma_start3A_391 = tpu.memref_squeeze %dma_start3A_390 : memref<1x64xi32, #tpu.memory_space<vmem>> -> memref<64xi32, #tpu.memory_space<vmem>>
        %dma_start3A_392 = arith.constant 0 : i32
        %dma_start3A_393 = arith.constant 0 : i32
        %dma_start3A_394 = tpu.memref_slice %arg2[%dma_start3A_392, %dma_start3A_393] : memref<10000x128xf32, #tpu.memory_space<hbm>> -> memref<10000x128xf32, #tpu.memory_space<hbm>>
        tpu.enqueue_indirect_dma source(%dma_start3A_394 : memref<10000x128xf32, #tpu.memory_space<hbm>>) target(%dma_start3A_388 : memref<64x128xf32, #tpu.memory_space<vmem>>) offsets(%dma_start3A_391 : memref<64xi32, #tpu.memory_space<vmem>>) semaphore(%arg18 : memref<!tpu.dma_semaphore, #tpu.memory_space<semaphore_mem>>)
      } else {
      }
      %add3A_328 = arith.constant 2 : i32
      %add3A_329 = arith.addi %add3A_289, %add3A_328 : i32
      %add3A_330 = arith.constant 4 : i32
      %add3A_331 = arith.addi %add3A_329, %add3A_330 : i32
      %lt3A_332 = arith.cmpi slt, %add3A_331, %select_n3A : i32
      %convert_element_type3A_333 = arith.extui %lt3A_332 : i1 to i32
      %cond3A_334 = arith.constant 0 : i32
      %cond3A_335 = arith.cmpi ne, %convert_element_type3A_333, %cond3A_334 : i32
      scf.if %cond3A_335 {
        %dma_wait3A_344 = arith.constant 2 : i32
        %dma_wait3A_345 = arith.constant 2 : i32
        %dma_wait3A_346 = arith.constant 0 : i32
        %dma_wait3A_347 = arith.constant 0 : i32
        %dma_wait3A_348 = tpu.memref_slice %arg7[%dma_wait3A_344, %dma_wait3A_346, %dma_wait3A_347] : memref<4x64x128xf32, #tpu.memory_space<vmem>> -> memref<1x64x128xf32, #tpu.memory_space<vmem>>
        %dma_wait3A_349 = tpu.memref_squeeze %dma_wait3A_348 : memref<1x64x128xf32, #tpu.memory_space<vmem>> -> memref<64x128xf32, #tpu.memory_space<vmem>>
        %dma_wait3A_350 = arith.constant 0 : i32
        %dma_wait3A_351 = tpu.memref_slice %arg6[%dma_wait3A_345, %dma_wait3A_350] : memref<4x64xi32, #tpu.memory_space<vmem>> -> memref<1x64xi32, #tpu.memory_space<vmem>>
        %dma_wait3A_352 = tpu.memref_squeeze %dma_wait3A_351 : memref<1x64xi32, #tpu.memory_space<vmem>> -> memref<64xi32, #tpu.memory_space<vmem>>
        %dma_wait3A_353 = arith.constant 0 : i32
        %dma_wait3A_354 = arith.constant 0 : i32
        %dma_wait3A_355 = tpu.memref_slice %arg8[%dma_wait3A_353, %dma_wait3A_354] : memref<10240x128xf32, #tpu.memory_space<vmem_shared>> -> memref<10240x128xf32, #tpu.memory_space<vmem_shared>>
        tpu.wait_indirect_dma semaphore(%arg23 : memref<!tpu.dma_semaphore, #tpu.memory_space<semaphore_mem>>) src(%dma_wait3A_349 : memref<64x128xf32, #tpu.memory_space<vmem>>) dst(%dma_wait3A_355 : memref<10240x128xf32, #tpu.memory_space<vmem_shared>>)
        %mul3A_356 = arith.constant 32 : i32
        %mul3A_357 = arith.muli %add3A_331, %mul3A_356 : i32
        %add3A_358 = arith.addi %add3A, %mul3A_357 : i32
        %mul3A_359 = arith.constant 64 : i32
        %mul3A_360 = arith.muli %add3A_358, %mul3A_359 : i32
        %add3A_361 = arith.constant 320000 : i32
        %add3A_362 = arith.addi %add3A_361, %mul3A_360 : i32
        %dma_start3A_363 = arith.constant 2 : i32
        %dma_start3A_364 = arith.constant 0 : i32
        %dma_start3A_365 = tpu.memref_slice %arg6[%dma_start3A_363, %dma_start3A_364] : memref<4x64xi32, #tpu.memory_space<vmem>> -> memref<1x64xi32, #tpu.memory_space<vmem>>
        %dma_start3A_366 = tpu.memref_squeeze %dma_start3A_365 : memref<1x64xi32, #tpu.memory_space<vmem>> -> memref<64xi32, #tpu.memory_space<vmem>>
        %dma_start3A_367 = tpu.memref_slice %arg3[%add3A_362] : memref<640000xi32, #tpu.memory_space<hbm>> -> memref<64xi32, #tpu.memory_space<hbm>>
        %dma_start3A_368 = arith.constant 0 : i32
        %dma_start3A_369 = tpu.memref_slice %arg6[%dma_start3A_363, %dma_start3A_368] : memref<4x64xi32, #tpu.memory_space<vmem>> -> memref<1x64xi32, #tpu.memory_space<vmem>>
        %dma_start3A_370 = tpu.memref_squeeze %dma_start3A_369 : memref<1x64xi32, #tpu.memory_space<vmem>> -> memref<64xi32, #tpu.memory_space<vmem>>
        %dma_start3A_371 = tpu.memref_slice %arg3[%add3A_362] : memref<640000xi32, #tpu.memory_space<hbm>> -> memref<64xi32, #tpu.memory_space<hbm>>
        tpu.enqueue_dma source(%dma_start3A_371 : memref<64xi32, #tpu.memory_space<hbm>>) target(%dma_start3A_370 : memref<64xi32, #tpu.memory_space<vmem>>) target_semaphore(%arg15 : memref<!tpu.dma_semaphore, #tpu.memory_space<semaphore_mem>>)
        %dma_wait3A_372 = arith.constant 2 : i32
        %dma_wait3A_373 = arith.constant 0 : i32
        %dma_wait3A_374 = tpu.memref_slice %arg5[%dma_wait3A_372, %dma_wait3A_373] : memref<4x64xi32, #tpu.memory_space<vmem>> -> memref<1x64xi32, #tpu.memory_space<vmem>>
        %dma_wait3A_375 = tpu.memref_squeeze %dma_wait3A_374 : memref<1x64xi32, #tpu.memory_space<vmem>> -> memref<64xi32, #tpu.memory_space<vmem>>
        %dma_wait3A_376 = arith.constant 0 : i32
        %dma_wait3A_377 = tpu.memref_slice %arg3[%dma_wait3A_376] : memref<640000xi32, #tpu.memory_space<hbm>> -> memref<64xi32, #tpu.memory_space<hbm>>
        %dma_wait3A_378 = arith.constant 0 : i32
        %dma_wait3A_379 = tpu.memref_slice %arg5[%dma_wait3A_372, %dma_wait3A_378] : memref<4x64xi32, #tpu.memory_space<vmem>> -> memref<1x64xi32, #tpu.memory_space<vmem>>
        %dma_wait3A_380 = tpu.memref_squeeze %dma_wait3A_379 : memref<1x64xi32, #tpu.memory_space<vmem>> -> memref<64xi32, #tpu.memory_space<vmem>>
        %dma_wait3A_381 = arith.constant 0 : i32
        %dma_wait3A_382 = tpu.memref_slice %arg3[%dma_wait3A_381] : memref<640000xi32, #tpu.memory_space<hbm>> -> memref<64xi32, #tpu.memory_space<hbm>>
        tpu.wait_dma2 semaphore(%arg11 : memref<!tpu.dma_semaphore, #tpu.memory_space<semaphore_mem>>) src(%dma_wait3A_382 : memref<64xi32, #tpu.memory_space<hbm>>) dst(%dma_wait3A_380 : memref<64xi32, #tpu.memory_space<vmem>>)
        %dma_start3A_383 = arith.constant 2 : i32
        %dma_start3A_384 = arith.constant 2 : i32
        %dma_start3A_385 = arith.constant 0 : i32
        %dma_start3A_386 = arith.constant 0 : i32
        %dma_start3A_387 = tpu.memref_slice %arg7[%dma_start3A_384, %dma_start3A_385, %dma_start3A_386] : memref<4x64x128xf32, #tpu.memory_space<vmem>> -> memref<1x64x128xf32, #tpu.memory_space<vmem>>
        %dma_start3A_388 = tpu.memref_squeeze %dma_start3A_387 : memref<1x64x128xf32, #tpu.memory_space<vmem>> -> memref<64x128xf32, #tpu.memory_space<vmem>>
        %dma_start3A_389 = arith.constant 0 : i32
        %dma_start3A_390 = tpu.memref_slice %arg5[%dma_start3A_383, %dma_start3A_389] : memref<4x64xi32, #tpu.memory_space<vmem>> -> memref<1x64xi32, #tpu.memory_space<vmem>>
        %dma_start3A_391 = tpu.memref_squeeze %dma_start3A_390 : memref<1x64xi32, #tpu.memory_space<vmem>> -> memref<64xi32, #tpu.memory_space<vmem>>
        %dma_start3A_392 = arith.constant 0 : i32
        %dma_start3A_393 = arith.constant 0 : i32
        %dma_start3A_394 = tpu.memref_slice %arg2[%dma_start3A_392, %dma_start3A_393] : memref<10000x128xf32, #tpu.memory_space<hbm>> -> memref<10000x128xf32, #tpu.memory_space<hbm>>
        tpu.enqueue_indirect_dma source(%dma_start3A_394 : memref<10000x128xf32, #tpu.memory_space<hbm>>) target(%dma_start3A_388 : memref<64x128xf32, #tpu.memory_space<vmem>>) offsets(%dma_start3A_391 : memref<64xi32, #tpu.memory_space<vmem>>) semaphore(%arg19 : memref<!tpu.dma_semaphore, #tpu.memory_space<semaphore_mem>>)
      } else {
      }
      %add3A_336 = arith.constant 3 : i32
      %add3A_337 = arith.addi %add3A_289, %add3A_336 : i32
      %add3A_338 = arith.constant 4 : i32
      %add3A_339 = arith.addi %add3A_337, %add3A_338 : i32
      %lt3A_340 = arith.cmpi slt, %add3A_339, %select_n3A : i32
      %convert_element_type3A_341 = arith.extui %lt3A_340 : i1 to i32
      %cond3A_342 = arith.constant 0 : i32
      %cond3A_343 = arith.cmpi ne, %convert_element_type3A_341, %cond3A_342 : i32
      scf.if %cond3A_343 {
        %dma_wait3A_344 = arith.constant 3 : i32
        %dma_wait3A_345 = arith.constant 3 : i32
        %dma_wait3A_346 = arith.constant 0 : i32
        %dma_wait3A_347 = arith.constant 0 : i32
        %dma_wait3A_348 = tpu.memref_slice %arg7[%dma_wait3A_344, %dma_wait3A_346, %dma_wait3A_347] : memref<4x64x128xf32, #tpu.memory_space<vmem>> -> memref<1x64x128xf32, #tpu.memory_space<vmem>>
        %dma_wait3A_349 = tpu.memref_squeeze %dma_wait3A_348 : memref<1x64x128xf32, #tpu.memory_space<vmem>> -> memref<64x128xf32, #tpu.memory_space<vmem>>
        %dma_wait3A_350 = arith.constant 0 : i32
        %dma_wait3A_351 = tpu.memref_slice %arg6[%dma_wait3A_345, %dma_wait3A_350] : memref<4x64xi32, #tpu.memory_space<vmem>> -> memref<1x64xi32, #tpu.memory_space<vmem>>
        %dma_wait3A_352 = tpu.memref_squeeze %dma_wait3A_351 : memref<1x64xi32, #tpu.memory_space<vmem>> -> memref<64xi32, #tpu.memory_space<vmem>>
        %dma_wait3A_353 = arith.constant 0 : i32
        %dma_wait3A_354 = arith.constant 0 : i32
        %dma_wait3A_355 = tpu.memref_slice %arg8[%dma_wait3A_353, %dma_wait3A_354] : memref<10240x128xf32, #tpu.memory_space<vmem_shared>> -> memref<10240x128xf32, #tpu.memory_space<vmem_shared>>
        tpu.wait_indirect_dma semaphore(%arg24 : memref<!tpu.dma_semaphore, #tpu.memory_space<semaphore_mem>>) src(%dma_wait3A_349 : memref<64x128xf32, #tpu.memory_space<vmem>>) dst(%dma_wait3A_355 : memref<10240x128xf32, #tpu.memory_space<vmem_shared>>)
        %mul3A_356 = arith.constant 32 : i32
        %mul3A_357 = arith.muli %add3A_339, %mul3A_356 : i32
        %add3A_358 = arith.addi %add3A, %mul3A_357 : i32
        %mul3A_359 = arith.constant 64 : i32
        %mul3A_360 = arith.muli %add3A_358, %mul3A_359 : i32
        %add3A_361 = arith.constant 320000 : i32
        %add3A_362 = arith.addi %add3A_361, %mul3A_360 : i32
        %dma_start3A_363 = arith.constant 3 : i32
        %dma_start3A_364 = arith.constant 0 : i32
        %dma_start3A_365 = tpu.memref_slice %arg6[%dma_start3A_363, %dma_start3A_364] : memref<4x64xi32, #tpu.memory_space<vmem>> -> memref<1x64xi32, #tpu.memory_space<vmem>>
        %dma_start3A_366 = tpu.memref_squeeze %dma_start3A_365 : memref<1x64xi32, #tpu.memory_space<vmem>> -> memref<64xi32, #tpu.memory_space<vmem>>
        %dma_start3A_367 = tpu.memref_slice %arg3[%add3A_362] : memref<640000xi32, #tpu.memory_space<hbm>> -> memref<64xi32, #tpu.memory_space<hbm>>
        %dma_start3A_368 = arith.constant 0 : i32
        %dma_start3A_369 = tpu.memref_slice %arg6[%dma_start3A_363, %dma_start3A_368] : memref<4x64xi32, #tpu.memory_space<vmem>> -> memref<1x64xi32, #tpu.memory_space<vmem>>
        %dma_start3A_370 = tpu.memref_squeeze %dma_start3A_369 : memref<1x64xi32, #tpu.memory_space<vmem>> -> memref<64xi32, #tpu.memory_space<vmem>>
        %dma_start3A_371 = tpu.memref_slice %arg3[%add3A_362] : memref<640000xi32, #tpu.memory_space<hbm>> -> memref<64xi32, #tpu.memory_space<hbm>>
        tpu.enqueue_dma source(%dma_start3A_371 : memref<64xi32, #tpu.memory_space<hbm>>) target(%dma_start3A_370 : memref<64xi32, #tpu.memory_space<vmem>>) target_semaphore(%arg16 : memref<!tpu.dma_semaphore, #tpu.memory_space<semaphore_mem>>)
        %dma_wait3A_372 = arith.constant 3 : i32
        %dma_wait3A_373 = arith.constant 0 : i32
        %dma_wait3A_374 = tpu.memref_slice %arg5[%dma_wait3A_372, %dma_wait3A_373] : memref<4x64xi32, #tpu.memory_space<vmem>> -> memref<1x64xi32, #tpu.memory_space<vmem>>
        %dma_wait3A_375 = tpu.memref_squeeze %dma_wait3A_374 : memref<1x64xi32, #tpu.memory_space<vmem>> -> memref<64xi32, #tpu.memory_space<vmem>>
        %dma_wait3A_376 = arith.constant 0 : i32
        %dma_wait3A_377 = tpu.memref_slice %arg3[%dma_wait3A_376] : memref<640000xi32, #tpu.memory_space<hbm>> -> memref<64xi32, #tpu.memory_space<hbm>>
        %dma_wait3A_378 = arith.constant 0 : i32
        %dma_wait3A_379 = tpu.memref_slice %arg5[%dma_wait3A_372, %dma_wait3A_378] : memref<4x64xi32, #tpu.memory_space<vmem>> -> memref<1x64xi32, #tpu.memory_space<vmem>>
        %dma_wait3A_380 = tpu.memref_squeeze %dma_wait3A_379 : memref<1x64xi32, #tpu.memory_space<vmem>> -> memref<64xi32, #tpu.memory_space<vmem>>
        %dma_wait3A_381 = arith.constant 0 : i32
        %dma_wait3A_382 = tpu.memref_slice %arg3[%dma_wait3A_381] : memref<640000xi32, #tpu.memory_space<hbm>> -> memref<64xi32, #tpu.memory_space<hbm>>
        tpu.wait_dma2 semaphore(%arg12 : memref<!tpu.dma_semaphore, #tpu.memory_space<semaphore_mem>>) src(%dma_wait3A_382 : memref<64xi32, #tpu.memory_space<hbm>>) dst(%dma_wait3A_380 : memref<64xi32, #tpu.memory_space<vmem>>)
        %dma_start3A_383 = arith.constant 3 : i32
        %dma_start3A_384 = arith.constant 3 : i32
        %dma_start3A_385 = arith.constant 0 : i32
        %dma_start3A_386 = arith.constant 0 : i32
        %dma_start3A_387 = tpu.memref_slice %arg7[%dma_start3A_384, %dma_start3A_385, %dma_start3A_386] : memref<4x64x128xf32, #tpu.memory_space<vmem>> -> memref<1x64x128xf32, #tpu.memory_space<vmem>>
        %dma_start3A_388 = tpu.memref_squeeze %dma_start3A_387 : memref<1x64x128xf32, #tpu.memory_space<vmem>> -> memref<64x128xf32, #tpu.memory_space<vmem>>
        %dma_start3A_389 = arith.constant 0 : i32
        %dma_start3A_390 = tpu.memref_slice %arg5[%dma_start3A_383, %dma_start3A_389] : memref<4x64xi32, #tpu.memory_space<vmem>> -> memref<1x64xi32, #tpu.memory_space<vmem>>
        %dma_start3A_391 = tpu.memref_squeeze %dma_start3A_390 : memref<1x64xi32, #tpu.memory_space<vmem>> -> memref<64xi32, #tpu.memory_space<vmem>>
        %dma_start3A_392 = arith.constant 0 : i32
        %dma_start3A_393 = arith.constant 0 : i32
        %dma_start3A_394 = tpu.memref_slice %arg2[%dma_start3A_392, %dma_start3A_393] : memref<10000x128xf32, #tpu.memory_space<hbm>> -> memref<10000x128xf32, #tpu.memory_space<hbm>>
        tpu.enqueue_indirect_dma source(%dma_start3A_394 : memref<10000x128xf32, #tpu.memory_space<hbm>>) target(%dma_start3A_388 : memref<64x128xf32, #tpu.memory_space<vmem>>) offsets(%dma_start3A_391 : memref<64xi32, #tpu.memory_space<vmem>>) semaphore(%arg20 : memref<!tpu.dma_semaphore, #tpu.memory_space<semaphore_mem>>)
      } else {
      }
    }
    %while3A_230 = arith.constant 1 : i32
    scf.for %while3A_287 = %while3A_228 to %while3A_224 step %while3A_230  : i32 {
      %mul3A_288 = arith.muli %while3A_287, %while3A : i32
      %add3A_289 = arith.addi %while3A_221, %mul3A_288 : i32
      %add3A_290 = arith.constant 0 : i32
      %add3A_291 = arith.addi %add3A_289, %add3A_290 : i32
      %lt3A_292 = arith.cmpi slt, %add3A_291, %select_n3A : i32
      %convert_element_type3A = arith.extui %lt3A_292 : i1 to i32
      %cond3A = arith.constant 0 : i32
      %cond3A_293 = arith.cmpi ne, %convert_element_type3A, %cond3A : i32
      scf.if %cond3A_293 {
        %dma_wait3A_344 = arith.constant 0 : i32
        %dma_wait3A_345 = arith.constant 0 : i32
        %dma_wait3A_346 = arith.constant 0 : i32
        %dma_wait3A_347 = arith.constant 0 : i32
        %dma_wait3A_348 = tpu.memref_slice %arg7[%dma_wait3A_345, %dma_wait3A_346, %dma_wait3A_347] : memref<4x64x128xf32, #tpu.memory_space<vmem>> -> memref<1x64x128xf32, #tpu.memory_space<vmem>>
        %dma_wait3A_349 = tpu.memref_squeeze %dma_wait3A_348 : memref<1x64x128xf32, #tpu.memory_space<vmem>> -> memref<64x128xf32, #tpu.memory_space<vmem>>
        %dma_wait3A_350 = arith.constant 0 : i32
        %dma_wait3A_351 = tpu.memref_slice %arg5[%dma_wait3A_344, %dma_wait3A_350] : memref<4x64xi32, #tpu.memory_space<vmem>> -> memref<1x64xi32, #tpu.memory_space<vmem>>
        %dma_wait3A_352 = tpu.memref_squeeze %dma_wait3A_351 : memref<1x64xi32, #tpu.memory_space<vmem>> -> memref<64xi32, #tpu.memory_space<vmem>>
        %dma_wait3A_353 = arith.constant 0 : i32
        %dma_wait3A_354 = arith.constant 0 : i32
        %dma_wait3A_355 = tpu.memref_slice %arg2[%dma_wait3A_353, %dma_wait3A_354] : memref<10000x128xf32, #tpu.memory_space<hbm>> -> memref<10000x128xf32, #tpu.memory_space<hbm>>
        tpu.wait_indirect_dma semaphore(%arg17 : memref<!tpu.dma_semaphore, #tpu.memory_space<semaphore_mem>>) src(%dma_wait3A_355 : memref<10000x128xf32, #tpu.memory_space<hbm>>) dst(%dma_wait3A_349 : memref<64x128xf32, #tpu.memory_space<vmem>>)
        %add3A_356 = arith.constant 0 : i32
        %add3A_357 = arith.addi %add3A_289, %add3A_356 : i32
        %add3A_358 = arith.constant 4 : i32
        %add3A_359 = arith.addi %add3A_357, %add3A_358 : i32
        %lt3A_360 = arith.cmpi slt, %add3A_359, %select_n3A : i32
        %convert_element_type3A_361 = arith.extui %lt3A_360 : i1 to i32
        %cond3A_362 = arith.constant 0 : i32
        %cond3A_363 = arith.cmpi ne, %convert_element_type3A_361, %cond3A_362 : i32
        scf.if %cond3A_363 {
          %add3A_387 = arith.constant 0 : i32
          %add3A_388 = arith.addi %add3A_289, %add3A_387 : i32
          %add3A_389 = arith.constant 4 : i32
          %add3A_390 = arith.addi %add3A_388, %add3A_389 : i32
          %mul3A_391 = arith.constant 32 : i32
          %mul3A_392 = arith.muli %add3A_390, %mul3A_391 : i32
          %add3A_393 = arith.addi %add3A, %mul3A_392 : i32
          %mul3A_394 = arith.constant 64 : i32
          %mul3A_395 = arith.muli %add3A_393, %mul3A_394 : i32
          %dma_start3A_396 = arith.constant 0 : i32
          %dma_start3A_397 = arith.constant 0 : i32
          %dma_start3A_398 = tpu.memref_slice %arg5[%dma_start3A_396, %dma_start3A_397] : memref<4x64xi32, #tpu.memory_space<vmem>> -> memref<1x64xi32, #tpu.memory_space<vmem>>
          %dma_start3A_399 = tpu.memref_squeeze %dma_start3A_398 : memref<1x64xi32, #tpu.memory_space<vmem>> -> memref<64xi32, #tpu.memory_space<vmem>>
          %dma_start3A_400 = tpu.memref_slice %arg3[%mul3A_395] : memref<640000xi32, #tpu.memory_space<hbm>> -> memref<64xi32, #tpu.memory_space<hbm>>
          %dma_start3A_401 = arith.constant 0 : i32
          %dma_start3A_402 = tpu.memref_slice %arg5[%dma_start3A_396, %dma_start3A_401] : memref<4x64xi32, #tpu.memory_space<vmem>> -> memref<1x64xi32, #tpu.memory_space<vmem>>
          %dma_start3A_403 = tpu.memref_squeeze %dma_start3A_402 : memref<1x64xi32, #tpu.memory_space<vmem>> -> memref<64xi32, #tpu.memory_space<vmem>>
          %dma_start3A_404 = tpu.memref_slice %arg3[%mul3A_395] : memref<640000xi32, #tpu.memory_space<hbm>> -> memref<64xi32, #tpu.memory_space<hbm>>
          tpu.enqueue_dma source(%dma_start3A_404 : memref<64xi32, #tpu.memory_space<hbm>>) target(%dma_start3A_403 : memref<64xi32, #tpu.memory_space<vmem>>) target_semaphore(%arg9 : memref<!tpu.dma_semaphore, #tpu.memory_space<semaphore_mem>>)
        } else {
        }
        %dma_wait3A_364 = arith.constant 0 : i32
        %dma_wait3A_365 = arith.constant 0 : i32
        %dma_wait3A_366 = tpu.memref_slice %arg6[%dma_wait3A_364, %dma_wait3A_365] : memref<4x64xi32, #tpu.memory_space<vmem>> -> memref<1x64xi32, #tpu.memory_space<vmem>>
        %dma_wait3A_367 = tpu.memref_squeeze %dma_wait3A_366 : memref<1x64xi32, #tpu.memory_space<vmem>> -> memref<64xi32, #tpu.memory_space<vmem>>
        %dma_wait3A_368 = arith.constant 0 : i32
        %dma_wait3A_369 = tpu.memref_slice %arg3[%dma_wait3A_368] : memref<640000xi32, #tpu.memory_space<hbm>> -> memref<64xi32, #tpu.memory_space<hbm>>
        %dma_wait3A_370 = arith.constant 0 : i32
        %dma_wait3A_371 = tpu.memref_slice %arg6[%dma_wait3A_364, %dma_wait3A_370] : memref<4x64xi32, #tpu.memory_space<vmem>> -> memref<1x64xi32, #tpu.memory_space<vmem>>
        %dma_wait3A_372 = tpu.memref_squeeze %dma_wait3A_371 : memref<1x64xi32, #tpu.memory_space<vmem>> -> memref<64xi32, #tpu.memory_space<vmem>>
        %dma_wait3A_373 = arith.constant 0 : i32
        %dma_wait3A_374 = tpu.memref_slice %arg3[%dma_wait3A_373] : memref<640000xi32, #tpu.memory_space<hbm>> -> memref<64xi32, #tpu.memory_space<hbm>>
        tpu.wait_dma2 semaphore(%arg13 : memref<!tpu.dma_semaphore, #tpu.memory_space<semaphore_mem>>) src(%dma_wait3A_374 : memref<64xi32, #tpu.memory_space<hbm>>) dst(%dma_wait3A_372 : memref<64xi32, #tpu.memory_space<vmem>>)
        %dma_start3A_375 = arith.constant 0 : i32
        %dma_start3A_376 = arith.constant 0 : i32
        %dma_start3A_377 = arith.constant 0 : i32
        %dma_start3A_378 = arith.constant 0 : i32
        %dma_start3A_379 = tpu.memref_slice %arg7[%dma_start3A_375, %dma_start3A_377, %dma_start3A_378] : memref<4x64x128xf32, #tpu.memory_space<vmem>> -> memref<1x64x128xf32, #tpu.memory_space<vmem>>
        %dma_start3A_380 = tpu.memref_squeeze %dma_start3A_379 : memref<1x64x128xf32, #tpu.memory_space<vmem>> -> memref<64x128xf32, #tpu.memory_space<vmem>>
        %dma_start3A_381 = arith.constant 0 : i32
        %dma_start3A_382 = tpu.memref_slice %arg6[%dma_start3A_376, %dma_start3A_381] : memref<4x64xi32, #tpu.memory_space<vmem>> -> memref<1x64xi32, #tpu.memory_space<vmem>>
        %dma_start3A_383 = tpu.memref_squeeze %dma_start3A_382 : memref<1x64xi32, #tpu.memory_space<vmem>> -> memref<64xi32, #tpu.memory_space<vmem>>
        %dma_start3A_384 = arith.constant 0 : i32
        %dma_start3A_385 = arith.constant 0 : i32
        %dma_start3A_386 = tpu.memref_slice %arg8[%dma_start3A_384, %dma_start3A_385] : memref<10240x128xf32, #tpu.memory_space<vmem_shared>> -> memref<10240x128xf32, #tpu.memory_space<vmem_shared>>
        tpu.enqueue_indirect_dma source(%dma_start3A_380 : memref<64x128xf32, #tpu.memory_space<vmem>>) target(%dma_start3A_386 : memref<10240x128xf32, #tpu.memory_space<vmem_shared>>) offsets(%dma_start3A_383 : memref<64xi32, #tpu.memory_space<vmem>>) semaphore(%arg21 : memref<!tpu.dma_semaphore, #tpu.memory_space<semaphore_mem>>) {add = true}
      } else {
      }
      %add3A_294 = arith.constant 1 : i32
      %add3A_295 = arith.addi %add3A_289, %add3A_294 : i32
      %lt3A_296 = arith.cmpi slt, %add3A_295, %select_n3A : i32
      %convert_element_type3A_297 = arith.extui %lt3A_296 : i1 to i32
      %cond3A_298 = arith.constant 0 : i32
      %cond3A_299 = arith.cmpi ne, %convert_element_type3A_297, %cond3A_298 : i32
      scf.if %cond3A_299 {
        %dma_wait3A_344 = arith.constant 1 : i32
        %dma_wait3A_345 = arith.constant 1 : i32
        %dma_wait3A_346 = arith.constant 0 : i32
        %dma_wait3A_347 = arith.constant 0 : i32
        %dma_wait3A_348 = tpu.memref_slice %arg7[%dma_wait3A_345, %dma_wait3A_346, %dma_wait3A_347] : memref<4x64x128xf32, #tpu.memory_space<vmem>> -> memref<1x64x128xf32, #tpu.memory_space<vmem>>
        %dma_wait3A_349 = tpu.memref_squeeze %dma_wait3A_348 : memref<1x64x128xf32, #tpu.memory_space<vmem>> -> memref<64x128xf32, #tpu.memory_space<vmem>>
        %dma_wait3A_350 = arith.constant 0 : i32
        %dma_wait3A_351 = tpu.memref_slice %arg5[%dma_wait3A_344, %dma_wait3A_350] : memref<4x64xi32, #tpu.memory_space<vmem>> -> memref<1x64xi32, #tpu.memory_space<vmem>>
        %dma_wait3A_352 = tpu.memref_squeeze %dma_wait3A_351 : memref<1x64xi32, #tpu.memory_space<vmem>> -> memref<64xi32, #tpu.memory_space<vmem>>
        %dma_wait3A_353 = arith.constant 0 : i32
        %dma_wait3A_354 = arith.constant 0 : i32
        %dma_wait3A_355 = tpu.memref_slice %arg2[%dma_wait3A_353, %dma_wait3A_354] : memref<10000x128xf32, #tpu.memory_space<hbm>> -> memref<10000x128xf32, #tpu.memory_space<hbm>>
        tpu.wait_indirect_dma semaphore(%arg18 : memref<!tpu.dma_semaphore, #tpu.memory_space<semaphore_mem>>) src(%dma_wait3A_355 : memref<10000x128xf32, #tpu.memory_space<hbm>>) dst(%dma_wait3A_349 : memref<64x128xf32, #tpu.memory_space<vmem>>)
        %add3A_356 = arith.constant 1 : i32
        %add3A_357 = arith.addi %add3A_289, %add3A_356 : i32
        %add3A_358 = arith.constant 4 : i32
        %add3A_359 = arith.addi %add3A_357, %add3A_358 : i32
        %lt3A_360 = arith.cmpi slt, %add3A_359, %select_n3A : i32
        %convert_element_type3A_361 = arith.extui %lt3A_360 : i1 to i32
        %cond3A_362 = arith.constant 0 : i32
        %cond3A_363 = arith.cmpi ne, %convert_element_type3A_361, %cond3A_362 : i32
        scf.if %cond3A_363 {
          %add3A_387 = arith.constant 1 : i32
          %add3A_388 = arith.addi %add3A_289, %add3A_387 : i32
          %add3A_389 = arith.constant 4 : i32
          %add3A_390 = arith.addi %add3A_388, %add3A_389 : i32
          %mul3A_391 = arith.constant 32 : i32
          %mul3A_392 = arith.muli %add3A_390, %mul3A_391 : i32
          %add3A_393 = arith.addi %add3A, %mul3A_392 : i32
          %mul3A_394 = arith.constant 64 : i32
          %mul3A_395 = arith.muli %add3A_393, %mul3A_394 : i32
          %dma_start3A_396 = arith.constant 1 : i32
          %dma_start3A_397 = arith.constant 0 : i32
          %dma_start3A_398 = tpu.memref_slice %arg5[%dma_start3A_396, %dma_start3A_397] : memref<4x64xi32, #tpu.memory_space<vmem>> -> memref<1x64xi32, #tpu.memory_space<vmem>>
          %dma_start3A_399 = tpu.memref_squeeze %dma_start3A_398 : memref<1x64xi32, #tpu.memory_space<vmem>> -> memref<64xi32, #tpu.memory_space<vmem>>
          %dma_start3A_400 = tpu.memref_slice %arg3[%mul3A_395] : memref<640000xi32, #tpu.memory_space<hbm>> -> memref<64xi32, #tpu.memory_space<hbm>>
          %dma_start3A_401 = arith.constant 0 : i32
          %dma_start3A_402 = tpu.memref_slice %arg5[%dma_start3A_396, %dma_start3A_401] : memref<4x64xi32, #tpu.memory_space<vmem>> -> memref<1x64xi32, #tpu.memory_space<vmem>>
          %dma_start3A_403 = tpu.memref_squeeze %dma_start3A_402 : memref<1x64xi32, #tpu.memory_space<vmem>> -> memref<64xi32, #tpu.memory_space<vmem>>
          %dma_start3A_404 = tpu.memref_slice %arg3[%mul3A_395] : memref<640000xi32, #tpu.memory_space<hbm>> -> memref<64xi32, #tpu.memory_space<hbm>>
          tpu.enqueue_dma source(%dma_start3A_404 : memref<64xi32, #tpu.memory_space<hbm>>) target(%dma_start3A_403 : memref<64xi32, #tpu.memory_space<vmem>>) target_semaphore(%arg10 : memref<!tpu.dma_semaphore, #tpu.memory_space<semaphore_mem>>)
        } else {
        }
        %dma_wait3A_364 = arith.constant 1 : i32
        %dma_wait3A_365 = arith.constant 0 : i32
        %dma_wait3A_366 = tpu.memref_slice %arg6[%dma_wait3A_364, %dma_wait3A_365] : memref<4x64xi32, #tpu.memory_space<vmem>> -> memref<1x64xi32, #tpu.memory_space<vmem>>
        %dma_wait3A_367 = tpu.memref_squeeze %dma_wait3A_366 : memref<1x64xi32, #tpu.memory_space<vmem>> -> memref<64xi32, #tpu.memory_space<vmem>>
        %dma_wait3A_368 = arith.constant 0 : i32
        %dma_wait3A_369 = tpu.memref_slice %arg3[%dma_wait3A_368] : memref<640000xi32, #tpu.memory_space<hbm>> -> memref<64xi32, #tpu.memory_space<hbm>>
        %dma_wait3A_370 = arith.constant 0 : i32
        %dma_wait3A_371 = tpu.memref_slice %arg6[%dma_wait3A_364, %dma_wait3A_370] : memref<4x64xi32, #tpu.memory_space<vmem>> -> memref<1x64xi32, #tpu.memory_space<vmem>>
        %dma_wait3A_372 = tpu.memref_squeeze %dma_wait3A_371 : memref<1x64xi32, #tpu.memory_space<vmem>> -> memref<64xi32, #tpu.memory_space<vmem>>
        %dma_wait3A_373 = arith.constant 0 : i32
        %dma_wait3A_374 = tpu.memref_slice %arg3[%dma_wait3A_373] : memref<640000xi32, #tpu.memory_space<hbm>> -> memref<64xi32, #tpu.memory_space<hbm>>
        tpu.wait_dma2 semaphore(%arg14 : memref<!tpu.dma_semaphore, #tpu.memory_space<semaphore_mem>>) src(%dma_wait3A_374 : memref<64xi32, #tpu.memory_space<hbm>>) dst(%dma_wait3A_372 : memref<64xi32, #tpu.memory_space<vmem>>)
        %dma_start3A_375 = arith.constant 1 : i32
        %dma_start3A_376 = arith.constant 1 : i32
        %dma_start3A_377 = arith.constant 0 : i32
        %dma_start3A_378 = arith.constant 0 : i32
        %dma_start3A_379 = tpu.memref_slice %arg7[%dma_start3A_375, %dma_start3A_377, %dma_start3A_378] : memref<4x64x128xf32, #tpu.memory_space<vmem>> -> memref<1x64x128xf32, #tpu.memory_space<vmem>>
        %dma_start3A_380 = tpu.memref_squeeze %dma_start3A_379 : memref<1x64x128xf32, #tpu.memory_space<vmem>> -> memref<64x128xf32, #tpu.memory_space<vmem>>
        %dma_start3A_381 = arith.constant 0 : i32
        %dma_start3A_382 = tpu.memref_slice %arg6[%dma_start3A_376, %dma_start3A_381] : memref<4x64xi32, #tpu.memory_space<vmem>> -> memref<1x64xi32, #tpu.memory_space<vmem>>
        %dma_start3A_383 = tpu.memref_squeeze %dma_start3A_382 : memref<1x64xi32, #tpu.memory_space<vmem>> -> memref<64xi32, #tpu.memory_space<vmem>>
        %dma_start3A_384 = arith.constant 0 : i32
        %dma_start3A_385 = arith.constant 0 : i32
        %dma_start3A_386 = tpu.memref_slice %arg8[%dma_start3A_384, %dma_start3A_385] : memref<10240x128xf32, #tpu.memory_space<vmem_shared>> -> memref<10240x128xf32, #tpu.memory_space<vmem_shared>>
        tpu.enqueue_indirect_dma source(%dma_start3A_380 : memref<64x128xf32, #tpu.memory_space<vmem>>) target(%dma_start3A_386 : memref<10240x128xf32, #tpu.memory_space<vmem_shared>>) offsets(%dma_start3A_383 : memref<64xi32, #tpu.memory_space<vmem>>) semaphore(%arg22 : memref<!tpu.dma_semaphore, #tpu.memory_space<semaphore_mem>>) {add = true}
      } else {
      }
      %add3A_300 = arith.constant 2 : i32
      %add3A_301 = arith.addi %add3A_289, %add3A_300 : i32
      %lt3A_302 = arith.cmpi slt, %add3A_301, %select_n3A : i32
      %convert_element_type3A_303 = arith.extui %lt3A_302 : i1 to i32
      %cond3A_304 = arith.constant 0 : i32
      %cond3A_305 = arith.cmpi ne, %convert_element_type3A_303, %cond3A_304 : i32
      scf.if %cond3A_305 {
        %dma_wait3A_344 = arith.constant 2 : i32
        %dma_wait3A_345 = arith.constant 2 : i32
        %dma_wait3A_346 = arith.constant 0 : i32
        %dma_wait3A_347 = arith.constant 0 : i32
        %dma_wait3A_348 = tpu.memref_slice %arg7[%dma_wait3A_345, %dma_wait3A_346, %dma_wait3A_347] : memref<4x64x128xf32, #tpu.memory_space<vmem>> -> memref<1x64x128xf32, #tpu.memory_space<vmem>>
        %dma_wait3A_349 = tpu.memref_squeeze %dma_wait3A_348 : memref<1x64x128xf32, #tpu.memory_space<vmem>> -> memref<64x128xf32, #tpu.memory_space<vmem>>
        %dma_wait3A_350 = arith.constant 0 : i32
        %dma_wait3A_351 = tpu.memref_slice %arg5[%dma_wait3A_344, %dma_wait3A_350] : memref<4x64xi32, #tpu.memory_space<vmem>> -> memref<1x64xi32, #tpu.memory_space<vmem>>
        %dma_wait3A_352 = tpu.memref_squeeze %dma_wait3A_351 : memref<1x64xi32, #tpu.memory_space<vmem>> -> memref<64xi32, #tpu.memory_space<vmem>>
        %dma_wait3A_353 = arith.constant 0 : i32
        %dma_wait3A_354 = arith.constant 0 : i32
        %dma_wait3A_355 = tpu.memref_slice %arg2[%dma_wait3A_353, %dma_wait3A_354] : memref<10000x128xf32, #tpu.memory_space<hbm>> -> memref<10000x128xf32, #tpu.memory_space<hbm>>
        tpu.wait_indirect_dma semaphore(%arg19 : memref<!tpu.dma_semaphore, #tpu.memory_space<semaphore_mem>>) src(%dma_wait3A_355 : memref<10000x128xf32, #tpu.memory_space<hbm>>) dst(%dma_wait3A_349 : memref<64x128xf32, #tpu.memory_space<vmem>>)
        %add3A_356 = arith.constant 2 : i32
        %add3A_357 = arith.addi %add3A_289, %add3A_356 : i32
        %add3A_358 = arith.constant 4 : i32
        %add3A_359 = arith.addi %add3A_357, %add3A_358 : i32
        %lt3A_360 = arith.cmpi slt, %add3A_359, %select_n3A : i32
        %convert_element_type3A_361 = arith.extui %lt3A_360 : i1 to i32
        %cond3A_362 = arith.constant 0 : i32
        %cond3A_363 = arith.cmpi ne, %convert_element_type3A_361, %cond3A_362 : i32
        scf.if %cond3A_363 {
          %add3A_387 = arith.constant 2 : i32
          %add3A_388 = arith.addi %add3A_289, %add3A_387 : i32
          %add3A_389 = arith.constant 4 : i32
          %add3A_390 = arith.addi %add3A_388, %add3A_389 : i32
          %mul3A_391 = arith.constant 32 : i32
          %mul3A_392 = arith.muli %add3A_390, %mul3A_391 : i32
          %add3A_393 = arith.addi %add3A, %mul3A_392 : i32
          %mul3A_394 = arith.constant 64 : i32
          %mul3A_395 = arith.muli %add3A_393, %mul3A_394 : i32
          %dma_start3A_396 = arith.constant 2 : i32
          %dma_start3A_397 = arith.constant 0 : i32
          %dma_start3A_398 = tpu.memref_slice %arg5[%dma_start3A_396, %dma_start3A_397] : memref<4x64xi32, #tpu.memory_space<vmem>> -> memref<1x64xi32, #tpu.memory_space<vmem>>
          %dma_start3A_399 = tpu.memref_squeeze %dma_start3A_398 : memref<1x64xi32, #tpu.memory_space<vmem>> -> memref<64xi32, #tpu.memory_space<vmem>>
          %dma_start3A_400 = tpu.memref_slice %arg3[%mul3A_395] : memref<640000xi32, #tpu.memory_space<hbm>> -> memref<64xi32, #tpu.memory_space<hbm>>
          %dma_start3A_401 = arith.constant 0 : i32
          %dma_start3A_402 = tpu.memref_slice %arg5[%dma_start3A_396, %dma_start3A_401] : memref<4x64xi32, #tpu.memory_space<vmem>> -> memref<1x64xi32, #tpu.memory_space<vmem>>
          %dma_start3A_403 = tpu.memref_squeeze %dma_start3A_402 : memref<1x64xi32, #tpu.memory_space<vmem>> -> memref<64xi32, #tpu.memory_space<vmem>>
          %dma_start3A_404 = tpu.memref_slice %arg3[%mul3A_395] : memref<640000xi32, #tpu.memory_space<hbm>> -> memref<64xi32, #tpu.memory_space<hbm>>
          tpu.enqueue_dma source(%dma_start3A_404 : memref<64xi32, #tpu.memory_space<hbm>>) target(%dma_start3A_403 : memref<64xi32, #tpu.memory_space<vmem>>) target_semaphore(%arg11 : memref<!tpu.dma_semaphore, #tpu.memory_space<semaphore_mem>>)
        } else {
        }
        %dma_wait3A_364 = arith.constant 2 : i32
        %dma_wait3A_365 = arith.constant 0 : i32
        %dma_wait3A_366 = tpu.memref_slice %arg6[%dma_wait3A_364, %dma_wait3A_365] : memref<4x64xi32, #tpu.memory_space<vmem>> -> memref<1x64xi32, #tpu.memory_space<vmem>>
        %dma_wait3A_367 = tpu.memref_squeeze %dma_wait3A_366 : memref<1x64xi32, #tpu.memory_space<vmem>> -> memref<64xi32, #tpu.memory_space<vmem>>
        %dma_wait3A_368 = arith.constant 0 : i32
        %dma_wait3A_369 = tpu.memref_slice %arg3[%dma_wait3A_368] : memref<640000xi32, #tpu.memory_space<hbm>> -> memref<64xi32, #tpu.memory_space<hbm>>
        %dma_wait3A_370 = arith.constant 0 : i32
        %dma_wait3A_371 = tpu.memref_slice %arg6[%dma_wait3A_364, %dma_wait3A_370] : memref<4x64xi32, #tpu.memory_space<vmem>> -> memref<1x64xi32, #tpu.memory_space<vmem>>
        %dma_wait3A_372 = tpu.memref_squeeze %dma_wait3A_371 : memref<1x64xi32, #tpu.memory_space<vmem>> -> memref<64xi32, #tpu.memory_space<vmem>>
        %dma_wait3A_373 = arith.constant 0 : i32
        %dma_wait3A_374 = tpu.memref_slice %arg3[%dma_wait3A_373] : memref<640000xi32, #tpu.memory_space<hbm>> -> memref<64xi32, #tpu.memory_space<hbm>>
        tpu.wait_dma2 semaphore(%arg15 : memref<!tpu.dma_semaphore, #tpu.memory_space<semaphore_mem>>) src(%dma_wait3A_374 : memref<64xi32, #tpu.memory_space<hbm>>) dst(%dma_wait3A_372 : memref<64xi32, #tpu.memory_space<vmem>>)
        %dma_start3A_375 = arith.constant 2 : i32
        %dma_start3A_376 = arith.constant 2 : i32
        %dma_start3A_377 = arith.constant 0 : i32
        %dma_start3A_378 = arith.constant 0 : i32
        %dma_start3A_379 = tpu.memref_slice %arg7[%dma_start3A_375, %dma_start3A_377, %dma_start3A_378] : memref<4x64x128xf32, #tpu.memory_space<vmem>> -> memref<1x64x128xf32, #tpu.memory_space<vmem>>
        %dma_start3A_380 = tpu.memref_squeeze %dma_start3A_379 : memref<1x64x128xf32, #tpu.memory_space<vmem>> -> memref<64x128xf32, #tpu.memory_space<vmem>>
        %dma_start3A_381 = arith.constant 0 : i32
        %dma_start3A_382 = tpu.memref_slice %arg6[%dma_start3A_376, %dma_start3A_381] : memref<4x64xi32, #tpu.memory_space<vmem>> -> memref<1x64xi32, #tpu.memory_space<vmem>>
        %dma_start3A_383 = tpu.memref_squeeze %dma_start3A_382 : memref<1x64xi32, #tpu.memory_space<vmem>> -> memref<64xi32, #tpu.memory_space<vmem>>
        %dma_start3A_384 = arith.constant 0 : i32
        %dma_start3A_385 = arith.constant 0 : i32
        %dma_start3A_386 = tpu.memref_slice %arg8[%dma_start3A_384, %dma_start3A_385] : memref<10240x128xf32, #tpu.memory_space<vmem_shared>> -> memref<10240x128xf32, #tpu.memory_space<vmem_shared>>
        tpu.enqueue_indirect_dma source(%dma_start3A_380 : memref<64x128xf32, #tpu.memory_space<vmem>>) target(%dma_start3A_386 : memref<10240x128xf32, #tpu.memory_space<vmem_shared>>) offsets(%dma_start3A_383 : memref<64xi32, #tpu.memory_space<vmem>>) semaphore(%arg23 : memref<!tpu.dma_semaphore, #tpu.memory_space<semaphore_mem>>) {add = true}
      } else {
      }
      %add3A_306 = arith.constant 3 : i32
      %add3A_307 = arith.addi %add3A_289, %add3A_306 : i32
      %lt3A_308 = arith.cmpi slt, %add3A_307, %select_n3A : i32
      %convert_element_type3A_309 = arith.extui %lt3A_308 : i1 to i32
      %cond3A_310 = arith.constant 0 : i32
      %cond3A_311 = arith.cmpi ne, %convert_element_type3A_309, %cond3A_310 : i32
      scf.if %cond3A_311 {
        %dma_wait3A_344 = arith.constant 3 : i32
        %dma_wait3A_345 = arith.constant 3 : i32
        %dma_wait3A_346 = arith.constant 0 : i32
        %dma_wait3A_347 = arith.constant 0 : i32
        %dma_wait3A_348 = tpu.memref_slice %arg7[%dma_wait3A_345, %dma_wait3A_346, %dma_wait3A_347] : memref<4x64x128xf32, #tpu.memory_space<vmem>> -> memref<1x64x128xf32, #tpu.memory_space<vmem>>
        %dma_wait3A_349 = tpu.memref_squeeze %dma_wait3A_348 : memref<1x64x128xf32, #tpu.memory_space<vmem>> -> memref<64x128xf32, #tpu.memory_space<vmem>>
        %dma_wait3A_350 = arith.constant 0 : i32
        %dma_wait3A_351 = tpu.memref_slice %arg5[%dma_wait3A_344, %dma_wait3A_350] : memref<4x64xi32, #tpu.memory_space<vmem>> -> memref<1x64xi32, #tpu.memory_space<vmem>>
        %dma_wait3A_352 = tpu.memref_squeeze %dma_wait3A_351 : memref<1x64xi32, #tpu.memory_space<vmem>> -> memref<64xi32, #tpu.memory_space<vmem>>
        %dma_wait3A_353 = arith.constant 0 : i32
        %dma_wait3A_354 = arith.constant 0 : i32
        %dma_wait3A_355 = tpu.memref_slice %arg2[%dma_wait3A_353, %dma_wait3A_354] : memref<10000x128xf32, #tpu.memory_space<hbm>> -> memref<10000x128xf32, #tpu.memory_space<hbm>>
        tpu.wait_indirect_dma semaphore(%arg20 : memref<!tpu.dma_semaphore, #tpu.memory_space<semaphore_mem>>) src(%dma_wait3A_355 : memref<10000x128xf32, #tpu.memory_space<hbm>>) dst(%dma_wait3A_349 : memref<64x128xf32, #tpu.memory_space<vmem>>)
        %add3A_356 = arith.constant 3 : i32
        %add3A_357 = arith.addi %add3A_289, %add3A_356 : i32
        %add3A_358 = arith.constant 4 : i32
        %add3A_359 = arith.addi %add3A_357, %add3A_358 : i32
        %lt3A_360 = arith.cmpi slt, %add3A_359, %select_n3A : i32
        %convert_element_type3A_361 = arith.extui %lt3A_360 : i1 to i32
        %cond3A_362 = arith.constant 0 : i32
        %cond3A_363 = arith.cmpi ne, %convert_element_type3A_361, %cond3A_362 : i32
        scf.if %cond3A_363 {
          %add3A_387 = arith.constant 3 : i32
          %add3A_388 = arith.addi %add3A_289, %add3A_387 : i32
          %add3A_389 = arith.constant 4 : i32
          %add3A_390 = arith.addi %add3A_388, %add3A_389 : i32
          %mul3A_391 = arith.constant 32 : i32
          %mul3A_392 = arith.muli %add3A_390, %mul3A_391 : i32
          %add3A_393 = arith.addi %add3A, %mul3A_392 : i32
          %mul3A_394 = arith.constant 64 : i32
          %mul3A_395 = arith.muli %add3A_393, %mul3A_394 : i32
          %dma_start3A_396 = arith.constant 3 : i32
          %dma_start3A_397 = arith.constant 0 : i32
          %dma_start3A_398 = tpu.memref_slice %arg5[%dma_start3A_396, %dma_start3A_397] : memref<4x64xi32, #tpu.memory_space<vmem>> -> memref<1x64xi32, #tpu.memory_space<vmem>>
          %dma_start3A_399 = tpu.memref_squeeze %dma_start3A_398 : memref<1x64xi32, #tpu.memory_space<vmem>> -> memref<64xi32, #tpu.memory_space<vmem>>
          %dma_start3A_400 = tpu.memref_slice %arg3[%mul3A_395] : memref<640000xi32, #tpu.memory_space<hbm>> -> memref<64xi32, #tpu.memory_space<hbm>>
          %dma_start3A_401 = arith.constant 0 : i32
          %dma_start3A_402 = tpu.memref_slice %arg5[%dma_start3A_396, %dma_start3A_401] : memref<4x64xi32, #tpu.memory_space<vmem>> -> memref<1x64xi32, #tpu.memory_space<vmem>>
          %dma_start3A_403 = tpu.memref_squeeze %dma_start3A_402 : memref<1x64xi32, #tpu.memory_space<vmem>> -> memref<64xi32, #tpu.memory_space<vmem>>
          %dma_start3A_404 = tpu.memref_slice %arg3[%mul3A_395] : memref<640000xi32, #tpu.memory_space<hbm>> -> memref<64xi32, #tpu.memory_space<hbm>>
          tpu.enqueue_dma source(%dma_start3A_404 : memref<64xi32, #tpu.memory_space<hbm>>) target(%dma_start3A_403 : memref<64xi32, #tpu.memory_space<vmem>>) target_semaphore(%arg12 : memref<!tpu.dma_semaphore, #tpu.memory_space<semaphore_mem>>)
        } else {
        }
        %dma_wait3A_364 = arith.constant 3 : i32
        %dma_wait3A_365 = arith.constant 0 : i32
        %dma_wait3A_366 = tpu.memref_slice %arg6[%dma_wait3A_364, %dma_wait3A_365] : memref<4x64xi32, #tpu.memory_space<vmem>> -> memref<1x64xi32, #tpu.memory_space<vmem>>
        %dma_wait3A_367 = tpu.memref_squeeze %dma_wait3A_366 : memref<1x64xi32, #tpu.memory_space<vmem>> -> memref<64xi32, #tpu.memory_space<vmem>>
        %dma_wait3A_368 = arith.constant 0 : i32
        %dma_wait3A_369 = tpu.memref_slice %arg3[%dma_wait3A_368] : memref<640000xi32, #tpu.memory_space<hbm>> -> memref<64xi32, #tpu.memory_space<hbm>>
        %dma_wait3A_370 = arith.constant 0 : i32
        %dma_wait3A_371 = tpu.memref_slice %arg6[%dma_wait3A_364, %dma_wait3A_370] : memref<4x64xi32, #tpu.memory_space<vmem>> -> memref<1x64xi32, #tpu.memory_space<vmem>>
        %dma_wait3A_372 = tpu.memref_squeeze %dma_wait3A_371 : memref<1x64xi32, #tpu.memory_space<vmem>> -> memref<64xi32, #tpu.memory_space<vmem>>
        %dma_wait3A_373 = arith.constant 0 : i32
        %dma_wait3A_374 = tpu.memref_slice %arg3[%dma_wait3A_373] : memref<640000xi32, #tpu.memory_space<hbm>> -> memref<64xi32, #tpu.memory_space<hbm>>
        tpu.wait_dma2 semaphore(%arg16 : memref<!tpu.dma_semaphore, #tpu.memory_space<semaphore_mem>>) src(%dma_wait3A_374 : memref<64xi32, #tpu.memory_space<hbm>>) dst(%dma_wait3A_372 : memref<64xi32, #tpu.memory_space<vmem>>)
        %dma_start3A_375 = arith.constant 3 : i32
        %dma_start3A_376 = arith.constant 3 : i32
        %dma_start3A_377 = arith.constant 0 : i32
        %dma_start3A_378 = arith.constant 0 : i32
        %dma_start3A_379 = tpu.memref_slice %arg7[%dma_start3A_375, %dma_start3A_377, %dma_start3A_378] : memref<4x64x128xf32, #tpu.memory_space<vmem>> -> memref<1x64x128xf32, #tpu.memory_space<vmem>>
        %dma_start3A_380 = tpu.memref_squeeze %dma_start3A_379 : memref<1x64x128xf32, #tpu.memory_space<vmem>> -> memref<64x128xf32, #tpu.memory_space<vmem>>
        %dma_start3A_381 = arith.constant 0 : i32
        %dma_start3A_382 = tpu.memref_slice %arg6[%dma_start3A_376, %dma_start3A_381] : memref<4x64xi32, #tpu.memory_space<vmem>> -> memref<1x64xi32, #tpu.memory_space<vmem>>
        %dma_start3A_383 = tpu.memref_squeeze %dma_start3A_382 : memref<1x64xi32, #tpu.memory_space<vmem>> -> memref<64xi32, #tpu.memory_space<vmem>>
        %dma_start3A_384 = arith.constant 0 : i32
        %dma_start3A_385 = arith.constant 0 : i32
        %dma_start3A_386 = tpu.memref_slice %arg8[%dma_start3A_384, %dma_start3A_385] : memref<10240x128xf32, #tpu.memory_space<vmem_shared>> -> memref<10240x128xf32, #tpu.memory_space<vmem_shared>>
        tpu.enqueue_indirect_dma source(%dma_start3A_380 : memref<64x128xf32, #tpu.memory_space<vmem>>) target(%dma_start3A_386 : memref<10240x128xf32, #tpu.memory_space<vmem_shared>>) offsets(%dma_start3A_383 : memref<64xi32, #tpu.memory_space<vmem>>) semaphore(%arg24 : memref<!tpu.dma_semaphore, #tpu.memory_space<semaphore_mem>>) {add = true}
      } else {
      }
      %add3A_312 = arith.constant 0 : i32
      %add3A_313 = arith.addi %add3A_289, %add3A_312 : i32
      %add3A_314 = arith.constant 4 : i32
      %add3A_315 = arith.addi %add3A_313, %add3A_314 : i32
      %lt3A_316 = arith.cmpi slt, %add3A_315, %select_n3A : i32
      %convert_element_type3A_317 = arith.extui %lt3A_316 : i1 to i32
      %cond3A_318 = arith.constant 0 : i32
      %cond3A_319 = arith.cmpi ne, %convert_element_type3A_317, %cond3A_318 : i32
      scf.if %cond3A_319 {
        %dma_wait3A_344 = arith.constant 0 : i32
        %dma_wait3A_345 = arith.constant 0 : i32
        %dma_wait3A_346 = arith.constant 0 : i32
        %dma_wait3A_347 = arith.constant 0 : i32
        %dma_wait3A_348 = tpu.memref_slice %arg7[%dma_wait3A_344, %dma_wait3A_346, %dma_wait3A_347] : memref<4x64x128xf32, #tpu.memory_space<vmem>> -> memref<1x64x128xf32, #tpu.memory_space<vmem>>
        %dma_wait3A_349 = tpu.memref_squeeze %dma_wait3A_348 : memref<1x64x128xf32, #tpu.memory_space<vmem>> -> memref<64x128xf32, #tpu.memory_space<vmem>>
        %dma_wait3A_350 = arith.constant 0 : i32
        %dma_wait3A_351 = tpu.memref_slice %arg6[%dma_wait3A_345, %dma_wait3A_350] : memref<4x64xi32, #tpu.memory_space<vmem>> -> memref<1x64xi32, #tpu.memory_space<vmem>>
        %dma_wait3A_352 = tpu.memref_squeeze %dma_wait3A_351 : memref<1x64xi32, #tpu.memory_space<vmem>> -> memref<64xi32, #tpu.memory_space<vmem>>
        %dma_wait3A_353 = arith.constant 0 : i32
        %dma_wait3A_354 = arith.constant 0 : i32
        %dma_wait3A_355 = tpu.memref_slice %arg8[%dma_wait3A_353, %dma_wait3A_354] : memref<10240x128xf32, #tpu.memory_space<vmem_shared>> -> memref<10240x128xf32, #tpu.memory_space<vmem_shared>>
        tpu.wait_indirect_dma semaphore(%arg21 : memref<!tpu.dma_semaphore, #tpu.memory_space<semaphore_mem>>) src(%dma_wait3A_349 : memref<64x128xf32, #tpu.memory_space<vmem>>) dst(%dma_wait3A_355 : memref<10240x128xf32, #tpu.memory_space<vmem_shared>>)
        %mul3A_356 = arith.constant 32 : i32
        %mul3A_357 = arith.muli %add3A_315, %mul3A_356 : i32
        %add3A_358 = arith.addi %add3A, %mul3A_357 : i32
        %mul3A_359 = arith.constant 64 : i32
        %mul3A_360 = arith.muli %add3A_358, %mul3A_359 : i32
        %add3A_361 = arith.constant 320000 : i32
        %add3A_362 = arith.addi %add3A_361, %mul3A_360 : i32
        %dma_start3A_363 = arith.constant 0 : i32
        %dma_start3A_364 = arith.constant 0 : i32
        %dma_start3A_365 = tpu.memref_slice %arg6[%dma_start3A_363, %dma_start3A_364] : memref<4x64xi32, #tpu.memory_space<vmem>> -> memref<1x64xi32, #tpu.memory_space<vmem>>
        %dma_start3A_366 = tpu.memref_squeeze %dma_start3A_365 : memref<1x64xi32, #tpu.memory_space<vmem>> -> memref<64xi32, #tpu.memory_space<vmem>>
        %dma_start3A_367 = tpu.memref_slice %arg3[%add3A_362] : memref<640000xi32, #tpu.memory_space<hbm>> -> memref<64xi32, #tpu.memory_space<hbm>>
        %dma_start3A_368 = arith.constant 0 : i32
        %dma_start3A_369 = tpu.memref_slice %arg6[%dma_start3A_363, %dma_start3A_368] : memref<4x64xi32, #tpu.memory_space<vmem>> -> memref<1x64xi32, #tpu.memory_space<vmem>>
        %dma_start3A_370 = tpu.memref_squeeze %dma_start3A_369 : memref<1x64xi32, #tpu.memory_space<vmem>> -> memref<64xi32, #tpu.memory_space<vmem>>
        %dma_start3A_371 = tpu.memref_slice %arg3[%add3A_362] : memref<640000xi32, #tpu.memory_space<hbm>> -> memref<64xi32, #tpu.memory_space<hbm>>
        tpu.enqueue_dma source(%dma_start3A_371 : memref<64xi32, #tpu.memory_space<hbm>>) target(%dma_start3A_370 : memref<64xi32, #tpu.memory_space<vmem>>) target_semaphore(%arg13 : memref<!tpu.dma_semaphore, #tpu.memory_space<semaphore_mem>>)
        %dma_wait3A_372 = arith.constant 0 : i32
        %dma_wait3A_373 = arith.constant 0 : i32
        %dma_wait3A_374 = tpu.memref_slice %arg5[%dma_wait3A_372, %dma_wait3A_373] : memref<4x64xi32, #tpu.memory_space<vmem>> -> memref<1x64xi32, #tpu.memory_space<vmem>>
        %dma_wait3A_375 = tpu.memref_squeeze %dma_wait3A_374 : memref<1x64xi32, #tpu.memory_space<vmem>> -> memref<64xi32, #tpu.memory_space<vmem>>
        %dma_wait3A_376 = arith.constant 0 : i32
        %dma_wait3A_377 = tpu.memref_slice %arg3[%dma_wait3A_376] : memref<640000xi32, #tpu.memory_space<hbm>> -> memref<64xi32, #tpu.memory_space<hbm>>
        %dma_wait3A_378 = arith.constant 0 : i32
        %dma_wait3A_379 = tpu.memref_slice %arg5[%dma_wait3A_372, %dma_wait3A_378] : memref<4x64xi32, #tpu.memory_space<vmem>> -> memref<1x64xi32, #tpu.memory_space<vmem>>
        %dma_wait3A_380 = tpu.memref_squeeze %dma_wait3A_379 : memref<1x64xi32, #tpu.memory_space<vmem>> -> memref<64xi32, #tpu.memory_space<vmem>>
        %dma_wait3A_381 = arith.constant 0 : i32
        %dma_wait3A_382 = tpu.memref_slice %arg3[%dma_wait3A_381] : memref<640000xi32, #tpu.memory_space<hbm>> -> memref<64xi32, #tpu.memory_space<hbm>>
        tpu.wait_dma2 semaphore(%arg9 : memref<!tpu.dma_semaphore, #tpu.memory_space<semaphore_mem>>) src(%dma_wait3A_382 : memref<64xi32, #tpu.memory_space<hbm>>) dst(%dma_wait3A_380 : memref<64xi32, #tpu.memory_space<vmem>>)
        %dma_start3A_383 = arith.constant 0 : i32
        %dma_start3A_384 = arith.constant 0 : i32
        %dma_start3A_385 = arith.constant 0 : i32
        %dma_start3A_386 = arith.constant 0 : i32
        %dma_start3A_387 = tpu.memref_slice %arg7[%dma_start3A_384, %dma_start3A_385, %dma_start3A_386] : memref<4x64x128xf32, #tpu.memory_space<vmem>> -> memref<1x64x128xf32, #tpu.memory_space<vmem>>
        %dma_start3A_388 = tpu.memref_squeeze %dma_start3A_387 : memref<1x64x128xf32, #tpu.memory_space<vmem>> -> memref<64x128xf32, #tpu.memory_space<vmem>>
        %dma_start3A_389 = arith.constant 0 : i32
        %dma_start3A_390 = tpu.memref_slice %arg5[%dma_start3A_383, %dma_start3A_389] : memref<4x64xi32, #tpu.memory_space<vmem>> -> memref<1x64xi32, #tpu.memory_space<vmem>>
        %dma_start3A_391 = tpu.memref_squeeze %dma_start3A_390 : memref<1x64xi32, #tpu.memory_space<vmem>> -> memref<64xi32, #tpu.memory_space<vmem>>
        %dma_start3A_392 = arith.constant 0 : i32
        %dma_start3A_393 = arith.constant 0 : i32
        %dma_start3A_394 = tpu.memref_slice %arg2[%dma_start3A_392, %dma_start3A_393] : memref<10000x128xf32, #tpu.memory_space<hbm>> -> memref<10000x128xf32, #tpu.memory_space<hbm>>
        tpu.enqueue_indirect_dma source(%dma_start3A_394 : memref<10000x128xf32, #tpu.memory_space<hbm>>) target(%dma_start3A_388 : memref<64x128xf32, #tpu.memory_space<vmem>>) offsets(%dma_start3A_391 : memref<64xi32, #tpu.memory_space<vmem>>) semaphore(%arg17 : memref<!tpu.dma_semaphore, #tpu.memory_space<semaphore_mem>>)
      } else {
      }
      %add3A_320 = arith.constant 1 : i32
      %add3A_321 = arith.addi %add3A_289, %add3A_320 : i32
      %add3A_322 = arith.constant 4 : i32
      %add3A_323 = arith.addi %add3A_321, %add3A_322 : i32
      %lt3A_324 = arith.cmpi slt, %add3A_323, %select_n3A : i32
      %convert_element_type3A_325 = arith.extui %lt3A_324 : i1 to i32
      %cond3A_326 = arith.constant 0 : i32
      %cond3A_327 = arith.cmpi ne, %convert_element_type3A_325, %cond3A_326 : i32
      scf.if %cond3A_327 {
        %dma_wait3A_344 = arith.constant 1 : i32
        %dma_wait3A_345 = arith.constant 1 : i32
        %dma_wait3A_346 = arith.constant 0 : i32
        %dma_wait3A_347 = arith.constant 0 : i32
        %dma_wait3A_348 = tpu.memref_slice %arg7[%dma_wait3A_344, %dma_wait3A_346, %dma_wait3A_347] : memref<4x64x128xf32, #tpu.memory_space<vmem>> -> memref<1x64x128xf32, #tpu.memory_space<vmem>>
        %dma_wait3A_349 = tpu.memref_squeeze %dma_wait3A_348 : memref<1x64x128xf32, #tpu.memory_space<vmem>> -> memref<64x128xf32, #tpu.memory_space<vmem>>
        %dma_wait3A_350 = arith.constant 0 : i32
        %dma_wait3A_351 = tpu.memref_slice %arg6[%dma_wait3A_345, %dma_wait3A_350] : memref<4x64xi32, #tpu.memory_space<vmem>> -> memref<1x64xi32, #tpu.memory_space<vmem>>
        %dma_wait3A_352 = tpu.memref_squeeze %dma_wait3A_351 : memref<1x64xi32, #tpu.memory_space<vmem>> -> memref<64xi32, #tpu.memory_space<vmem>>
        %dma_wait3A_353 = arith.constant 0 : i32
        %dma_wait3A_354 = arith.constant 0 : i32
        %dma_wait3A_355 = tpu.memref_slice %arg8[%dma_wait3A_353, %dma_wait3A_354] : memref<10240x128xf32, #tpu.memory_space<vmem_shared>> -> memref<10240x128xf32, #tpu.memory_space<vmem_shared>>
        tpu.wait_indirect_dma semaphore(%arg22 : memref<!tpu.dma_semaphore, #tpu.memory_space<semaphore_mem>>) src(%dma_wait3A_349 : memref<64x128xf32, #tpu.memory_space<vmem>>) dst(%dma_wait3A_355 : memref<10240x128xf32, #tpu.memory_space<vmem_shared>>)
        %mul3A_356 = arith.constant 32 : i32
        %mul3A_357 = arith.muli %add3A_323, %mul3A_356 : i32
        %add3A_358 = arith.addi %add3A, %mul3A_357 : i32
        %mul3A_359 = arith.constant 64 : i32
        %mul3A_360 = arith.muli %add3A_358, %mul3A_359 : i32
        %add3A_361 = arith.constant 320000 : i32
        %add3A_362 = arith.addi %add3A_361, %mul3A_360 : i32
        %dma_start3A_363 = arith.constant 1 : i32
        %dma_start3A_364 = arith.constant 0 : i32
        %dma_start3A_365 = tpu.memref_slice %arg6[%dma_start3A_363, %dma_start3A_364] : memref<4x64xi32, #tpu.memory_space<vmem>> -> memref<1x64xi32, #tpu.memory_space<vmem>>
        %dma_start3A_366 = tpu.memref_squeeze %dma_start3A_365 : memref<1x64xi32, #tpu.memory_space<vmem>> -> memref<64xi32, #tpu.memory_space<vmem>>
        %dma_start3A_367 = tpu.memref_slice %arg3[%add3A_362] : memref<640000xi32, #tpu.memory_space<hbm>> -> memref<64xi32, #tpu.memory_space<hbm>>
        %dma_start3A_368 = arith.constant 0 : i32
        %dma_start3A_369 = tpu.memref_slice %arg6[%dma_start3A_363, %dma_start3A_368] : memref<4x64xi32, #tpu.memory_space<vmem>> -> memref<1x64xi32, #tpu.memory_space<vmem>>
        %dma_start3A_370 = tpu.memref_squeeze %dma_start3A_369 : memref<1x64xi32, #tpu.memory_space<vmem>> -> memref<64xi32, #tpu.memory_space<vmem>>
        %dma_start3A_371 = tpu.memref_slice %arg3[%add3A_362] : memref<640000xi32, #tpu.memory_space<hbm>> -> memref<64xi32, #tpu.memory_space<hbm>>
        tpu.enqueue_dma source(%dma_start3A_371 : memref<64xi32, #tpu.memory_space<hbm>>) target(%dma_start3A_370 : memref<64xi32, #tpu.memory_space<vmem>>) target_semaphore(%arg14 : memref<!tpu.dma_semaphore, #tpu.memory_space<semaphore_mem>>)
        %dma_wait3A_372 = arith.constant 1 : i32
        %dma_wait3A_373 = arith.constant 0 : i32
        %dma_wait3A_374 = tpu.memref_slice %arg5[%dma_wait3A_372, %dma_wait3A_373] : memref<4x64xi32, #tpu.memory_space<vmem>> -> memref<1x64xi32, #tpu.memory_space<vmem>>
        %dma_wait3A_375 = tpu.memref_squeeze %dma_wait3A_374 : memref<1x64xi32, #tpu.memory_space<vmem>> -> memref<64xi32, #tpu.memory_space<vmem>>
        %dma_wait3A_376 = arith.constant 0 : i32
        %dma_wait3A_377 = tpu.memref_slice %arg3[%dma_wait3A_376] : memref<640000xi32, #tpu.memory_space<hbm>> -> memref<64xi32, #tpu.memory_space<hbm>>
        %dma_wait3A_378 = arith.constant 0 : i32
        %dma_wait3A_379 = tpu.memref_slice %arg5[%dma_wait3A_372, %dma_wait3A_378] : memref<4x64xi32, #tpu.memory_space<vmem>> -> memref<1x64xi32, #tpu.memory_space<vmem>>
        %dma_wait3A_380 = tpu.memref_squeeze %dma_wait3A_379 : memref<1x64xi32, #tpu.memory_space<vmem>> -> memref<64xi32, #tpu.memory_space<vmem>>
        %dma_wait3A_381 = arith.constant 0 : i32
        %dma_wait3A_382 = tpu.memref_slice %arg3[%dma_wait3A_381] : memref<640000xi32, #tpu.memory_space<hbm>> -> memref<64xi32, #tpu.memory_space<hbm>>
        tpu.wait_dma2 semaphore(%arg10 : memref<!tpu.dma_semaphore, #tpu.memory_space<semaphore_mem>>) src(%dma_wait3A_382 : memref<64xi32, #tpu.memory_space<hbm>>) dst(%dma_wait3A_380 : memref<64xi32, #tpu.memory_space<vmem>>)
        %dma_start3A_383 = arith.constant 1 : i32
        %dma_start3A_384 = arith.constant 1 : i32
        %dma_start3A_385 = arith.constant 0 : i32
        %dma_start3A_386 = arith.constant 0 : i32
        %dma_start3A_387 = tpu.memref_slice %arg7[%dma_start3A_384, %dma_start3A_385, %dma_start3A_386] : memref<4x64x128xf32, #tpu.memory_space<vmem>> -> memref<1x64x128xf32, #tpu.memory_space<vmem>>
        %dma_start3A_388 = tpu.memref_squeeze %dma_start3A_387 : memref<1x64x128xf32, #tpu.memory_space<vmem>> -> memref<64x128xf32, #tpu.memory_space<vmem>>
        %dma_start3A_389 = arith.constant 0 : i32
        %dma_start3A_390 = tpu.memref_slice %arg5[%dma_start3A_383, %dma_start3A_389] : memref<4x64xi32, #tpu.memory_space<vmem>> -> memref<1x64xi32, #tpu.memory_space<vmem>>
        %dma_start3A_391 = tpu.memref_squeeze %dma_start3A_390 : memref<1x64xi32, #tpu.memory_space<vmem>> -> memref<64xi32, #tpu.memory_space<vmem>>
        %dma_start3A_392 = arith.constant 0 : i32
        %dma_start3A_393 = arith.constant 0 : i32
        %dma_start3A_394 = tpu.memref_slice %arg2[%dma_start3A_392, %dma_start3A_393] : memref<10000x128xf32, #tpu.memory_space<hbm>> -> memref<10000x128xf32, #tpu.memory_space<hbm>>
        tpu.enqueue_indirect_dma source(%dma_start3A_394 : memref<10000x128xf32, #tpu.memory_space<hbm>>) target(%dma_start3A_388 : memref<64x128xf32, #tpu.memory_space<vmem>>) offsets(%dma_start3A_391 : memref<64xi32, #tpu.memory_space<vmem>>) semaphore(%arg18 : memref<!tpu.dma_semaphore, #tpu.memory_space<semaphore_mem>>)
      } else {
      }
      %add3A_328 = arith.constant 2 : i32
      %add3A_329 = arith.addi %add3A_289, %add3A_328 : i32
      %add3A_330 = arith.constant 4 : i32
      %add3A_331 = arith.addi %add3A_329, %add3A_330 : i32
      %lt3A_332 = arith.cmpi slt, %add3A_331, %select_n3A : i32
      %convert_element_type3A_333 = arith.extui %lt3A_332 : i1 to i32
      %cond3A_334 = arith.constant 0 : i32
      %cond3A_335 = arith.cmpi ne, %convert_element_type3A_333, %cond3A_334 : i32
      scf.if %cond3A_335 {
        %dma_wait3A_344 = arith.constant 2 : i32
        %dma_wait3A_345 = arith.constant 2 : i32
        %dma_wait3A_346 = arith.constant 0 : i32
        %dma_wait3A_347 = arith.constant 0 : i32
        %dma_wait3A_348 = tpu.memref_slice %arg7[%dma_wait3A_344, %dma_wait3A_346, %dma_wait3A_347] : memref<4x64x128xf32, #tpu.memory_space<vmem>> -> memref<1x64x128xf32, #tpu.memory_space<vmem>>
        %dma_wait3A_349 = tpu.memref_squeeze %dma_wait3A_348 : memref<1x64x128xf32, #tpu.memory_space<vmem>> -> memref<64x128xf32, #tpu.memory_space<vmem>>
        %dma_wait3A_350 = arith.constant 0 : i32
        %dma_wait3A_351 = tpu.memref_slice %arg6[%dma_wait3A_345, %dma_wait3A_350] : memref<4x64xi32, #tpu.memory_space<vmem>> -> memref<1x64xi32, #tpu.memory_space<vmem>>
        %dma_wait3A_352 = tpu.memref_squeeze %dma_wait3A_351 : memref<1x64xi32, #tpu.memory_space<vmem>> -> memref<64xi32, #tpu.memory_space<vmem>>
        %dma_wait3A_353 = arith.constant 0 : i32
        %dma_wait3A_354 = arith.constant 0 : i32
        %dma_wait3A_355 = tpu.memref_slice %arg8[%dma_wait3A_353, %dma_wait3A_354] : memref<10240x128xf32, #tpu.memory_space<vmem_shared>> -> memref<10240x128xf32, #tpu.memory_space<vmem_shared>>
        tpu.wait_indirect_dma semaphore(%arg23 : memref<!tpu.dma_semaphore, #tpu.memory_space<semaphore_mem>>) src(%dma_wait3A_349 : memref<64x128xf32, #tpu.memory_space<vmem>>) dst(%dma_wait3A_355 : memref<10240x128xf32, #tpu.memory_space<vmem_shared>>)
        %mul3A_356 = arith.constant 32 : i32
        %mul3A_357 = arith.muli %add3A_331, %mul3A_356 : i32
        %add3A_358 = arith.addi %add3A, %mul3A_357 : i32
        %mul3A_359 = arith.constant 64 : i32
        %mul3A_360 = arith.muli %add3A_358, %mul3A_359 : i32
        %add3A_361 = arith.constant 320000 : i32
        %add3A_362 = arith.addi %add3A_361, %mul3A_360 : i32
        %dma_start3A_363 = arith.constant 2 : i32
        %dma_start3A_364 = arith.constant 0 : i32
        %dma_start3A_365 = tpu.memref_slice %arg6[%dma_start3A_363, %dma_start3A_364] : memref<4x64xi32, #tpu.memory_space<vmem>> -> memref<1x64xi32, #tpu.memory_space<vmem>>
        %dma_start3A_366 = tpu.memref_squeeze %dma_start3A_365 : memref<1x64xi32, #tpu.memory_space<vmem>> -> memref<64xi32, #tpu.memory_space<vmem>>
        %dma_start3A_367 = tpu.memref_slice %arg3[%add3A_362] : memref<640000xi32, #tpu.memory_space<hbm>> -> memref<64xi32, #tpu.memory_space<hbm>>
        %dma_start3A_368 = arith.constant 0 : i32
        %dma_start3A_369 = tpu.memref_slice %arg6[%dma_start3A_363, %dma_start3A_368] : memref<4x64xi32, #tpu.memory_space<vmem>> -> memref<1x64xi32, #tpu.memory_space<vmem>>
        %dma_start3A_370 = tpu.memref_squeeze %dma_start3A_369 : memref<1x64xi32, #tpu.memory_space<vmem>> -> memref<64xi32, #tpu.memory_space<vmem>>
        %dma_start3A_371 = tpu.memref_slice %arg3[%add3A_362] : memref<640000xi32, #tpu.memory_space<hbm>> -> memref<64xi32, #tpu.memory_space<hbm>>
        tpu.enqueue_dma source(%dma_start3A_371 : memref<64xi32, #tpu.memory_space<hbm>>) target(%dma_start3A_370 : memref<64xi32, #tpu.memory_space<vmem>>) target_semaphore(%arg15 : memref<!tpu.dma_semaphore, #tpu.memory_space<semaphore_mem>>)
        %dma_wait3A_372 = arith.constant 2 : i32
        %dma_wait3A_373 = arith.constant 0 : i32
        %dma_wait3A_374 = tpu.memref_slice %arg5[%dma_wait3A_372, %dma_wait3A_373] : memref<4x64xi32, #tpu.memory_space<vmem>> -> memref<1x64xi32, #tpu.memory_space<vmem>>
        %dma_wait3A_375 = tpu.memref_squeeze %dma_wait3A_374 : memref<1x64xi32, #tpu.memory_space<vmem>> -> memref<64xi32, #tpu.memory_space<vmem>>
        %dma_wait3A_376 = arith.constant 0 : i32
        %dma_wait3A_377 = tpu.memref_slice %arg3[%dma_wait3A_376] : memref<640000xi32, #tpu.memory_space<hbm>> -> memref<64xi32, #tpu.memory_space<hbm>>
        %dma_wait3A_378 = arith.constant 0 : i32
        %dma_wait3A_379 = tpu.memref_slice %arg5[%dma_wait3A_372, %dma_wait3A_378] : memref<4x64xi32, #tpu.memory_space<vmem>> -> memref<1x64xi32, #tpu.memory_space<vmem>>
        %dma_wait3A_380 = tpu.memref_squeeze %dma_wait3A_379 : memref<1x64xi32, #tpu.memory_space<vmem>> -> memref<64xi32, #tpu.memory_space<vmem>>
        %dma_wait3A_381 = arith.constant 0 : i32
        %dma_wait3A_382 = tpu.memref_slice %arg3[%dma_wait3A_381] : memref<640000xi32, #tpu.memory_space<hbm>> -> memref<64xi32, #tpu.memory_space<hbm>>
        tpu.wait_dma2 semaphore(%arg11 : memref<!tpu.dma_semaphore, #tpu.memory_space<semaphore_mem>>) src(%dma_wait3A_382 : memref<64xi32, #tpu.memory_space<hbm>>) dst(%dma_wait3A_380 : memref<64xi32, #tpu.memory_space<vmem>>)
        %dma_start3A_383 = arith.constant 2 : i32
        %dma_start3A_384 = arith.constant 2 : i32
        %dma_start3A_385 = arith.constant 0 : i32
        %dma_start3A_386 = arith.constant 0 : i32
        %dma_start3A_387 = tpu.memref_slice %arg7[%dma_start3A_384, %dma_start3A_385, %dma_start3A_386] : memref<4x64x128xf32, #tpu.memory_space<vmem>> -> memref<1x64x128xf32, #tpu.memory_space<vmem>>
        %dma_start3A_388 = tpu.memref_squeeze %dma_start3A_387 : memref<1x64x128xf32, #tpu.memory_space<vmem>> -> memref<64x128xf32, #tpu.memory_space<vmem>>
        %dma_start3A_389 = arith.constant 0 : i32
        %dma_start3A_390 = tpu.memref_slice %arg5[%dma_start3A_383, %dma_start3A_389] : memref<4x64xi32, #tpu.memory_space<vmem>> -> memref<1x64xi32, #tpu.memory_space<vmem>>
        %dma_start3A_391 = tpu.memref_squeeze %dma_start3A_390 : memref<1x64xi32, #tpu.memory_space<vmem>> -> memref<64xi32, #tpu.memory_space<vmem>>
        %dma_start3A_392 = arith.constant 0 : i32
        %dma_start3A_393 = arith.constant 0 : i32
        %dma_start3A_394 = tpu.memref_slice %arg2[%dma_start3A_392, %dma_start3A_393] : memref<10000x128xf32, #tpu.memory_space<hbm>> -> memref<10000x128xf32, #tpu.memory_space<hbm>>
        tpu.enqueue_indirect_dma source(%dma_start3A_394 : memref<10000x128xf32, #tpu.memory_space<hbm>>) target(%dma_start3A_388 : memref<64x128xf32, #tpu.memory_space<vmem>>) offsets(%dma_start3A_391 : memref<64xi32, #tpu.memory_space<vmem>>) semaphore(%arg19 : memref<!tpu.dma_semaphore, #tpu.memory_space<semaphore_mem>>)
      } else {
      }
      %add3A_336 = arith.constant 3 : i32
      %add3A_337 = arith.addi %add3A_289, %add3A_336 : i32
      %add3A_338 = arith.constant 4 : i32
      %add3A_339 = arith.addi %add3A_337, %add3A_338 : i32
      %lt3A_340 = arith.cmpi slt, %add3A_339, %select_n3A : i32
      %convert_element_type3A_341 = arith.extui %lt3A_340 : i1 to i32
      %cond3A_342 = arith.constant 0 : i32
      %cond3A_343 = arith.cmpi ne, %convert_element_type3A_341, %cond3A_342 : i32
      scf.if %cond3A_343 {
        %dma_wait3A_344 = arith.constant 3 : i32
        %dma_wait3A_345 = arith.constant 3 : i32
        %dma_wait3A_346 = arith.constant 0 : i32
        %dma_wait3A_347 = arith.constant 0 : i32
        %dma_wait3A_348 = tpu.memref_slice %arg7[%dma_wait3A_344, %dma_wait3A_346, %dma_wait3A_347] : memref<4x64x128xf32, #tpu.memory_space<vmem>> -> memref<1x64x128xf32, #tpu.memory_space<vmem>>
        %dma_wait3A_349 = tpu.memref_squeeze %dma_wait3A_348 : memref<1x64x128xf32, #tpu.memory_space<vmem>> -> memref<64x128xf32, #tpu.memory_space<vmem>>
        %dma_wait3A_350 = arith.constant 0 : i32
        %dma_wait3A_351 = tpu.memref_slice %arg6[%dma_wait3A_345, %dma_wait3A_350] : memref<4x64xi32, #tpu.memory_space<vmem>> -> memref<1x64xi32, #tpu.memory_space<vmem>>
        %dma_wait3A_352 = tpu.memref_squeeze %dma_wait3A_351 : memref<1x64xi32, #tpu.memory_space<vmem>> -> memref<64xi32, #tpu.memory_space<vmem>>
        %dma_wait3A_353 = arith.constant 0 : i32
        %dma_wait3A_354 = arith.constant 0 : i32
        %dma_wait3A_355 = tpu.memref_slice %arg8[%dma_wait3A_353, %dma_wait3A_354] : memref<10240x128xf32, #tpu.memory_space<vmem_shared>> -> memref<10240x128xf32, #tpu.memory_space<vmem_shared>>
        tpu.wait_indirect_dma semaphore(%arg24 : memref<!tpu.dma_semaphore, #tpu.memory_space<semaphore_mem>>) src(%dma_wait3A_349 : memref<64x128xf32, #tpu.memory_space<vmem>>) dst(%dma_wait3A_355 : memref<10240x128xf32, #tpu.memory_space<vmem_shared>>)
        %mul3A_356 = arith.constant 32 : i32
        %mul3A_357 = arith.muli %add3A_339, %mul3A_356 : i32
        %add3A_358 = arith.addi %add3A, %mul3A_357 : i32
        %mul3A_359 = arith.constant 64 : i32
        %mul3A_360 = arith.muli %add3A_358, %mul3A_359 : i32
        %add3A_361 = arith.constant 320000 : i32
        %add3A_362 = arith.addi %add3A_361, %mul3A_360 : i32
        %dma_start3A_363 = arith.constant 3 : i32
        %dma_start3A_364 = arith.constant 0 : i32
        %dma_start3A_365 = tpu.memref_slice %arg6[%dma_start3A_363, %dma_start3A_364] : memref<4x64xi32, #tpu.memory_space<vmem>> -> memref<1x64xi32, #tpu.memory_space<vmem>>
        %dma_start3A_366 = tpu.memref_squeeze %dma_start3A_365 : memref<1x64xi32, #tpu.memory_space<vmem>> -> memref<64xi32, #tpu.memory_space<vmem>>
        %dma_start3A_367 = tpu.memref_slice %arg3[%add3A_362] : memref<640000xi32, #tpu.memory_space<hbm>> -> memref<64xi32, #tpu.memory_space<hbm>>
        %dma_start3A_368 = arith.constant 0 : i32
        %dma_start3A_369 = tpu.memref_slice %arg6[%dma_start3A_363, %dma_start3A_368] : memref<4x64xi32, #tpu.memory_space<vmem>> -> memref<1x64xi32, #tpu.memory_space<vmem>>
        %dma_start3A_370 = tpu.memref_squeeze %dma_start3A_369 : memref<1x64xi32, #tpu.memory_space<vmem>> -> memref<64xi32, #tpu.memory_space<vmem>>
        %dma_start3A_371 = tpu.memref_slice %arg3[%add3A_362] : memref<640000xi32, #tpu.memory_space<hbm>> -> memref<64xi32, #tpu.memory_space<hbm>>
        tpu.enqueue_dma source(%dma_start3A_371 : memref<64xi32, #tpu.memory_space<hbm>>) target(%dma_start3A_370 : memref<64xi32, #tpu.memory_space<vmem>>) target_semaphore(%arg16 : memref<!tpu.dma_semaphore, #tpu.memory_space<semaphore_mem>>)
        %dma_wait3A_372 = arith.constant 3 : i32
        %dma_wait3A_373 = arith.constant 0 : i32
        %dma_wait3A_374 = tpu.memref_slice %arg5[%dma_wait3A_372, %dma_wait3A_373] : memref<4x64xi32, #tpu.memory_space<vmem>> -> memref<1x64xi32, #tpu.memory_space<vmem>>
        %dma_wait3A_375 = tpu.memref_squeeze %dma_wait3A_374 : memref<1x64xi32, #tpu.memory_space<vmem>> -> memref<64xi32, #tpu.memory_space<vmem>>
        %dma_wait3A_376 = arith.constant 0 : i32
        %dma_wait3A_377 = tpu.memref_slice %arg3[%dma_wait3A_376] : memref<640000xi32, #tpu.memory_space<hbm>> -> memref<64xi32, #tpu.memory_space<hbm>>
        %dma_wait3A_378 = arith.constant 0 : i32
        %dma_wait3A_379 = tpu.memref_slice %arg5[%dma_wait3A_372, %dma_wait3A_378] : memref<4x64xi32, #tpu.memory_space<vmem>> -> memref<1x64xi32, #tpu.memory_space<vmem>>
        %dma_wait3A_380 = tpu.memref_squeeze %dma_wait3A_379 : memref<1x64xi32, #tpu.memory_space<vmem>> -> memref<64xi32, #tpu.memory_space<vmem>>
        %dma_wait3A_381 = arith.constant 0 : i32
        %dma_wait3A_382 = tpu.memref_slice %arg3[%dma_wait3A_381] : memref<640000xi32, #tpu.memory_space<hbm>> -> memref<64xi32, #tpu.memory_space<hbm>>
        tpu.wait_dma2 semaphore(%arg12 : memref<!tpu.dma_semaphore, #tpu.memory_space<semaphore_mem>>) src(%dma_wait3A_382 : memref<64xi32, #tpu.memory_space<hbm>>) dst(%dma_wait3A_380 : memref<64xi32, #tpu.memory_space<vmem>>)
        %dma_start3A_383 = arith.constant 3 : i32
        %dma_start3A_384 = arith.constant 3 : i32
        %dma_start3A_385 = arith.constant 0 : i32
        %dma_start3A_386 = arith.constant 0 : i32
        %dma_start3A_387 = tpu.memref_slice %arg7[%dma_start3A_384, %dma_start3A_385, %dma_start3A_386] : memref<4x64x128xf32, #tpu.memory_space<vmem>> -> memref<1x64x128xf32, #tpu.memory_space<vmem>>
        %dma_start3A_388 = tpu.memref_squeeze %dma_start3A_387 : memref<1x64x128xf32, #tpu.memory_space<vmem>> -> memref<64x128xf32, #tpu.memory_space<vmem>>
        %dma_start3A_389 = arith.constant 0 : i32
        %dma_start3A_390 = tpu.memref_slice %arg5[%dma_start3A_383, %dma_start3A_389] : memref<4x64xi32, #tpu.memory_space<vmem>> -> memref<1x64xi32, #tpu.memory_space<vmem>>
        %dma_start3A_391 = tpu.memref_squeeze %dma_start3A_390 : memref<1x64xi32, #tpu.memory_space<vmem>> -> memref<64xi32, #tpu.memory_space<vmem>>
        %dma_start3A_392 = arith.constant 0 : i32
        %dma_start3A_393 = arith.constant 0 : i32
        %dma_start3A_394 = tpu.memref_slice %arg2[%dma_start3A_392, %dma_start3A_393] : memref<10000x128xf32, #tpu.memory_space<hbm>> -> memref<10000x128xf32, #tpu.memory_space<hbm>>
        tpu.enqueue_indirect_dma source(%dma_start3A_394 : memref<10000x128xf32, #tpu.memory_space<hbm>>) target(%dma_start3A_388 : memref<64x128xf32, #tpu.memory_space<vmem>>) offsets(%dma_start3A_391 : memref<64xi32, #tpu.memory_space<vmem>>) semaphore(%arg20 : memref<!tpu.dma_semaphore, #tpu.memory_space<semaphore_mem>>)
      } else {
      }
    }
    %dma_wait3A_231 = arith.constant 0 : i32
    %dma_wait3A_232 = arith.constant 0 : i32
    %dma_wait3A_233 = arith.constant 0 : i32
    %dma_wait3A_234 = arith.constant 0 : i32
    %dma_wait3A_235 = tpu.memref_slice %arg7[%dma_wait3A_231, %dma_wait3A_233, %dma_wait3A_234] : memref<4x64x128xf32, #tpu.memory_space<vmem>> -> memref<1x64x128xf32, #tpu.memory_space<vmem>>
    %dma_wait3A_236 = tpu.memref_squeeze %dma_wait3A_235 : memref<1x64x128xf32, #tpu.memory_space<vmem>> -> memref<64x128xf32, #tpu.memory_space<vmem>>
    %dma_wait3A_237 = arith.constant 0 : i32
    %dma_wait3A_238 = tpu.memref_slice %arg6[%dma_wait3A_232, %dma_wait3A_237] : memref<4x64xi32, #tpu.memory_space<vmem>> -> memref<1x64xi32, #tpu.memory_space<vmem>>
    %dma_wait3A_239 = tpu.memref_squeeze %dma_wait3A_238 : memref<1x64xi32, #tpu.memory_space<vmem>> -> memref<64xi32, #tpu.memory_space<vmem>>
    %dma_wait3A_240 = arith.constant 0 : i32
    %dma_wait3A_241 = arith.constant 0 : i32
    %dma_wait3A_242 = tpu.memref_slice %arg8[%dma_wait3A_240, %dma_wait3A_241] : memref<10240x128xf32, #tpu.memory_space<vmem_shared>> -> memref<10240x128xf32, #tpu.memory_space<vmem_shared>>
    tpu.wait_indirect_dma semaphore(%arg21 : memref<!tpu.dma_semaphore, #tpu.memory_space<semaphore_mem>>) src(%dma_wait3A_236 : memref<64x128xf32, #tpu.memory_space<vmem>>) dst(%dma_wait3A_242 : memref<10240x128xf32, #tpu.memory_space<vmem_shared>>)
    %dma_wait3A_243 = arith.constant 1 : i32
    %dma_wait3A_244 = arith.constant 1 : i32
    %dma_wait3A_245 = arith.constant 0 : i32
    %dma_wait3A_246 = arith.constant 0 : i32
    %dma_wait3A_247 = tpu.memref_slice %arg7[%dma_wait3A_243, %dma_wait3A_245, %dma_wait3A_246] : memref<4x64x128xf32, #tpu.memory_space<vmem>> -> memref<1x64x128xf32, #tpu.memory_space<vmem>>
    %dma_wait3A_248 = tpu.memref_squeeze %dma_wait3A_247 : memref<1x64x128xf32, #tpu.memory_space<vmem>> -> memref<64x128xf32, #tpu.memory_space<vmem>>
    %dma_wait3A_249 = arith.constant 0 : i32
    %dma_wait3A_250 = tpu.memref_slice %arg6[%dma_wait3A_244, %dma_wait3A_249] : memref<4x64xi32, #tpu.memory_space<vmem>> -> memref<1x64xi32, #tpu.memory_space<vmem>>
    %dma_wait3A_251 = tpu.memref_squeeze %dma_wait3A_250 : memref<1x64xi32, #tpu.memory_space<vmem>> -> memref<64xi32, #tpu.memory_space<vmem>>
    %dma_wait3A_252 = arith.constant 0 : i32
    %dma_wait3A_253 = arith.constant 0 : i32
    %dma_wait3A_254 = tpu.memref_slice %arg8[%dma_wait3A_252, %dma_wait3A_253] : memref<10240x128xf32, #tpu.memory_space<vmem_shared>> -> memref<10240x128xf32, #tpu.memory_space<vmem_shared>>
    tpu.wait_indirect_dma semaphore(%arg22 : memref<!tpu.dma_semaphore, #tpu.memory_space<semaphore_mem>>) src(%dma_wait3A_248 : memref<64x128xf32, #tpu.memory_space<vmem>>) dst(%dma_wait3A_254 : memref<10240x128xf32, #tpu.memory_space<vmem_shared>>)
    %dma_wait3A_255 = arith.constant 2 : i32
    %dma_wait3A_256 = arith.constant 2 : i32
    %dma_wait3A_257 = arith.constant 0 : i32
    %dma_wait3A_258 = arith.constant 0 : i32
    %dma_wait3A_259 = tpu.memref_slice %arg7[%dma_wait3A_255, %dma_wait3A_257, %dma_wait3A_258] : memref<4x64x128xf32, #tpu.memory_space<vmem>> -> memref<1x64x128xf32, #tpu.memory_space<vmem>>
    %dma_wait3A_260 = tpu.memref_squeeze %dma_wait3A_259 : memref<1x64x128xf32, #tpu.memory_space<vmem>> -> memref<64x128xf32, #tpu.memory_space<vmem>>
    %dma_wait3A_261 = arith.constant 0 : i32
    %dma_wait3A_262 = tpu.memref_slice %arg6[%dma_wait3A_256, %dma_wait3A_261] : memref<4x64xi32, #tpu.memory_space<vmem>> -> memref<1x64xi32, #tpu.memory_space<vmem>>
    %dma_wait3A_263 = tpu.memref_squeeze %dma_wait3A_262 : memref<1x64xi32, #tpu.memory_space<vmem>> -> memref<64xi32, #tpu.memory_space<vmem>>
    %dma_wait3A_264 = arith.constant 0 : i32
    %dma_wait3A_265 = arith.constant 0 : i32
    %dma_wait3A_266 = tpu.memref_slice %arg8[%dma_wait3A_264, %dma_wait3A_265] : memref<10240x128xf32, #tpu.memory_space<vmem_shared>> -> memref<10240x128xf32, #tpu.memory_space<vmem_shared>>
    tpu.wait_indirect_dma semaphore(%arg23 : memref<!tpu.dma_semaphore, #tpu.memory_space<semaphore_mem>>) src(%dma_wait3A_260 : memref<64x128xf32, #tpu.memory_space<vmem>>) dst(%dma_wait3A_266 : memref<10240x128xf32, #tpu.memory_space<vmem_shared>>)
    %dma_wait3A_267 = arith.constant 3 : i32
    %dma_wait3A_268 = arith.constant 3 : i32
    %dma_wait3A_269 = arith.constant 0 : i32
    %dma_wait3A_270 = arith.constant 0 : i32
    %dma_wait3A_271 = tpu.memref_slice %arg7[%dma_wait3A_267, %dma_wait3A_269, %dma_wait3A_270] : memref<4x64x128xf32, #tpu.memory_space<vmem>> -> memref<1x64x128xf32, #tpu.memory_space<vmem>>
    %dma_wait3A_272 = tpu.memref_squeeze %dma_wait3A_271 : memref<1x64x128xf32, #tpu.memory_space<vmem>> -> memref<64x128xf32, #tpu.memory_space<vmem>>
    %dma_wait3A_273 = arith.constant 0 : i32
    %dma_wait3A_274 = tpu.memref_slice %arg6[%dma_wait3A_268, %dma_wait3A_273] : memref<4x64xi32, #tpu.memory_space<vmem>> -> memref<1x64xi32, #tpu.memory_space<vmem>>
    %dma_wait3A_275 = tpu.memref_squeeze %dma_wait3A_274 : memref<1x64xi32, #tpu.memory_space<vmem>> -> memref<64xi32, #tpu.memory_space<vmem>>
    %dma_wait3A_276 = arith.constant 0 : i32
    %dma_wait3A_277 = arith.constant 0 : i32
    %dma_wait3A_278 = tpu.memref_slice %arg8[%dma_wait3A_276, %dma_wait3A_277] : memref<10240x128xf32, #tpu.memory_space<vmem_shared>> -> memref<10240x128xf32, #tpu.memory_space<vmem_shared>>
    tpu.wait_indirect_dma semaphore(%arg24 : memref<!tpu.dma_semaphore, #tpu.memory_space<semaphore_mem>>) src(%dma_wait3A_272 : memref<64x128xf32, #tpu.memory_space<vmem>>) dst(%dma_wait3A_278 : memref<10240x128xf32, #tpu.memory_space<vmem_shared>>)
    %barrier3A_279 = arith.constant 0 : index
    tpu.barrier barrier_id(%barrier3A_279)
    %mul3A_280 = arith.constant 640 : i32
    %mul3A_281 = arith.muli %arg1, %mul3A_280 : i32
    %mul3A_282 = arith.constant 10240 : i32
    %mul3A_283 = arith.muli %arg0, %mul3A_282 : i32
    %mul3A_284 = arith.constant 640 : i32
    %mul3A_285 = arith.muli %arg1, %mul3A_284 : i32
    %add3A_286 = arith.addi %mul3A_283, %mul3A_285 : i32
    "tpu.region"() ({
      %run_scoped3A = tpu.sem_alloc : memref<!tpu.dma_semaphore, #tpu.memory_space<semaphore_mem>>
      %dma_start3A_287 = arith.constant 0 : i32
      %dma_start3A_288 = tpu.memref_slice %arg4[%add3A_286, %dma_start3A_287] : memref<20480x128xf32, #tpu.memory_space<hbm>> -> memref<640x128xf32, #tpu.memory_space<hbm>>
      %dma_start3A_289 = arith.constant 0 : i32
      %dma_start3A_290 = tpu.memref_slice %arg8[%mul3A_281, %dma_start3A_289] : memref<10240x128xf32, #tpu.memory_space<vmem_shared>> -> memref<640x128xf32, #tpu.memory_space<vmem_shared>>
      tpu.enqueue_dma source(%dma_start3A_290 : memref<640x128xf32, #tpu.memory_space<vmem_shared>>) target(%dma_start3A_288 : memref<640x128xf32, #tpu.memory_space<hbm>>) target_semaphore(%run_scoped3A : memref<!tpu.dma_semaphore, #tpu.memory_space<semaphore_mem>>)
      %dma_wait3A_291 = arith.constant 0 : i32
      %dma_wait3A_292 = tpu.memref_slice %arg4[%add3A_286, %dma_wait3A_291] : memref<20480x128xf32, #tpu.memory_space<hbm>> -> memref<640x128xf32, #tpu.memory_space<hbm>>
      %dma_wait3A_293 = arith.constant 0 : i32
      %dma_wait3A_294 = tpu.memref_slice %arg8[%mul3A_281, %dma_wait3A_293] : memref<10240x128xf32, #tpu.memory_space<vmem_shared>> -> memref<640x128xf32, #tpu.memory_space<vmem_shared>>
      tpu.wait_dma2 semaphore(%run_scoped3A : memref<!tpu.dma_semaphore, #tpu.memory_space<semaphore_mem>>) src(%dma_wait3A_294 : memref<640x128xf32, #tpu.memory_space<vmem_shared>>) dst(%dma_wait3A_292 : memref<640x128xf32, #tpu.memory_space<hbm>>)
      tpu.yield
    }) : () -> ()
    return
  }
}

#map = affine_map<(d0, d1) -> (0)>
module attributes {stable_mosaic.version = 14 : i64} {
  func.func @_deg_kernel(%arg0: i32, %arg1: i32, %arg2: memref<640000xi32, #tpu.memory_space<hbm>>, %arg3: memref<20480xf32, #tpu.memory_space<hbm>>, %arg4: memref<10000xi32, #tpu.memory_space<vmem>>, %arg5: memref<5x80xi32, #tpu.memory_space<vmem>>, %arg6: memref<80xf32, #tpu.memory_space<vmem>>, %arg7: memref<640xf32, #tpu.memory_space<vmem>>, %arg8: memref<10240xf32, #tpu.memory_space<vmem_shared>>, %arg9: memref<!tpu.dma_semaphore, #tpu.memory_space<semaphore_mem>>, %arg10: memref<!tpu.dma_semaphore, #tpu.memory_space<semaphore_mem>>, %arg11: memref<!tpu.dma_semaphore, #tpu.memory_space<semaphore_mem>>, %arg12: memref<!tpu.dma_semaphore, #tpu.memory_space<semaphore_mem>>, %arg13: memref<!tpu.dma_semaphore, #tpu.memory_space<semaphore_mem>>, %arg14: memref<!tpu.dma_semaphore, #tpu.memory_space<semaphore_mem>>) attributes {dimension_semantics = [#tpu.dimension_semantics<core_parallel>, #tpu.dimension_semantics<subcore_parallel>], iteration_bounds = array<i64: 2, 16>, scalar_prefetch = 0 : i64, scratch_operands = 11 : i64, tpu.core_type = #tpu.core_type<sc_vector_subcore>, window_params = [{transform_indices = #map}, {transform_indices = #map}]} {
    %mul3A = arith.constant 16 : i32
    %mul3A_0 = arith.muli %arg0, %mul3A : i32
    %add3A = arith.addi %mul3A_0, %arg1 : i32
    %mul3A_1 = arith.constant 10000 : i32
    %mul3A_2 = arith.muli %add3A, %mul3A_1 : i32
    %add3A_3 = arith.constant 320000 : i32
    %add3A_4 = arith.addi %add3A_3, %mul3A_2 : i32
    %dma_start3A = tpu.memref_slice %arg2[%add3A_4] : memref<640000xi32, #tpu.memory_space<hbm>> -> memref<10000xi32, #tpu.memory_space<hbm>>
    %dma_start3A_5 = tpu.memref_slice %arg2[%add3A_4] : memref<640000xi32, #tpu.memory_space<hbm>> -> memref<10000xi32, #tpu.memory_space<hbm>>
    tpu.enqueue_dma source(%dma_start3A_5 : memref<10000xi32, #tpu.memory_space<hbm>>) target(%arg4 : memref<10000xi32, #tpu.memory_space<vmem>>) target_semaphore(%arg9 : memref<!tpu.dma_semaphore, #tpu.memory_space<semaphore_mem>>)
    %broadcast_in_dim3A = arith.constant 0.000000e+00 : f32
    %broadcast_in_dim3A_6 = vector.broadcast %broadcast_in_dim3A : f32 to vector<16xf32>
    %add3A_7 = arith.constant 1.000000e+00 : f32
    %add3A_8 = vector.broadcast %add3A_7 : f32 to vector<16xf32>
    %add3A_9 = arith.addf %broadcast_in_dim3A_6, %add3A_8 : vector<16xf32>
    %swap3A = arith.constant 0 : index
    %swap3A_10 = tpu.vector_load %arg6[%swap3A] {strides = array<i32>} : memref<80xf32, #tpu.memory_space<vmem>>, vector<16xf32>,
    %swap3A_11 = vector.shape_cast %swap3A_10 : vector<16xf32> to vector<16xf32>
    %swap3A_12 = vector.shape_cast %add3A_9 : vector<16xf32> to vector<16xf32>
    tpu.vector_store %arg6[%swap3A], %swap3A_12 {strides = array<i32>} : memref<80xf32, #tpu.memory_space<vmem>>, vector<16xf32>,
    %add3A_13 = arith.constant 1.000000e+00 : f32
    %add3A_14 = vector.broadcast %add3A_13 : f32 to vector<16xf32>
    %add3A_15 = arith.addf %broadcast_in_dim3A_6, %add3A_14 : vector<16xf32>
    %swap3A_16 = arith.constant 16 : index
    %swap3A_17 = tpu.vector_load %arg6[%swap3A_16] {strides = array<i32>} : memref<80xf32, #tpu.memory_space<vmem>>, vector<16xf32>,
    %swap3A_18 = vector.shape_cast %swap3A_17 : vector<16xf32> to vector<16xf32>
    %swap3A_19 = vector.shape_cast %add3A_15 : vector<16xf32> to vector<16xf32>
    tpu.vector_store %arg6[%swap3A_16], %swap3A_19 {strides = array<i32>} : memref<80xf32, #tpu.memory_space<vmem>>, vector<16xf32>,
    %add3A_20 = arith.constant 1.000000e+00 : f32
    %add3A_21 = vector.broadcast %add3A_20 : f32 to vector<16xf32>
    %add3A_22 = arith.addf %broadcast_in_dim3A_6, %add3A_21 : vector<16xf32>
    %swap3A_23 = arith.constant 32 : index
    %swap3A_24 = tpu.vector_load %arg6[%swap3A_23] {strides = array<i32>} : memref<80xf32, #tpu.memory_space<vmem>>, vector<16xf32>,
    %swap3A_25 = vector.shape_cast %swap3A_24 : vector<16xf32> to vector<16xf32>
    %swap3A_26 = vector.shape_cast %add3A_22 : vector<16xf32> to vector<16xf32>
    tpu.vector_store %arg6[%swap3A_23], %swap3A_26 {strides = array<i32>} : memref<80xf32, #tpu.memory_space<vmem>>, vector<16xf32>,
    %add3A_27 = arith.constant 1.000000e+00 : f32
    %add3A_28 = vector.broadcast %add3A_27 : f32 to vector<16xf32>
    %add3A_29 = arith.addf %broadcast_in_dim3A_6, %add3A_28 : vector<16xf32>
    %swap3A_30 = arith.constant 48 : index
    %swap3A_31 = tpu.vector_load %arg6[%swap3A_30] {strides = array<i32>} : memref<80xf32, #tpu.memory_space<vmem>>, vector<16xf32>,
    %swap3A_32 = vector.shape_cast %swap3A_31 : vector<16xf32> to vector<16xf32>
    %swap3A_33 = vector.shape_cast %add3A_29 : vector<16xf32> to vector<16xf32>
    tpu.vector_store %arg6[%swap3A_30], %swap3A_33 {strides = array<i32>} : memref<80xf32, #tpu.memory_space<vmem>>, vector<16xf32>,
    %add3A_34 = arith.constant 1.000000e+00 : f32
    %add3A_35 = vector.broadcast %add3A_34 : f32 to vector<16xf32>
    %add3A_36 = arith.addf %broadcast_in_dim3A_6, %add3A_35 : vector<16xf32>
    %swap3A_37 = arith.constant 64 : index
    %swap3A_38 = tpu.vector_load %arg6[%swap3A_37] {strides = array<i32>} : memref<80xf32, #tpu.memory_space<vmem>>, vector<16xf32>,
    %swap3A_39 = vector.shape_cast %swap3A_38 : vector<16xf32> to vector<16xf32>
    %swap3A_40 = vector.shape_cast %add3A_36 : vector<16xf32> to vector<16xf32>
    tpu.vector_store %arg6[%swap3A_37], %swap3A_40 {strides = array<i32>} : memref<80xf32, #tpu.memory_space<vmem>>, vector<16xf32>,
    %scan3A = arith.constant 0 : i32
    %scan3A_41 = arith.constant 40 : i32
    %scan3A_42 = arith.addi %scan3A, %scan3A_41 : i32
    %scan3A_43 = arith.constant 1 : i32
    scf.for %scan3A_345 = %scan3A to %scan3A_42 step %scan3A_43  : i32 {
      %mul3A_346 = arith.constant 1 : i32
      %mul3A_347 = arith.muli %scan3A_345, %mul3A_346 : i32
      %add3A_348 = arith.constant 0 : i32
      %add3A_349 = arith.addi %add3A_348, %mul3A_347 : i32
      %mul3A_350 = arith.constant 16 : i32
      %mul3A_351 = arith.muli %add3A_349, %mul3A_350 : i32
      %swap3A_352 = arith.index_cast %mul3A_351 : i32 to index
      %swap3A_353 = tpu.vector_load %arg7[%swap3A_352] {strides = array<i32>} : memref<640xf32, #tpu.memory_space<vmem>>, vector<16xf32>,
      %swap3A_354 = vector.shape_cast %swap3A_353 : vector<16xf32> to vector<16xf32>
      %swap3A_355 = vector.shape_cast %broadcast_in_dim3A_6 : vector<16xf32> to vector<16xf32>
      tpu.vector_store %arg7[%swap3A_352], %swap3A_355 {strides = array<i32>} : memref<640xf32, #tpu.memory_space<vmem>>, vector<16xf32>,
    }
    %scan3A_44 = arith.constant 40 : i32
    %mul3A_45 = arith.constant 640 : i32
    %mul3A_46 = arith.muli %arg1, %mul3A_45 : i32
    "tpu.region"() ({
      %run_scoped3A = tpu.sem_alloc : memref<!tpu.dma_semaphore, #tpu.memory_space<semaphore_mem>>
      %dma_start3A_345 = tpu.memref_slice %arg8[%mul3A_46] : memref<10240xf32, #tpu.memory_space<vmem_shared>> -> memref<640xf32, #tpu.memory_space<vmem_shared>>
      %dma_start3A_346 = tpu.memref_slice %arg8[%mul3A_46] : memref<10240xf32, #tpu.memory_space<vmem_shared>> -> memref<640xf32, #tpu.memory_space<vmem_shared>>
      tpu.enqueue_dma source(%arg7 : memref<640xf32, #tpu.memory_space<vmem>>) target(%dma_start3A_346 : memref<640xf32, #tpu.memory_space<vmem_shared>>) target_semaphore(%run_scoped3A : memref<!tpu.dma_semaphore, #tpu.memory_space<semaphore_mem>>)
      %dma_wait3A_347 = tpu.memref_slice %arg8[%mul3A_46] : memref<10240xf32, #tpu.memory_space<vmem_shared>> -> memref<640xf32, #tpu.memory_space<vmem_shared>>
      %dma_wait3A_348 = tpu.memref_slice %arg8[%mul3A_46] : memref<10240xf32, #tpu.memory_space<vmem_shared>> -> memref<640xf32, #tpu.memory_space<vmem_shared>>
      tpu.wait_dma2 semaphore(%run_scoped3A : memref<!tpu.dma_semaphore, #tpu.memory_space<semaphore_mem>>) src(%arg7 : memref<640xf32, #tpu.memory_space<vmem>>) dst(%dma_wait3A_348 : memref<640xf32, #tpu.memory_space<vmem_shared>>)
      tpu.yield
    }) : () -> ()
    %barrier3A = arith.constant 0 : index
    tpu.barrier barrier_id(%barrier3A)
    %dma_wait3A = tpu.memref_slice %arg2[%add3A_4] : memref<640000xi32, #tpu.memory_space<hbm>> -> memref<10000xi32, #tpu.memory_space<hbm>>
    %dma_wait3A_47 = tpu.memref_slice %arg2[%add3A_4] : memref<640000xi32, #tpu.memory_space<hbm>> -> memref<10000xi32, #tpu.memory_space<hbm>>
    tpu.wait_dma2 semaphore(%arg9 : memref<!tpu.dma_semaphore, #tpu.memory_space<semaphore_mem>>) src(%dma_wait3A_47 : memref<10000xi32, #tpu.memory_space<hbm>>) dst(%arg4 : memref<10000xi32, #tpu.memory_space<vmem>>)
    %get3A = arith.constant 0 : index
    %get3A_48 = tpu.vector_load %arg4[%get3A] {strides = array<i32>} : memref<10000xi32, #tpu.memory_space<vmem>>, vector<16xi32>,
    %get3A_49 = vector.shape_cast %get3A_48 : vector<16xi32> to vector<16xi32>
    %swap3A_50 = arith.constant 0 : i32
    %swap3A_51 = arith.index_cast %swap3A_50 : i32 to index
    %swap3A_52 = arith.constant 0 : index
    %swap3A_53 = tpu.vector_load %arg5[%swap3A_51, %swap3A_52] {strides = array<i32>} : memref<5x80xi32, #tpu.memory_space<vmem>>, vector<1x16xi32>,
    %swap3A_54 = vector.shape_cast %swap3A_53 : vector<1x16xi32> to vector<16xi32>
    %swap3A_55 = vector.shape_cast %get3A_49 : vector<16xi32> to vector<1x16xi32>
    tpu.vector_store %arg5[%swap3A_51, %swap3A_52], %swap3A_55 {strides = array<i32>} : memref<5x80xi32, #tpu.memory_space<vmem>>, vector<1x16xi32>,
    %get3A_56 = arith.constant 16 : index
    %get3A_57 = tpu.vector_load %arg4[%get3A_56] {strides = array<i32>} : memref<10000xi32, #tpu.memory_space<vmem>>, vector<16xi32>,
    %get3A_58 = vector.shape_cast %get3A_57 : vector<16xi32> to vector<16xi32>
    %swap3A_59 = arith.constant 0 : i32
    %swap3A_60 = arith.index_cast %swap3A_59 : i32 to index
    %swap3A_61 = arith.constant 16 : index
    %swap3A_62 = tpu.vector_load %arg5[%swap3A_60, %swap3A_61] {strides = array<i32>} : memref<5x80xi32, #tpu.memory_space<vmem>>, vector<1x16xi32>,
    %swap3A_63 = vector.shape_cast %swap3A_62 : vector<1x16xi32> to vector<16xi32>
    %swap3A_64 = vector.shape_cast %get3A_58 : vector<16xi32> to vector<1x16xi32>
    tpu.vector_store %arg5[%swap3A_60, %swap3A_61], %swap3A_64 {strides = array<i32>} : memref<5x80xi32, #tpu.memory_space<vmem>>, vector<1x16xi32>,
    %get3A_65 = arith.constant 32 : index
    %get3A_66 = tpu.vector_load %arg4[%get3A_65] {strides = array<i32>} : memref<10000xi32, #tpu.memory_space<vmem>>, vector<16xi32>,
    %get3A_67 = vector.shape_cast %get3A_66 : vector<16xi32> to vector<16xi32>
    %swap3A_68 = arith.constant 0 : i32
    %swap3A_69 = arith.index_cast %swap3A_68 : i32 to index
    %swap3A_70 = arith.constant 32 : index
    %swap3A_71 = tpu.vector_load %arg5[%swap3A_69, %swap3A_70] {strides = array<i32>} : memref<5x80xi32, #tpu.memory_space<vmem>>, vector<1x16xi32>,
    %swap3A_72 = vector.shape_cast %swap3A_71 : vector<1x16xi32> to vector<16xi32>
    %swap3A_73 = vector.shape_cast %get3A_67 : vector<16xi32> to vector<1x16xi32>
    tpu.vector_store %arg5[%swap3A_69, %swap3A_70], %swap3A_73 {strides = array<i32>} : memref<5x80xi32, #tpu.memory_space<vmem>>, vector<1x16xi32>,
    %get3A_74 = arith.constant 48 : index
    %get3A_75 = tpu.vector_load %arg4[%get3A_74] {strides = array<i32>} : memref<10000xi32, #tpu.memory_space<vmem>>, vector<16xi32>,
    %get3A_76 = vector.shape_cast %get3A_75 : vector<16xi32> to vector<16xi32>
    %swap3A_77 = arith.constant 0 : i32
    %swap3A_78 = arith.index_cast %swap3A_77 : i32 to index
    %swap3A_79 = arith.constant 48 : index
    %swap3A_80 = tpu.vector_load %arg5[%swap3A_78, %swap3A_79] {strides = array<i32>} : memref<5x80xi32, #tpu.memory_space<vmem>>, vector<1x16xi32>,
    %swap3A_81 = vector.shape_cast %swap3A_80 : vector<1x16xi32> to vector<16xi32>
    %swap3A_82 = vector.shape_cast %get3A_76 : vector<16xi32> to vector<1x16xi32>
    tpu.vector_store %arg5[%swap3A_78, %swap3A_79], %swap3A_82 {strides = array<i32>} : memref<5x80xi32, #tpu.memory_space<vmem>>, vector<1x16xi32>,
    %get3A_83 = arith.constant 64 : index
    %get3A_84 = tpu.vector_load %arg4[%get3A_83] {strides = array<i32>} : memref<10000xi32, #tpu.memory_space<vmem>>, vector<16xi32>,
    %get3A_85 = vector.shape_cast %get3A_84 : vector<16xi32> to vector<16xi32>
    %swap3A_86 = arith.constant 0 : i32
    %swap3A_87 = arith.index_cast %swap3A_86 : i32 to index
    %swap3A_88 = arith.constant 64 : index
    %swap3A_89 = tpu.vector_load %arg5[%swap3A_87, %swap3A_88] {strides = array<i32>} : memref<5x80xi32, #tpu.memory_space<vmem>>, vector<1x16xi32>,
    %swap3A_90 = vector.shape_cast %swap3A_89 : vector<1x16xi32> to vector<16xi32>
    %swap3A_91 = vector.shape_cast %get3A_85 : vector<16xi32> to vector<1x16xi32>
    tpu.vector_store %arg5[%swap3A_87, %swap3A_88], %swap3A_91 {strides = array<i32>} : memref<5x80xi32, #tpu.memory_space<vmem>>, vector<1x16xi32>,
    %dma_start3A_92 = arith.constant 0 : i32
    %dma_start3A_93 = arith.constant 0 : i32
    %dma_start3A_94 = tpu.memref_slice %arg5[%dma_start3A_92, %dma_start3A_93] : memref<5x80xi32, #tpu.memory_space<vmem>> -> memref<1x80xi32, #tpu.memory_space<vmem>>
    %dma_start3A_95 = tpu.memref_squeeze %dma_start3A_94 : memref<1x80xi32, #tpu.memory_space<vmem>> -> memref<80xi32, #tpu.memory_space<vmem>>
    %dma_start3A_96 = arith.constant 0 : i32
    %dma_start3A_97 = tpu.memref_slice %arg8[%dma_start3A_96] : memref<10240xf32, #tpu.memory_space<vmem_shared>> -> memref<10240xf32, #tpu.memory_space<vmem_shared>>
    tpu.enqueue_indirect_dma source(%arg6 : memref<80xf32, #tpu.memory_space<vmem>>) target(%dma_start3A_97 : memref<10240xf32, #tpu.memory_space<vmem_shared>>) offsets(%dma_start3A_95 : memref<80xi32, #tpu.memory_space<vmem>>) semaphore(%arg10 : memref<!tpu.dma_semaphore, #tpu.memory_space<semaphore_mem>>) {add = true}
    %get3A_98 = arith.constant 80 : index
    %get3A_99 = tpu.vector_load %arg4[%get3A_98] {strides = array<i32>} : memref<10000xi32, #tpu.memory_space<vmem>>, vector<16xi32>,
    %get3A_100 = vector.shape_cast %get3A_99 : vector<16xi32> to vector<16xi32>
    %swap3A_101 = arith.constant 1 : i32
    %swap3A_102 = arith.index_cast %swap3A_101 : i32 to index
    %swap3A_103 = arith.constant 0 : index
    %swap3A_104 = tpu.vector_load %arg5[%swap3A_102, %swap3A_103] {strides = array<i32>} : memref<5x80xi32, #tpu.memory_space<vmem>>, vector<1x16xi32>,
    %swap3A_105 = vector.shape_cast %swap3A_104 : vector<1x16xi32> to vector<16xi32>
    %swap3A_106 = vector.shape_cast %get3A_100 : vector<16xi32> to vector<1x16xi32>
    tpu.vector_store %arg5[%swap3A_102, %swap3A_103], %swap3A_106 {strides = array<i32>} : memref<5x80xi32, #tpu.memory_space<vmem>>, vector<1x16xi32>,
    %get3A_107 = arith.constant 96 : index
    %get3A_108 = tpu.vector_load %arg4[%get3A_107] {strides = array<i32>} : memref<10000xi32, #tpu.memory_space<vmem>>, vector<16xi32>,
    %get3A_109 = vector.shape_cast %get3A_108 : vector<16xi32> to vector<16xi32>
    %swap3A_110 = arith.constant 1 : i32
    %swap3A_111 = arith.index_cast %swap3A_110 : i32 to index
    %swap3A_112 = arith.constant 16 : index
    %swap3A_113 = tpu.vector_load %arg5[%swap3A_111, %swap3A_112] {strides = array<i32>} : memref<5x80xi32, #tpu.memory_space<vmem>>, vector<1x16xi32>,
    %swap3A_114 = vector.shape_cast %swap3A_113 : vector<1x16xi32> to vector<16xi32>
    %swap3A_115 = vector.shape_cast %get3A_109 : vector<16xi32> to vector<1x16xi32>
    tpu.vector_store %arg5[%swap3A_111, %swap3A_112], %swap3A_115 {strides = array<i32>} : memref<5x80xi32, #tpu.memory_space<vmem>>, vector<1x16xi32>,
    %get3A_116 = arith.constant 112 : index
    %get3A_117 = tpu.vector_load %arg4[%get3A_116] {strides = array<i32>} : memref<10000xi32, #tpu.memory_space<vmem>>, vector<16xi32>,
    %get3A_118 = vector.shape_cast %get3A_117 : vector<16xi32> to vector<16xi32>
    %swap3A_119 = arith.constant 1 : i32
    %swap3A_120 = arith.index_cast %swap3A_119 : i32 to index
    %swap3A_121 = arith.constant 32 : index
    %swap3A_122 = tpu.vector_load %arg5[%swap3A_120, %swap3A_121] {strides = array<i32>} : memref<5x80xi32, #tpu.memory_space<vmem>>, vector<1x16xi32>,
    %swap3A_123 = vector.shape_cast %swap3A_122 : vector<1x16xi32> to vector<16xi32>
    %swap3A_124 = vector.shape_cast %get3A_118 : vector<16xi32> to vector<1x16xi32>
    tpu.vector_store %arg5[%swap3A_120, %swap3A_121], %swap3A_124 {strides = array<i32>} : memref<5x80xi32, #tpu.memory_space<vmem>>, vector<1x16xi32>,
    %get3A_125 = arith.constant 128 : index
    %get3A_126 = tpu.vector_load %arg4[%get3A_125] {strides = array<i32>} : memref<10000xi32, #tpu.memory_space<vmem>>, vector<16xi32>,
    %get3A_127 = vector.shape_cast %get3A_126 : vector<16xi32> to vector<16xi32>
    %swap3A_128 = arith.constant 1 : i32
    %swap3A_129 = arith.index_cast %swap3A_128 : i32 to index
    %swap3A_130 = arith.constant 48 : index
    %swap3A_131 = tpu.vector_load %arg5[%swap3A_129, %swap3A_130] {strides = array<i32>} : memref<5x80xi32, #tpu.memory_space<vmem>>, vector<1x16xi32>,
    %swap3A_132 = vector.shape_cast %swap3A_131 : vector<1x16xi32> to vector<16xi32>
    %swap3A_133 = vector.shape_cast %get3A_127 : vector<16xi32> to vector<1x16xi32>
    tpu.vector_store %arg5[%swap3A_129, %swap3A_130], %swap3A_133 {strides = array<i32>} : memref<5x80xi32, #tpu.memory_space<vmem>>, vector<1x16xi32>,
    %get3A_134 = arith.constant 144 : index
    %get3A_135 = tpu.vector_load %arg4[%get3A_134] {strides = array<i32>} : memref<10000xi32, #tpu.memory_space<vmem>>, vector<16xi32>,
    %get3A_136 = vector.shape_cast %get3A_135 : vector<16xi32> to vector<16xi32>
    %swap3A_137 = arith.constant 1 : i32
    %swap3A_138 = arith.index_cast %swap3A_137 : i32 to index
    %swap3A_139 = arith.constant 64 : index
    %swap3A_140 = tpu.vector_load %arg5[%swap3A_138, %swap3A_139] {strides = array<i32>} : memref<5x80xi32, #tpu.memory_space<vmem>>, vector<1x16xi32>,
    %swap3A_141 = vector.shape_cast %swap3A_140 : vector<1x16xi32> to vector<16xi32>
    %swap3A_142 = vector.shape_cast %get3A_136 : vector<16xi32> to vector<1x16xi32>
    tpu.vector_store %arg5[%swap3A_138, %swap3A_139], %swap3A_142 {strides = array<i32>} : memref<5x80xi32, #tpu.memory_space<vmem>>, vector<1x16xi32>,
    %dma_start3A_143 = arith.constant 1 : i32
    %dma_start3A_144 = arith.constant 0 : i32
    %dma_start3A_145 = tpu.memref_slice %arg5[%dma_start3A_143, %dma_start3A_144] : memref<5x80xi32, #tpu.memory_space<vmem>> -> memref<1x80xi32, #tpu.memory_space<vmem>>
    %dma_start3A_146 = tpu.memref_squeeze %dma_start3A_145 : memref<1x80xi32, #tpu.memory_space<vmem>> -> memref<80xi32, #tpu.memory_space<vmem>>
    %dma_start3A_147 = arith.constant 0 : i32
    %dma_start3A_148 = tpu.memref_slice %arg8[%dma_start3A_147] : memref<10240xf32, #tpu.memory_space<vmem_shared>> -> memref<10240xf32, #tpu.memory_space<vmem_shared>>
    tpu.enqueue_indirect_dma source(%arg6 : memref<80xf32, #tpu.memory_space<vmem>>) target(%dma_start3A_148 : memref<10240xf32, #tpu.memory_space<vmem_shared>>) offsets(%dma_start3A_146 : memref<80xi32, #tpu.memory_space<vmem>>) semaphore(%arg11 : memref<!tpu.dma_semaphore, #tpu.memory_space<semaphore_mem>>) {add = true}
    %get3A_149 = arith.constant 160 : index
    %get3A_150 = tpu.vector_load %arg4[%get3A_149] {strides = array<i32>} : memref<10000xi32, #tpu.memory_space<vmem>>, vector<16xi32>,
    %get3A_151 = vector.shape_cast %get3A_150 : vector<16xi32> to vector<16xi32>
    %swap3A_152 = arith.constant 2 : i32
    %swap3A_153 = arith.index_cast %swap3A_152 : i32 to index
    %swap3A_154 = arith.constant 0 : index
    %swap3A_155 = tpu.vector_load %arg5[%swap3A_153, %swap3A_154] {strides = array<i32>} : memref<5x80xi32, #tpu.memory_space<vmem>>, vector<1x16xi32>,
    %swap3A_156 = vector.shape_cast %swap3A_155 : vector<1x16xi32> to vector<16xi32>
    %swap3A_157 = vector.shape_cast %get3A_151 : vector<16xi32> to vector<1x16xi32>
    tpu.vector_store %arg5[%swap3A_153, %swap3A_154], %swap3A_157 {strides = array<i32>} : memref<5x80xi32, #tpu.memory_space<vmem>>, vector<1x16xi32>,
    %get3A_158 = arith.constant 176 : index
    %get3A_159 = tpu.vector_load %arg4[%get3A_158] {strides = array<i32>} : memref<10000xi32, #tpu.memory_space<vmem>>, vector<16xi32>,
    %get3A_160 = vector.shape_cast %get3A_159 : vector<16xi32> to vector<16xi32>
    %swap3A_161 = arith.constant 2 : i32
    %swap3A_162 = arith.index_cast %swap3A_161 : i32 to index
    %swap3A_163 = arith.constant 16 : index
    %swap3A_164 = tpu.vector_load %arg5[%swap3A_162, %swap3A_163] {strides = array<i32>} : memref<5x80xi32, #tpu.memory_space<vmem>>, vector<1x16xi32>,
    %swap3A_165 = vector.shape_cast %swap3A_164 : vector<1x16xi32> to vector<16xi32>
    %swap3A_166 = vector.shape_cast %get3A_160 : vector<16xi32> to vector<1x16xi32>
    tpu.vector_store %arg5[%swap3A_162, %swap3A_163], %swap3A_166 {strides = array<i32>} : memref<5x80xi32, #tpu.memory_space<vmem>>, vector<1x16xi32>,
    %get3A_167 = arith.constant 192 : index
    %get3A_168 = tpu.vector_load %arg4[%get3A_167] {strides = array<i32>} : memref<10000xi32, #tpu.memory_space<vmem>>, vector<16xi32>,
    %get3A_169 = vector.shape_cast %get3A_168 : vector<16xi32> to vector<16xi32>
    %swap3A_170 = arith.constant 2 : i32
    %swap3A_171 = arith.index_cast %swap3A_170 : i32 to index
    %swap3A_172 = arith.constant 32 : index
    %swap3A_173 = tpu.vector_load %arg5[%swap3A_171, %swap3A_172] {strides = array<i32>} : memref<5x80xi32, #tpu.memory_space<vmem>>, vector<1x16xi32>,
    %swap3A_174 = vector.shape_cast %swap3A_173 : vector<1x16xi32> to vector<16xi32>
    %swap3A_175 = vector.shape_cast %get3A_169 : vector<16xi32> to vector<1x16xi32>
    tpu.vector_store %arg5[%swap3A_171, %swap3A_172], %swap3A_175 {strides = array<i32>} : memref<5x80xi32, #tpu.memory_space<vmem>>, vector<1x16xi32>,
    %get3A_176 = arith.constant 208 : index
    %get3A_177 = tpu.vector_load %arg4[%get3A_176] {strides = array<i32>} : memref<10000xi32, #tpu.memory_space<vmem>>, vector<16xi32>,
    %get3A_178 = vector.shape_cast %get3A_177 : vector<16xi32> to vector<16xi32>
    %swap3A_179 = arith.constant 2 : i32
    %swap3A_180 = arith.index_cast %swap3A_179 : i32 to index
    %swap3A_181 = arith.constant 48 : index
    %swap3A_182 = tpu.vector_load %arg5[%swap3A_180, %swap3A_181] {strides = array<i32>} : memref<5x80xi32, #tpu.memory_space<vmem>>, vector<1x16xi32>,
    %swap3A_183 = vector.shape_cast %swap3A_182 : vector<1x16xi32> to vector<16xi32>
    %swap3A_184 = vector.shape_cast %get3A_178 : vector<16xi32> to vector<1x16xi32>
    tpu.vector_store %arg5[%swap3A_180, %swap3A_181], %swap3A_184 {strides = array<i32>} : memref<5x80xi32, #tpu.memory_space<vmem>>, vector<1x16xi32>,
    %get3A_185 = arith.constant 224 : index
    %get3A_186 = tpu.vector_load %arg4[%get3A_185] {strides = array<i32>} : memref<10000xi32, #tpu.memory_space<vmem>>, vector<16xi32>,
    %get3A_187 = vector.shape_cast %get3A_186 : vector<16xi32> to vector<16xi32>
    %swap3A_188 = arith.constant 2 : i32
    %swap3A_189 = arith.index_cast %swap3A_188 : i32 to index
    %swap3A_190 = arith.constant 64 : index
    %swap3A_191 = tpu.vector_load %arg5[%swap3A_189, %swap3A_190] {strides = array<i32>} : memref<5x80xi32, #tpu.memory_space<vmem>>, vector<1x16xi32>,
    %swap3A_192 = vector.shape_cast %swap3A_191 : vector<1x16xi32> to vector<16xi32>
    %swap3A_193 = vector.shape_cast %get3A_187 : vector<16xi32> to vector<1x16xi32>
    tpu.vector_store %arg5[%swap3A_189, %swap3A_190], %swap3A_193 {strides = array<i32>} : memref<5x80xi32, #tpu.memory_space<vmem>>, vector<1x16xi32>,
    %dma_start3A_194 = arith.constant 2 : i32
    %dma_start3A_195 = arith.constant 0 : i32
    %dma_start3A_196 = tpu.memref_slice %arg5[%dma_start3A_194, %dma_start3A_195] : memref<5x80xi32, #tpu.memory_space<vmem>> -> memref<1x80xi32, #tpu.memory_space<vmem>>
    %dma_start3A_197 = tpu.memref_squeeze %dma_start3A_196 : memref<1x80xi32, #tpu.memory_space<vmem>> -> memref<80xi32, #tpu.memory_space<vmem>>
    %dma_start3A_198 = arith.constant 0 : i32
    %dma_start3A_199 = tpu.memref_slice %arg8[%dma_start3A_198] : memref<10240xf32, #tpu.memory_space<vmem_shared>> -> memref<10240xf32, #tpu.memory_space<vmem_shared>>
    tpu.enqueue_indirect_dma source(%arg6 : memref<80xf32, #tpu.memory_space<vmem>>) target(%dma_start3A_199 : memref<10240xf32, #tpu.memory_space<vmem_shared>>) offsets(%dma_start3A_197 : memref<80xi32, #tpu.memory_space<vmem>>) semaphore(%arg12 : memref<!tpu.dma_semaphore, #tpu.memory_space<semaphore_mem>>) {add = true}
    %get3A_200 = arith.constant 240 : index
    %get3A_201 = tpu.vector_load %arg4[%get3A_200] {strides = array<i32>} : memref<10000xi32, #tpu.memory_space<vmem>>, vector<16xi32>,
    %get3A_202 = vector.shape_cast %get3A_201 : vector<16xi32> to vector<16xi32>
    %swap3A_203 = arith.constant 3 : i32
    %swap3A_204 = arith.index_cast %swap3A_203 : i32 to index
    %swap3A_205 = arith.constant 0 : index
    %swap3A_206 = tpu.vector_load %arg5[%swap3A_204, %swap3A_205] {strides = array<i32>} : memref<5x80xi32, #tpu.memory_space<vmem>>, vector<1x16xi32>,
    %swap3A_207 = vector.shape_cast %swap3A_206 : vector<1x16xi32> to vector<16xi32>
    %swap3A_208 = vector.shape_cast %get3A_202 : vector<16xi32> to vector<1x16xi32>
    tpu.vector_store %arg5[%swap3A_204, %swap3A_205], %swap3A_208 {strides = array<i32>} : memref<5x80xi32, #tpu.memory_space<vmem>>, vector<1x16xi32>,
    %get3A_209 = arith.constant 256 : index
    %get3A_210 = tpu.vector_load %arg4[%get3A_209] {strides = array<i32>} : memref<10000xi32, #tpu.memory_space<vmem>>, vector<16xi32>,
    %get3A_211 = vector.shape_cast %get3A_210 : vector<16xi32> to vector<16xi32>
    %swap3A_212 = arith.constant 3 : i32
    %swap3A_213 = arith.index_cast %swap3A_212 : i32 to index
    %swap3A_214 = arith.constant 16 : index
    %swap3A_215 = tpu.vector_load %arg5[%swap3A_213, %swap3A_214] {strides = array<i32>} : memref<5x80xi32, #tpu.memory_space<vmem>>, vector<1x16xi32>,
    %swap3A_216 = vector.shape_cast %swap3A_215 : vector<1x16xi32> to vector<16xi32>
    %swap3A_217 = vector.shape_cast %get3A_211 : vector<16xi32> to vector<1x16xi32>
    tpu.vector_store %arg5[%swap3A_213, %swap3A_214], %swap3A_217 {strides = array<i32>} : memref<5x80xi32, #tpu.memory_space<vmem>>, vector<1x16xi32>,
    %get3A_218 = arith.constant 272 : index
    %get3A_219 = tpu.vector_load %arg4[%get3A_218] {strides = array<i32>} : memref<10000xi32, #tpu.memory_space<vmem>>, vector<16xi32>,
    %get3A_220 = vector.shape_cast %get3A_219 : vector<16xi32> to vector<16xi32>
    %swap3A_221 = arith.constant 3 : i32
    %swap3A_222 = arith.index_cast %swap3A_221 : i32 to index
    %swap3A_223 = arith.constant 32 : index
    %swap3A_224 = tpu.vector_load %arg5[%swap3A_222, %swap3A_223] {strides = array<i32>} : memref<5x80xi32, #tpu.memory_space<vmem>>, vector<1x16xi32>,
    %swap3A_225 = vector.shape_cast %swap3A_224 : vector<1x16xi32> to vector<16xi32>
    %swap3A_226 = vector.shape_cast %get3A_220 : vector<16xi32> to vector<1x16xi32>
    tpu.vector_store %arg5[%swap3A_222, %swap3A_223], %swap3A_226 {strides = array<i32>} : memref<5x80xi32, #tpu.memory_space<vmem>>, vector<1x16xi32>,
    %get3A_227 = arith.constant 288 : index
    %get3A_228 = tpu.vector_load %arg4[%get3A_227] {strides = array<i32>} : memref<10000xi32, #tpu.memory_space<vmem>>, vector<16xi32>,
    %get3A_229 = vector.shape_cast %get3A_228 : vector<16xi32> to vector<16xi32>
    %swap3A_230 = arith.constant 3 : i32
    %swap3A_231 = arith.index_cast %swap3A_230 : i32 to index
    %swap3A_232 = arith.constant 48 : index
    %swap3A_233 = tpu.vector_load %arg5[%swap3A_231, %swap3A_232] {strides = array<i32>} : memref<5x80xi32, #tpu.memory_space<vmem>>, vector<1x16xi32>,
    %swap3A_234 = vector.shape_cast %swap3A_233 : vector<1x16xi32> to vector<16xi32>
    %swap3A_235 = vector.shape_cast %get3A_229 : vector<16xi32> to vector<1x16xi32>
    tpu.vector_store %arg5[%swap3A_231, %swap3A_232], %swap3A_235 {strides = array<i32>} : memref<5x80xi32, #tpu.memory_space<vmem>>, vector<1x16xi32>,
    %get3A_236 = arith.constant 304 : index
    %get3A_237 = tpu.vector_load %arg4[%get3A_236] {strides = array<i32>} : memref<10000xi32, #tpu.memory_space<vmem>>, vector<16xi32>,
    %get3A_238 = vector.shape_cast %get3A_237 : vector<16xi32> to vector<16xi32>
    %swap3A_239 = arith.constant 3 : i32
    %swap3A_240 = arith.index_cast %swap3A_239 : i32 to index
    %swap3A_241 = arith.constant 64 : index
    %swap3A_242 = tpu.vector_load %arg5[%swap3A_240, %swap3A_241] {strides = array<i32>} : memref<5x80xi32, #tpu.memory_space<vmem>>, vector<1x16xi32>,
    %swap3A_243 = vector.shape_cast %swap3A_242 : vector<1x16xi32> to vector<16xi32>
    %swap3A_244 = vector.shape_cast %get3A_238 : vector<16xi32> to vector<1x16xi32>
    tpu.vector_store %arg5[%swap3A_240, %swap3A_241], %swap3A_244 {strides = array<i32>} : memref<5x80xi32, #tpu.memory_space<vmem>>, vector<1x16xi32>,
    %dma_start3A_245 = arith.constant 3 : i32
    %dma_start3A_246 = arith.constant 0 : i32
    %dma_start3A_247 = tpu.memref_slice %arg5[%dma_start3A_245, %dma_start3A_246] : memref<5x80xi32, #tpu.memory_space<vmem>> -> memref<1x80xi32, #tpu.memory_space<vmem>>
    %dma_start3A_248 = tpu.memref_squeeze %dma_start3A_247 : memref<1x80xi32, #tpu.memory_space<vmem>> -> memref<80xi32, #tpu.memory_space<vmem>>
    %dma_start3A_249 = arith.constant 0 : i32
    %dma_start3A_250 = tpu.memref_slice %arg8[%dma_start3A_249] : memref<10240xf32, #tpu.memory_space<vmem_shared>> -> memref<10240xf32, #tpu.memory_space<vmem_shared>>
    tpu.enqueue_indirect_dma source(%arg6 : memref<80xf32, #tpu.memory_space<vmem>>) target(%dma_start3A_250 : memref<10240xf32, #tpu.memory_space<vmem_shared>>) offsets(%dma_start3A_248 : memref<80xi32, #tpu.memory_space<vmem>>) semaphore(%arg13 : memref<!tpu.dma_semaphore, #tpu.memory_space<semaphore_mem>>) {add = true}
    %get3A_251 = arith.constant 320 : index
    %get3A_252 = tpu.vector_load %arg4[%get3A_251] {strides = array<i32>} : memref<10000xi32, #tpu.memory_space<vmem>>, vector<16xi32>,
    %get3A_253 = vector.shape_cast %get3A_252 : vector<16xi32> to vector<16xi32>
    %swap3A_254 = arith.constant 4 : i32
    %swap3A_255 = arith.index_cast %swap3A_254 : i32 to index
    %swap3A_256 = arith.constant 0 : index
    %swap3A_257 = tpu.vector_load %arg5[%swap3A_255, %swap3A_256] {strides = array<i32>} : memref<5x80xi32, #tpu.memory_space<vmem>>, vector<1x16xi32>,
    %swap3A_258 = vector.shape_cast %swap3A_257 : vector<1x16xi32> to vector<16xi32>
    %swap3A_259 = vector.shape_cast %get3A_253 : vector<16xi32> to vector<1x16xi32>
    tpu.vector_store %arg5[%swap3A_255, %swap3A_256], %swap3A_259 {strides = array<i32>} : memref<5x80xi32, #tpu.memory_space<vmem>>, vector<1x16xi32>,
    %get3A_260 = arith.constant 336 : index
    %get3A_261 = tpu.vector_load %arg4[%get3A_260] {strides = array<i32>} : memref<10000xi32, #tpu.memory_space<vmem>>, vector<16xi32>,
    %get3A_262 = vector.shape_cast %get3A_261 : vector<16xi32> to vector<16xi32>
    %swap3A_263 = arith.constant 4 : i32
    %swap3A_264 = arith.index_cast %swap3A_263 : i32 to index
    %swap3A_265 = arith.constant 16 : index
    %swap3A_266 = tpu.vector_load %arg5[%swap3A_264, %swap3A_265] {strides = array<i32>} : memref<5x80xi32, #tpu.memory_space<vmem>>, vector<1x16xi32>,
    %swap3A_267 = vector.shape_cast %swap3A_266 : vector<1x16xi32> to vector<16xi32>
    %swap3A_268 = vector.shape_cast %get3A_262 : vector<16xi32> to vector<1x16xi32>
    tpu.vector_store %arg5[%swap3A_264, %swap3A_265], %swap3A_268 {strides = array<i32>} : memref<5x80xi32, #tpu.memory_space<vmem>>, vector<1x16xi32>,
    %get3A_269 = arith.constant 352 : index
    %get3A_270 = tpu.vector_load %arg4[%get3A_269] {strides = array<i32>} : memref<10000xi32, #tpu.memory_space<vmem>>, vector<16xi32>,
    %get3A_271 = vector.shape_cast %get3A_270 : vector<16xi32> to vector<16xi32>
    %swap3A_272 = arith.constant 4 : i32
    %swap3A_273 = arith.index_cast %swap3A_272 : i32 to index
    %swap3A_274 = arith.constant 32 : index
    %swap3A_275 = tpu.vector_load %arg5[%swap3A_273, %swap3A_274] {strides = array<i32>} : memref<5x80xi32, #tpu.memory_space<vmem>>, vector<1x16xi32>,
    %swap3A_276 = vector.shape_cast %swap3A_275 : vector<1x16xi32> to vector<16xi32>
    %swap3A_277 = vector.shape_cast %get3A_271 : vector<16xi32> to vector<1x16xi32>
    tpu.vector_store %arg5[%swap3A_273, %swap3A_274], %swap3A_277 {strides = array<i32>} : memref<5x80xi32, #tpu.memory_space<vmem>>, vector<1x16xi32>,
    %get3A_278 = arith.constant 368 : index
    %get3A_279 = tpu.vector_load %arg4[%get3A_278] {strides = array<i32>} : memref<10000xi32, #tpu.memory_space<vmem>>, vector<16xi32>,
    %get3A_280 = vector.shape_cast %get3A_279 : vector<16xi32> to vector<16xi32>
    %swap3A_281 = arith.constant 4 : i32
    %swap3A_282 = arith.index_cast %swap3A_281 : i32 to index
    %swap3A_283 = arith.constant 48 : index
    %swap3A_284 = tpu.vector_load %arg5[%swap3A_282, %swap3A_283] {strides = array<i32>} : memref<5x80xi32, #tpu.memory_space<vmem>>, vector<1x16xi32>,
    %swap3A_285 = vector.shape_cast %swap3A_284 : vector<1x16xi32> to vector<16xi32>
    %swap3A_286 = vector.shape_cast %get3A_280 : vector<16xi32> to vector<1x16xi32>
    tpu.vector_store %arg5[%swap3A_282, %swap3A_283], %swap3A_286 {strides = array<i32>} : memref<5x80xi32, #tpu.memory_space<vmem>>, vector<1x16xi32>,
    %get3A_287 = arith.constant 384 : index
    %get3A_288 = tpu.vector_load %arg4[%get3A_287] {strides = array<i32>} : memref<10000xi32, #tpu.memory_space<vmem>>, vector<16xi32>,
    %get3A_289 = vector.shape_cast %get3A_288 : vector<16xi32> to vector<16xi32>
    %swap3A_290 = arith.constant 4 : i32
    %swap3A_291 = arith.index_cast %swap3A_290 : i32 to index
    %swap3A_292 = arith.constant 64 : index
    %swap3A_293 = tpu.vector_load %arg5[%swap3A_291, %swap3A_292] {strides = array<i32>} : memref<5x80xi32, #tpu.memory_space<vmem>>, vector<1x16xi32>,
    %swap3A_294 = vector.shape_cast %swap3A_293 : vector<1x16xi32> to vector<16xi32>
    %swap3A_295 = vector.shape_cast %get3A_289 : vector<16xi32> to vector<1x16xi32>
    tpu.vector_store %arg5[%swap3A_291, %swap3A_292], %swap3A_295 {strides = array<i32>} : memref<5x80xi32, #tpu.memory_space<vmem>>, vector<1x16xi32>,
    %dma_start3A_296 = arith.constant 4 : i32
    %dma_start3A_297 = arith.constant 0 : i32
    %dma_start3A_298 = tpu.memref_slice %arg5[%dma_start3A_296, %dma_start3A_297] : memref<5x80xi32, #tpu.memory_space<vmem>> -> memref<1x80xi32, #tpu.memory_space<vmem>>
    %dma_start3A_299 = tpu.memref_squeeze %dma_start3A_298 : memref<1x80xi32, #tpu.memory_space<vmem>> -> memref<80xi32, #tpu.memory_space<vmem>>
    %dma_start3A_300 = arith.constant 0 : i32
    %dma_start3A_301 = tpu.memref_slice %arg8[%dma_start3A_300] : memref<10240xf32, #tpu.memory_space<vmem_shared>> -> memref<10240xf32, #tpu.memory_space<vmem_shared>>
    tpu.enqueue_indirect_dma source(%arg6 : memref<80xf32, #tpu.memory_space<vmem>>) target(%dma_start3A_301 : memref<10240xf32, #tpu.memory_space<vmem_shared>>) offsets(%dma_start3A_299 : memref<80xi32, #tpu.memory_space<vmem>>) semaphore(%arg14 : memref<!tpu.dma_semaphore, #tpu.memory_space<semaphore_mem>>) {add = true}
    %scan3A_302 = arith.constant 0 : i32
    %scan3A_303 = arith.constant 24 : i32
    %scan3A_304 = arith.addi %scan3A_302, %scan3A_303 : i32
    %scan3A_305 = arith.constant 1 : i32
    scf.for %scan3A_345 = %scan3A_302 to %scan3A_304 step %scan3A_305  : i32 {
      %mul3A_346 = arith.constant 5 : i32
      %mul3A_347 = arith.muli %scan3A_345, %mul3A_346 : i32
      %add3A_348 = arith.constant 5 : i32
      %add3A_349 = arith.addi %add3A_348, %mul3A_347 : i32
      %dma_wait3A_350 = arith.constant 0 : i32
      %dma_wait3A_351 = arith.constant 0 : i32
      %dma_wait3A_352 = tpu.memref_slice %arg5[%dma_wait3A_350, %dma_wait3A_351] : memref<5x80xi32, #tpu.memory_space<vmem>> -> memref<1x80xi32, #tpu.memory_space<vmem>>
      %dma_wait3A_353 = tpu.memref_squeeze %dma_wait3A_352 : memref<1x80xi32, #tpu.memory_space<vmem>> -> memref<80xi32, #tpu.memory_space<vmem>>
      %dma_wait3A_354 = arith.constant 0 : i32
      %dma_wait3A_355 = tpu.memref_slice %arg8[%dma_wait3A_354] : memref<10240xf32, #tpu.memory_space<vmem_shared>> -> memref<10240xf32, #tpu.memory_space<vmem_shared>>
      tpu.wait_indirect_dma semaphore(%arg10 : memref<!tpu.dma_semaphore, #tpu.memory_space<semaphore_mem>>) src(%arg6 : memref<80xf32, #tpu.memory_space<vmem>>) dst(%dma_wait3A_355 : memref<10240xf32, #tpu.memory_space<vmem_shared>>)
      %add3A_356 = arith.constant 0 : i32
      %add3A_357 = arith.addi %add3A_349, %add3A_356 : i32
      %mul3A_358 = arith.constant 80 : i32
      %mul3A_359 = arith.muli %add3A_357, %mul3A_358 : i32
      %add3A_360 = arith.constant 0 : i32
      %add3A_361 = arith.addi %mul3A_359, %add3A_360 : i32
      %get3A_362 = arith.index_cast %add3A_361 : i32 to index
      %get3A_363 = tpu.vector_load %arg4[%get3A_362] {strides = array<i32>} : memref<10000xi32, #tpu.memory_space<vmem>>, vector<16xi32>,
      %get3A_364 = vector.shape_cast %get3A_363 : vector<16xi32> to vector<16xi32>
      %swap3A_365 = arith.constant 0 : i32
      %swap3A_366 = arith.index_cast %swap3A_365 : i32 to index
      %swap3A_367 = arith.constant 0 : index
      %swap3A_368 = tpu.vector_load %arg5[%swap3A_366, %swap3A_367] {strides = array<i32>} : memref<5x80xi32, #tpu.memory_space<vmem>>, vector<1x16xi32>,
      %swap3A_369 = vector.shape_cast %swap3A_368 : vector<1x16xi32> to vector<16xi32>
      %swap3A_370 = vector.shape_cast %get3A_364 : vector<16xi32> to vector<1x16xi32>
      tpu.vector_store %arg5[%swap3A_366, %swap3A_367], %swap3A_370 {strides = array<i32>} : memref<5x80xi32, #tpu.memory_space<vmem>>, vector<1x16xi32>,
      %mul3A_371 = arith.constant 80 : i32
      %mul3A_372 = arith.muli %add3A_357, %mul3A_371 : i32
      %add3A_373 = arith.constant 16 : i32
      %add3A_374 = arith.addi %mul3A_372, %add3A_373 : i32
      %get3A_375 = arith.index_cast %add3A_374 : i32 to index
      %get3A_376 = tpu.vector_load %arg4[%get3A_375] {strides = array<i32>} : memref<10000xi32, #tpu.memory_space<vmem>>, vector<16xi32>,
      %get3A_377 = vector.shape_cast %get3A_376 : vector<16xi32> to vector<16xi32>
      %swap3A_378 = arith.constant 0 : i32
      %swap3A_379 = arith.index_cast %swap3A_378 : i32 to index
      %swap3A_380 = arith.constant 16 : index
      %swap3A_381 = tpu.vector_load %arg5[%swap3A_379, %swap3A_380] {strides = array<i32>} : memref<5x80xi32, #tpu.memory_space<vmem>>, vector<1x16xi32>,
      %swap3A_382 = vector.shape_cast %swap3A_381 : vector<1x16xi32> to vector<16xi32>
      %swap3A_383 = vector.shape_cast %get3A_377 : vector<16xi32> to vector<1x16xi32>
      tpu.vector_store %arg5[%swap3A_379, %swap3A_380], %swap3A_383 {strides = array<i32>} : memref<5x80xi32, #tpu.memory_space<vmem>>, vector<1x16xi32>,
      %mul3A_384 = arith.constant 80 : i32
      %mul3A_385 = arith.muli %add3A_357, %mul3A_384 : i32
      %add3A_386 = arith.constant 32 : i32
      %add3A_387 = arith.addi %mul3A_385, %add3A_386 : i32
      %get3A_388 = arith.index_cast %add3A_387 : i32 to index
      %get3A_389 = tpu.vector_load %arg4[%get3A_388] {strides = array<i32>} : memref<10000xi32, #tpu.memory_space<vmem>>, vector<16xi32>,
      %get3A_390 = vector.shape_cast %get3A_389 : vector<16xi32> to vector<16xi32>
      %swap3A_391 = arith.constant 0 : i32
      %swap3A_392 = arith.index_cast %swap3A_391 : i32 to index
      %swap3A_393 = arith.constant 32 : index
      %swap3A_394 = tpu.vector_load %arg5[%swap3A_392, %swap3A_393] {strides = array<i32>} : memref<5x80xi32, #tpu.memory_space<vmem>>, vector<1x16xi32>,
      %swap3A_395 = vector.shape_cast %swap3A_394 : vector<1x16xi32> to vector<16xi32>
      %swap3A_396 = vector.shape_cast %get3A_390 : vector<16xi32> to vector<1x16xi32>
      tpu.vector_store %arg5[%swap3A_392, %swap3A_393], %swap3A_396 {strides = array<i32>} : memref<5x80xi32, #tpu.memory_space<vmem>>, vector<1x16xi32>,
      %mul3A_397 = arith.constant 80 : i32
      %mul3A_398 = arith.muli %add3A_357, %mul3A_397 : i32
      %add3A_399 = arith.constant 48 : i32
      %add3A_400 = arith.addi %mul3A_398, %add3A_399 : i32
      %get3A_401 = arith.index_cast %add3A_400 : i32 to index
      %get3A_402 = tpu.vector_load %arg4[%get3A_401] {strides = array<i32>} : memref<10000xi32, #tpu.memory_space<vmem>>, vector<16xi32>,
      %get3A_403 = vector.shape_cast %get3A_402 : vector<16xi32> to vector<16xi32>
      %swap3A_404 = arith.constant 0 : i32
      %swap3A_405 = arith.index_cast %swap3A_404 : i32 to index
      %swap3A_406 = arith.constant 48 : index
      %swap3A_407 = tpu.vector_load %arg5[%swap3A_405, %swap3A_406] {strides = array<i32>} : memref<5x80xi32, #tpu.memory_space<vmem>>, vector<1x16xi32>,
      %swap3A_408 = vector.shape_cast %swap3A_407 : vector<1x16xi32> to vector<16xi32>
      %swap3A_409 = vector.shape_cast %get3A_403 : vector<16xi32> to vector<1x16xi32>
      tpu.vector_store %arg5[%swap3A_405, %swap3A_406], %swap3A_409 {strides = array<i32>} : memref<5x80xi32, #tpu.memory_space<vmem>>, vector<1x16xi32>,
      %mul3A_410 = arith.constant 80 : i32
      %mul3A_411 = arith.muli %add3A_357, %mul3A_410 : i32
      %add3A_412 = arith.constant 64 : i32
      %add3A_413 = arith.addi %mul3A_411, %add3A_412 : i32
      %get3A_414 = arith.index_cast %add3A_413 : i32 to index
      %get3A_415 = tpu.vector_load %arg4[%get3A_414] {strides = array<i32>} : memref<10000xi32, #tpu.memory_space<vmem>>, vector<16xi32>,
      %get3A_416 = vector.shape_cast %get3A_415 : vector<16xi32> to vector<16xi32>
      %swap3A_417 = arith.constant 0 : i32
      %swap3A_418 = arith.index_cast %swap3A_417 : i32 to index
      %swap3A_419 = arith.constant 64 : index
      %swap3A_420 = tpu.vector_load %arg5[%swap3A_418, %swap3A_419] {strides = array<i32>} : memref<5x80xi32, #tpu.memory_space<vmem>>, vector<1x16xi32>,
      %swap3A_421 = vector.shape_cast %swap3A_420 : vector<1x16xi32> to vector<16xi32>
      %swap3A_422 = vector.shape_cast %get3A_416 : vector<16xi32> to vector<1x16xi32>
      tpu.vector_store %arg5[%swap3A_418, %swap3A_419], %swap3A_422 {strides = array<i32>} : memref<5x80xi32, #tpu.memory_space<vmem>>, vector<1x16xi32>,
      %dma_start3A_423 = arith.constant 0 : i32
      %dma_start3A_424 = arith.constant 0 : i32
      %dma_start3A_425 = tpu.memref_slice %arg5[%dma_start3A_423, %dma_start3A_424] : memref<5x80xi32, #tpu.memory_space<vmem>> -> memref<1x80xi32, #tpu.memory_space<vmem>>
      %dma_start3A_426 = tpu.memref_squeeze %dma_start3A_425 : memref<1x80xi32, #tpu.memory_space<vmem>> -> memref<80xi32, #tpu.memory_space<vmem>>
      %dma_start3A_427 = arith.constant 0 : i32
      %dma_start3A_428 = tpu.memref_slice %arg8[%dma_start3A_427] : memref<10240xf32, #tpu.memory_space<vmem_shared>> -> memref<10240xf32, #tpu.memory_space<vmem_shared>>
      tpu.enqueue_indirect_dma source(%arg6 : memref<80xf32, #tpu.memory_space<vmem>>) target(%dma_start3A_428 : memref<10240xf32, #tpu.memory_space<vmem_shared>>) offsets(%dma_start3A_426 : memref<80xi32, #tpu.memory_space<vmem>>) semaphore(%arg10 : memref<!tpu.dma_semaphore, #tpu.memory_space<semaphore_mem>>) {add = true}
      %dma_wait3A_429 = arith.constant 1 : i32
      %dma_wait3A_430 = arith.constant 0 : i32
      %dma_wait3A_431 = tpu.memref_slice %arg5[%dma_wait3A_429, %dma_wait3A_430] : memref<5x80xi32, #tpu.memory_space<vmem>> -> memref<1x80xi32, #tpu.memory_space<vmem>>
      %dma_wait3A_432 = tpu.memref_squeeze %dma_wait3A_431 : memref<1x80xi32, #tpu.memory_space<vmem>> -> memref<80xi32, #tpu.memory_space<vmem>>
      %dma_wait3A_433 = arith.constant 0 : i32
      %dma_wait3A_434 = tpu.memref_slice %arg8[%dma_wait3A_433] : memref<10240xf32, #tpu.memory_space<vmem_shared>> -> memref<10240xf32, #tpu.memory_space<vmem_shared>>
      tpu.wait_indirect_dma semaphore(%arg11 : memref<!tpu.dma_semaphore, #tpu.memory_space<semaphore_mem>>) src(%arg6 : memref<80xf32, #tpu.memory_space<vmem>>) dst(%dma_wait3A_434 : memref<10240xf32, #tpu.memory_space<vmem_shared>>)
      %add3A_435 = arith.constant 1 : i32
      %add3A_436 = arith.addi %add3A_349, %add3A_435 : i32
      %mul3A_437 = arith.constant 80 : i32
      %mul3A_438 = arith.muli %add3A_436, %mul3A_437 : i32
      %add3A_439 = arith.constant 0 : i32
      %add3A_440 = arith.addi %mul3A_438, %add3A_439 : i32
      %get3A_441 = arith.index_cast %add3A_440 : i32 to index
      %get3A_442 = tpu.vector_load %arg4[%get3A_441] {strides = array<i32>} : memref<10000xi32, #tpu.memory_space<vmem>>, vector<16xi32>,
      %get3A_443 = vector.shape_cast %get3A_442 : vector<16xi32> to vector<16xi32>
      %swap3A_444 = arith.constant 1 : i32
      %swap3A_445 = arith.index_cast %swap3A_444 : i32 to index
      %swap3A_446 = arith.constant 0 : index
      %swap3A_447 = tpu.vector_load %arg5[%swap3A_445, %swap3A_446] {strides = array<i32>} : memref<5x80xi32, #tpu.memory_space<vmem>>, vector<1x16xi32>,
      %swap3A_448 = vector.shape_cast %swap3A_447 : vector<1x16xi32> to vector<16xi32>
      %swap3A_449 = vector.shape_cast %get3A_443 : vector<16xi32> to vector<1x16xi32>
      tpu.vector_store %arg5[%swap3A_445, %swap3A_446], %swap3A_449 {strides = array<i32>} : memref<5x80xi32, #tpu.memory_space<vmem>>, vector<1x16xi32>,
      %mul3A_450 = arith.constant 80 : i32
      %mul3A_451 = arith.muli %add3A_436, %mul3A_450 : i32
      %add3A_452 = arith.constant 16 : i32
      %add3A_453 = arith.addi %mul3A_451, %add3A_452 : i32
      %get3A_454 = arith.index_cast %add3A_453 : i32 to index
      %get3A_455 = tpu.vector_load %arg4[%get3A_454] {strides = array<i32>} : memref<10000xi32, #tpu.memory_space<vmem>>, vector<16xi32>,
      %get3A_456 = vector.shape_cast %get3A_455 : vector<16xi32> to vector<16xi32>
      %swap3A_457 = arith.constant 1 : i32
      %swap3A_458 = arith.index_cast %swap3A_457 : i32 to index
      %swap3A_459 = arith.constant 16 : index
      %swap3A_460 = tpu.vector_load %arg5[%swap3A_458, %swap3A_459] {strides = array<i32>} : memref<5x80xi32, #tpu.memory_space<vmem>>, vector<1x16xi32>,
      %swap3A_461 = vector.shape_cast %swap3A_460 : vector<1x16xi32> to vector<16xi32>
      %swap3A_462 = vector.shape_cast %get3A_456 : vector<16xi32> to vector<1x16xi32>
      tpu.vector_store %arg5[%swap3A_458, %swap3A_459], %swap3A_462 {strides = array<i32>} : memref<5x80xi32, #tpu.memory_space<vmem>>, vector<1x16xi32>,
      %mul3A_463 = arith.constant 80 : i32
      %mul3A_464 = arith.muli %add3A_436, %mul3A_463 : i32
      %add3A_465 = arith.constant 32 : i32
      %add3A_466 = arith.addi %mul3A_464, %add3A_465 : i32
      %get3A_467 = arith.index_cast %add3A_466 : i32 to index
      %get3A_468 = tpu.vector_load %arg4[%get3A_467] {strides = array<i32>} : memref<10000xi32, #tpu.memory_space<vmem>>, vector<16xi32>,
      %get3A_469 = vector.shape_cast %get3A_468 : vector<16xi32> to vector<16xi32>
      %swap3A_470 = arith.constant 1 : i32
      %swap3A_471 = arith.index_cast %swap3A_470 : i32 to index
      %swap3A_472 = arith.constant 32 : index
      %swap3A_473 = tpu.vector_load %arg5[%swap3A_471, %swap3A_472] {strides = array<i32>} : memref<5x80xi32, #tpu.memory_space<vmem>>, vector<1x16xi32>,
      %swap3A_474 = vector.shape_cast %swap3A_473 : vector<1x16xi32> to vector<16xi32>
      %swap3A_475 = vector.shape_cast %get3A_469 : vector<16xi32> to vector<1x16xi32>
      tpu.vector_store %arg5[%swap3A_471, %swap3A_472], %swap3A_475 {strides = array<i32>} : memref<5x80xi32, #tpu.memory_space<vmem>>, vector<1x16xi32>,
      %mul3A_476 = arith.constant 80 : i32
      %mul3A_477 = arith.muli %add3A_436, %mul3A_476 : i32
      %add3A_478 = arith.constant 48 : i32
      %add3A_479 = arith.addi %mul3A_477, %add3A_478 : i32
      %get3A_480 = arith.index_cast %add3A_479 : i32 to index
      %get3A_481 = tpu.vector_load %arg4[%get3A_480] {strides = array<i32>} : memref<10000xi32, #tpu.memory_space<vmem>>, vector<16xi32>,
      %get3A_482 = vector.shape_cast %get3A_481 : vector<16xi32> to vector<16xi32>
      %swap3A_483 = arith.constant 1 : i32
      %swap3A_484 = arith.index_cast %swap3A_483 : i32 to index
      %swap3A_485 = arith.constant 48 : index
      %swap3A_486 = tpu.vector_load %arg5[%swap3A_484, %swap3A_485] {strides = array<i32>} : memref<5x80xi32, #tpu.memory_space<vmem>>, vector<1x16xi32>,
      %swap3A_487 = vector.shape_cast %swap3A_486 : vector<1x16xi32> to vector<16xi32>
      %swap3A_488 = vector.shape_cast %get3A_482 : vector<16xi32> to vector<1x16xi32>
      tpu.vector_store %arg5[%swap3A_484, %swap3A_485], %swap3A_488 {strides = array<i32>} : memref<5x80xi32, #tpu.memory_space<vmem>>, vector<1x16xi32>,
      %mul3A_489 = arith.constant 80 : i32
      %mul3A_490 = arith.muli %add3A_436, %mul3A_489 : i32
      %add3A_491 = arith.constant 64 : i32
      %add3A_492 = arith.addi %mul3A_490, %add3A_491 : i32
      %get3A_493 = arith.index_cast %add3A_492 : i32 to index
      %get3A_494 = tpu.vector_load %arg4[%get3A_493] {strides = array<i32>} : memref<10000xi32, #tpu.memory_space<vmem>>, vector<16xi32>,
      %get3A_495 = vector.shape_cast %get3A_494 : vector<16xi32> to vector<16xi32>
      %swap3A_496 = arith.constant 1 : i32
      %swap3A_497 = arith.index_cast %swap3A_496 : i32 to index
      %swap3A_498 = arith.constant 64 : index
      %swap3A_499 = tpu.vector_load %arg5[%swap3A_497, %swap3A_498] {strides = array<i32>} : memref<5x80xi32, #tpu.memory_space<vmem>>, vector<1x16xi32>,
      %swap3A_500 = vector.shape_cast %swap3A_499 : vector<1x16xi32> to vector<16xi32>
      %swap3A_501 = vector.shape_cast %get3A_495 : vector<16xi32> to vector<1x16xi32>
      tpu.vector_store %arg5[%swap3A_497, %swap3A_498], %swap3A_501 {strides = array<i32>} : memref<5x80xi32, #tpu.memory_space<vmem>>, vector<1x16xi32>,
      %dma_start3A_502 = arith.constant 1 : i32
      %dma_start3A_503 = arith.constant 0 : i32
      %dma_start3A_504 = tpu.memref_slice %arg5[%dma_start3A_502, %dma_start3A_503] : memref<5x80xi32, #tpu.memory_space<vmem>> -> memref<1x80xi32, #tpu.memory_space<vmem>>
      %dma_start3A_505 = tpu.memref_squeeze %dma_start3A_504 : memref<1x80xi32, #tpu.memory_space<vmem>> -> memref<80xi32, #tpu.memory_space<vmem>>
      %dma_start3A_506 = arith.constant 0 : i32
      %dma_start3A_507 = tpu.memref_slice %arg8[%dma_start3A_506] : memref<10240xf32, #tpu.memory_space<vmem_shared>> -> memref<10240xf32, #tpu.memory_space<vmem_shared>>
      tpu.enqueue_indirect_dma source(%arg6 : memref<80xf32, #tpu.memory_space<vmem>>) target(%dma_start3A_507 : memref<10240xf32, #tpu.memory_space<vmem_shared>>) offsets(%dma_start3A_505 : memref<80xi32, #tpu.memory_space<vmem>>) semaphore(%arg11 : memref<!tpu.dma_semaphore, #tpu.memory_space<semaphore_mem>>) {add = true}
      %dma_wait3A_508 = arith.constant 2 : i32
      %dma_wait3A_509 = arith.constant 0 : i32
      %dma_wait3A_510 = tpu.memref_slice %arg5[%dma_wait3A_508, %dma_wait3A_509] : memref<5x80xi32, #tpu.memory_space<vmem>> -> memref<1x80xi32, #tpu.memory_space<vmem>>
      %dma_wait3A_511 = tpu.memref_squeeze %dma_wait3A_510 : memref<1x80xi32, #tpu.memory_space<vmem>> -> memref<80xi32, #tpu.memory_space<vmem>>
      %dma_wait3A_512 = arith.constant 0 : i32
      %dma_wait3A_513 = tpu.memref_slice %arg8[%dma_wait3A_512] : memref<10240xf32, #tpu.memory_space<vmem_shared>> -> memref<10240xf32, #tpu.memory_space<vmem_shared>>
      tpu.wait_indirect_dma semaphore(%arg12 : memref<!tpu.dma_semaphore, #tpu.memory_space<semaphore_mem>>) src(%arg6 : memref<80xf32, #tpu.memory_space<vmem>>) dst(%dma_wait3A_513 : memref<10240xf32, #tpu.memory_space<vmem_shared>>)
      %add3A_514 = arith.constant 2 : i32
      %add3A_515 = arith.addi %add3A_349, %add3A_514 : i32
      %mul3A_516 = arith.constant 80 : i32
      %mul3A_517 = arith.muli %add3A_515, %mul3A_516 : i32
      %add3A_518 = arith.constant 0 : i32
      %add3A_519 = arith.addi %mul3A_517, %add3A_518 : i32
      %get3A_520 = arith.index_cast %add3A_519 : i32 to index
      %get3A_521 = tpu.vector_load %arg4[%get3A_520] {strides = array<i32>} : memref<10000xi32, #tpu.memory_space<vmem>>, vector<16xi32>,
      %get3A_522 = vector.shape_cast %get3A_521 : vector<16xi32> to vector<16xi32>
      %swap3A_523 = arith.constant 2 : i32
      %swap3A_524 = arith.index_cast %swap3A_523 : i32 to index
      %swap3A_525 = arith.constant 0 : index
      %swap3A_526 = tpu.vector_load %arg5[%swap3A_524, %swap3A_525] {strides = array<i32>} : memref<5x80xi32, #tpu.memory_space<vmem>>, vector<1x16xi32>,
      %swap3A_527 = vector.shape_cast %swap3A_526 : vector<1x16xi32> to vector<16xi32>
      %swap3A_528 = vector.shape_cast %get3A_522 : vector<16xi32> to vector<1x16xi32>
      tpu.vector_store %arg5[%swap3A_524, %swap3A_525], %swap3A_528 {strides = array<i32>} : memref<5x80xi32, #tpu.memory_space<vmem>>, vector<1x16xi32>,
      %mul3A_529 = arith.constant 80 : i32
      %mul3A_530 = arith.muli %add3A_515, %mul3A_529 : i32
      %add3A_531 = arith.constant 16 : i32
      %add3A_532 = arith.addi %mul3A_530, %add3A_531 : i32
      %get3A_533 = arith.index_cast %add3A_532 : i32 to index
      %get3A_534 = tpu.vector_load %arg4[%get3A_533] {strides = array<i32>} : memref<10000xi32, #tpu.memory_space<vmem>>, vector<16xi32>,
      %get3A_535 = vector.shape_cast %get3A_534 : vector<16xi32> to vector<16xi32>
      %swap3A_536 = arith.constant 2 : i32
      %swap3A_537 = arith.index_cast %swap3A_536 : i32 to index
      %swap3A_538 = arith.constant 16 : index
      %swap3A_539 = tpu.vector_load %arg5[%swap3A_537, %swap3A_538] {strides = array<i32>} : memref<5x80xi32, #tpu.memory_space<vmem>>, vector<1x16xi32>,
      %swap3A_540 = vector.shape_cast %swap3A_539 : vector<1x16xi32> to vector<16xi32>
      %swap3A_541 = vector.shape_cast %get3A_535 : vector<16xi32> to vector<1x16xi32>
      tpu.vector_store %arg5[%swap3A_537, %swap3A_538], %swap3A_541 {strides = array<i32>} : memref<5x80xi32, #tpu.memory_space<vmem>>, vector<1x16xi32>,
      %mul3A_542 = arith.constant 80 : i32
      %mul3A_543 = arith.muli %add3A_515, %mul3A_542 : i32
      %add3A_544 = arith.constant 32 : i32
      %add3A_545 = arith.addi %mul3A_543, %add3A_544 : i32
      %get3A_546 = arith.index_cast %add3A_545 : i32 to index
      %get3A_547 = tpu.vector_load %arg4[%get3A_546] {strides = array<i32>} : memref<10000xi32, #tpu.memory_space<vmem>>, vector<16xi32>,
      %get3A_548 = vector.shape_cast %get3A_547 : vector<16xi32> to vector<16xi32>
      %swap3A_549 = arith.constant 2 : i32
      %swap3A_550 = arith.index_cast %swap3A_549 : i32 to index
      %swap3A_551 = arith.constant 32 : index
      %swap3A_552 = tpu.vector_load %arg5[%swap3A_550, %swap3A_551] {strides = array<i32>} : memref<5x80xi32, #tpu.memory_space<vmem>>, vector<1x16xi32>,
      %swap3A_553 = vector.shape_cast %swap3A_552 : vector<1x16xi32> to vector<16xi32>
      %swap3A_554 = vector.shape_cast %get3A_548 : vector<16xi32> to vector<1x16xi32>
      tpu.vector_store %arg5[%swap3A_550, %swap3A_551], %swap3A_554 {strides = array<i32>} : memref<5x80xi32, #tpu.memory_space<vmem>>, vector<1x16xi32>,
      %mul3A_555 = arith.constant 80 : i32
      %mul3A_556 = arith.muli %add3A_515, %mul3A_555 : i32
      %add3A_557 = arith.constant 48 : i32
      %add3A_558 = arith.addi %mul3A_556, %add3A_557 : i32
      %get3A_559 = arith.index_cast %add3A_558 : i32 to index
      %get3A_560 = tpu.vector_load %arg4[%get3A_559] {strides = array<i32>} : memref<10000xi32, #tpu.memory_space<vmem>>, vector<16xi32>,
      %get3A_561 = vector.shape_cast %get3A_560 : vector<16xi32> to vector<16xi32>
      %swap3A_562 = arith.constant 2 : i32
      %swap3A_563 = arith.index_cast %swap3A_562 : i32 to index
      %swap3A_564 = arith.constant 48 : index
      %swap3A_565 = tpu.vector_load %arg5[%swap3A_563, %swap3A_564] {strides = array<i32>} : memref<5x80xi32, #tpu.memory_space<vmem>>, vector<1x16xi32>,
      %swap3A_566 = vector.shape_cast %swap3A_565 : vector<1x16xi32> to vector<16xi32>
      %swap3A_567 = vector.shape_cast %get3A_561 : vector<16xi32> to vector<1x16xi32>
      tpu.vector_store %arg5[%swap3A_563, %swap3A_564], %swap3A_567 {strides = array<i32>} : memref<5x80xi32, #tpu.memory_space<vmem>>, vector<1x16xi32>,
      %mul3A_568 = arith.constant 80 : i32
      %mul3A_569 = arith.muli %add3A_515, %mul3A_568 : i32
      %add3A_570 = arith.constant 64 : i32
      %add3A_571 = arith.addi %mul3A_569, %add3A_570 : i32
      %get3A_572 = arith.index_cast %add3A_571 : i32 to index
      %get3A_573 = tpu.vector_load %arg4[%get3A_572] {strides = array<i32>} : memref<10000xi32, #tpu.memory_space<vmem>>, vector<16xi32>,
      %get3A_574 = vector.shape_cast %get3A_573 : vector<16xi32> to vector<16xi32>
      %swap3A_575 = arith.constant 2 : i32
      %swap3A_576 = arith.index_cast %swap3A_575 : i32 to index
      %swap3A_577 = arith.constant 64 : index
      %swap3A_578 = tpu.vector_load %arg5[%swap3A_576, %swap3A_577] {strides = array<i32>} : memref<5x80xi32, #tpu.memory_space<vmem>>, vector<1x16xi32>,
      %swap3A_579 = vector.shape_cast %swap3A_578 : vector<1x16xi32> to vector<16xi32>
      %swap3A_580 = vector.shape_cast %get3A_574 : vector<16xi32> to vector<1x16xi32>
      tpu.vector_store %arg5[%swap3A_576, %swap3A_577], %swap3A_580 {strides = array<i32>} : memref<5x80xi32, #tpu.memory_space<vmem>>, vector<1x16xi32>,
      %dma_start3A_581 = arith.constant 2 : i32
      %dma_start3A_582 = arith.constant 0 : i32
      %dma_start3A_583 = tpu.memref_slice %arg5[%dma_start3A_581, %dma_start3A_582] : memref<5x80xi32, #tpu.memory_space<vmem>> -> memref<1x80xi32, #tpu.memory_space<vmem>>
      %dma_start3A_584 = tpu.memref_squeeze %dma_start3A_583 : memref<1x80xi32, #tpu.memory_space<vmem>> -> memref<80xi32, #tpu.memory_space<vmem>>
      %dma_start3A_585 = arith.constant 0 : i32
      %dma_start3A_586 = tpu.memref_slice %arg8[%dma_start3A_585] : memref<10240xf32, #tpu.memory_space<vmem_shared>> -> memref<10240xf32, #tpu.memory_space<vmem_shared>>
      tpu.enqueue_indirect_dma source(%arg6 : memref<80xf32, #tpu.memory_space<vmem>>) target(%dma_start3A_586 : memref<10240xf32, #tpu.memory_space<vmem_shared>>) offsets(%dma_start3A_584 : memref<80xi32, #tpu.memory_space<vmem>>) semaphore(%arg12 : memref<!tpu.dma_semaphore, #tpu.memory_space<semaphore_mem>>) {add = true}
      %dma_wait3A_587 = arith.constant 3 : i32
      %dma_wait3A_588 = arith.constant 0 : i32
      %dma_wait3A_589 = tpu.memref_slice %arg5[%dma_wait3A_587, %dma_wait3A_588] : memref<5x80xi32, #tpu.memory_space<vmem>> -> memref<1x80xi32, #tpu.memory_space<vmem>>
      %dma_wait3A_590 = tpu.memref_squeeze %dma_wait3A_589 : memref<1x80xi32, #tpu.memory_space<vmem>> -> memref<80xi32, #tpu.memory_space<vmem>>
      %dma_wait3A_591 = arith.constant 0 : i32
      %dma_wait3A_592 = tpu.memref_slice %arg8[%dma_wait3A_591] : memref<10240xf32, #tpu.memory_space<vmem_shared>> -> memref<10240xf32, #tpu.memory_space<vmem_shared>>
      tpu.wait_indirect_dma semaphore(%arg13 : memref<!tpu.dma_semaphore, #tpu.memory_space<semaphore_mem>>) src(%arg6 : memref<80xf32, #tpu.memory_space<vmem>>) dst(%dma_wait3A_592 : memref<10240xf32, #tpu.memory_space<vmem_shared>>)
      %add3A_593 = arith.constant 3 : i32
      %add3A_594 = arith.addi %add3A_349, %add3A_593 : i32
      %mul3A_595 = arith.constant 80 : i32
      %mul3A_596 = arith.muli %add3A_594, %mul3A_595 : i32
      %add3A_597 = arith.constant 0 : i32
      %add3A_598 = arith.addi %mul3A_596, %add3A_597 : i32
      %get3A_599 = arith.index_cast %add3A_598 : i32 to index
      %get3A_600 = tpu.vector_load %arg4[%get3A_599] {strides = array<i32>} : memref<10000xi32, #tpu.memory_space<vmem>>, vector<16xi32>,
      %get3A_601 = vector.shape_cast %get3A_600 : vector<16xi32> to vector<16xi32>
      %swap3A_602 = arith.constant 3 : i32
      %swap3A_603 = arith.index_cast %swap3A_602 : i32 to index
      %swap3A_604 = arith.constant 0 : index
      %swap3A_605 = tpu.vector_load %arg5[%swap3A_603, %swap3A_604] {strides = array<i32>} : memref<5x80xi32, #tpu.memory_space<vmem>>, vector<1x16xi32>,
      %swap3A_606 = vector.shape_cast %swap3A_605 : vector<1x16xi32> to vector<16xi32>
      %swap3A_607 = vector.shape_cast %get3A_601 : vector<16xi32> to vector<1x16xi32>
      tpu.vector_store %arg5[%swap3A_603, %swap3A_604], %swap3A_607 {strides = array<i32>} : memref<5x80xi32, #tpu.memory_space<vmem>>, vector<1x16xi32>,
      %mul3A_608 = arith.constant 80 : i32
      %mul3A_609 = arith.muli %add3A_594, %mul3A_608 : i32
      %add3A_610 = arith.constant 16 : i32
      %add3A_611 = arith.addi %mul3A_609, %add3A_610 : i32
      %get3A_612 = arith.index_cast %add3A_611 : i32 to index
      %get3A_613 = tpu.vector_load %arg4[%get3A_612] {strides = array<i32>} : memref<10000xi32, #tpu.memory_space<vmem>>, vector<16xi32>,
      %get3A_614 = vector.shape_cast %get3A_613 : vector<16xi32> to vector<16xi32>
      %swap3A_615 = arith.constant 3 : i32
      %swap3A_616 = arith.index_cast %swap3A_615 : i32 to index
      %swap3A_617 = arith.constant 16 : index
      %swap3A_618 = tpu.vector_load %arg5[%swap3A_616, %swap3A_617] {strides = array<i32>} : memref<5x80xi32, #tpu.memory_space<vmem>>, vector<1x16xi32>,
      %swap3A_619 = vector.shape_cast %swap3A_618 : vector<1x16xi32> to vector<16xi32>
      %swap3A_620 = vector.shape_cast %get3A_614 : vector<16xi32> to vector<1x16xi32>
      tpu.vector_store %arg5[%swap3A_616, %swap3A_617], %swap3A_620 {strides = array<i32>} : memref<5x80xi32, #tpu.memory_space<vmem>>, vector<1x16xi32>,
      %mul3A_621 = arith.constant 80 : i32
      %mul3A_622 = arith.muli %add3A_594, %mul3A_621 : i32
      %add3A_623 = arith.constant 32 : i32
      %add3A_624 = arith.addi %mul3A_622, %add3A_623 : i32
      %get3A_625 = arith.index_cast %add3A_624 : i32 to index
      %get3A_626 = tpu.vector_load %arg4[%get3A_625] {strides = array<i32>} : memref<10000xi32, #tpu.memory_space<vmem>>, vector<16xi32>,
      %get3A_627 = vector.shape_cast %get3A_626 : vector<16xi32> to vector<16xi32>
      %swap3A_628 = arith.constant 3 : i32
      %swap3A_629 = arith.index_cast %swap3A_628 : i32 to index
      %swap3A_630 = arith.constant 32 : index
      %swap3A_631 = tpu.vector_load %arg5[%swap3A_629, %swap3A_630] {strides = array<i32>} : memref<5x80xi32, #tpu.memory_space<vmem>>, vector<1x16xi32>,
      %swap3A_632 = vector.shape_cast %swap3A_631 : vector<1x16xi32> to vector<16xi32>
      %swap3A_633 = vector.shape_cast %get3A_627 : vector<16xi32> to vector<1x16xi32>
      tpu.vector_store %arg5[%swap3A_629, %swap3A_630], %swap3A_633 {strides = array<i32>} : memref<5x80xi32, #tpu.memory_space<vmem>>, vector<1x16xi32>,
      %mul3A_634 = arith.constant 80 : i32
      %mul3A_635 = arith.muli %add3A_594, %mul3A_634 : i32
      %add3A_636 = arith.constant 48 : i32
      %add3A_637 = arith.addi %mul3A_635, %add3A_636 : i32
      %get3A_638 = arith.index_cast %add3A_637 : i32 to index
      %get3A_639 = tpu.vector_load %arg4[%get3A_638] {strides = array<i32>} : memref<10000xi32, #tpu.memory_space<vmem>>, vector<16xi32>,
      %get3A_640 = vector.shape_cast %get3A_639 : vector<16xi32> to vector<16xi32>
      %swap3A_641 = arith.constant 3 : i32
      %swap3A_642 = arith.index_cast %swap3A_641 : i32 to index
      %swap3A_643 = arith.constant 48 : index
      %swap3A_644 = tpu.vector_load %arg5[%swap3A_642, %swap3A_643] {strides = array<i32>} : memref<5x80xi32, #tpu.memory_space<vmem>>, vector<1x16xi32>,
      %swap3A_645 = vector.shape_cast %swap3A_644 : vector<1x16xi32> to vector<16xi32>
      %swap3A_646 = vector.shape_cast %get3A_640 : vector<16xi32> to vector<1x16xi32>
      tpu.vector_store %arg5[%swap3A_642, %swap3A_643], %swap3A_646 {strides = array<i32>} : memref<5x80xi32, #tpu.memory_space<vmem>>, vector<1x16xi32>,
      %mul3A_647 = arith.constant 80 : i32
      %mul3A_648 = arith.muli %add3A_594, %mul3A_647 : i32
      %add3A_649 = arith.constant 64 : i32
      %add3A_650 = arith.addi %mul3A_648, %add3A_649 : i32
      %get3A_651 = arith.index_cast %add3A_650 : i32 to index
      %get3A_652 = tpu.vector_load %arg4[%get3A_651] {strides = array<i32>} : memref<10000xi32, #tpu.memory_space<vmem>>, vector<16xi32>,
      %get3A_653 = vector.shape_cast %get3A_652 : vector<16xi32> to vector<16xi32>
      %swap3A_654 = arith.constant 3 : i32
      %swap3A_655 = arith.index_cast %swap3A_654 : i32 to index
      %swap3A_656 = arith.constant 64 : index
      %swap3A_657 = tpu.vector_load %arg5[%swap3A_655, %swap3A_656] {strides = array<i32>} : memref<5x80xi32, #tpu.memory_space<vmem>>, vector<1x16xi32>,
      %swap3A_658 = vector.shape_cast %swap3A_657 : vector<1x16xi32> to vector<16xi32>
      %swap3A_659 = vector.shape_cast %get3A_653 : vector<16xi32> to vector<1x16xi32>
      tpu.vector_store %arg5[%swap3A_655, %swap3A_656], %swap3A_659 {strides = array<i32>} : memref<5x80xi32, #tpu.memory_space<vmem>>, vector<1x16xi32>,
      %dma_start3A_660 = arith.constant 3 : i32
      %dma_start3A_661 = arith.constant 0 : i32
      %dma_start3A_662 = tpu.memref_slice %arg5[%dma_start3A_660, %dma_start3A_661] : memref<5x80xi32, #tpu.memory_space<vmem>> -> memref<1x80xi32, #tpu.memory_space<vmem>>
      %dma_start3A_663 = tpu.memref_squeeze %dma_start3A_662 : memref<1x80xi32, #tpu.memory_space<vmem>> -> memref<80xi32, #tpu.memory_space<vmem>>
      %dma_start3A_664 = arith.constant 0 : i32
      %dma_start3A_665 = tpu.memref_slice %arg8[%dma_start3A_664] : memref<10240xf32, #tpu.memory_space<vmem_shared>> -> memref<10240xf32, #tpu.memory_space<vmem_shared>>
      tpu.enqueue_indirect_dma source(%arg6 : memref<80xf32, #tpu.memory_space<vmem>>) target(%dma_start3A_665 : memref<10240xf32, #tpu.memory_space<vmem_shared>>) offsets(%dma_start3A_663 : memref<80xi32, #tpu.memory_space<vmem>>) semaphore(%arg13 : memref<!tpu.dma_semaphore, #tpu.memory_space<semaphore_mem>>) {add = true}
      %dma_wait3A_666 = arith.constant 4 : i32
      %dma_wait3A_667 = arith.constant 0 : i32
      %dma_wait3A_668 = tpu.memref_slice %arg5[%dma_wait3A_666, %dma_wait3A_667] : memref<5x80xi32, #tpu.memory_space<vmem>> -> memref<1x80xi32, #tpu.memory_space<vmem>>
      %dma_wait3A_669 = tpu.memref_squeeze %dma_wait3A_668 : memref<1x80xi32, #tpu.memory_space<vmem>> -> memref<80xi32, #tpu.memory_space<vmem>>
      %dma_wait3A_670 = arith.constant 0 : i32
      %dma_wait3A_671 = tpu.memref_slice %arg8[%dma_wait3A_670] : memref<10240xf32, #tpu.memory_space<vmem_shared>> -> memref<10240xf32, #tpu.memory_space<vmem_shared>>
      tpu.wait_indirect_dma semaphore(%arg14 : memref<!tpu.dma_semaphore, #tpu.memory_space<semaphore_mem>>) src(%arg6 : memref<80xf32, #tpu.memory_space<vmem>>) dst(%dma_wait3A_671 : memref<10240xf32, #tpu.memory_space<vmem_shared>>)
      %add3A_672 = arith.constant 4 : i32
      %add3A_673 = arith.addi %add3A_349, %add3A_672 : i32
      %mul3A_674 = arith.constant 80 : i32
      %mul3A_675 = arith.muli %add3A_673, %mul3A_674 : i32
      %add3A_676 = arith.constant 0 : i32
      %add3A_677 = arith.addi %mul3A_675, %add3A_676 : i32
      %get3A_678 = arith.index_cast %add3A_677 : i32 to index
      %get3A_679 = tpu.vector_load %arg4[%get3A_678] {strides = array<i32>} : memref<10000xi32, #tpu.memory_space<vmem>>, vector<16xi32>,
      %get3A_680 = vector.shape_cast %get3A_679 : vector<16xi32> to vector<16xi32>
      %swap3A_681 = arith.constant 4 : i32
      %swap3A_682 = arith.index_cast %swap3A_681 : i32 to index
      %swap3A_683 = arith.constant 0 : index
      %swap3A_684 = tpu.vector_load %arg5[%swap3A_682, %swap3A_683] {strides = array<i32>} : memref<5x80xi32, #tpu.memory_space<vmem>>, vector<1x16xi32>,
      %swap3A_685 = vector.shape_cast %swap3A_684 : vector<1x16xi32> to vector<16xi32>
      %swap3A_686 = vector.shape_cast %get3A_680 : vector<16xi32> to vector<1x16xi32>
      tpu.vector_store %arg5[%swap3A_682, %swap3A_683], %swap3A_686 {strides = array<i32>} : memref<5x80xi32, #tpu.memory_space<vmem>>, vector<1x16xi32>,
      %mul3A_687 = arith.constant 80 : i32
      %mul3A_688 = arith.muli %add3A_673, %mul3A_687 : i32
      %add3A_689 = arith.constant 16 : i32
      %add3A_690 = arith.addi %mul3A_688, %add3A_689 : i32
      %get3A_691 = arith.index_cast %add3A_690 : i32 to index
      %get3A_692 = tpu.vector_load %arg4[%get3A_691] {strides = array<i32>} : memref<10000xi32, #tpu.memory_space<vmem>>, vector<16xi32>,
      %get3A_693 = vector.shape_cast %get3A_692 : vector<16xi32> to vector<16xi32>
      %swap3A_694 = arith.constant 4 : i32
      %swap3A_695 = arith.index_cast %swap3A_694 : i32 to index
      %swap3A_696 = arith.constant 16 : index
      %swap3A_697 = tpu.vector_load %arg5[%swap3A_695, %swap3A_696] {strides = array<i32>} : memref<5x80xi32, #tpu.memory_space<vmem>>, vector<1x16xi32>,
      %swap3A_698 = vector.shape_cast %swap3A_697 : vector<1x16xi32> to vector<16xi32>
      %swap3A_699 = vector.shape_cast %get3A_693 : vector<16xi32> to vector<1x16xi32>
      tpu.vector_store %arg5[%swap3A_695, %swap3A_696], %swap3A_699 {strides = array<i32>} : memref<5x80xi32, #tpu.memory_space<vmem>>, vector<1x16xi32>,
      %mul3A_700 = arith.constant 80 : i32
      %mul3A_701 = arith.muli %add3A_673, %mul3A_700 : i32
      %add3A_702 = arith.constant 32 : i32
      %add3A_703 = arith.addi %mul3A_701, %add3A_702 : i32
      %get3A_704 = arith.index_cast %add3A_703 : i32 to index
      %get3A_705 = tpu.vector_load %arg4[%get3A_704] {strides = array<i32>} : memref<10000xi32, #tpu.memory_space<vmem>>, vector<16xi32>,
      %get3A_706 = vector.shape_cast %get3A_705 : vector<16xi32> to vector<16xi32>
      %swap3A_707 = arith.constant 4 : i32
      %swap3A_708 = arith.index_cast %swap3A_707 : i32 to index
      %swap3A_709 = arith.constant 32 : index
      %swap3A_710 = tpu.vector_load %arg5[%swap3A_708, %swap3A_709] {strides = array<i32>} : memref<5x80xi32, #tpu.memory_space<vmem>>, vector<1x16xi32>,
      %swap3A_711 = vector.shape_cast %swap3A_710 : vector<1x16xi32> to vector<16xi32>
      %swap3A_712 = vector.shape_cast %get3A_706 : vector<16xi32> to vector<1x16xi32>
      tpu.vector_store %arg5[%swap3A_708, %swap3A_709], %swap3A_712 {strides = array<i32>} : memref<5x80xi32, #tpu.memory_space<vmem>>, vector<1x16xi32>,
      %mul3A_713 = arith.constant 80 : i32
      %mul3A_714 = arith.muli %add3A_673, %mul3A_713 : i32
      %add3A_715 = arith.constant 48 : i32
      %add3A_716 = arith.addi %mul3A_714, %add3A_715 : i32
      %get3A_717 = arith.index_cast %add3A_716 : i32 to index
      %get3A_718 = tpu.vector_load %arg4[%get3A_717] {strides = array<i32>} : memref<10000xi32, #tpu.memory_space<vmem>>, vector<16xi32>,
      %get3A_719 = vector.shape_cast %get3A_718 : vector<16xi32> to vector<16xi32>
      %swap3A_720 = arith.constant 4 : i32
      %swap3A_721 = arith.index_cast %swap3A_720 : i32 to index
      %swap3A_722 = arith.constant 48 : index
      %swap3A_723 = tpu.vector_load %arg5[%swap3A_721, %swap3A_722] {strides = array<i32>} : memref<5x80xi32, #tpu.memory_space<vmem>>, vector<1x16xi32>,
      %swap3A_724 = vector.shape_cast %swap3A_723 : vector<1x16xi32> to vector<16xi32>
      %swap3A_725 = vector.shape_cast %get3A_719 : vector<16xi32> to vector<1x16xi32>
      tpu.vector_store %arg5[%swap3A_721, %swap3A_722], %swap3A_725 {strides = array<i32>} : memref<5x80xi32, #tpu.memory_space<vmem>>, vector<1x16xi32>,
      %mul3A_726 = arith.constant 80 : i32
      %mul3A_727 = arith.muli %add3A_673, %mul3A_726 : i32
      %add3A_728 = arith.constant 64 : i32
      %add3A_729 = arith.addi %mul3A_727, %add3A_728 : i32
      %get3A_730 = arith.index_cast %add3A_729 : i32 to index
      %get3A_731 = tpu.vector_load %arg4[%get3A_730] {strides = array<i32>} : memref<10000xi32, #tpu.memory_space<vmem>>, vector<16xi32>,
      %get3A_732 = vector.shape_cast %get3A_731 : vector<16xi32> to vector<16xi32>
      %swap3A_733 = arith.constant 4 : i32
      %swap3A_734 = arith.index_cast %swap3A_733 : i32 to index
      %swap3A_735 = arith.constant 64 : index
      %swap3A_736 = tpu.vector_load %arg5[%swap3A_734, %swap3A_735] {strides = array<i32>} : memref<5x80xi32, #tpu.memory_space<vmem>>, vector<1x16xi32>,
      %swap3A_737 = vector.shape_cast %swap3A_736 : vector<1x16xi32> to vector<16xi32>
      %swap3A_738 = vector.shape_cast %get3A_732 : vector<16xi32> to vector<1x16xi32>
      tpu.vector_store %arg5[%swap3A_734, %swap3A_735], %swap3A_738 {strides = array<i32>} : memref<5x80xi32, #tpu.memory_space<vmem>>, vector<1x16xi32>,
      %dma_start3A_739 = arith.constant 4 : i32
      %dma_start3A_740 = arith.constant 0 : i32
      %dma_start3A_741 = tpu.memref_slice %arg5[%dma_start3A_739, %dma_start3A_740] : memref<5x80xi32, #tpu.memory_space<vmem>> -> memref<1x80xi32, #tpu.memory_space<vmem>>
      %dma_start3A_742 = tpu.memref_squeeze %dma_start3A_741 : memref<1x80xi32, #tpu.memory_space<vmem>> -> memref<80xi32, #tpu.memory_space<vmem>>
      %dma_start3A_743 = arith.constant 0 : i32
      %dma_start3A_744 = tpu.memref_slice %arg8[%dma_start3A_743] : memref<10240xf32, #tpu.memory_space<vmem_shared>> -> memref<10240xf32, #tpu.memory_space<vmem_shared>>
      tpu.enqueue_indirect_dma source(%arg6 : memref<80xf32, #tpu.memory_space<vmem>>) target(%dma_start3A_744 : memref<10240xf32, #tpu.memory_space<vmem_shared>>) offsets(%dma_start3A_742 : memref<80xi32, #tpu.memory_space<vmem>>) semaphore(%arg14 : memref<!tpu.dma_semaphore, #tpu.memory_space<semaphore_mem>>) {add = true}
    }
    %scan3A_306 = arith.constant 24 : i32
    %dma_wait3A_307 = arith.constant 0 : i32
    %dma_wait3A_308 = arith.constant 0 : i32
    %dma_wait3A_309 = tpu.memref_slice %arg5[%dma_wait3A_307, %dma_wait3A_308] : memref<5x80xi32, #tpu.memory_space<vmem>> -> memref<1x80xi32, #tpu.memory_space<vmem>>
    %dma_wait3A_310 = tpu.memref_squeeze %dma_wait3A_309 : memref<1x80xi32, #tpu.memory_space<vmem>> -> memref<80xi32, #tpu.memory_space<vmem>>
    %dma_wait3A_311 = arith.constant 0 : i32
    %dma_wait3A_312 = tpu.memref_slice %arg8[%dma_wait3A_311] : memref<10240xf32, #tpu.memory_space<vmem_shared>> -> memref<10240xf32, #tpu.memory_space<vmem_shared>>
    tpu.wait_indirect_dma semaphore(%arg10 : memref<!tpu.dma_semaphore, #tpu.memory_space<semaphore_mem>>) src(%arg6 : memref<80xf32, #tpu.memory_space<vmem>>) dst(%dma_wait3A_312 : memref<10240xf32, #tpu.memory_space<vmem_shared>>)
    %dma_wait3A_313 = arith.constant 1 : i32
    %dma_wait3A_314 = arith.constant 0 : i32
    %dma_wait3A_315 = tpu.memref_slice %arg5[%dma_wait3A_313, %dma_wait3A_314] : memref<5x80xi32, #tpu.memory_space<vmem>> -> memref<1x80xi32, #tpu.memory_space<vmem>>
    %dma_wait3A_316 = tpu.memref_squeeze %dma_wait3A_315 : memref<1x80xi32, #tpu.memory_space<vmem>> -> memref<80xi32, #tpu.memory_space<vmem>>
    %dma_wait3A_317 = arith.constant 0 : i32
    %dma_wait3A_318 = tpu.memref_slice %arg8[%dma_wait3A_317] : memref<10240xf32, #tpu.memory_space<vmem_shared>> -> memref<10240xf32, #tpu.memory_space<vmem_shared>>
    tpu.wait_indirect_dma semaphore(%arg11 : memref<!tpu.dma_semaphore, #tpu.memory_space<semaphore_mem>>) src(%arg6 : memref<80xf32, #tpu.memory_space<vmem>>) dst(%dma_wait3A_318 : memref<10240xf32, #tpu.memory_space<vmem_shared>>)
    %dma_wait3A_319 = arith.constant 2 : i32
    %dma_wait3A_320 = arith.constant 0 : i32
    %dma_wait3A_321 = tpu.memref_slice %arg5[%dma_wait3A_319, %dma_wait3A_320] : memref<5x80xi32, #tpu.memory_space<vmem>> -> memref<1x80xi32, #tpu.memory_space<vmem>>
    %dma_wait3A_322 = tpu.memref_squeeze %dma_wait3A_321 : memref<1x80xi32, #tpu.memory_space<vmem>> -> memref<80xi32, #tpu.memory_space<vmem>>
    %dma_wait3A_323 = arith.constant 0 : i32
    %dma_wait3A_324 = tpu.memref_slice %arg8[%dma_wait3A_323] : memref<10240xf32, #tpu.memory_space<vmem_shared>> -> memref<10240xf32, #tpu.memory_space<vmem_shared>>
    tpu.wait_indirect_dma semaphore(%arg12 : memref<!tpu.dma_semaphore, #tpu.memory_space<semaphore_mem>>) src(%arg6 : memref<80xf32, #tpu.memory_space<vmem>>) dst(%dma_wait3A_324 : memref<10240xf32, #tpu.memory_space<vmem_shared>>)
    %dma_wait3A_325 = arith.constant 3 : i32
    %dma_wait3A_326 = arith.constant 0 : i32
    %dma_wait3A_327 = tpu.memref_slice %arg5[%dma_wait3A_325, %dma_wait3A_326] : memref<5x80xi32, #tpu.memory_space<vmem>> -> memref<1x80xi32, #tpu.memory_space<vmem>>
    %dma_wait3A_328 = tpu.memref_squeeze %dma_wait3A_327 : memref<1x80xi32, #tpu.memory_space<vmem>> -> memref<80xi32, #tpu.memory_space<vmem>>
    %dma_wait3A_329 = arith.constant 0 : i32
    %dma_wait3A_330 = tpu.memref_slice %arg8[%dma_wait3A_329] : memref<10240xf32, #tpu.memory_space<vmem_shared>> -> memref<10240xf32, #tpu.memory_space<vmem_shared>>
    tpu.wait_indirect_dma semaphore(%arg13 : memref<!tpu.dma_semaphore, #tpu.memory_space<semaphore_mem>>) src(%arg6 : memref<80xf32, #tpu.memory_space<vmem>>) dst(%dma_wait3A_330 : memref<10240xf32, #tpu.memory_space<vmem_shared>>)
    %dma_wait3A_331 = arith.constant 4 : i32
    %dma_wait3A_332 = arith.constant 0 : i32
    %dma_wait3A_333 = tpu.memref_slice %arg5[%dma_wait3A_331, %dma_wait3A_332] : memref<5x80xi32, #tpu.memory_space<vmem>> -> memref<1x80xi32, #tpu.memory_space<vmem>>
    %dma_wait3A_334 = tpu.memref_squeeze %dma_wait3A_333 : memref<1x80xi32, #tpu.memory_space<vmem>> -> memref<80xi32, #tpu.memory_space<vmem>>
    %dma_wait3A_335 = arith.constant 0 : i32
    %dma_wait3A_336 = tpu.memref_slice %arg8[%dma_wait3A_335] : memref<10240xf32, #tpu.memory_space<vmem_shared>> -> memref<10240xf32, #tpu.memory_space<vmem_shared>>
    tpu.wait_indirect_dma semaphore(%arg14 : memref<!tpu.dma_semaphore, #tpu.memory_space<semaphore_mem>>) src(%arg6 : memref<80xf32, #tpu.memory_space<vmem>>) dst(%dma_wait3A_336 : memref<10240xf32, #tpu.memory_space<vmem_shared>>)
    %barrier3A_337 = arith.constant 0 : index
    tpu.barrier barrier_id(%barrier3A_337)
    %mul3A_338 = arith.constant 640 : i32
    %mul3A_339 = arith.muli %arg1, %mul3A_338 : i32
    %mul3A_340 = arith.constant 10240 : i32
    %mul3A_341 = arith.muli %arg0, %mul3A_340 : i32
    %mul3A_342 = arith.constant 640 : i32
    %mul3A_343 = arith.muli %arg1, %mul3A_342 : i32
    %add3A_344 = arith.addi %mul3A_341, %mul3A_343 : i32
    "tpu.region"() ({
      %run_scoped3A = tpu.sem_alloc : memref<!tpu.dma_semaphore, #tpu.memory_space<semaphore_mem>>
      %dma_start3A_345 = tpu.memref_slice %arg3[%add3A_344] : memref<20480xf32, #tpu.memory_space<hbm>> -> memref<640xf32, #tpu.memory_space<hbm>>
      %dma_start3A_346 = tpu.memref_slice %arg8[%mul3A_339] : memref<10240xf32, #tpu.memory_space<vmem_shared>> -> memref<640xf32, #tpu.memory_space<vmem_shared>>
      tpu.enqueue_dma source(%dma_start3A_346 : memref<640xf32, #tpu.memory_space<vmem_shared>>) target(%dma_start3A_345 : memref<640xf32, #tpu.memory_space<hbm>>) target_semaphore(%run_scoped3A : memref<!tpu.dma_semaphore, #tpu.memory_space<semaphore_mem>>)
      %dma_wait3A_347 = tpu.memref_slice %arg3[%add3A_344] : memref<20480xf32, #tpu.memory_space<hbm>> -> memref<640xf32, #tpu.memory_space<hbm>>
      %dma_wait3A_348 = tpu.memref_slice %arg8[%mul3A_339] : memref<10240xf32, #tpu.memory_space<vmem_shared>> -> memref<640xf32, #tpu.memory_space<vmem_shared>>
      tpu.wait_dma2 semaphore(%run_scoped3A : memref<!tpu.dma_semaphore, #tpu.memory_space<semaphore_mem>>) src(%dma_wait3A_348 : memref<640xf32, #tpu.memory_space<vmem_shared>>) dst(%dma_wait3A_347 : memref<640xf32, #tpu.memory_space<hbm>>)
      tpu.yield
    }) : () -> ()
    return
  }
}

#map = affine_map<(d0, d1) -> (0, 0)>
#map1 = affine_map<(d0, d1) -> (0)>
module attributes {stable_mosaic.version = 14 : i64} {
  func.func @_agg_kernel(%arg0: i32, %arg1: i32, %arg2: memref<10000x128xf32, #tpu.memory_space<hbm>>, %arg3: memref<640000xi32, #tpu.memory_space<hbm>>, %arg4: memref<20480x128xf32, #tpu.memory_space<hbm>>, %arg5: memref<4x64xi32, #tpu.memory_space<vmem>>, %arg6: memref<4x64xi32, #tpu.memory_space<vmem>>, %arg7: memref<4x64x128xf32, #tpu.memory_space<vmem>>, %arg8: memref<10240x128xf32, #tpu.memory_space<vmem_shared>>, %arg9: memref<!tpu.dma_semaphore, #tpu.memory_space<semaphore_mem>>, %arg10: memref<!tpu.dma_semaphore, #tpu.memory_space<semaphore_mem>>, %arg11: memref<!tpu.dma_semaphore, #tpu.memory_space<semaphore_mem>>, %arg12: memref<!tpu.dma_semaphore, #tpu.memory_space<semaphore_mem>>, %arg13: memref<!tpu.dma_semaphore, #tpu.memory_space<semaphore_mem>>, %arg14: memref<!tpu.dma_semaphore, #tpu.memory_space<semaphore_mem>>, %arg15: memref<!tpu.dma_semaphore, #tpu.memory_space<semaphore_mem>>, %arg16: memref<!tpu.dma_semaphore, #tpu.memory_space<semaphore_mem>>, %arg17: memref<!tpu.dma_semaphore, #tpu.memory_space<semaphore_mem>>, %arg18: memref<!tpu.dma_semaphore, #tpu.memory_space<semaphore_mem>>, %arg19: memref<!tpu.dma_semaphore, #tpu.memory_space<semaphore_mem>>, %arg20: memref<!tpu.dma_semaphore, #tpu.memory_space<semaphore_mem>>, %arg21: memref<!tpu.dma_semaphore, #tpu.memory_space<semaphore_mem>>, %arg22: memref<!tpu.dma_semaphore, #tpu.memory_space<semaphore_mem>>, %arg23: memref<!tpu.dma_semaphore, #tpu.memory_space<semaphore_mem>>, %arg24: memref<!tpu.dma_semaphore, #tpu.memory_space<semaphore_mem>>) attributes {dimension_semantics = [#tpu.dimension_semantics<core_parallel>, #tpu.dimension_semantics<subcore_parallel>], iteration_bounds = array<i64: 2, 16>, scalar_prefetch = 0 : i64, scratch_operands = 20 : i64, tpu.core_type = #tpu.core_type<sc_vector_subcore>, window_params = [{transform_indices = #map}, {transform_indices = #map1}, {transform_indices = #map}]} {
    %mul3A = arith.constant 16 : i32
    %mul3A_0 = arith.muli %arg0, %mul3A : i32
    %add3A = arith.addi %mul3A_0, %arg1 : i32
    %lt3A = arith.constant 8 : i32
    %lt3A_1 = arith.cmpi slt, %add3A, %lt3A : i32
    %jit3A = arith.constant 157 : i32
    %jit3A_2 = arith.constant 156 : i32
    %select_n3A = arith.select %lt3A_1, %jit3A, %jit3A_2 : i32
    %add3A_3 = arith.constant 0 : i32
    %add3A_4 = arith.addi %add3A, %add3A_3 : i32
    %mul3A_5 = arith.constant 64 : i32
    %mul3A_6 = arith.muli %add3A_4, %mul3A_5 : i32
    %dma_start3A = arith.constant 0 : i32
    %dma_start3A_7 = arith.constant 0 : i32
    %dma_start3A_8 = tpu.memref_slice %arg5[%dma_start3A, %dma_start3A_7] : memref<4x64xi32, #tpu.memory_space<vmem>> -> memref<1x64xi32, #tpu.memory_space<vmem>>
    %dma_start3A_9 = tpu.memref_squeeze %dma_start3A_8 : memref<1x64xi32, #tpu.memory_space<vmem>> -> memref<64xi32, #tpu.memory_space<vmem>>
    %dma_start3A_10 = tpu.memref_slice %arg3[%mul3A_6] : memref<640000xi32, #tpu.memory_space<hbm>> -> memref<64xi32, #tpu.memory_space<hbm>>
    %dma_start3A_11 = arith.constant 0 : i32
    %dma_start3A_12 = tpu.memref_slice %arg5[%dma_start3A, %dma_start3A_11] : memref<4x64xi32, #tpu.memory_space<vmem>> -> memref<1x64xi32, #tpu.memory_space<vmem>>
    %dma_start3A_13 = tpu.memref_squeeze %dma_start3A_12 : memref<1x64xi32, #tpu.memory_space<vmem>> -> memref<64xi32, #tpu.memory_space<vmem>>
    %dma_start3A_14 = tpu.memref_slice %arg3[%mul3A_6] : memref<640000xi32, #tpu.memory_space<hbm>> -> memref<64xi32, #tpu.memory_space<hbm>>
    tpu.enqueue_dma source(%dma_start3A_14 : memref<64xi32, #tpu.memory_space<hbm>>) target(%dma_start3A_13 : memref<64xi32, #tpu.memory_space<vmem>>) target_semaphore(%arg9 : memref<!tpu.dma_semaphore, #tpu.memory_space<semaphore_mem>>)
    %add3A_15 = arith.constant 0 : i32
    %add3A_16 = arith.addi %add3A, %add3A_15 : i32
    %mul3A_17 = arith.constant 64 : i32
    %mul3A_18 = arith.muli %add3A_16, %mul3A_17 : i32
    %add3A_19 = arith.constant 320000 : i32
    %add3A_20 = arith.addi %add3A_19, %mul3A_18 : i32
    %dma_start3A_21 = arith.constant 0 : i32
    %dma_start3A_22 = arith.constant 0 : i32
    %dma_start3A_23 = tpu.memref_slice %arg6[%dma_start3A_21, %dma_start3A_22] : memref<4x64xi32, #tpu.memory_space<vmem>> -> memref<1x64xi32, #tpu.memory_space<vmem>>
    %dma_start3A_24 = tpu.memref_squeeze %dma_start3A_23 : memref<1x64xi32, #tpu.memory_space<vmem>> -> memref<64xi32, #tpu.memory_space<vmem>>
    %dma_start3A_25 = tpu.memref_slice %arg3[%add3A_20] : memref<640000xi32, #tpu.memory_space<hbm>> -> memref<64xi32, #tpu.memory_space<hbm>>
    %dma_start3A_26 = arith.constant 0 : i32
    %dma_start3A_27 = tpu.memref_slice %arg6[%dma_start3A_21, %dma_start3A_26] : memref<4x64xi32, #tpu.memory_space<vmem>> -> memref<1x64xi32, #tpu.memory_space<vmem>>
    %dma_start3A_28 = tpu.memref_squeeze %dma_start3A_27 : memref<1x64xi32, #tpu.memory_space<vmem>> -> memref<64xi32, #tpu.memory_space<vmem>>
    %dma_start3A_29 = tpu.memref_slice %arg3[%add3A_20] : memref<640000xi32, #tpu.memory_space<hbm>> -> memref<64xi32, #tpu.memory_space<hbm>>
    tpu.enqueue_dma source(%dma_start3A_29 : memref<64xi32, #tpu.memory_space<hbm>>) target(%dma_start3A_28 : memref<64xi32, #tpu.memory_space<vmem>>) target_semaphore(%arg13 : memref<!tpu.dma_semaphore, #tpu.memory_space<semaphore_mem>>)
    %add3A_30 = arith.constant 32 : i32
    %add3A_31 = arith.addi %add3A, %add3A_30 : i32
    %mul3A_32 = arith.constant 64 : i32
    %mul3A_33 = arith.muli %add3A_31, %mul3A_32 : i32
    %dma_start3A_34 = arith.constant 1 : i32
    %dma_start3A_35 = arith.constant 0 : i32
    %dma_start3A_36 = tpu.memref_slice %arg5[%dma_start3A_34, %dma_start3A_35] : memref<4x64xi32, #tpu.memory_space<vmem>> -> memref<1x64xi32, #tpu.memory_space<vmem>>
    %dma_start3A_37 = tpu.memref_squeeze %dma_start3A_36 : memref<1x64xi32, #tpu.memory_space<vmem>> -> memref<64xi32, #tpu.memory_space<vmem>>
    %dma_start3A_38 = tpu.memref_slice %arg3[%mul3A_33] : memref<640000xi32, #tpu.memory_space<hbm>> -> memref<64xi32, #tpu.memory_space<hbm>>
    %dma_start3A_39 = arith.constant 0 : i32
    %dma_start3A_40 = tpu.memref_slice %arg5[%dma_start3A_34, %dma_start3A_39] : memref<4x64xi32, #tpu.memory_space<vmem>> -> memref<1x64xi32, #tpu.memory_space<vmem>>
    %dma_start3A_41 = tpu.memref_squeeze %dma_start3A_40 : memref<1x64xi32, #tpu.memory_space<vmem>> -> memref<64xi32, #tpu.memory_space<vmem>>
    %dma_start3A_42 = tpu.memref_slice %arg3[%mul3A_33] : memref<640000xi32, #tpu.memory_space<hbm>> -> memref<64xi32, #tpu.memory_space<hbm>>
    tpu.enqueue_dma source(%dma_start3A_42 : memref<64xi32, #tpu.memory_space<hbm>>) target(%dma_start3A_41 : memref<64xi32, #tpu.memory_space<vmem>>) target_semaphore(%arg10 : memref<!tpu.dma_semaphore, #tpu.memory_space<semaphore_mem>>)
    %add3A_43 = arith.constant 32 : i32
    %add3A_44 = arith.addi %add3A, %add3A_43 : i32
    %mul3A_45 = arith.constant 64 : i32
    %mul3A_46 = arith.muli %add3A_44, %mul3A_45 : i32
    %add3A_47 = arith.constant 320000 : i32
    %add3A_48 = arith.addi %add3A_47, %mul3A_46 : i32
    %dma_start3A_49 = arith.constant 1 : i32
    %dma_start3A_50 = arith.constant 0 : i32
    %dma_start3A_51 = tpu.memref_slice %arg6[%dma_start3A_49, %dma_start3A_50] : memref<4x64xi32, #tpu.memory_space<vmem>> -> memref<1x64xi32, #tpu.memory_space<vmem>>
    %dma_start3A_52 = tpu.memref_squeeze %dma_start3A_51 : memref<1x64xi32, #tpu.memory_space<vmem>> -> memref<64xi32, #tpu.memory_space<vmem>>
    %dma_start3A_53 = tpu.memref_slice %arg3[%add3A_48] : memref<640000xi32, #tpu.memory_space<hbm>> -> memref<64xi32, #tpu.memory_space<hbm>>
    %dma_start3A_54 = arith.constant 0 : i32
    %dma_start3A_55 = tpu.memref_slice %arg6[%dma_start3A_49, %dma_start3A_54] : memref<4x64xi32, #tpu.memory_space<vmem>> -> memref<1x64xi32, #tpu.memory_space<vmem>>
    %dma_start3A_56 = tpu.memref_squeeze %dma_start3A_55 : memref<1x64xi32, #tpu.memory_space<vmem>> -> memref<64xi32, #tpu.memory_space<vmem>>
    %dma_start3A_57 = tpu.memref_slice %arg3[%add3A_48] : memref<640000xi32, #tpu.memory_space<hbm>> -> memref<64xi32, #tpu.memory_space<hbm>>
    tpu.enqueue_dma source(%dma_start3A_57 : memref<64xi32, #tpu.memory_space<hbm>>) target(%dma_start3A_56 : memref<64xi32, #tpu.memory_space<vmem>>) target_semaphore(%arg14 : memref<!tpu.dma_semaphore, #tpu.memory_space<semaphore_mem>>)
    %add3A_58 = arith.constant 64 : i32
    %add3A_59 = arith.addi %add3A, %add3A_58 : i32
    %mul3A_60 = arith.constant 64 : i32
    %mul3A_61 = arith.muli %add3A_59, %mul3A_60 : i32
    %dma_start3A_62 = arith.constant 2 : i32
    %dma_start3A_63 = arith.constant 0 : i32
    %dma_start3A_64 = tpu.memref_slice %arg5[%dma_start3A_62, %dma_start3A_63] : memref<4x64xi32, #tpu.memory_space<vmem>> -> memref<1x64xi32, #tpu.memory_space<vmem>>
    %dma_start3A_65 = tpu.memref_squeeze %dma_start3A_64 : memref<1x64xi32, #tpu.memory_space<vmem>> -> memref<64xi32, #tpu.memory_space<vmem>>
    %dma_start3A_66 = tpu.memref_slice %arg3[%mul3A_61] : memref<640000xi32, #tpu.memory_space<hbm>> -> memref<64xi32, #tpu.memory_space<hbm>>
    %dma_start3A_67 = arith.constant 0 : i32
    %dma_start3A_68 = tpu.memref_slice %arg5[%dma_start3A_62, %dma_start3A_67] : memref<4x64xi32, #tpu.memory_space<vmem>> -> memref<1x64xi32, #tpu.memory_space<vmem>>
    %dma_start3A_69 = tpu.memref_squeeze %dma_start3A_68 : memref<1x64xi32, #tpu.memory_space<vmem>> -> memref<64xi32, #tpu.memory_space<vmem>>
    %dma_start3A_70 = tpu.memref_slice %arg3[%mul3A_61] : memref<640000xi32, #tpu.memory_space<hbm>> -> memref<64xi32, #tpu.memory_space<hbm>>
    tpu.enqueue_dma source(%dma_start3A_70 : memref<64xi32, #tpu.memory_space<hbm>>) target(%dma_start3A_69 : memref<64xi32, #tpu.memory_space<vmem>>) target_semaphore(%arg11 : memref<!tpu.dma_semaphore, #tpu.memory_space<semaphore_mem>>)
    %add3A_71 = arith.constant 64 : i32
    %add3A_72 = arith.addi %add3A, %add3A_71 : i32
    %mul3A_73 = arith.constant 64 : i32
    %mul3A_74 = arith.muli %add3A_72, %mul3A_73 : i32
    %add3A_75 = arith.constant 320000 : i32
    %add3A_76 = arith.addi %add3A_75, %mul3A_74 : i32
    %dma_start3A_77 = arith.constant 2 : i32
    %dma_start3A_78 = arith.constant 0 : i32
    %dma_start3A_79 = tpu.memref_slice %arg6[%dma_start3A_77, %dma_start3A_78] : memref<4x64xi32, #tpu.memory_space<vmem>> -> memref<1x64xi32, #tpu.memory_space<vmem>>
    %dma_start3A_80 = tpu.memref_squeeze %dma_start3A_79 : memref<1x64xi32, #tpu.memory_space<vmem>> -> memref<64xi32, #tpu.memory_space<vmem>>
    %dma_start3A_81 = tpu.memref_slice %arg3[%add3A_76] : memref<640000xi32, #tpu.memory_space<hbm>> -> memref<64xi32, #tpu.memory_space<hbm>>
    %dma_start3A_82 = arith.constant 0 : i32
    %dma_start3A_83 = tpu.memref_slice %arg6[%dma_start3A_77, %dma_start3A_82] : memref<4x64xi32, #tpu.memory_space<vmem>> -> memref<1x64xi32, #tpu.memory_space<vmem>>
    %dma_start3A_84 = tpu.memref_squeeze %dma_start3A_83 : memref<1x64xi32, #tpu.memory_space<vmem>> -> memref<64xi32, #tpu.memory_space<vmem>>
    %dma_start3A_85 = tpu.memref_slice %arg3[%add3A_76] : memref<640000xi32, #tpu.memory_space<hbm>> -> memref<64xi32, #tpu.memory_space<hbm>>
    tpu.enqueue_dma source(%dma_start3A_85 : memref<64xi32, #tpu.memory_space<hbm>>) target(%dma_start3A_84 : memref<64xi32, #tpu.memory_space<vmem>>) target_semaphore(%arg15 : memref<!tpu.dma_semaphore, #tpu.memory_space<semaphore_mem>>)
    %add3A_86 = arith.constant 96 : i32
    %add3A_87 = arith.addi %add3A, %add3A_86 : i32
    %mul3A_88 = arith.constant 64 : i32
    %mul3A_89 = arith.muli %add3A_87, %mul3A_88 : i32
    %dma_start3A_90 = arith.constant 3 : i32
    %dma_start3A_91 = arith.constant 0 : i32
    %dma_start3A_92 = tpu.memref_slice %arg5[%dma_start3A_90, %dma_start3A_91] : memref<4x64xi32, #tpu.memory_space<vmem>> -> memref<1x64xi32, #tpu.memory_space<vmem>>
    %dma_start3A_93 = tpu.memref_squeeze %dma_start3A_92 : memref<1x64xi32, #tpu.memory_space<vmem>> -> memref<64xi32, #tpu.memory_space<vmem>>
    %dma_start3A_94 = tpu.memref_slice %arg3[%mul3A_89] : memref<640000xi32, #tpu.memory_space<hbm>> -> memref<64xi32, #tpu.memory_space<hbm>>
    %dma_start3A_95 = arith.constant 0 : i32
    %dma_start3A_96 = tpu.memref_slice %arg5[%dma_start3A_90, %dma_start3A_95] : memref<4x64xi32, #tpu.memory_space<vmem>> -> memref<1x64xi32, #tpu.memory_space<vmem>>
    %dma_start3A_97 = tpu.memref_squeeze %dma_start3A_96 : memref<1x64xi32, #tpu.memory_space<vmem>> -> memref<64xi32, #tpu.memory_space<vmem>>
    %dma_start3A_98 = tpu.memref_slice %arg3[%mul3A_89] : memref<640000xi32, #tpu.memory_space<hbm>> -> memref<64xi32, #tpu.memory_space<hbm>>
    tpu.enqueue_dma source(%dma_start3A_98 : memref<64xi32, #tpu.memory_space<hbm>>) target(%dma_start3A_97 : memref<64xi32, #tpu.memory_space<vmem>>) target_semaphore(%arg12 : memref<!tpu.dma_semaphore, #tpu.memory_space<semaphore_mem>>)
    %add3A_99 = arith.constant 96 : i32
    %add3A_100 = arith.addi %add3A, %add3A_99 : i32
    %mul3A_101 = arith.constant 64 : i32
    %mul3A_102 = arith.muli %add3A_100, %mul3A_101 : i32
    %add3A_103 = arith.constant 320000 : i32
    %add3A_104 = arith.addi %add3A_103, %mul3A_102 : i32
    %dma_start3A_105 = arith.constant 3 : i32
    %dma_start3A_106 = arith.constant 0 : i32
    %dma_start3A_107 = tpu.memref_slice %arg6[%dma_start3A_105, %dma_start3A_106] : memref<4x64xi32, #tpu.memory_space<vmem>> -> memref<1x64xi32, #tpu.memory_space<vmem>>
    %dma_start3A_108 = tpu.memref_squeeze %dma_start3A_107 : memref<1x64xi32, #tpu.memory_space<vmem>> -> memref<64xi32, #tpu.memory_space<vmem>>
    %dma_start3A_109 = tpu.memref_slice %arg3[%add3A_104] : memref<640000xi32, #tpu.memory_space<hbm>> -> memref<64xi32, #tpu.memory_space<hbm>>
    %dma_start3A_110 = arith.constant 0 : i32
    %dma_start3A_111 = tpu.memref_slice %arg6[%dma_start3A_105, %dma_start3A_110] : memref<4x64xi32, #tpu.memory_space<vmem>> -> memref<1x64xi32, #tpu.memory_space<vmem>>
    %dma_start3A_112 = tpu.memref_squeeze %dma_start3A_111 : memref<1x64xi32, #tpu.memory_space<vmem>> -> memref<64xi32, #tpu.memory_space<vmem>>
    %dma_start3A_113 = tpu.memref_slice %arg3[%add3A_104] : memref<640000xi32, #tpu.memory_space<hbm>> -> memref<64xi32, #tpu.memory_space<hbm>>
    tpu.enqueue_dma source(%dma_start3A_113 : memref<64xi32, #tpu.memory_space<hbm>>) target(%dma_start3A_112 : memref<64xi32, #tpu.memory_space<vmem>>) target_semaphore(%arg16 : memref<!tpu.dma_semaphore, #tpu.memory_space<semaphore_mem>>)
    %broadcast_in_dim3A = arith.constant 0.000000e+00 : f32
    %broadcast_in_dim3A_114 = vector.broadcast %broadcast_in_dim3A : f32 to vector<16xf32>
    %scan3A = arith.constant 0 : i32
    %scan3A_115 = arith.constant 64 : i32
    %scan3A_116 = arith.addi %scan3A, %scan3A_115 : i32
    %scan3A_117 = arith.constant 1 : i32
    scf.for %scan3A_287 = %scan3A to %scan3A_116 step %scan3A_117  : i32 {
      %mul3A_288 = arith.constant 1 : i32
      %mul3A_289 = arith.muli %scan3A_287, %mul3A_288 : i32
      %add3A_290 = arith.constant 0 : i32
      %add3A_291 = arith.addi %add3A_290, %mul3A_289 : i32
      %swap3A = arith.constant 0 : i32
      %swap3A_292 = arith.index_cast %swap3A : i32 to index
      %swap3A_293 = arith.index_cast %add3A_291 : i32 to index
      %swap3A_294 = arith.constant 0 : index
      %swap3A_295 = tpu.vector_load %arg7[%swap3A_292, %swap3A_293, %swap3A_294] {strides = array<i32>} : memref<4x64x128xf32, #tpu.memory_space<vmem>>, vector<1x1x16xf32>,
      %swap3A_296 = vector.shape_cast %swap3A_295 : vector<1x1x16xf32> to vector<16xf32>
      %swap3A_297 = vector.shape_cast %broadcast_in_dim3A_114 : vector<16xf32> to vector<1x1x16xf32>
      tpu.vector_store %arg7[%swap3A_292, %swap3A_293, %swap3A_294], %swap3A_297 {strides = array<i32>} : memref<4x64x128xf32, #tpu.memory_space<vmem>>, vector<1x1x16xf32>,
      %swap3A_298 = arith.constant 0 : i32
      %swap3A_299 = arith.index_cast %swap3A_298 : i32 to index
      %swap3A_300 = arith.index_cast %add3A_291 : i32 to index
      %swap3A_301 = arith.constant 16 : index
      %swap3A_302 = tpu.vector_load %arg7[%swap3A_299, %swap3A_300, %swap3A_301] {strides = array<i32>} : memref<4x64x128xf32, #tpu.memory_space<vmem>>, vector<1x1x16xf32>,
      %swap3A_303 = vector.shape_cast %swap3A_302 : vector<1x1x16xf32> to vector<16xf32>
      %swap3A_304 = vector.shape_cast %broadcast_in_dim3A_114 : vector<16xf32> to vector<1x1x16xf32>
      tpu.vector_store %arg7[%swap3A_299, %swap3A_300, %swap3A_301], %swap3A_304 {strides = array<i32>} : memref<4x64x128xf32, #tpu.memory_space<vmem>>, vector<1x1x16xf32>,
      %swap3A_305 = arith.constant 0 : i32
      %swap3A_306 = arith.index_cast %swap3A_305 : i32 to index
      %swap3A_307 = arith.index_cast %add3A_291 : i32 to index
      %swap3A_308 = arith.constant 32 : index
      %swap3A_309 = tpu.vector_load %arg7[%swap3A_306, %swap3A_307, %swap3A_308] {strides = array<i32>} : memref<4x64x128xf32, #tpu.memory_space<vmem>>, vector<1x1x16xf32>,
      %swap3A_310 = vector.shape_cast %swap3A_309 : vector<1x1x16xf32> to vector<16xf32>
      %swap3A_311 = vector.shape_cast %broadcast_in_dim3A_114 : vector<16xf32> to vector<1x1x16xf32>
      tpu.vector_store %arg7[%swap3A_306, %swap3A_307, %swap3A_308], %swap3A_311 {strides = array<i32>} : memref<4x64x128xf32, #tpu.memory_space<vmem>>, vector<1x1x16xf32>,
      %swap3A_312 = arith.constant 0 : i32
      %swap3A_313 = arith.index_cast %swap3A_312 : i32 to index
      %swap3A_314 = arith.index_cast %add3A_291 : i32 to index
      %swap3A_315 = arith.constant 48 : index
      %swap3A_316 = tpu.vector_load %arg7[%swap3A_313, %swap3A_314, %swap3A_315] {strides = array<i32>} : memref<4x64x128xf32, #tpu.memory_space<vmem>>, vector<1x1x16xf32>,
      %swap3A_317 = vector.shape_cast %swap3A_316 : vector<1x1x16xf32> to vector<16xf32>
      %swap3A_318 = vector.shape_cast %broadcast_in_dim3A_114 : vector<16xf32> to vector<1x1x16xf32>
      tpu.vector_store %arg7[%swap3A_313, %swap3A_314, %swap3A_315], %swap3A_318 {strides = array<i32>} : memref<4x64x128xf32, #tpu.memory_space<vmem>>, vector<1x1x16xf32>,
      %swap3A_319 = arith.constant 0 : i32
      %swap3A_320 = arith.index_cast %swap3A_319 : i32 to index
      %swap3A_321 = arith.index_cast %add3A_291 : i32 to index
      %swap3A_322 = arith.constant 64 : index
      %swap3A_323 = tpu.vector_load %arg7[%swap3A_320, %swap3A_321, %swap3A_322] {strides = array<i32>} : memref<4x64x128xf32, #tpu.memory_space<vmem>>, vector<1x1x16xf32>,
      %swap3A_324 = vector.shape_cast %swap3A_323 : vector<1x1x16xf32> to vector<16xf32>
      %swap3A_325 = vector.shape_cast %broadcast_in_dim3A_114 : vector<16xf32> to vector<1x1x16xf32>
      tpu.vector_store %arg7[%swap3A_320, %swap3A_321, %swap3A_322], %swap3A_325 {strides = array<i32>} : memref<4x64x128xf32, #tpu.memory_space<vmem>>, vector<1x1x16xf32>,
      %swap3A_326 = arith.constant 0 : i32
      %swap3A_327 = arith.index_cast %swap3A_326 : i32 to index
      %swap3A_328 = arith.index_cast %add3A_291 : i32 to index
      %swap3A_329 = arith.constant 80 : index
      %swap3A_330 = tpu.vector_load %arg7[%swap3A_327, %swap3A_328, %swap3A_329] {strides = array<i32>} : memref<4x64x128xf32, #tpu.memory_space<vmem>>, vector<1x1x16xf32>,
      %swap3A_331 = vector.shape_cast %swap3A_330 : vector<1x1x16xf32> to vector<16xf32>
      %swap3A_332 = vector.shape_cast %broadcast_in_dim3A_114 : vector<16xf32> to vector<1x1x16xf32>
      tpu.vector_store %arg7[%swap3A_327, %swap3A_328, %swap3A_329], %swap3A_332 {strides = array<i32>} : memref<4x64x128xf32, #tpu.memory_space<vmem>>, vector<1x1x16xf32>,
      %swap3A_333 = arith.constant 0 : i32
      %swap3A_334 = arith.index_cast %swap3A_333 : i32 to index
      %swap3A_335 = arith.index_cast %add3A_291 : i32 to index
      %swap3A_336 = arith.constant 96 : index
      %swap3A_337 = tpu.vector_load %arg7[%swap3A_334, %swap3A_335, %swap3A_336] {strides = array<i32>} : memref<4x64x128xf32, #tpu.memory_space<vmem>>, vector<1x1x16xf32>,
      %swap3A_338 = vector.shape_cast %swap3A_337 : vector<1x1x16xf32> to vector<16xf32>
      %swap3A_339 = vector.shape_cast %broadcast_in_dim3A_114 : vector<16xf32> to vector<1x1x16xf32>
      tpu.vector_store %arg7[%swap3A_334, %swap3A_335, %swap3A_336], %swap3A_339 {strides = array<i32>} : memref<4x64x128xf32, #tpu.memory_space<vmem>>, vector<1x1x16xf32>,
      %swap3A_340 = arith.constant 0 : i32
      %swap3A_341 = arith.index_cast %swap3A_340 : i32 to index
      %swap3A_342 = arith.index_cast %add3A_291 : i32 to index
      %swap3A_343 = arith.constant 112 : index
      %swap3A_344 = tpu.vector_load %arg7[%swap3A_341, %swap3A_342, %swap3A_343] {strides = array<i32>} : memref<4x64x128xf32, #tpu.memory_space<vmem>>, vector<1x1x16xf32>,
      %swap3A_345 = vector.shape_cast %swap3A_344 : vector<1x1x16xf32> to vector<16xf32>
      %swap3A_346 = vector.shape_cast %broadcast_in_dim3A_114 : vector<16xf32> to vector<1x1x16xf32>
      tpu.vector_store %arg7[%swap3A_341, %swap3A_342, %swap3A_343], %swap3A_346 {strides = array<i32>} : memref<4x64x128xf32, #tpu.memory_space<vmem>>, vector<1x1x16xf32>,
    }
    %scan3A_118 = arith.constant 64 : i32
    %scan3A_119 = arith.constant 0 : i32
    %scan3A_120 = arith.constant 10 : i32
    %scan3A_121 = arith.addi %scan3A_119, %scan3A_120 : i32
    %scan3A_122 = arith.constant 1 : i32
    scf.for %scan3A_287 = %scan3A_119 to %scan3A_121 step %scan3A_122  : i32 {
      %mul3A_288 = arith.constant 1 : i32
      %mul3A_289 = arith.muli %scan3A_287, %mul3A_288 : i32
      %add3A_290 = arith.constant 0 : i32
      %add3A_291 = arith.addi %add3A_290, %mul3A_289 : i32
      %mul3A_292 = arith.constant 640 : i32
      %mul3A_293 = arith.muli %arg1, %mul3A_292 : i32
      %mul3A_294 = arith.constant 64 : i32
      %mul3A_295 = arith.muli %add3A_291, %mul3A_294 : i32
      %add3A_296 = arith.addi %mul3A_293, %mul3A_295 : i32
      %run_scoped3A = arith.constant 0 : i32
      "tpu.region"() ({
        %run_scoped3A_297 = tpu.sem_alloc : memref<!tpu.dma_semaphore, #tpu.memory_space<semaphore_mem>>
        %dma_start3A_298 = arith.constant 0 : i32
        %dma_start3A_299 = arith.constant 0 : i32
        %dma_start3A_300 = tpu.memref_slice %arg7[%run_scoped3A, %dma_start3A_298, %dma_start3A_299] : memref<4x64x128xf32, #tpu.memory_space<vmem>> -> memref<1x64x128xf32, #tpu.memory_space<vmem>>
        %dma_start3A_301 = tpu.memref_squeeze %dma_start3A_300 : memref<1x64x128xf32, #tpu.memory_space<vmem>> -> memref<64x128xf32, #tpu.memory_space<vmem>>
        %dma_start3A_302 = arith.constant 0 : i32
        %dma_start3A_303 = tpu.memref_slice %arg8[%add3A_296, %dma_start3A_302] : memref<10240x128xf32, #tpu.memory_space<vmem_shared>> -> memref<64x128xf32, #tpu.memory_space<vmem_shared>>
        %dma_start3A_304 = arith.constant 0 : i32
        %dma_start3A_305 = tpu.memref_slice %arg8[%add3A_296, %dma_start3A_304] : memref<10240x128xf32, #tpu.memory_space<vmem_shared>> -> memref<64x128xf32, #tpu.memory_space<vmem_shared>>
        %dma_start3A_306 = arith.constant 0 : i32
        %dma_start3A_307 = arith.constant 0 : i32
        %dma_start3A_308 = tpu.memref_slice %arg7[%run_scoped3A, %dma_start3A_306, %dma_start3A_307] : memref<4x64x128xf32, #tpu.memory_space<vmem>> -> memref<1x64x128xf32, #tpu.memory_space<vmem>>
        %dma_start3A_309 = tpu.memref_squeeze %dma_start3A_308 : memref<1x64x128xf32, #tpu.memory_space<vmem>> -> memref<64x128xf32, #tpu.memory_space<vmem>>
        tpu.enqueue_dma source(%dma_start3A_309 : memref<64x128xf32, #tpu.memory_space<vmem>>) target(%dma_start3A_305 : memref<64x128xf32, #tpu.memory_space<vmem_shared>>) target_semaphore(%run_scoped3A_297 : memref<!tpu.dma_semaphore, #tpu.memory_space<semaphore_mem>>)
        %dma_wait3A_310 = arith.constant 0 : i32
        %dma_wait3A_311 = arith.constant 0 : i32
        %dma_wait3A_312 = tpu.memref_slice %arg7[%run_scoped3A, %dma_wait3A_310, %dma_wait3A_311] : memref<4x64x128xf32, #tpu.memory_space<vmem>> -> memref<1x64x128xf32, #tpu.memory_space<vmem>>
        %dma_wait3A_313 = tpu.memref_squeeze %dma_wait3A_312 : memref<1x64x128xf32, #tpu.memory_space<vmem>> -> memref<64x128xf32, #tpu.memory_space<vmem>>
        %dma_wait3A_314 = arith.constant 0 : i32
        %dma_wait3A_315 = tpu.memref_slice %arg8[%add3A_296, %dma_wait3A_314] : memref<10240x128xf32, #tpu.memory_space<vmem_shared>> -> memref<64x128xf32, #tpu.memory_space<vmem_shared>>
        %dma_wait3A_316 = arith.constant 0 : i32
        %dma_wait3A_317 = tpu.memref_slice %arg8[%add3A_296, %dma_wait3A_316] : memref<10240x128xf32, #tpu.memory_space<vmem_shared>> -> memref<64x128xf32, #tpu.memory_space<vmem_shared>>
        %dma_wait3A_318 = arith.constant 0 : i32
        %dma_wait3A_319 = arith.constant 0 : i32
        %dma_wait3A_320 = tpu.memref_slice %arg7[%run_scoped3A, %dma_wait3A_318, %dma_wait3A_319] : memref<4x64x128xf32, #tpu.memory_space<vmem>> -> memref<1x64x128xf32, #tpu.memory_space<vmem>>
        %dma_wait3A_321 = tpu.memref_squeeze %dma_wait3A_320 : memref<1x64x128xf32, #tpu.memory_space<vmem>> -> memref<64x128xf32, #tpu.memory_space<vmem>>
        tpu.wait_dma2 semaphore(%run_scoped3A_297 : memref<!tpu.dma_semaphore, #tpu.memory_space<semaphore_mem>>) src(%dma_wait3A_321 : memref<64x128xf32, #tpu.memory_space<vmem>>) dst(%dma_wait3A_317 : memref<64x128xf32, #tpu.memory_space<vmem_shared>>)
        tpu.yield
      }) : () -> ()
    }
    %scan3A_123 = arith.constant 10 : i32
    %barrier3A = arith.constant 0 : index
    tpu.barrier barrier_id(%barrier3A)
    %dma_wait3A = arith.constant 0 : i32
    %dma_wait3A_124 = arith.constant 0 : i32
    %dma_wait3A_125 = tpu.memref_slice %arg5[%dma_wait3A, %dma_wait3A_124] : memref<4x64xi32, #tpu.memory_space<vmem>> -> memref<1x64xi32, #tpu.memory_space<vmem>>
    %dma_wait3A_126 = tpu.memref_squeeze %dma_wait3A_125 : memref<1x64xi32, #tpu.memory_space<vmem>> -> memref<64xi32, #tpu.memory_space<vmem>>
    %dma_wait3A_127 = arith.constant 0 : i32
    %dma_wait3A_128 = tpu.memref_slice %arg3[%dma_wait3A_127] : memref<640000xi32, #tpu.memory_space<hbm>> -> memref<64xi32, #tpu.memory_space<hbm>>
    %dma_wait3A_129 = arith.constant 0 : i32
    %dma_wait3A_130 = tpu.memref_slice %arg5[%dma_wait3A, %dma_wait3A_129] : memref<4x64xi32, #tpu.memory_space<vmem>> -> memref<1x64xi32, #tpu.memory_space<vmem>>
    %dma_wait3A_131 = tpu.memref_squeeze %dma_wait3A_130 : memref<1x64xi32, #tpu.memory_space<vmem>> -> memref<64xi32, #tpu.memory_space<vmem>>
    %dma_wait3A_132 = arith.constant 0 : i32
    %dma_wait3A_133 = tpu.memref_slice %arg3[%dma_wait3A_132] : memref<640000xi32, #tpu.memory_space<hbm>> -> memref<64xi32, #tpu.memory_space<hbm>>
    tpu.wait_dma2 semaphore(%arg9 : memref<!tpu.dma_semaphore, #tpu.memory_space<semaphore_mem>>) src(%dma_wait3A_133 : memref<64xi32, #tpu.memory_space<hbm>>) dst(%dma_wait3A_131 : memref<64xi32, #tpu.memory_space<vmem>>)
    %dma_start3A_134 = arith.constant 0 : i32
    %dma_start3A_135 = arith.constant 0 : i32
    %dma_start3A_136 = arith.constant 0 : i32
    %dma_start3A_137 = arith.constant 0 : i32
    %dma_start3A_138 = tpu.memref_slice %arg7[%dma_start3A_135, %dma_start3A_136, %dma_start3A_137] : memref<4x64x128xf32, #tpu.memory_space<vmem>> -> memref<1x64x128xf32, #tpu.memory_space<vmem>>
    %dma_start3A_139 = tpu.memref_squeeze %dma_start3A_138 : memref<1x64x128xf32, #tpu.memory_space<vmem>> -> memref<64x128xf32, #tpu.memory_space<vmem>>
    %dma_start3A_140 = arith.constant 0 : i32
    %dma_start3A_141 = tpu.memref_slice %arg5[%dma_start3A_134, %dma_start3A_140] : memref<4x64xi32, #tpu.memory_space<vmem>> -> memref<1x64xi32, #tpu.memory_space<vmem>>
    %dma_start3A_142 = tpu.memref_squeeze %dma_start3A_141 : memref<1x64xi32, #tpu.memory_space<vmem>> -> memref<64xi32, #tpu.memory_space<vmem>>
    %dma_start3A_143 = arith.constant 0 : i32
    %dma_start3A_144 = arith.constant 0 : i32
    %dma_start3A_145 = tpu.memref_slice %arg2[%dma_start3A_143, %dma_start3A_144] : memref<10000x128xf32, #tpu.memory_space<hbm>> -> memref<10000x128xf32, #tpu.memory_space<hbm>>
    tpu.enqueue_indirect_dma source(%dma_start3A_145 : memref<10000x128xf32, #tpu.memory_space<hbm>>) target(%dma_start3A_139 : memref<64x128xf32, #tpu.memory_space<vmem>>) offsets(%dma_start3A_142 : memref<64xi32, #tpu.memory_space<vmem>>) semaphore(%arg17 : memref<!tpu.dma_semaphore, #tpu.memory_space<semaphore_mem>>)
    %dma_wait3A_146 = arith.constant 1 : i32
    %dma_wait3A_147 = arith.constant 0 : i32
    %dma_wait3A_148 = tpu.memref_slice %arg5[%dma_wait3A_146, %dma_wait3A_147] : memref<4x64xi32, #tpu.memory_space<vmem>> -> memref<1x64xi32, #tpu.memory_space<vmem>>
    %dma_wait3A_149 = tpu.memref_squeeze %dma_wait3A_148 : memref<1x64xi32, #tpu.memory_space<vmem>> -> memref<64xi32, #tpu.memory_space<vmem>>
    %dma_wait3A_150 = arith.constant 0 : i32
    %dma_wait3A_151 = tpu.memref_slice %arg3[%dma_wait3A_150] : memref<640000xi32, #tpu.memory_space<hbm>> -> memref<64xi32, #tpu.memory_space<hbm>>
    %dma_wait3A_152 = arith.constant 0 : i32
    %dma_wait3A_153 = tpu.memref_slice %arg5[%dma_wait3A_146, %dma_wait3A_152] : memref<4x64xi32, #tpu.memory_space<vmem>> -> memref<1x64xi32, #tpu.memory_space<vmem>>
    %dma_wait3A_154 = tpu.memref_squeeze %dma_wait3A_153 : memref<1x64xi32, #tpu.memory_space<vmem>> -> memref<64xi32, #tpu.memory_space<vmem>>
    %dma_wait3A_155 = arith.constant 0 : i32
    %dma_wait3A_156 = tpu.memref_slice %arg3[%dma_wait3A_155] : memref<640000xi32, #tpu.memory_space<hbm>> -> memref<64xi32, #tpu.memory_space<hbm>>
    tpu.wait_dma2 semaphore(%arg10 : memref<!tpu.dma_semaphore, #tpu.memory_space<semaphore_mem>>) src(%dma_wait3A_156 : memref<64xi32, #tpu.memory_space<hbm>>) dst(%dma_wait3A_154 : memref<64xi32, #tpu.memory_space<vmem>>)
    %dma_start3A_157 = arith.constant 1 : i32
    %dma_start3A_158 = arith.constant 1 : i32
    %dma_start3A_159 = arith.constant 0 : i32
    %dma_start3A_160 = arith.constant 0 : i32
    %dma_start3A_161 = tpu.memref_slice %arg7[%dma_start3A_158, %dma_start3A_159, %dma_start3A_160] : memref<4x64x128xf32, #tpu.memory_space<vmem>> -> memref<1x64x128xf32, #tpu.memory_space<vmem>>
    %dma_start3A_162 = tpu.memref_squeeze %dma_start3A_161 : memref<1x64x128xf32, #tpu.memory_space<vmem>> -> memref<64x128xf32, #tpu.memory_space<vmem>>
    %dma_start3A_163 = arith.constant 0 : i32
    %dma_start3A_164 = tpu.memref_slice %arg5[%dma_start3A_157, %dma_start3A_163] : memref<4x64xi32, #tpu.memory_space<vmem>> -> memref<1x64xi32, #tpu.memory_space<vmem>>
    %dma_start3A_165 = tpu.memref_squeeze %dma_start3A_164 : memref<1x64xi32, #tpu.memory_space<vmem>> -> memref<64xi32, #tpu.memory_space<vmem>>
    %dma_start3A_166 = arith.constant 0 : i32
    %dma_start3A_167 = arith.constant 0 : i32
    %dma_start3A_168 = tpu.memref_slice %arg2[%dma_start3A_166, %dma_start3A_167] : memref<10000x128xf32, #tpu.memory_space<hbm>> -> memref<10000x128xf32, #tpu.memory_space<hbm>>
    tpu.enqueue_indirect_dma source(%dma_start3A_168 : memref<10000x128xf32, #tpu.memory_space<hbm>>) target(%dma_start3A_162 : memref<64x128xf32, #tpu.memory_space<vmem>>) offsets(%dma_start3A_165 : memref<64xi32, #tpu.memory_space<vmem>>) semaphore(%arg18 : memref<!tpu.dma_semaphore, #tpu.memory_space<semaphore_mem>>)
    %dma_wait3A_169 = arith.constant 2 : i32
    %dma_wait3A_170 = arith.constant 0 : i32
    %dma_wait3A_171 = tpu.memref_slice %arg5[%dma_wait3A_169, %dma_wait3A_170] : memref<4x64xi32, #tpu.memory_space<vmem>> -> memref<1x64xi32, #tpu.memory_space<vmem>>
    %dma_wait3A_172 = tpu.memref_squeeze %dma_wait3A_171 : memref<1x64xi32, #tpu.memory_space<vmem>> -> memref<64xi32, #tpu.memory_space<vmem>>
    %dma_wait3A_173 = arith.constant 0 : i32
    %dma_wait3A_174 = tpu.memref_slice %arg3[%dma_wait3A_173] : memref<640000xi32, #tpu.memory_space<hbm>> -> memref<64xi32, #tpu.memory_space<hbm>>
    %dma_wait3A_175 = arith.constant 0 : i32
    %dma_wait3A_176 = tpu.memref_slice %arg5[%dma_wait3A_169, %dma_wait3A_175] : memref<4x64xi32, #tpu.memory_space<vmem>> -> memref<1x64xi32, #tpu.memory_space<vmem>>
    %dma_wait3A_177 = tpu.memref_squeeze %dma_wait3A_176 : memref<1x64xi32, #tpu.memory_space<vmem>> -> memref<64xi32, #tpu.memory_space<vmem>>
    %dma_wait3A_178 = arith.constant 0 : i32
    %dma_wait3A_179 = tpu.memref_slice %arg3[%dma_wait3A_178] : memref<640000xi32, #tpu.memory_space<hbm>> -> memref<64xi32, #tpu.memory_space<hbm>>
    tpu.wait_dma2 semaphore(%arg11 : memref<!tpu.dma_semaphore, #tpu.memory_space<semaphore_mem>>) src(%dma_wait3A_179 : memref<64xi32, #tpu.memory_space<hbm>>) dst(%dma_wait3A_177 : memref<64xi32, #tpu.memory_space<vmem>>)
    %dma_start3A_180 = arith.constant 2 : i32
    %dma_start3A_181 = arith.constant 2 : i32
    %dma_start3A_182 = arith.constant 0 : i32
    %dma_start3A_183 = arith.constant 0 : i32
    %dma_start3A_184 = tpu.memref_slice %arg7[%dma_start3A_181, %dma_start3A_182, %dma_start3A_183] : memref<4x64x128xf32, #tpu.memory_space<vmem>> -> memref<1x64x128xf32, #tpu.memory_space<vmem>>
    %dma_start3A_185 = tpu.memref_squeeze %dma_start3A_184 : memref<1x64x128xf32, #tpu.memory_space<vmem>> -> memref<64x128xf32, #tpu.memory_space<vmem>>
    %dma_start3A_186 = arith.constant 0 : i32
    %dma_start3A_187 = tpu.memref_slice %arg5[%dma_start3A_180, %dma_start3A_186] : memref<4x64xi32, #tpu.memory_space<vmem>> -> memref<1x64xi32, #tpu.memory_space<vmem>>
    %dma_start3A_188 = tpu.memref_squeeze %dma_start3A_187 : memref<1x64xi32, #tpu.memory_space<vmem>> -> memref<64xi32, #tpu.memory_space<vmem>>
    %dma_start3A_189 = arith.constant 0 : i32
    %dma_start3A_190 = arith.constant 0 : i32
    %dma_start3A_191 = tpu.memref_slice %arg2[%dma_start3A_189, %dma_start3A_190] : memref<10000x128xf32, #tpu.memory_space<hbm>> -> memref<10000x128xf32, #tpu.memory_space<hbm>>
    tpu.enqueue_indirect_dma source(%dma_start3A_191 : memref<10000x128xf32, #tpu.memory_space<hbm>>) target(%dma_start3A_185 : memref<64x128xf32, #tpu.memory_space<vmem>>) offsets(%dma_start3A_188 : memref<64xi32, #tpu.memory_space<vmem>>) semaphore(%arg19 : memref<!tpu.dma_semaphore, #tpu.memory_space<semaphore_mem>>)
    %dma_wait3A_192 = arith.constant 3 : i32
    %dma_wait3A_193 = arith.constant 0 : i32
    %dma_wait3A_194 = tpu.memref_slice %arg5[%dma_wait3A_192, %dma_wait3A_193] : memref<4x64xi32, #tpu.memory_space<vmem>> -> memref<1x64xi32, #tpu.memory_space<vmem>>
    %dma_wait3A_195 = tpu.memref_squeeze %dma_wait3A_194 : memref<1x64xi32, #tpu.memory_space<vmem>> -> memref<64xi32, #tpu.memory_space<vmem>>
    %dma_wait3A_196 = arith.constant 0 : i32
    %dma_wait3A_197 = tpu.memref_slice %arg3[%dma_wait3A_196] : memref<640000xi32, #tpu.memory_space<hbm>> -> memref<64xi32, #tpu.memory_space<hbm>>
    %dma_wait3A_198 = arith.constant 0 : i32
    %dma_wait3A_199 = tpu.memref_slice %arg5[%dma_wait3A_192, %dma_wait3A_198] : memref<4x64xi32, #tpu.memory_space<vmem>> -> memref<1x64xi32, #tpu.memory_space<vmem>>
    %dma_wait3A_200 = tpu.memref_squeeze %dma_wait3A_199 : memref<1x64xi32, #tpu.memory_space<vmem>> -> memref<64xi32, #tpu.memory_space<vmem>>
    %dma_wait3A_201 = arith.constant 0 : i32
    %dma_wait3A_202 = tpu.memref_slice %arg3[%dma_wait3A_201] : memref<640000xi32, #tpu.memory_space<hbm>> -> memref<64xi32, #tpu.memory_space<hbm>>
    tpu.wait_dma2 semaphore(%arg12 : memref<!tpu.dma_semaphore, #tpu.memory_space<semaphore_mem>>) src(%dma_wait3A_202 : memref<64xi32, #tpu.memory_space<hbm>>) dst(%dma_wait3A_200 : memref<64xi32, #tpu.memory_space<vmem>>)
    %dma_start3A_203 = arith.constant 3 : i32
    %dma_start3A_204 = arith.constant 3 : i32
    %dma_start3A_205 = arith.constant 0 : i32
    %dma_start3A_206 = arith.constant 0 : i32
    %dma_start3A_207 = tpu.memref_slice %arg7[%dma_start3A_204, %dma_start3A_205, %dma_start3A_206] : memref<4x64x128xf32, #tpu.memory_space<vmem>> -> memref<1x64x128xf32, #tpu.memory_space<vmem>>
    %dma_start3A_208 = tpu.memref_squeeze %dma_start3A_207 : memref<1x64x128xf32, #tpu.memory_space<vmem>> -> memref<64x128xf32, #tpu.memory_space<vmem>>
    %dma_start3A_209 = arith.constant 0 : i32
    %dma_start3A_210 = tpu.memref_slice %arg5[%dma_start3A_203, %dma_start3A_209] : memref<4x64xi32, #tpu.memory_space<vmem>> -> memref<1x64xi32, #tpu.memory_space<vmem>>
    %dma_start3A_211 = tpu.memref_squeeze %dma_start3A_210 : memref<1x64xi32, #tpu.memory_space<vmem>> -> memref<64xi32, #tpu.memory_space<vmem>>
    %dma_start3A_212 = arith.constant 0 : i32
    %dma_start3A_213 = arith.constant 0 : i32
    %dma_start3A_214 = tpu.memref_slice %arg2[%dma_start3A_212, %dma_start3A_213] : memref<10000x128xf32, #tpu.memory_space<hbm>> -> memref<10000x128xf32, #tpu.memory_space<hbm>>
    tpu.enqueue_indirect_dma source(%dma_start3A_214 : memref<10000x128xf32, #tpu.memory_space<hbm>>) target(%dma_start3A_208 : memref<64x128xf32, #tpu.memory_space<vmem>>) offsets(%dma_start3A_211 : memref<64xi32, #tpu.memory_space<vmem>>) semaphore(%arg20 : memref<!tpu.dma_semaphore, #tpu.memory_space<semaphore_mem>>)
    %sub3A = arith.constant 0 : i32
    %sub3A_215 = arith.subi %select_n3A, %sub3A : i32
    %sub3A_216 = arith.constant 4 : i32
    %sub3A_217 = arith.constant 1 : i32
    %sub3A_218 = arith.subi %sub3A_216, %sub3A_217 : i32
    %add3A_219 = arith.addi %sub3A_215, %sub3A_218 : i32
    %div3A = arith.constant 4 : i32
    %div3A_220 = arith.divsi %add3A_219, %div3A : i32
    %while3A = arith.constant 4 : i32
    %while3A_221 = arith.constant 0 : i32
    %while3A_222 = arith.constant 0 : i32
    %while3A_223 = arith.subi %div3A_220, %while3A_222 : i32
    %while3A_224 = arith.addi %while3A_222, %while3A_223 : i32
    %while3A_225 = arith.constant 1 : i32
    %while3A_226 = arith.divsi %while3A_223, %while3A_225 : i32
    %while3A_227 = arith.muli %while3A_226, %while3A_225 : i32
    %while3A_228 = arith.addi %while3A_222, %while3A_227 : i32
    %while3A_229 = arith.constant 1 : i32
    scf.for %while3A_287 = %while3A_222 to %while3A_228 step %while3A_229  : i32 {
      %mul3A_288 = arith.muli %while3A_287, %while3A : i32
      %add3A_289 = arith.addi %while3A_221, %mul3A_288 : i32
      %add3A_290 = arith.constant 0 : i32
      %add3A_291 = arith.addi %add3A_289, %add3A_290 : i32
      %lt3A_292 = arith.cmpi slt, %add3A_291, %select_n3A : i32
      %convert_element_type3A = arith.extui %lt3A_292 : i1 to i32
      %cond3A = arith.constant 0 : i32
      %cond3A_293 = arith.cmpi ne, %convert_element_type3A, %cond3A : i32
      scf.if %cond3A_293 {
        %dma_wait3A_344 = arith.constant 0 : i32
        %dma_wait3A_345 = arith.constant 0 : i32
        %dma_wait3A_346 = arith.constant 0 : i32
        %dma_wait3A_347 = arith.constant 0 : i32
        %dma_wait3A_348 = tpu.memref_slice %arg7[%dma_wait3A_345, %dma_wait3A_346, %dma_wait3A_347] : memref<4x64x128xf32, #tpu.memory_space<vmem>> -> memref<1x64x128xf32, #tpu.memory_space<vmem>>
        %dma_wait3A_349 = tpu.memref_squeeze %dma_wait3A_348 : memref<1x64x128xf32, #tpu.memory_space<vmem>> -> memref<64x128xf32, #tpu.memory_space<vmem>>
        %dma_wait3A_350 = arith.constant 0 : i32
        %dma_wait3A_351 = tpu.memref_slice %arg5[%dma_wait3A_344, %dma_wait3A_350] : memref<4x64xi32, #tpu.memory_space<vmem>> -> memref<1x64xi32, #tpu.memory_space<vmem>>
        %dma_wait3A_352 = tpu.memref_squeeze %dma_wait3A_351 : memref<1x64xi32, #tpu.memory_space<vmem>> -> memref<64xi32, #tpu.memory_space<vmem>>
        %dma_wait3A_353 = arith.constant 0 : i32
        %dma_wait3A_354 = arith.constant 0 : i32
        %dma_wait3A_355 = tpu.memref_slice %arg2[%dma_wait3A_353, %dma_wait3A_354] : memref<10000x128xf32, #tpu.memory_space<hbm>> -> memref<10000x128xf32, #tpu.memory_space<hbm>>
        tpu.wait_indirect_dma semaphore(%arg17 : memref<!tpu.dma_semaphore, #tpu.memory_space<semaphore_mem>>) src(%dma_wait3A_355 : memref<10000x128xf32, #tpu.memory_space<hbm>>) dst(%dma_wait3A_349 : memref<64x128xf32, #tpu.memory_space<vmem>>)
        %add3A_356 = arith.constant 0 : i32
        %add3A_357 = arith.addi %add3A_289, %add3A_356 : i32
        %add3A_358 = arith.constant 4 : i32
        %add3A_359 = arith.addi %add3A_357, %add3A_358 : i32
        %lt3A_360 = arith.cmpi slt, %add3A_359, %select_n3A : i32
        %convert_element_type3A_361 = arith.extui %lt3A_360 : i1 to i32
        %cond3A_362 = arith.constant 0 : i32
        %cond3A_363 = arith.cmpi ne, %convert_element_type3A_361, %cond3A_362 : i32
        scf.if %cond3A_363 {
          %add3A_387 = arith.constant 0 : i32
          %add3A_388 = arith.addi %add3A_289, %add3A_387 : i32
          %add3A_389 = arith.constant 4 : i32
          %add3A_390 = arith.addi %add3A_388, %add3A_389 : i32
          %mul3A_391 = arith.constant 32 : i32
          %mul3A_392 = arith.muli %add3A_390, %mul3A_391 : i32
          %add3A_393 = arith.addi %add3A, %mul3A_392 : i32
          %mul3A_394 = arith.constant 64 : i32
          %mul3A_395 = arith.muli %add3A_393, %mul3A_394 : i32
          %dma_start3A_396 = arith.constant 0 : i32
          %dma_start3A_397 = arith.constant 0 : i32
          %dma_start3A_398 = tpu.memref_slice %arg5[%dma_start3A_396, %dma_start3A_397] : memref<4x64xi32, #tpu.memory_space<vmem>> -> memref<1x64xi32, #tpu.memory_space<vmem>>
          %dma_start3A_399 = tpu.memref_squeeze %dma_start3A_398 : memref<1x64xi32, #tpu.memory_space<vmem>> -> memref<64xi32, #tpu.memory_space<vmem>>
          %dma_start3A_400 = tpu.memref_slice %arg3[%mul3A_395] : memref<640000xi32, #tpu.memory_space<hbm>> -> memref<64xi32, #tpu.memory_space<hbm>>
          %dma_start3A_401 = arith.constant 0 : i32
          %dma_start3A_402 = tpu.memref_slice %arg5[%dma_start3A_396, %dma_start3A_401] : memref<4x64xi32, #tpu.memory_space<vmem>> -> memref<1x64xi32, #tpu.memory_space<vmem>>
          %dma_start3A_403 = tpu.memref_squeeze %dma_start3A_402 : memref<1x64xi32, #tpu.memory_space<vmem>> -> memref<64xi32, #tpu.memory_space<vmem>>
          %dma_start3A_404 = tpu.memref_slice %arg3[%mul3A_395] : memref<640000xi32, #tpu.memory_space<hbm>> -> memref<64xi32, #tpu.memory_space<hbm>>
          tpu.enqueue_dma source(%dma_start3A_404 : memref<64xi32, #tpu.memory_space<hbm>>) target(%dma_start3A_403 : memref<64xi32, #tpu.memory_space<vmem>>) target_semaphore(%arg9 : memref<!tpu.dma_semaphore, #tpu.memory_space<semaphore_mem>>)
        } else {
        }
        %dma_wait3A_364 = arith.constant 0 : i32
        %dma_wait3A_365 = arith.constant 0 : i32
        %dma_wait3A_366 = tpu.memref_slice %arg6[%dma_wait3A_364, %dma_wait3A_365] : memref<4x64xi32, #tpu.memory_space<vmem>> -> memref<1x64xi32, #tpu.memory_space<vmem>>
        %dma_wait3A_367 = tpu.memref_squeeze %dma_wait3A_366 : memref<1x64xi32, #tpu.memory_space<vmem>> -> memref<64xi32, #tpu.memory_space<vmem>>
        %dma_wait3A_368 = arith.constant 0 : i32
        %dma_wait3A_369 = tpu.memref_slice %arg3[%dma_wait3A_368] : memref<640000xi32, #tpu.memory_space<hbm>> -> memref<64xi32, #tpu.memory_space<hbm>>
        %dma_wait3A_370 = arith.constant 0 : i32
        %dma_wait3A_371 = tpu.memref_slice %arg6[%dma_wait3A_364, %dma_wait3A_370] : memref<4x64xi32, #tpu.memory_space<vmem>> -> memref<1x64xi32, #tpu.memory_space<vmem>>
        %dma_wait3A_372 = tpu.memref_squeeze %dma_wait3A_371 : memref<1x64xi32, #tpu.memory_space<vmem>> -> memref<64xi32, #tpu.memory_space<vmem>>
        %dma_wait3A_373 = arith.constant 0 : i32
        %dma_wait3A_374 = tpu.memref_slice %arg3[%dma_wait3A_373] : memref<640000xi32, #tpu.memory_space<hbm>> -> memref<64xi32, #tpu.memory_space<hbm>>
        tpu.wait_dma2 semaphore(%arg13 : memref<!tpu.dma_semaphore, #tpu.memory_space<semaphore_mem>>) src(%dma_wait3A_374 : memref<64xi32, #tpu.memory_space<hbm>>) dst(%dma_wait3A_372 : memref<64xi32, #tpu.memory_space<vmem>>)
        %dma_start3A_375 = arith.constant 0 : i32
        %dma_start3A_376 = arith.constant 0 : i32
        %dma_start3A_377 = arith.constant 0 : i32
        %dma_start3A_378 = arith.constant 0 : i32
        %dma_start3A_379 = tpu.memref_slice %arg7[%dma_start3A_375, %dma_start3A_377, %dma_start3A_378] : memref<4x64x128xf32, #tpu.memory_space<vmem>> -> memref<1x64x128xf32, #tpu.memory_space<vmem>>
        %dma_start3A_380 = tpu.memref_squeeze %dma_start3A_379 : memref<1x64x128xf32, #tpu.memory_space<vmem>> -> memref<64x128xf32, #tpu.memory_space<vmem>>
        %dma_start3A_381 = arith.constant 0 : i32
        %dma_start3A_382 = tpu.memref_slice %arg6[%dma_start3A_376, %dma_start3A_381] : memref<4x64xi32, #tpu.memory_space<vmem>> -> memref<1x64xi32, #tpu.memory_space<vmem>>
        %dma_start3A_383 = tpu.memref_squeeze %dma_start3A_382 : memref<1x64xi32, #tpu.memory_space<vmem>> -> memref<64xi32, #tpu.memory_space<vmem>>
        %dma_start3A_384 = arith.constant 0 : i32
        %dma_start3A_385 = arith.constant 0 : i32
        %dma_start3A_386 = tpu.memref_slice %arg8[%dma_start3A_384, %dma_start3A_385] : memref<10240x128xf32, #tpu.memory_space<vmem_shared>> -> memref<10240x128xf32, #tpu.memory_space<vmem_shared>>
        tpu.enqueue_indirect_dma source(%dma_start3A_380 : memref<64x128xf32, #tpu.memory_space<vmem>>) target(%dma_start3A_386 : memref<10240x128xf32, #tpu.memory_space<vmem_shared>>) offsets(%dma_start3A_383 : memref<64xi32, #tpu.memory_space<vmem>>) semaphore(%arg21 : memref<!tpu.dma_semaphore, #tpu.memory_space<semaphore_mem>>) {add = true}
      } else {
      }
      %add3A_294 = arith.constant 1 : i32
      %add3A_295 = arith.addi %add3A_289, %add3A_294 : i32
      %lt3A_296 = arith.cmpi slt, %add3A_295, %select_n3A : i32
      %convert_element_type3A_297 = arith.extui %lt3A_296 : i1 to i32
      %cond3A_298 = arith.constant 0 : i32
      %cond3A_299 = arith.cmpi ne, %convert_element_type3A_297, %cond3A_298 : i32
      scf.if %cond3A_299 {
        %dma_wait3A_344 = arith.constant 1 : i32
        %dma_wait3A_345 = arith.constant 1 : i32
        %dma_wait3A_346 = arith.constant 0 : i32
        %dma_wait3A_347 = arith.constant 0 : i32
        %dma_wait3A_348 = tpu.memref_slice %arg7[%dma_wait3A_345, %dma_wait3A_346, %dma_wait3A_347] : memref<4x64x128xf32, #tpu.memory_space<vmem>> -> memref<1x64x128xf32, #tpu.memory_space<vmem>>
        %dma_wait3A_349 = tpu.memref_squeeze %dma_wait3A_348 : memref<1x64x128xf32, #tpu.memory_space<vmem>> -> memref<64x128xf32, #tpu.memory_space<vmem>>
        %dma_wait3A_350 = arith.constant 0 : i32
        %dma_wait3A_351 = tpu.memref_slice %arg5[%dma_wait3A_344, %dma_wait3A_350] : memref<4x64xi32, #tpu.memory_space<vmem>> -> memref<1x64xi32, #tpu.memory_space<vmem>>
        %dma_wait3A_352 = tpu.memref_squeeze %dma_wait3A_351 : memref<1x64xi32, #tpu.memory_space<vmem>> -> memref<64xi32, #tpu.memory_space<vmem>>
        %dma_wait3A_353 = arith.constant 0 : i32
        %dma_wait3A_354 = arith.constant 0 : i32
        %dma_wait3A_355 = tpu.memref_slice %arg2[%dma_wait3A_353, %dma_wait3A_354] : memref<10000x128xf32, #tpu.memory_space<hbm>> -> memref<10000x128xf32, #tpu.memory_space<hbm>>
        tpu.wait_indirect_dma semaphore(%arg18 : memref<!tpu.dma_semaphore, #tpu.memory_space<semaphore_mem>>) src(%dma_wait3A_355 : memref<10000x128xf32, #tpu.memory_space<hbm>>) dst(%dma_wait3A_349 : memref<64x128xf32, #tpu.memory_space<vmem>>)
        %add3A_356 = arith.constant 1 : i32
        %add3A_357 = arith.addi %add3A_289, %add3A_356 : i32
        %add3A_358 = arith.constant 4 : i32
        %add3A_359 = arith.addi %add3A_357, %add3A_358 : i32
        %lt3A_360 = arith.cmpi slt, %add3A_359, %select_n3A : i32
        %convert_element_type3A_361 = arith.extui %lt3A_360 : i1 to i32
        %cond3A_362 = arith.constant 0 : i32
        %cond3A_363 = arith.cmpi ne, %convert_element_type3A_361, %cond3A_362 : i32
        scf.if %cond3A_363 {
          %add3A_387 = arith.constant 1 : i32
          %add3A_388 = arith.addi %add3A_289, %add3A_387 : i32
          %add3A_389 = arith.constant 4 : i32
          %add3A_390 = arith.addi %add3A_388, %add3A_389 : i32
          %mul3A_391 = arith.constant 32 : i32
          %mul3A_392 = arith.muli %add3A_390, %mul3A_391 : i32
          %add3A_393 = arith.addi %add3A, %mul3A_392 : i32
          %mul3A_394 = arith.constant 64 : i32
          %mul3A_395 = arith.muli %add3A_393, %mul3A_394 : i32
          %dma_start3A_396 = arith.constant 1 : i32
          %dma_start3A_397 = arith.constant 0 : i32
          %dma_start3A_398 = tpu.memref_slice %arg5[%dma_start3A_396, %dma_start3A_397] : memref<4x64xi32, #tpu.memory_space<vmem>> -> memref<1x64xi32, #tpu.memory_space<vmem>>
          %dma_start3A_399 = tpu.memref_squeeze %dma_start3A_398 : memref<1x64xi32, #tpu.memory_space<vmem>> -> memref<64xi32, #tpu.memory_space<vmem>>
          %dma_start3A_400 = tpu.memref_slice %arg3[%mul3A_395] : memref<640000xi32, #tpu.memory_space<hbm>> -> memref<64xi32, #tpu.memory_space<hbm>>
          %dma_start3A_401 = arith.constant 0 : i32
          %dma_start3A_402 = tpu.memref_slice %arg5[%dma_start3A_396, %dma_start3A_401] : memref<4x64xi32, #tpu.memory_space<vmem>> -> memref<1x64xi32, #tpu.memory_space<vmem>>
          %dma_start3A_403 = tpu.memref_squeeze %dma_start3A_402 : memref<1x64xi32, #tpu.memory_space<vmem>> -> memref<64xi32, #tpu.memory_space<vmem>>
          %dma_start3A_404 = tpu.memref_slice %arg3[%mul3A_395] : memref<640000xi32, #tpu.memory_space<hbm>> -> memref<64xi32, #tpu.memory_space<hbm>>
          tpu.enqueue_dma source(%dma_start3A_404 : memref<64xi32, #tpu.memory_space<hbm>>) target(%dma_start3A_403 : memref<64xi32, #tpu.memory_space<vmem>>) target_semaphore(%arg10 : memref<!tpu.dma_semaphore, #tpu.memory_space<semaphore_mem>>)
        } else {
        }
        %dma_wait3A_364 = arith.constant 1 : i32
        %dma_wait3A_365 = arith.constant 0 : i32
        %dma_wait3A_366 = tpu.memref_slice %arg6[%dma_wait3A_364, %dma_wait3A_365] : memref<4x64xi32, #tpu.memory_space<vmem>> -> memref<1x64xi32, #tpu.memory_space<vmem>>
        %dma_wait3A_367 = tpu.memref_squeeze %dma_wait3A_366 : memref<1x64xi32, #tpu.memory_space<vmem>> -> memref<64xi32, #tpu.memory_space<vmem>>
        %dma_wait3A_368 = arith.constant 0 : i32
        %dma_wait3A_369 = tpu.memref_slice %arg3[%dma_wait3A_368] : memref<640000xi32, #tpu.memory_space<hbm>> -> memref<64xi32, #tpu.memory_space<hbm>>
        %dma_wait3A_370 = arith.constant 0 : i32
        %dma_wait3A_371 = tpu.memref_slice %arg6[%dma_wait3A_364, %dma_wait3A_370] : memref<4x64xi32, #tpu.memory_space<vmem>> -> memref<1x64xi32, #tpu.memory_space<vmem>>
        %dma_wait3A_372 = tpu.memref_squeeze %dma_wait3A_371 : memref<1x64xi32, #tpu.memory_space<vmem>> -> memref<64xi32, #tpu.memory_space<vmem>>
        %dma_wait3A_373 = arith.constant 0 : i32
        %dma_wait3A_374 = tpu.memref_slice %arg3[%dma_wait3A_373] : memref<640000xi32, #tpu.memory_space<hbm>> -> memref<64xi32, #tpu.memory_space<hbm>>
        tpu.wait_dma2 semaphore(%arg14 : memref<!tpu.dma_semaphore, #tpu.memory_space<semaphore_mem>>) src(%dma_wait3A_374 : memref<64xi32, #tpu.memory_space<hbm>>) dst(%dma_wait3A_372 : memref<64xi32, #tpu.memory_space<vmem>>)
        %dma_start3A_375 = arith.constant 1 : i32
        %dma_start3A_376 = arith.constant 1 : i32
        %dma_start3A_377 = arith.constant 0 : i32
        %dma_start3A_378 = arith.constant 0 : i32
        %dma_start3A_379 = tpu.memref_slice %arg7[%dma_start3A_375, %dma_start3A_377, %dma_start3A_378] : memref<4x64x128xf32, #tpu.memory_space<vmem>> -> memref<1x64x128xf32, #tpu.memory_space<vmem>>
        %dma_start3A_380 = tpu.memref_squeeze %dma_start3A_379 : memref<1x64x128xf32, #tpu.memory_space<vmem>> -> memref<64x128xf32, #tpu.memory_space<vmem>>
        %dma_start3A_381 = arith.constant 0 : i32
        %dma_start3A_382 = tpu.memref_slice %arg6[%dma_start3A_376, %dma_start3A_381] : memref<4x64xi32, #tpu.memory_space<vmem>> -> memref<1x64xi32, #tpu.memory_space<vmem>>
        %dma_start3A_383 = tpu.memref_squeeze %dma_start3A_382 : memref<1x64xi32, #tpu.memory_space<vmem>> -> memref<64xi32, #tpu.memory_space<vmem>>
        %dma_start3A_384 = arith.constant 0 : i32
        %dma_start3A_385 = arith.constant 0 : i32
        %dma_start3A_386 = tpu.memref_slice %arg8[%dma_start3A_384, %dma_start3A_385] : memref<10240x128xf32, #tpu.memory_space<vmem_shared>> -> memref<10240x128xf32, #tpu.memory_space<vmem_shared>>
        tpu.enqueue_indirect_dma source(%dma_start3A_380 : memref<64x128xf32, #tpu.memory_space<vmem>>) target(%dma_start3A_386 : memref<10240x128xf32, #tpu.memory_space<vmem_shared>>) offsets(%dma_start3A_383 : memref<64xi32, #tpu.memory_space<vmem>>) semaphore(%arg22 : memref<!tpu.dma_semaphore, #tpu.memory_space<semaphore_mem>>) {add = true}
      } else {
      }
      %add3A_300 = arith.constant 2 : i32
      %add3A_301 = arith.addi %add3A_289, %add3A_300 : i32
      %lt3A_302 = arith.cmpi slt, %add3A_301, %select_n3A : i32
      %convert_element_type3A_303 = arith.extui %lt3A_302 : i1 to i32
      %cond3A_304 = arith.constant 0 : i32
      %cond3A_305 = arith.cmpi ne, %convert_element_type3A_303, %cond3A_304 : i32
      scf.if %cond3A_305 {
        %dma_wait3A_344 = arith.constant 2 : i32
        %dma_wait3A_345 = arith.constant 2 : i32
        %dma_wait3A_346 = arith.constant 0 : i32
        %dma_wait3A_347 = arith.constant 0 : i32
        %dma_wait3A_348 = tpu.memref_slice %arg7[%dma_wait3A_345, %dma_wait3A_346, %dma_wait3A_347] : memref<4x64x128xf32, #tpu.memory_space<vmem>> -> memref<1x64x128xf32, #tpu.memory_space<vmem>>
        %dma_wait3A_349 = tpu.memref_squeeze %dma_wait3A_348 : memref<1x64x128xf32, #tpu.memory_space<vmem>> -> memref<64x128xf32, #tpu.memory_space<vmem>>
        %dma_wait3A_350 = arith.constant 0 : i32
        %dma_wait3A_351 = tpu.memref_slice %arg5[%dma_wait3A_344, %dma_wait3A_350] : memref<4x64xi32, #tpu.memory_space<vmem>> -> memref<1x64xi32, #tpu.memory_space<vmem>>
        %dma_wait3A_352 = tpu.memref_squeeze %dma_wait3A_351 : memref<1x64xi32, #tpu.memory_space<vmem>> -> memref<64xi32, #tpu.memory_space<vmem>>
        %dma_wait3A_353 = arith.constant 0 : i32
        %dma_wait3A_354 = arith.constant 0 : i32
        %dma_wait3A_355 = tpu.memref_slice %arg2[%dma_wait3A_353, %dma_wait3A_354] : memref<10000x128xf32, #tpu.memory_space<hbm>> -> memref<10000x128xf32, #tpu.memory_space<hbm>>
        tpu.wait_indirect_dma semaphore(%arg19 : memref<!tpu.dma_semaphore, #tpu.memory_space<semaphore_mem>>) src(%dma_wait3A_355 : memref<10000x128xf32, #tpu.memory_space<hbm>>) dst(%dma_wait3A_349 : memref<64x128xf32, #tpu.memory_space<vmem>>)
        %add3A_356 = arith.constant 2 : i32
        %add3A_357 = arith.addi %add3A_289, %add3A_356 : i32
        %add3A_358 = arith.constant 4 : i32
        %add3A_359 = arith.addi %add3A_357, %add3A_358 : i32
        %lt3A_360 = arith.cmpi slt, %add3A_359, %select_n3A : i32
        %convert_element_type3A_361 = arith.extui %lt3A_360 : i1 to i32
        %cond3A_362 = arith.constant 0 : i32
        %cond3A_363 = arith.cmpi ne, %convert_element_type3A_361, %cond3A_362 : i32
        scf.if %cond3A_363 {
          %add3A_387 = arith.constant 2 : i32
          %add3A_388 = arith.addi %add3A_289, %add3A_387 : i32
          %add3A_389 = arith.constant 4 : i32
          %add3A_390 = arith.addi %add3A_388, %add3A_389 : i32
          %mul3A_391 = arith.constant 32 : i32
          %mul3A_392 = arith.muli %add3A_390, %mul3A_391 : i32
          %add3A_393 = arith.addi %add3A, %mul3A_392 : i32
          %mul3A_394 = arith.constant 64 : i32
          %mul3A_395 = arith.muli %add3A_393, %mul3A_394 : i32
          %dma_start3A_396 = arith.constant 2 : i32
          %dma_start3A_397 = arith.constant 0 : i32
          %dma_start3A_398 = tpu.memref_slice %arg5[%dma_start3A_396, %dma_start3A_397] : memref<4x64xi32, #tpu.memory_space<vmem>> -> memref<1x64xi32, #tpu.memory_space<vmem>>
          %dma_start3A_399 = tpu.memref_squeeze %dma_start3A_398 : memref<1x64xi32, #tpu.memory_space<vmem>> -> memref<64xi32, #tpu.memory_space<vmem>>
          %dma_start3A_400 = tpu.memref_slice %arg3[%mul3A_395] : memref<640000xi32, #tpu.memory_space<hbm>> -> memref<64xi32, #tpu.memory_space<hbm>>
          %dma_start3A_401 = arith.constant 0 : i32
          %dma_start3A_402 = tpu.memref_slice %arg5[%dma_start3A_396, %dma_start3A_401] : memref<4x64xi32, #tpu.memory_space<vmem>> -> memref<1x64xi32, #tpu.memory_space<vmem>>
          %dma_start3A_403 = tpu.memref_squeeze %dma_start3A_402 : memref<1x64xi32, #tpu.memory_space<vmem>> -> memref<64xi32, #tpu.memory_space<vmem>>
          %dma_start3A_404 = tpu.memref_slice %arg3[%mul3A_395] : memref<640000xi32, #tpu.memory_space<hbm>> -> memref<64xi32, #tpu.memory_space<hbm>>
          tpu.enqueue_dma source(%dma_start3A_404 : memref<64xi32, #tpu.memory_space<hbm>>) target(%dma_start3A_403 : memref<64xi32, #tpu.memory_space<vmem>>) target_semaphore(%arg11 : memref<!tpu.dma_semaphore, #tpu.memory_space<semaphore_mem>>)
        } else {
        }
        %dma_wait3A_364 = arith.constant 2 : i32
        %dma_wait3A_365 = arith.constant 0 : i32
        %dma_wait3A_366 = tpu.memref_slice %arg6[%dma_wait3A_364, %dma_wait3A_365] : memref<4x64xi32, #tpu.memory_space<vmem>> -> memref<1x64xi32, #tpu.memory_space<vmem>>
        %dma_wait3A_367 = tpu.memref_squeeze %dma_wait3A_366 : memref<1x64xi32, #tpu.memory_space<vmem>> -> memref<64xi32, #tpu.memory_space<vmem>>
        %dma_wait3A_368 = arith.constant 0 : i32
        %dma_wait3A_369 = tpu.memref_slice %arg3[%dma_wait3A_368] : memref<640000xi32, #tpu.memory_space<hbm>> -> memref<64xi32, #tpu.memory_space<hbm>>
        %dma_wait3A_370 = arith.constant 0 : i32
        %dma_wait3A_371 = tpu.memref_slice %arg6[%dma_wait3A_364, %dma_wait3A_370] : memref<4x64xi32, #tpu.memory_space<vmem>> -> memref<1x64xi32, #tpu.memory_space<vmem>>
        %dma_wait3A_372 = tpu.memref_squeeze %dma_wait3A_371 : memref<1x64xi32, #tpu.memory_space<vmem>> -> memref<64xi32, #tpu.memory_space<vmem>>
        %dma_wait3A_373 = arith.constant 0 : i32
        %dma_wait3A_374 = tpu.memref_slice %arg3[%dma_wait3A_373] : memref<640000xi32, #tpu.memory_space<hbm>> -> memref<64xi32, #tpu.memory_space<hbm>>
        tpu.wait_dma2 semaphore(%arg15 : memref<!tpu.dma_semaphore, #tpu.memory_space<semaphore_mem>>) src(%dma_wait3A_374 : memref<64xi32, #tpu.memory_space<hbm>>) dst(%dma_wait3A_372 : memref<64xi32, #tpu.memory_space<vmem>>)
        %dma_start3A_375 = arith.constant 2 : i32
        %dma_start3A_376 = arith.constant 2 : i32
        %dma_start3A_377 = arith.constant 0 : i32
        %dma_start3A_378 = arith.constant 0 : i32
        %dma_start3A_379 = tpu.memref_slice %arg7[%dma_start3A_375, %dma_start3A_377, %dma_start3A_378] : memref<4x64x128xf32, #tpu.memory_space<vmem>> -> memref<1x64x128xf32, #tpu.memory_space<vmem>>
        %dma_start3A_380 = tpu.memref_squeeze %dma_start3A_379 : memref<1x64x128xf32, #tpu.memory_space<vmem>> -> memref<64x128xf32, #tpu.memory_space<vmem>>
        %dma_start3A_381 = arith.constant 0 : i32
        %dma_start3A_382 = tpu.memref_slice %arg6[%dma_start3A_376, %dma_start3A_381] : memref<4x64xi32, #tpu.memory_space<vmem>> -> memref<1x64xi32, #tpu.memory_space<vmem>>
        %dma_start3A_383 = tpu.memref_squeeze %dma_start3A_382 : memref<1x64xi32, #tpu.memory_space<vmem>> -> memref<64xi32, #tpu.memory_space<vmem>>
        %dma_start3A_384 = arith.constant 0 : i32
        %dma_start3A_385 = arith.constant 0 : i32
        %dma_start3A_386 = tpu.memref_slice %arg8[%dma_start3A_384, %dma_start3A_385] : memref<10240x128xf32, #tpu.memory_space<vmem_shared>> -> memref<10240x128xf32, #tpu.memory_space<vmem_shared>>
        tpu.enqueue_indirect_dma source(%dma_start3A_380 : memref<64x128xf32, #tpu.memory_space<vmem>>) target(%dma_start3A_386 : memref<10240x128xf32, #tpu.memory_space<vmem_shared>>) offsets(%dma_start3A_383 : memref<64xi32, #tpu.memory_space<vmem>>) semaphore(%arg23 : memref<!tpu.dma_semaphore, #tpu.memory_space<semaphore_mem>>) {add = true}
      } else {
      }
      %add3A_306 = arith.constant 3 : i32
      %add3A_307 = arith.addi %add3A_289, %add3A_306 : i32
      %lt3A_308 = arith.cmpi slt, %add3A_307, %select_n3A : i32
      %convert_element_type3A_309 = arith.extui %lt3A_308 : i1 to i32
      %cond3A_310 = arith.constant 0 : i32
      %cond3A_311 = arith.cmpi ne, %convert_element_type3A_309, %cond3A_310 : i32
      scf.if %cond3A_311 {
        %dma_wait3A_344 = arith.constant 3 : i32
        %dma_wait3A_345 = arith.constant 3 : i32
        %dma_wait3A_346 = arith.constant 0 : i32
        %dma_wait3A_347 = arith.constant 0 : i32
        %dma_wait3A_348 = tpu.memref_slice %arg7[%dma_wait3A_345, %dma_wait3A_346, %dma_wait3A_347] : memref<4x64x128xf32, #tpu.memory_space<vmem>> -> memref<1x64x128xf32, #tpu.memory_space<vmem>>
        %dma_wait3A_349 = tpu.memref_squeeze %dma_wait3A_348 : memref<1x64x128xf32, #tpu.memory_space<vmem>> -> memref<64x128xf32, #tpu.memory_space<vmem>>
        %dma_wait3A_350 = arith.constant 0 : i32
        %dma_wait3A_351 = tpu.memref_slice %arg5[%dma_wait3A_344, %dma_wait3A_350] : memref<4x64xi32, #tpu.memory_space<vmem>> -> memref<1x64xi32, #tpu.memory_space<vmem>>
        %dma_wait3A_352 = tpu.memref_squeeze %dma_wait3A_351 : memref<1x64xi32, #tpu.memory_space<vmem>> -> memref<64xi32, #tpu.memory_space<vmem>>
        %dma_wait3A_353 = arith.constant 0 : i32
        %dma_wait3A_354 = arith.constant 0 : i32
        %dma_wait3A_355 = tpu.memref_slice %arg2[%dma_wait3A_353, %dma_wait3A_354] : memref<10000x128xf32, #tpu.memory_space<hbm>> -> memref<10000x128xf32, #tpu.memory_space<hbm>>
        tpu.wait_indirect_dma semaphore(%arg20 : memref<!tpu.dma_semaphore, #tpu.memory_space<semaphore_mem>>) src(%dma_wait3A_355 : memref<10000x128xf32, #tpu.memory_space<hbm>>) dst(%dma_wait3A_349 : memref<64x128xf32, #tpu.memory_space<vmem>>)
        %add3A_356 = arith.constant 3 : i32
        %add3A_357 = arith.addi %add3A_289, %add3A_356 : i32
        %add3A_358 = arith.constant 4 : i32
        %add3A_359 = arith.addi %add3A_357, %add3A_358 : i32
        %lt3A_360 = arith.cmpi slt, %add3A_359, %select_n3A : i32
        %convert_element_type3A_361 = arith.extui %lt3A_360 : i1 to i32
        %cond3A_362 = arith.constant 0 : i32
        %cond3A_363 = arith.cmpi ne, %convert_element_type3A_361, %cond3A_362 : i32
        scf.if %cond3A_363 {
          %add3A_387 = arith.constant 3 : i32
          %add3A_388 = arith.addi %add3A_289, %add3A_387 : i32
          %add3A_389 = arith.constant 4 : i32
          %add3A_390 = arith.addi %add3A_388, %add3A_389 : i32
          %mul3A_391 = arith.constant 32 : i32
          %mul3A_392 = arith.muli %add3A_390, %mul3A_391 : i32
          %add3A_393 = arith.addi %add3A, %mul3A_392 : i32
          %mul3A_394 = arith.constant 64 : i32
          %mul3A_395 = arith.muli %add3A_393, %mul3A_394 : i32
          %dma_start3A_396 = arith.constant 3 : i32
          %dma_start3A_397 = arith.constant 0 : i32
          %dma_start3A_398 = tpu.memref_slice %arg5[%dma_start3A_396, %dma_start3A_397] : memref<4x64xi32, #tpu.memory_space<vmem>> -> memref<1x64xi32, #tpu.memory_space<vmem>>
          %dma_start3A_399 = tpu.memref_squeeze %dma_start3A_398 : memref<1x64xi32, #tpu.memory_space<vmem>> -> memref<64xi32, #tpu.memory_space<vmem>>
          %dma_start3A_400 = tpu.memref_slice %arg3[%mul3A_395] : memref<640000xi32, #tpu.memory_space<hbm>> -> memref<64xi32, #tpu.memory_space<hbm>>
          %dma_start3A_401 = arith.constant 0 : i32
          %dma_start3A_402 = tpu.memref_slice %arg5[%dma_start3A_396, %dma_start3A_401] : memref<4x64xi32, #tpu.memory_space<vmem>> -> memref<1x64xi32, #tpu.memory_space<vmem>>
          %dma_start3A_403 = tpu.memref_squeeze %dma_start3A_402 : memref<1x64xi32, #tpu.memory_space<vmem>> -> memref<64xi32, #tpu.memory_space<vmem>>
          %dma_start3A_404 = tpu.memref_slice %arg3[%mul3A_395] : memref<640000xi32, #tpu.memory_space<hbm>> -> memref<64xi32, #tpu.memory_space<hbm>>
          tpu.enqueue_dma source(%dma_start3A_404 : memref<64xi32, #tpu.memory_space<hbm>>) target(%dma_start3A_403 : memref<64xi32, #tpu.memory_space<vmem>>) target_semaphore(%arg12 : memref<!tpu.dma_semaphore, #tpu.memory_space<semaphore_mem>>)
        } else {
        }
        %dma_wait3A_364 = arith.constant 3 : i32
        %dma_wait3A_365 = arith.constant 0 : i32
        %dma_wait3A_366 = tpu.memref_slice %arg6[%dma_wait3A_364, %dma_wait3A_365] : memref<4x64xi32, #tpu.memory_space<vmem>> -> memref<1x64xi32, #tpu.memory_space<vmem>>
        %dma_wait3A_367 = tpu.memref_squeeze %dma_wait3A_366 : memref<1x64xi32, #tpu.memory_space<vmem>> -> memref<64xi32, #tpu.memory_space<vmem>>
        %dma_wait3A_368 = arith.constant 0 : i32
        %dma_wait3A_369 = tpu.memref_slice %arg3[%dma_wait3A_368] : memref<640000xi32, #tpu.memory_space<hbm>> -> memref<64xi32, #tpu.memory_space<hbm>>
        %dma_wait3A_370 = arith.constant 0 : i32
        %dma_wait3A_371 = tpu.memref_slice %arg6[%dma_wait3A_364, %dma_wait3A_370] : memref<4x64xi32, #tpu.memory_space<vmem>> -> memref<1x64xi32, #tpu.memory_space<vmem>>
        %dma_wait3A_372 = tpu.memref_squeeze %dma_wait3A_371 : memref<1x64xi32, #tpu.memory_space<vmem>> -> memref<64xi32, #tpu.memory_space<vmem>>
        %dma_wait3A_373 = arith.constant 0 : i32
        %dma_wait3A_374 = tpu.memref_slice %arg3[%dma_wait3A_373] : memref<640000xi32, #tpu.memory_space<hbm>> -> memref<64xi32, #tpu.memory_space<hbm>>
        tpu.wait_dma2 semaphore(%arg16 : memref<!tpu.dma_semaphore, #tpu.memory_space<semaphore_mem>>) src(%dma_wait3A_374 : memref<64xi32, #tpu.memory_space<hbm>>) dst(%dma_wait3A_372 : memref<64xi32, #tpu.memory_space<vmem>>)
        %dma_start3A_375 = arith.constant 3 : i32
        %dma_start3A_376 = arith.constant 3 : i32
        %dma_start3A_377 = arith.constant 0 : i32
        %dma_start3A_378 = arith.constant 0 : i32
        %dma_start3A_379 = tpu.memref_slice %arg7[%dma_start3A_375, %dma_start3A_377, %dma_start3A_378] : memref<4x64x128xf32, #tpu.memory_space<vmem>> -> memref<1x64x128xf32, #tpu.memory_space<vmem>>
        %dma_start3A_380 = tpu.memref_squeeze %dma_start3A_379 : memref<1x64x128xf32, #tpu.memory_space<vmem>> -> memref<64x128xf32, #tpu.memory_space<vmem>>
        %dma_start3A_381 = arith.constant 0 : i32
        %dma_start3A_382 = tpu.memref_slice %arg6[%dma_start3A_376, %dma_start3A_381] : memref<4x64xi32, #tpu.memory_space<vmem>> -> memref<1x64xi32, #tpu.memory_space<vmem>>
        %dma_start3A_383 = tpu.memref_squeeze %dma_start3A_382 : memref<1x64xi32, #tpu.memory_space<vmem>> -> memref<64xi32, #tpu.memory_space<vmem>>
        %dma_start3A_384 = arith.constant 0 : i32
        %dma_start3A_385 = arith.constant 0 : i32
        %dma_start3A_386 = tpu.memref_slice %arg8[%dma_start3A_384, %dma_start3A_385] : memref<10240x128xf32, #tpu.memory_space<vmem_shared>> -> memref<10240x128xf32, #tpu.memory_space<vmem_shared>>
        tpu.enqueue_indirect_dma source(%dma_start3A_380 : memref<64x128xf32, #tpu.memory_space<vmem>>) target(%dma_start3A_386 : memref<10240x128xf32, #tpu.memory_space<vmem_shared>>) offsets(%dma_start3A_383 : memref<64xi32, #tpu.memory_space<vmem>>) semaphore(%arg24 : memref<!tpu.dma_semaphore, #tpu.memory_space<semaphore_mem>>) {add = true}
      } else {
      }
      %add3A_312 = arith.constant 0 : i32
      %add3A_313 = arith.addi %add3A_289, %add3A_312 : i32
      %add3A_314 = arith.constant 4 : i32
      %add3A_315 = arith.addi %add3A_313, %add3A_314 : i32
      %lt3A_316 = arith.cmpi slt, %add3A_315, %select_n3A : i32
      %convert_element_type3A_317 = arith.extui %lt3A_316 : i1 to i32
      %cond3A_318 = arith.constant 0 : i32
      %cond3A_319 = arith.cmpi ne, %convert_element_type3A_317, %cond3A_318 : i32
      scf.if %cond3A_319 {
        %dma_wait3A_344 = arith.constant 0 : i32
        %dma_wait3A_345 = arith.constant 0 : i32
        %dma_wait3A_346 = arith.constant 0 : i32
        %dma_wait3A_347 = arith.constant 0 : i32
        %dma_wait3A_348 = tpu.memref_slice %arg7[%dma_wait3A_344, %dma_wait3A_346, %dma_wait3A_347] : memref<4x64x128xf32, #tpu.memory_space<vmem>> -> memref<1x64x128xf32, #tpu.memory_space<vmem>>
        %dma_wait3A_349 = tpu.memref_squeeze %dma_wait3A_348 : memref<1x64x128xf32, #tpu.memory_space<vmem>> -> memref<64x128xf32, #tpu.memory_space<vmem>>
        %dma_wait3A_350 = arith.constant 0 : i32
        %dma_wait3A_351 = tpu.memref_slice %arg6[%dma_wait3A_345, %dma_wait3A_350] : memref<4x64xi32, #tpu.memory_space<vmem>> -> memref<1x64xi32, #tpu.memory_space<vmem>>
        %dma_wait3A_352 = tpu.memref_squeeze %dma_wait3A_351 : memref<1x64xi32, #tpu.memory_space<vmem>> -> memref<64xi32, #tpu.memory_space<vmem>>
        %dma_wait3A_353 = arith.constant 0 : i32
        %dma_wait3A_354 = arith.constant 0 : i32
        %dma_wait3A_355 = tpu.memref_slice %arg8[%dma_wait3A_353, %dma_wait3A_354] : memref<10240x128xf32, #tpu.memory_space<vmem_shared>> -> memref<10240x128xf32, #tpu.memory_space<vmem_shared>>
        tpu.wait_indirect_dma semaphore(%arg21 : memref<!tpu.dma_semaphore, #tpu.memory_space<semaphore_mem>>) src(%dma_wait3A_349 : memref<64x128xf32, #tpu.memory_space<vmem>>) dst(%dma_wait3A_355 : memref<10240x128xf32, #tpu.memory_space<vmem_shared>>)
        %mul3A_356 = arith.constant 32 : i32
        %mul3A_357 = arith.muli %add3A_315, %mul3A_356 : i32
        %add3A_358 = arith.addi %add3A, %mul3A_357 : i32
        %mul3A_359 = arith.constant 64 : i32
        %mul3A_360 = arith.muli %add3A_358, %mul3A_359 : i32
        %add3A_361 = arith.constant 320000 : i32
        %add3A_362 = arith.addi %add3A_361, %mul3A_360 : i32
        %dma_start3A_363 = arith.constant 0 : i32
        %dma_start3A_364 = arith.constant 0 : i32
        %dma_start3A_365 = tpu.memref_slice %arg6[%dma_start3A_363, %dma_start3A_364] : memref<4x64xi32, #tpu.memory_space<vmem>> -> memref<1x64xi32, #tpu.memory_space<vmem>>
        %dma_start3A_366 = tpu.memref_squeeze %dma_start3A_365 : memref<1x64xi32, #tpu.memory_space<vmem>> -> memref<64xi32, #tpu.memory_space<vmem>>
        %dma_start3A_367 = tpu.memref_slice %arg3[%add3A_362] : memref<640000xi32, #tpu.memory_space<hbm>> -> memref<64xi32, #tpu.memory_space<hbm>>
        %dma_start3A_368 = arith.constant 0 : i32
        %dma_start3A_369 = tpu.memref_slice %arg6[%dma_start3A_363, %dma_start3A_368] : memref<4x64xi32, #tpu.memory_space<vmem>> -> memref<1x64xi32, #tpu.memory_space<vmem>>
        %dma_start3A_370 = tpu.memref_squeeze %dma_start3A_369 : memref<1x64xi32, #tpu.memory_space<vmem>> -> memref<64xi32, #tpu.memory_space<vmem>>
        %dma_start3A_371 = tpu.memref_slice %arg3[%add3A_362] : memref<640000xi32, #tpu.memory_space<hbm>> -> memref<64xi32, #tpu.memory_space<hbm>>
        tpu.enqueue_dma source(%dma_start3A_371 : memref<64xi32, #tpu.memory_space<hbm>>) target(%dma_start3A_370 : memref<64xi32, #tpu.memory_space<vmem>>) target_semaphore(%arg13 : memref<!tpu.dma_semaphore, #tpu.memory_space<semaphore_mem>>)
        %dma_wait3A_372 = arith.constant 0 : i32
        %dma_wait3A_373 = arith.constant 0 : i32
        %dma_wait3A_374 = tpu.memref_slice %arg5[%dma_wait3A_372, %dma_wait3A_373] : memref<4x64xi32, #tpu.memory_space<vmem>> -> memref<1x64xi32, #tpu.memory_space<vmem>>
        %dma_wait3A_375 = tpu.memref_squeeze %dma_wait3A_374 : memref<1x64xi32, #tpu.memory_space<vmem>> -> memref<64xi32, #tpu.memory_space<vmem>>
        %dma_wait3A_376 = arith.constant 0 : i32
        %dma_wait3A_377 = tpu.memref_slice %arg3[%dma_wait3A_376] : memref<640000xi32, #tpu.memory_space<hbm>> -> memref<64xi32, #tpu.memory_space<hbm>>
        %dma_wait3A_378 = arith.constant 0 : i32
        %dma_wait3A_379 = tpu.memref_slice %arg5[%dma_wait3A_372, %dma_wait3A_378] : memref<4x64xi32, #tpu.memory_space<vmem>> -> memref<1x64xi32, #tpu.memory_space<vmem>>
        %dma_wait3A_380 = tpu.memref_squeeze %dma_wait3A_379 : memref<1x64xi32, #tpu.memory_space<vmem>> -> memref<64xi32, #tpu.memory_space<vmem>>
        %dma_wait3A_381 = arith.constant 0 : i32
        %dma_wait3A_382 = tpu.memref_slice %arg3[%dma_wait3A_381] : memref<640000xi32, #tpu.memory_space<hbm>> -> memref<64xi32, #tpu.memory_space<hbm>>
        tpu.wait_dma2 semaphore(%arg9 : memref<!tpu.dma_semaphore, #tpu.memory_space<semaphore_mem>>) src(%dma_wait3A_382 : memref<64xi32, #tpu.memory_space<hbm>>) dst(%dma_wait3A_380 : memref<64xi32, #tpu.memory_space<vmem>>)
        %dma_start3A_383 = arith.constant 0 : i32
        %dma_start3A_384 = arith.constant 0 : i32
        %dma_start3A_385 = arith.constant 0 : i32
        %dma_start3A_386 = arith.constant 0 : i32
        %dma_start3A_387 = tpu.memref_slice %arg7[%dma_start3A_384, %dma_start3A_385, %dma_start3A_386] : memref<4x64x128xf32, #tpu.memory_space<vmem>> -> memref<1x64x128xf32, #tpu.memory_space<vmem>>
        %dma_start3A_388 = tpu.memref_squeeze %dma_start3A_387 : memref<1x64x128xf32, #tpu.memory_space<vmem>> -> memref<64x128xf32, #tpu.memory_space<vmem>>
        %dma_start3A_389 = arith.constant 0 : i32
        %dma_start3A_390 = tpu.memref_slice %arg5[%dma_start3A_383, %dma_start3A_389] : memref<4x64xi32, #tpu.memory_space<vmem>> -> memref<1x64xi32, #tpu.memory_space<vmem>>
        %dma_start3A_391 = tpu.memref_squeeze %dma_start3A_390 : memref<1x64xi32, #tpu.memory_space<vmem>> -> memref<64xi32, #tpu.memory_space<vmem>>
        %dma_start3A_392 = arith.constant 0 : i32
        %dma_start3A_393 = arith.constant 0 : i32
        %dma_start3A_394 = tpu.memref_slice %arg2[%dma_start3A_392, %dma_start3A_393] : memref<10000x128xf32, #tpu.memory_space<hbm>> -> memref<10000x128xf32, #tpu.memory_space<hbm>>
        tpu.enqueue_indirect_dma source(%dma_start3A_394 : memref<10000x128xf32, #tpu.memory_space<hbm>>) target(%dma_start3A_388 : memref<64x128xf32, #tpu.memory_space<vmem>>) offsets(%dma_start3A_391 : memref<64xi32, #tpu.memory_space<vmem>>) semaphore(%arg17 : memref<!tpu.dma_semaphore, #tpu.memory_space<semaphore_mem>>)
      } else {
      }
      %add3A_320 = arith.constant 1 : i32
      %add3A_321 = arith.addi %add3A_289, %add3A_320 : i32
      %add3A_322 = arith.constant 4 : i32
      %add3A_323 = arith.addi %add3A_321, %add3A_322 : i32
      %lt3A_324 = arith.cmpi slt, %add3A_323, %select_n3A : i32
      %convert_element_type3A_325 = arith.extui %lt3A_324 : i1 to i32
      %cond3A_326 = arith.constant 0 : i32
      %cond3A_327 = arith.cmpi ne, %convert_element_type3A_325, %cond3A_326 : i32
      scf.if %cond3A_327 {
        %dma_wait3A_344 = arith.constant 1 : i32
        %dma_wait3A_345 = arith.constant 1 : i32
        %dma_wait3A_346 = arith.constant 0 : i32
        %dma_wait3A_347 = arith.constant 0 : i32
        %dma_wait3A_348 = tpu.memref_slice %arg7[%dma_wait3A_344, %dma_wait3A_346, %dma_wait3A_347] : memref<4x64x128xf32, #tpu.memory_space<vmem>> -> memref<1x64x128xf32, #tpu.memory_space<vmem>>
        %dma_wait3A_349 = tpu.memref_squeeze %dma_wait3A_348 : memref<1x64x128xf32, #tpu.memory_space<vmem>> -> memref<64x128xf32, #tpu.memory_space<vmem>>
        %dma_wait3A_350 = arith.constant 0 : i32
        %dma_wait3A_351 = tpu.memref_slice %arg6[%dma_wait3A_345, %dma_wait3A_350] : memref<4x64xi32, #tpu.memory_space<vmem>> -> memref<1x64xi32, #tpu.memory_space<vmem>>
        %dma_wait3A_352 = tpu.memref_squeeze %dma_wait3A_351 : memref<1x64xi32, #tpu.memory_space<vmem>> -> memref<64xi32, #tpu.memory_space<vmem>>
        %dma_wait3A_353 = arith.constant 0 : i32
        %dma_wait3A_354 = arith.constant 0 : i32
        %dma_wait3A_355 = tpu.memref_slice %arg8[%dma_wait3A_353, %dma_wait3A_354] : memref<10240x128xf32, #tpu.memory_space<vmem_shared>> -> memref<10240x128xf32, #tpu.memory_space<vmem_shared>>
        tpu.wait_indirect_dma semaphore(%arg22 : memref<!tpu.dma_semaphore, #tpu.memory_space<semaphore_mem>>) src(%dma_wait3A_349 : memref<64x128xf32, #tpu.memory_space<vmem>>) dst(%dma_wait3A_355 : memref<10240x128xf32, #tpu.memory_space<vmem_shared>>)
        %mul3A_356 = arith.constant 32 : i32
        %mul3A_357 = arith.muli %add3A_323, %mul3A_356 : i32
        %add3A_358 = arith.addi %add3A, %mul3A_357 : i32
        %mul3A_359 = arith.constant 64 : i32
        %mul3A_360 = arith.muli %add3A_358, %mul3A_359 : i32
        %add3A_361 = arith.constant 320000 : i32
        %add3A_362 = arith.addi %add3A_361, %mul3A_360 : i32
        %dma_start3A_363 = arith.constant 1 : i32
        %dma_start3A_364 = arith.constant 0 : i32
        %dma_start3A_365 = tpu.memref_slice %arg6[%dma_start3A_363, %dma_start3A_364] : memref<4x64xi32, #tpu.memory_space<vmem>> -> memref<1x64xi32, #tpu.memory_space<vmem>>
        %dma_start3A_366 = tpu.memref_squeeze %dma_start3A_365 : memref<1x64xi32, #tpu.memory_space<vmem>> -> memref<64xi32, #tpu.memory_space<vmem>>
        %dma_start3A_367 = tpu.memref_slice %arg3[%add3A_362] : memref<640000xi32, #tpu.memory_space<hbm>> -> memref<64xi32, #tpu.memory_space<hbm>>
        %dma_start3A_368 = arith.constant 0 : i32
        %dma_start3A_369 = tpu.memref_slice %arg6[%dma_start3A_363, %dma_start3A_368] : memref<4x64xi32, #tpu.memory_space<vmem>> -> memref<1x64xi32, #tpu.memory_space<vmem>>
        %dma_start3A_370 = tpu.memref_squeeze %dma_start3A_369 : memref<1x64xi32, #tpu.memory_space<vmem>> -> memref<64xi32, #tpu.memory_space<vmem>>
        %dma_start3A_371 = tpu.memref_slice %arg3[%add3A_362] : memref<640000xi32, #tpu.memory_space<hbm>> -> memref<64xi32, #tpu.memory_space<hbm>>
        tpu.enqueue_dma source(%dma_start3A_371 : memref<64xi32, #tpu.memory_space<hbm>>) target(%dma_start3A_370 : memref<64xi32, #tpu.memory_space<vmem>>) target_semaphore(%arg14 : memref<!tpu.dma_semaphore, #tpu.memory_space<semaphore_mem>>)
        %dma_wait3A_372 = arith.constant 1 : i32
        %dma_wait3A_373 = arith.constant 0 : i32
        %dma_wait3A_374 = tpu.memref_slice %arg5[%dma_wait3A_372, %dma_wait3A_373] : memref<4x64xi32, #tpu.memory_space<vmem>> -> memref<1x64xi32, #tpu.memory_space<vmem>>
        %dma_wait3A_375 = tpu.memref_squeeze %dma_wait3A_374 : memref<1x64xi32, #tpu.memory_space<vmem>> -> memref<64xi32, #tpu.memory_space<vmem>>
        %dma_wait3A_376 = arith.constant 0 : i32
        %dma_wait3A_377 = tpu.memref_slice %arg3[%dma_wait3A_376] : memref<640000xi32, #tpu.memory_space<hbm>> -> memref<64xi32, #tpu.memory_space<hbm>>
        %dma_wait3A_378 = arith.constant 0 : i32
        %dma_wait3A_379 = tpu.memref_slice %arg5[%dma_wait3A_372, %dma_wait3A_378] : memref<4x64xi32, #tpu.memory_space<vmem>> -> memref<1x64xi32, #tpu.memory_space<vmem>>
        %dma_wait3A_380 = tpu.memref_squeeze %dma_wait3A_379 : memref<1x64xi32, #tpu.memory_space<vmem>> -> memref<64xi32, #tpu.memory_space<vmem>>
        %dma_wait3A_381 = arith.constant 0 : i32
        %dma_wait3A_382 = tpu.memref_slice %arg3[%dma_wait3A_381] : memref<640000xi32, #tpu.memory_space<hbm>> -> memref<64xi32, #tpu.memory_space<hbm>>
        tpu.wait_dma2 semaphore(%arg10 : memref<!tpu.dma_semaphore, #tpu.memory_space<semaphore_mem>>) src(%dma_wait3A_382 : memref<64xi32, #tpu.memory_space<hbm>>) dst(%dma_wait3A_380 : memref<64xi32, #tpu.memory_space<vmem>>)
        %dma_start3A_383 = arith.constant 1 : i32
        %dma_start3A_384 = arith.constant 1 : i32
        %dma_start3A_385 = arith.constant 0 : i32
        %dma_start3A_386 = arith.constant 0 : i32
        %dma_start3A_387 = tpu.memref_slice %arg7[%dma_start3A_384, %dma_start3A_385, %dma_start3A_386] : memref<4x64x128xf32, #tpu.memory_space<vmem>> -> memref<1x64x128xf32, #tpu.memory_space<vmem>>
        %dma_start3A_388 = tpu.memref_squeeze %dma_start3A_387 : memref<1x64x128xf32, #tpu.memory_space<vmem>> -> memref<64x128xf32, #tpu.memory_space<vmem>>
        %dma_start3A_389 = arith.constant 0 : i32
        %dma_start3A_390 = tpu.memref_slice %arg5[%dma_start3A_383, %dma_start3A_389] : memref<4x64xi32, #tpu.memory_space<vmem>> -> memref<1x64xi32, #tpu.memory_space<vmem>>
        %dma_start3A_391 = tpu.memref_squeeze %dma_start3A_390 : memref<1x64xi32, #tpu.memory_space<vmem>> -> memref<64xi32, #tpu.memory_space<vmem>>
        %dma_start3A_392 = arith.constant 0 : i32
        %dma_start3A_393 = arith.constant 0 : i32
        %dma_start3A_394 = tpu.memref_slice %arg2[%dma_start3A_392, %dma_start3A_393] : memref<10000x128xf32, #tpu.memory_space<hbm>> -> memref<10000x128xf32, #tpu.memory_space<hbm>>
        tpu.enqueue_indirect_dma source(%dma_start3A_394 : memref<10000x128xf32, #tpu.memory_space<hbm>>) target(%dma_start3A_388 : memref<64x128xf32, #tpu.memory_space<vmem>>) offsets(%dma_start3A_391 : memref<64xi32, #tpu.memory_space<vmem>>) semaphore(%arg18 : memref<!tpu.dma_semaphore, #tpu.memory_space<semaphore_mem>>)
      } else {
      }
      %add3A_328 = arith.constant 2 : i32
      %add3A_329 = arith.addi %add3A_289, %add3A_328 : i32
      %add3A_330 = arith.constant 4 : i32
      %add3A_331 = arith.addi %add3A_329, %add3A_330 : i32
      %lt3A_332 = arith.cmpi slt, %add3A_331, %select_n3A : i32
      %convert_element_type3A_333 = arith.extui %lt3A_332 : i1 to i32
      %cond3A_334 = arith.constant 0 : i32
      %cond3A_335 = arith.cmpi ne, %convert_element_type3A_333, %cond3A_334 : i32
      scf.if %cond3A_335 {
        %dma_wait3A_344 = arith.constant 2 : i32
        %dma_wait3A_345 = arith.constant 2 : i32
        %dma_wait3A_346 = arith.constant 0 : i32
        %dma_wait3A_347 = arith.constant 0 : i32
        %dma_wait3A_348 = tpu.memref_slice %arg7[%dma_wait3A_344, %dma_wait3A_346, %dma_wait3A_347] : memref<4x64x128xf32, #tpu.memory_space<vmem>> -> memref<1x64x128xf32, #tpu.memory_space<vmem>>
        %dma_wait3A_349 = tpu.memref_squeeze %dma_wait3A_348 : memref<1x64x128xf32, #tpu.memory_space<vmem>> -> memref<64x128xf32, #tpu.memory_space<vmem>>
        %dma_wait3A_350 = arith.constant 0 : i32
        %dma_wait3A_351 = tpu.memref_slice %arg6[%dma_wait3A_345, %dma_wait3A_350] : memref<4x64xi32, #tpu.memory_space<vmem>> -> memref<1x64xi32, #tpu.memory_space<vmem>>
        %dma_wait3A_352 = tpu.memref_squeeze %dma_wait3A_351 : memref<1x64xi32, #tpu.memory_space<vmem>> -> memref<64xi32, #tpu.memory_space<vmem>>
        %dma_wait3A_353 = arith.constant 0 : i32
        %dma_wait3A_354 = arith.constant 0 : i32
        %dma_wait3A_355 = tpu.memref_slice %arg8[%dma_wait3A_353, %dma_wait3A_354] : memref<10240x128xf32, #tpu.memory_space<vmem_shared>> -> memref<10240x128xf32, #tpu.memory_space<vmem_shared>>
        tpu.wait_indirect_dma semaphore(%arg23 : memref<!tpu.dma_semaphore, #tpu.memory_space<semaphore_mem>>) src(%dma_wait3A_349 : memref<64x128xf32, #tpu.memory_space<vmem>>) dst(%dma_wait3A_355 : memref<10240x128xf32, #tpu.memory_space<vmem_shared>>)
        %mul3A_356 = arith.constant 32 : i32
        %mul3A_357 = arith.muli %add3A_331, %mul3A_356 : i32
        %add3A_358 = arith.addi %add3A, %mul3A_357 : i32
        %mul3A_359 = arith.constant 64 : i32
        %mul3A_360 = arith.muli %add3A_358, %mul3A_359 : i32
        %add3A_361 = arith.constant 320000 : i32
        %add3A_362 = arith.addi %add3A_361, %mul3A_360 : i32
        %dma_start3A_363 = arith.constant 2 : i32
        %dma_start3A_364 = arith.constant 0 : i32
        %dma_start3A_365 = tpu.memref_slice %arg6[%dma_start3A_363, %dma_start3A_364] : memref<4x64xi32, #tpu.memory_space<vmem>> -> memref<1x64xi32, #tpu.memory_space<vmem>>
        %dma_start3A_366 = tpu.memref_squeeze %dma_start3A_365 : memref<1x64xi32, #tpu.memory_space<vmem>> -> memref<64xi32, #tpu.memory_space<vmem>>
        %dma_start3A_367 = tpu.memref_slice %arg3[%add3A_362] : memref<640000xi32, #tpu.memory_space<hbm>> -> memref<64xi32, #tpu.memory_space<hbm>>
        %dma_start3A_368 = arith.constant 0 : i32
        %dma_start3A_369 = tpu.memref_slice %arg6[%dma_start3A_363, %dma_start3A_368] : memref<4x64xi32, #tpu.memory_space<vmem>> -> memref<1x64xi32, #tpu.memory_space<vmem>>
        %dma_start3A_370 = tpu.memref_squeeze %dma_start3A_369 : memref<1x64xi32, #tpu.memory_space<vmem>> -> memref<64xi32, #tpu.memory_space<vmem>>
        %dma_start3A_371 = tpu.memref_slice %arg3[%add3A_362] : memref<640000xi32, #tpu.memory_space<hbm>> -> memref<64xi32, #tpu.memory_space<hbm>>
        tpu.enqueue_dma source(%dma_start3A_371 : memref<64xi32, #tpu.memory_space<hbm>>) target(%dma_start3A_370 : memref<64xi32, #tpu.memory_space<vmem>>) target_semaphore(%arg15 : memref<!tpu.dma_semaphore, #tpu.memory_space<semaphore_mem>>)
        %dma_wait3A_372 = arith.constant 2 : i32
        %dma_wait3A_373 = arith.constant 0 : i32
        %dma_wait3A_374 = tpu.memref_slice %arg5[%dma_wait3A_372, %dma_wait3A_373] : memref<4x64xi32, #tpu.memory_space<vmem>> -> memref<1x64xi32, #tpu.memory_space<vmem>>
        %dma_wait3A_375 = tpu.memref_squeeze %dma_wait3A_374 : memref<1x64xi32, #tpu.memory_space<vmem>> -> memref<64xi32, #tpu.memory_space<vmem>>
        %dma_wait3A_376 = arith.constant 0 : i32
        %dma_wait3A_377 = tpu.memref_slice %arg3[%dma_wait3A_376] : memref<640000xi32, #tpu.memory_space<hbm>> -> memref<64xi32, #tpu.memory_space<hbm>>
        %dma_wait3A_378 = arith.constant 0 : i32
        %dma_wait3A_379 = tpu.memref_slice %arg5[%dma_wait3A_372, %dma_wait3A_378] : memref<4x64xi32, #tpu.memory_space<vmem>> -> memref<1x64xi32, #tpu.memory_space<vmem>>
        %dma_wait3A_380 = tpu.memref_squeeze %dma_wait3A_379 : memref<1x64xi32, #tpu.memory_space<vmem>> -> memref<64xi32, #tpu.memory_space<vmem>>
        %dma_wait3A_381 = arith.constant 0 : i32
        %dma_wait3A_382 = tpu.memref_slice %arg3[%dma_wait3A_381] : memref<640000xi32, #tpu.memory_space<hbm>> -> memref<64xi32, #tpu.memory_space<hbm>>
        tpu.wait_dma2 semaphore(%arg11 : memref<!tpu.dma_semaphore, #tpu.memory_space<semaphore_mem>>) src(%dma_wait3A_382 : memref<64xi32, #tpu.memory_space<hbm>>) dst(%dma_wait3A_380 : memref<64xi32, #tpu.memory_space<vmem>>)
        %dma_start3A_383 = arith.constant 2 : i32
        %dma_start3A_384 = arith.constant 2 : i32
        %dma_start3A_385 = arith.constant 0 : i32
        %dma_start3A_386 = arith.constant 0 : i32
        %dma_start3A_387 = tpu.memref_slice %arg7[%dma_start3A_384, %dma_start3A_385, %dma_start3A_386] : memref<4x64x128xf32, #tpu.memory_space<vmem>> -> memref<1x64x128xf32, #tpu.memory_space<vmem>>
        %dma_start3A_388 = tpu.memref_squeeze %dma_start3A_387 : memref<1x64x128xf32, #tpu.memory_space<vmem>> -> memref<64x128xf32, #tpu.memory_space<vmem>>
        %dma_start3A_389 = arith.constant 0 : i32
        %dma_start3A_390 = tpu.memref_slice %arg5[%dma_start3A_383, %dma_start3A_389] : memref<4x64xi32, #tpu.memory_space<vmem>> -> memref<1x64xi32, #tpu.memory_space<vmem>>
        %dma_start3A_391 = tpu.memref_squeeze %dma_start3A_390 : memref<1x64xi32, #tpu.memory_space<vmem>> -> memref<64xi32, #tpu.memory_space<vmem>>
        %dma_start3A_392 = arith.constant 0 : i32
        %dma_start3A_393 = arith.constant 0 : i32
        %dma_start3A_394 = tpu.memref_slice %arg2[%dma_start3A_392, %dma_start3A_393] : memref<10000x128xf32, #tpu.memory_space<hbm>> -> memref<10000x128xf32, #tpu.memory_space<hbm>>
        tpu.enqueue_indirect_dma source(%dma_start3A_394 : memref<10000x128xf32, #tpu.memory_space<hbm>>) target(%dma_start3A_388 : memref<64x128xf32, #tpu.memory_space<vmem>>) offsets(%dma_start3A_391 : memref<64xi32, #tpu.memory_space<vmem>>) semaphore(%arg19 : memref<!tpu.dma_semaphore, #tpu.memory_space<semaphore_mem>>)
      } else {
      }
      %add3A_336 = arith.constant 3 : i32
      %add3A_337 = arith.addi %add3A_289, %add3A_336 : i32
      %add3A_338 = arith.constant 4 : i32
      %add3A_339 = arith.addi %add3A_337, %add3A_338 : i32
      %lt3A_340 = arith.cmpi slt, %add3A_339, %select_n3A : i32
      %convert_element_type3A_341 = arith.extui %lt3A_340 : i1 to i32
      %cond3A_342 = arith.constant 0 : i32
      %cond3A_343 = arith.cmpi ne, %convert_element_type3A_341, %cond3A_342 : i32
      scf.if %cond3A_343 {
        %dma_wait3A_344 = arith.constant 3 : i32
        %dma_wait3A_345 = arith.constant 3 : i32
        %dma_wait3A_346 = arith.constant 0 : i32
        %dma_wait3A_347 = arith.constant 0 : i32
        %dma_wait3A_348 = tpu.memref_slice %arg7[%dma_wait3A_344, %dma_wait3A_346, %dma_wait3A_347] : memref<4x64x128xf32, #tpu.memory_space<vmem>> -> memref<1x64x128xf32, #tpu.memory_space<vmem>>
        %dma_wait3A_349 = tpu.memref_squeeze %dma_wait3A_348 : memref<1x64x128xf32, #tpu.memory_space<vmem>> -> memref<64x128xf32, #tpu.memory_space<vmem>>
        %dma_wait3A_350 = arith.constant 0 : i32
        %dma_wait3A_351 = tpu.memref_slice %arg6[%dma_wait3A_345, %dma_wait3A_350] : memref<4x64xi32, #tpu.memory_space<vmem>> -> memref<1x64xi32, #tpu.memory_space<vmem>>
        %dma_wait3A_352 = tpu.memref_squeeze %dma_wait3A_351 : memref<1x64xi32, #tpu.memory_space<vmem>> -> memref<64xi32, #tpu.memory_space<vmem>>
        %dma_wait3A_353 = arith.constant 0 : i32
        %dma_wait3A_354 = arith.constant 0 : i32
        %dma_wait3A_355 = tpu.memref_slice %arg8[%dma_wait3A_353, %dma_wait3A_354] : memref<10240x128xf32, #tpu.memory_space<vmem_shared>> -> memref<10240x128xf32, #tpu.memory_space<vmem_shared>>
        tpu.wait_indirect_dma semaphore(%arg24 : memref<!tpu.dma_semaphore, #tpu.memory_space<semaphore_mem>>) src(%dma_wait3A_349 : memref<64x128xf32, #tpu.memory_space<vmem>>) dst(%dma_wait3A_355 : memref<10240x128xf32, #tpu.memory_space<vmem_shared>>)
        %mul3A_356 = arith.constant 32 : i32
        %mul3A_357 = arith.muli %add3A_339, %mul3A_356 : i32
        %add3A_358 = arith.addi %add3A, %mul3A_357 : i32
        %mul3A_359 = arith.constant 64 : i32
        %mul3A_360 = arith.muli %add3A_358, %mul3A_359 : i32
        %add3A_361 = arith.constant 320000 : i32
        %add3A_362 = arith.addi %add3A_361, %mul3A_360 : i32
        %dma_start3A_363 = arith.constant 3 : i32
        %dma_start3A_364 = arith.constant 0 : i32
        %dma_start3A_365 = tpu.memref_slice %arg6[%dma_start3A_363, %dma_start3A_364] : memref<4x64xi32, #tpu.memory_space<vmem>> -> memref<1x64xi32, #tpu.memory_space<vmem>>
        %dma_start3A_366 = tpu.memref_squeeze %dma_start3A_365 : memref<1x64xi32, #tpu.memory_space<vmem>> -> memref<64xi32, #tpu.memory_space<vmem>>
        %dma_start3A_367 = tpu.memref_slice %arg3[%add3A_362] : memref<640000xi32, #tpu.memory_space<hbm>> -> memref<64xi32, #tpu.memory_space<hbm>>
        %dma_start3A_368 = arith.constant 0 : i32
        %dma_start3A_369 = tpu.memref_slice %arg6[%dma_start3A_363, %dma_start3A_368] : memref<4x64xi32, #tpu.memory_space<vmem>> -> memref<1x64xi32, #tpu.memory_space<vmem>>
        %dma_start3A_370 = tpu.memref_squeeze %dma_start3A_369 : memref<1x64xi32, #tpu.memory_space<vmem>> -> memref<64xi32, #tpu.memory_space<vmem>>
        %dma_start3A_371 = tpu.memref_slice %arg3[%add3A_362] : memref<640000xi32, #tpu.memory_space<hbm>> -> memref<64xi32, #tpu.memory_space<hbm>>
        tpu.enqueue_dma source(%dma_start3A_371 : memref<64xi32, #tpu.memory_space<hbm>>) target(%dma_start3A_370 : memref<64xi32, #tpu.memory_space<vmem>>) target_semaphore(%arg16 : memref<!tpu.dma_semaphore, #tpu.memory_space<semaphore_mem>>)
        %dma_wait3A_372 = arith.constant 3 : i32
        %dma_wait3A_373 = arith.constant 0 : i32
        %dma_wait3A_374 = tpu.memref_slice %arg5[%dma_wait3A_372, %dma_wait3A_373] : memref<4x64xi32, #tpu.memory_space<vmem>> -> memref<1x64xi32, #tpu.memory_space<vmem>>
        %dma_wait3A_375 = tpu.memref_squeeze %dma_wait3A_374 : memref<1x64xi32, #tpu.memory_space<vmem>> -> memref<64xi32, #tpu.memory_space<vmem>>
        %dma_wait3A_376 = arith.constant 0 : i32
        %dma_wait3A_377 = tpu.memref_slice %arg3[%dma_wait3A_376] : memref<640000xi32, #tpu.memory_space<hbm>> -> memref<64xi32, #tpu.memory_space<hbm>>
        %dma_wait3A_378 = arith.constant 0 : i32
        %dma_wait3A_379 = tpu.memref_slice %arg5[%dma_wait3A_372, %dma_wait3A_378] : memref<4x64xi32, #tpu.memory_space<vmem>> -> memref<1x64xi32, #tpu.memory_space<vmem>>
        %dma_wait3A_380 = tpu.memref_squeeze %dma_wait3A_379 : memref<1x64xi32, #tpu.memory_space<vmem>> -> memref<64xi32, #tpu.memory_space<vmem>>
        %dma_wait3A_381 = arith.constant 0 : i32
        %dma_wait3A_382 = tpu.memref_slice %arg3[%dma_wait3A_381] : memref<640000xi32, #tpu.memory_space<hbm>> -> memref<64xi32, #tpu.memory_space<hbm>>
        tpu.wait_dma2 semaphore(%arg12 : memref<!tpu.dma_semaphore, #tpu.memory_space<semaphore_mem>>) src(%dma_wait3A_382 : memref<64xi32, #tpu.memory_space<hbm>>) dst(%dma_wait3A_380 : memref<64xi32, #tpu.memory_space<vmem>>)
        %dma_start3A_383 = arith.constant 3 : i32
        %dma_start3A_384 = arith.constant 3 : i32
        %dma_start3A_385 = arith.constant 0 : i32
        %dma_start3A_386 = arith.constant 0 : i32
        %dma_start3A_387 = tpu.memref_slice %arg7[%dma_start3A_384, %dma_start3A_385, %dma_start3A_386] : memref<4x64x128xf32, #tpu.memory_space<vmem>> -> memref<1x64x128xf32, #tpu.memory_space<vmem>>
        %dma_start3A_388 = tpu.memref_squeeze %dma_start3A_387 : memref<1x64x128xf32, #tpu.memory_space<vmem>> -> memref<64x128xf32, #tpu.memory_space<vmem>>
        %dma_start3A_389 = arith.constant 0 : i32
        %dma_start3A_390 = tpu.memref_slice %arg5[%dma_start3A_383, %dma_start3A_389] : memref<4x64xi32, #tpu.memory_space<vmem>> -> memref<1x64xi32, #tpu.memory_space<vmem>>
        %dma_start3A_391 = tpu.memref_squeeze %dma_start3A_390 : memref<1x64xi32, #tpu.memory_space<vmem>> -> memref<64xi32, #tpu.memory_space<vmem>>
        %dma_start3A_392 = arith.constant 0 : i32
        %dma_start3A_393 = arith.constant 0 : i32
        %dma_start3A_394 = tpu.memref_slice %arg2[%dma_start3A_392, %dma_start3A_393] : memref<10000x128xf32, #tpu.memory_space<hbm>> -> memref<10000x128xf32, #tpu.memory_space<hbm>>
        tpu.enqueue_indirect_dma source(%dma_start3A_394 : memref<10000x128xf32, #tpu.memory_space<hbm>>) target(%dma_start3A_388 : memref<64x128xf32, #tpu.memory_space<vmem>>) offsets(%dma_start3A_391 : memref<64xi32, #tpu.memory_space<vmem>>) semaphore(%arg20 : memref<!tpu.dma_semaphore, #tpu.memory_space<semaphore_mem>>)
      } else {
      }
    }
    %while3A_230 = arith.constant 1 : i32
    scf.for %while3A_287 = %while3A_228 to %while3A_224 step %while3A_230  : i32 {
      %mul3A_288 = arith.muli %while3A_287, %while3A : i32
      %add3A_289 = arith.addi %while3A_221, %mul3A_288 : i32
      %add3A_290 = arith.constant 0 : i32
      %add3A_291 = arith.addi %add3A_289, %add3A_290 : i32
      %lt3A_292 = arith.cmpi slt, %add3A_291, %select_n3A : i32
      %convert_element_type3A = arith.extui %lt3A_292 : i1 to i32
      %cond3A = arith.constant 0 : i32
      %cond3A_293 = arith.cmpi ne, %convert_element_type3A, %cond3A : i32
      scf.if %cond3A_293 {
        %dma_wait3A_344 = arith.constant 0 : i32
        %dma_wait3A_345 = arith.constant 0 : i32
        %dma_wait3A_346 = arith.constant 0 : i32
        %dma_wait3A_347 = arith.constant 0 : i32
        %dma_wait3A_348 = tpu.memref_slice %arg7[%dma_wait3A_345, %dma_wait3A_346, %dma_wait3A_347] : memref<4x64x128xf32, #tpu.memory_space<vmem>> -> memref<1x64x128xf32, #tpu.memory_space<vmem>>
        %dma_wait3A_349 = tpu.memref_squeeze %dma_wait3A_348 : memref<1x64x128xf32, #tpu.memory_space<vmem>> -> memref<64x128xf32, #tpu.memory_space<vmem>>
        %dma_wait3A_350 = arith.constant 0 : i32
        %dma_wait3A_351 = tpu.memref_slice %arg5[%dma_wait3A_344, %dma_wait3A_350] : memref<4x64xi32, #tpu.memory_space<vmem>> -> memref<1x64xi32, #tpu.memory_space<vmem>>
        %dma_wait3A_352 = tpu.memref_squeeze %dma_wait3A_351 : memref<1x64xi32, #tpu.memory_space<vmem>> -> memref<64xi32, #tpu.memory_space<vmem>>
        %dma_wait3A_353 = arith.constant 0 : i32
        %dma_wait3A_354 = arith.constant 0 : i32
        %dma_wait3A_355 = tpu.memref_slice %arg2[%dma_wait3A_353, %dma_wait3A_354] : memref<10000x128xf32, #tpu.memory_space<hbm>> -> memref<10000x128xf32, #tpu.memory_space<hbm>>
        tpu.wait_indirect_dma semaphore(%arg17 : memref<!tpu.dma_semaphore, #tpu.memory_space<semaphore_mem>>) src(%dma_wait3A_355 : memref<10000x128xf32, #tpu.memory_space<hbm>>) dst(%dma_wait3A_349 : memref<64x128xf32, #tpu.memory_space<vmem>>)
        %add3A_356 = arith.constant 0 : i32
        %add3A_357 = arith.addi %add3A_289, %add3A_356 : i32
        %add3A_358 = arith.constant 4 : i32
        %add3A_359 = arith.addi %add3A_357, %add3A_358 : i32
        %lt3A_360 = arith.cmpi slt, %add3A_359, %select_n3A : i32
        %convert_element_type3A_361 = arith.extui %lt3A_360 : i1 to i32
        %cond3A_362 = arith.constant 0 : i32
        %cond3A_363 = arith.cmpi ne, %convert_element_type3A_361, %cond3A_362 : i32
        scf.if %cond3A_363 {
          %add3A_387 = arith.constant 0 : i32
          %add3A_388 = arith.addi %add3A_289, %add3A_387 : i32
          %add3A_389 = arith.constant 4 : i32
          %add3A_390 = arith.addi %add3A_388, %add3A_389 : i32
          %mul3A_391 = arith.constant 32 : i32
          %mul3A_392 = arith.muli %add3A_390, %mul3A_391 : i32
          %add3A_393 = arith.addi %add3A, %mul3A_392 : i32
          %mul3A_394 = arith.constant 64 : i32
          %mul3A_395 = arith.muli %add3A_393, %mul3A_394 : i32
          %dma_start3A_396 = arith.constant 0 : i32
          %dma_start3A_397 = arith.constant 0 : i32
          %dma_start3A_398 = tpu.memref_slice %arg5[%dma_start3A_396, %dma_start3A_397] : memref<4x64xi32, #tpu.memory_space<vmem>> -> memref<1x64xi32, #tpu.memory_space<vmem>>
          %dma_start3A_399 = tpu.memref_squeeze %dma_start3A_398 : memref<1x64xi32, #tpu.memory_space<vmem>> -> memref<64xi32, #tpu.memory_space<vmem>>
          %dma_start3A_400 = tpu.memref_slice %arg3[%mul3A_395] : memref<640000xi32, #tpu.memory_space<hbm>> -> memref<64xi32, #tpu.memory_space<hbm>>
          %dma_start3A_401 = arith.constant 0 : i32
          %dma_start3A_402 = tpu.memref_slice %arg5[%dma_start3A_396, %dma_start3A_401] : memref<4x64xi32, #tpu.memory_space<vmem>> -> memref<1x64xi32, #tpu.memory_space<vmem>>
          %dma_start3A_403 = tpu.memref_squeeze %dma_start3A_402 : memref<1x64xi32, #tpu.memory_space<vmem>> -> memref<64xi32, #tpu.memory_space<vmem>>
          %dma_start3A_404 = tpu.memref_slice %arg3[%mul3A_395] : memref<640000xi32, #tpu.memory_space<hbm>> -> memref<64xi32, #tpu.memory_space<hbm>>
          tpu.enqueue_dma source(%dma_start3A_404 : memref<64xi32, #tpu.memory_space<hbm>>) target(%dma_start3A_403 : memref<64xi32, #tpu.memory_space<vmem>>) target_semaphore(%arg9 : memref<!tpu.dma_semaphore, #tpu.memory_space<semaphore_mem>>)
        } else {
        }
        %dma_wait3A_364 = arith.constant 0 : i32
        %dma_wait3A_365 = arith.constant 0 : i32
        %dma_wait3A_366 = tpu.memref_slice %arg6[%dma_wait3A_364, %dma_wait3A_365] : memref<4x64xi32, #tpu.memory_space<vmem>> -> memref<1x64xi32, #tpu.memory_space<vmem>>
        %dma_wait3A_367 = tpu.memref_squeeze %dma_wait3A_366 : memref<1x64xi32, #tpu.memory_space<vmem>> -> memref<64xi32, #tpu.memory_space<vmem>>
        %dma_wait3A_368 = arith.constant 0 : i32
        %dma_wait3A_369 = tpu.memref_slice %arg3[%dma_wait3A_368] : memref<640000xi32, #tpu.memory_space<hbm>> -> memref<64xi32, #tpu.memory_space<hbm>>
        %dma_wait3A_370 = arith.constant 0 : i32
        %dma_wait3A_371 = tpu.memref_slice %arg6[%dma_wait3A_364, %dma_wait3A_370] : memref<4x64xi32, #tpu.memory_space<vmem>> -> memref<1x64xi32, #tpu.memory_space<vmem>>
        %dma_wait3A_372 = tpu.memref_squeeze %dma_wait3A_371 : memref<1x64xi32, #tpu.memory_space<vmem>> -> memref<64xi32, #tpu.memory_space<vmem>>
        %dma_wait3A_373 = arith.constant 0 : i32
        %dma_wait3A_374 = tpu.memref_slice %arg3[%dma_wait3A_373] : memref<640000xi32, #tpu.memory_space<hbm>> -> memref<64xi32, #tpu.memory_space<hbm>>
        tpu.wait_dma2 semaphore(%arg13 : memref<!tpu.dma_semaphore, #tpu.memory_space<semaphore_mem>>) src(%dma_wait3A_374 : memref<64xi32, #tpu.memory_space<hbm>>) dst(%dma_wait3A_372 : memref<64xi32, #tpu.memory_space<vmem>>)
        %dma_start3A_375 = arith.constant 0 : i32
        %dma_start3A_376 = arith.constant 0 : i32
        %dma_start3A_377 = arith.constant 0 : i32
        %dma_start3A_378 = arith.constant 0 : i32
        %dma_start3A_379 = tpu.memref_slice %arg7[%dma_start3A_375, %dma_start3A_377, %dma_start3A_378] : memref<4x64x128xf32, #tpu.memory_space<vmem>> -> memref<1x64x128xf32, #tpu.memory_space<vmem>>
        %dma_start3A_380 = tpu.memref_squeeze %dma_start3A_379 : memref<1x64x128xf32, #tpu.memory_space<vmem>> -> memref<64x128xf32, #tpu.memory_space<vmem>>
        %dma_start3A_381 = arith.constant 0 : i32
        %dma_start3A_382 = tpu.memref_slice %arg6[%dma_start3A_376, %dma_start3A_381] : memref<4x64xi32, #tpu.memory_space<vmem>> -> memref<1x64xi32, #tpu.memory_space<vmem>>
        %dma_start3A_383 = tpu.memref_squeeze %dma_start3A_382 : memref<1x64xi32, #tpu.memory_space<vmem>> -> memref<64xi32, #tpu.memory_space<vmem>>
        %dma_start3A_384 = arith.constant 0 : i32
        %dma_start3A_385 = arith.constant 0 : i32
        %dma_start3A_386 = tpu.memref_slice %arg8[%dma_start3A_384, %dma_start3A_385] : memref<10240x128xf32, #tpu.memory_space<vmem_shared>> -> memref<10240x128xf32, #tpu.memory_space<vmem_shared>>
        tpu.enqueue_indirect_dma source(%dma_start3A_380 : memref<64x128xf32, #tpu.memory_space<vmem>>) target(%dma_start3A_386 : memref<10240x128xf32, #tpu.memory_space<vmem_shared>>) offsets(%dma_start3A_383 : memref<64xi32, #tpu.memory_space<vmem>>) semaphore(%arg21 : memref<!tpu.dma_semaphore, #tpu.memory_space<semaphore_mem>>) {add = true}
      } else {
      }
      %add3A_294 = arith.constant 1 : i32
      %add3A_295 = arith.addi %add3A_289, %add3A_294 : i32
      %lt3A_296 = arith.cmpi slt, %add3A_295, %select_n3A : i32
      %convert_element_type3A_297 = arith.extui %lt3A_296 : i1 to i32
      %cond3A_298 = arith.constant 0 : i32
      %cond3A_299 = arith.cmpi ne, %convert_element_type3A_297, %cond3A_298 : i32
      scf.if %cond3A_299 {
        %dma_wait3A_344 = arith.constant 1 : i32
        %dma_wait3A_345 = arith.constant 1 : i32
        %dma_wait3A_346 = arith.constant 0 : i32
        %dma_wait3A_347 = arith.constant 0 : i32
        %dma_wait3A_348 = tpu.memref_slice %arg7[%dma_wait3A_345, %dma_wait3A_346, %dma_wait3A_347] : memref<4x64x128xf32, #tpu.memory_space<vmem>> -> memref<1x64x128xf32, #tpu.memory_space<vmem>>
        %dma_wait3A_349 = tpu.memref_squeeze %dma_wait3A_348 : memref<1x64x128xf32, #tpu.memory_space<vmem>> -> memref<64x128xf32, #tpu.memory_space<vmem>>
        %dma_wait3A_350 = arith.constant 0 : i32
        %dma_wait3A_351 = tpu.memref_slice %arg5[%dma_wait3A_344, %dma_wait3A_350] : memref<4x64xi32, #tpu.memory_space<vmem>> -> memref<1x64xi32, #tpu.memory_space<vmem>>
        %dma_wait3A_352 = tpu.memref_squeeze %dma_wait3A_351 : memref<1x64xi32, #tpu.memory_space<vmem>> -> memref<64xi32, #tpu.memory_space<vmem>>
        %dma_wait3A_353 = arith.constant 0 : i32
        %dma_wait3A_354 = arith.constant 0 : i32
        %dma_wait3A_355 = tpu.memref_slice %arg2[%dma_wait3A_353, %dma_wait3A_354] : memref<10000x128xf32, #tpu.memory_space<hbm>> -> memref<10000x128xf32, #tpu.memory_space<hbm>>
        tpu.wait_indirect_dma semaphore(%arg18 : memref<!tpu.dma_semaphore, #tpu.memory_space<semaphore_mem>>) src(%dma_wait3A_355 : memref<10000x128xf32, #tpu.memory_space<hbm>>) dst(%dma_wait3A_349 : memref<64x128xf32, #tpu.memory_space<vmem>>)
        %add3A_356 = arith.constant 1 : i32
        %add3A_357 = arith.addi %add3A_289, %add3A_356 : i32
        %add3A_358 = arith.constant 4 : i32
        %add3A_359 = arith.addi %add3A_357, %add3A_358 : i32
        %lt3A_360 = arith.cmpi slt, %add3A_359, %select_n3A : i32
        %convert_element_type3A_361 = arith.extui %lt3A_360 : i1 to i32
        %cond3A_362 = arith.constant 0 : i32
        %cond3A_363 = arith.cmpi ne, %convert_element_type3A_361, %cond3A_362 : i32
        scf.if %cond3A_363 {
          %add3A_387 = arith.constant 1 : i32
          %add3A_388 = arith.addi %add3A_289, %add3A_387 : i32
          %add3A_389 = arith.constant 4 : i32
          %add3A_390 = arith.addi %add3A_388, %add3A_389 : i32
          %mul3A_391 = arith.constant 32 : i32
          %mul3A_392 = arith.muli %add3A_390, %mul3A_391 : i32
          %add3A_393 = arith.addi %add3A, %mul3A_392 : i32
          %mul3A_394 = arith.constant 64 : i32
          %mul3A_395 = arith.muli %add3A_393, %mul3A_394 : i32
          %dma_start3A_396 = arith.constant 1 : i32
          %dma_start3A_397 = arith.constant 0 : i32
          %dma_start3A_398 = tpu.memref_slice %arg5[%dma_start3A_396, %dma_start3A_397] : memref<4x64xi32, #tpu.memory_space<vmem>> -> memref<1x64xi32, #tpu.memory_space<vmem>>
          %dma_start3A_399 = tpu.memref_squeeze %dma_start3A_398 : memref<1x64xi32, #tpu.memory_space<vmem>> -> memref<64xi32, #tpu.memory_space<vmem>>
          %dma_start3A_400 = tpu.memref_slice %arg3[%mul3A_395] : memref<640000xi32, #tpu.memory_space<hbm>> -> memref<64xi32, #tpu.memory_space<hbm>>
          %dma_start3A_401 = arith.constant 0 : i32
          %dma_start3A_402 = tpu.memref_slice %arg5[%dma_start3A_396, %dma_start3A_401] : memref<4x64xi32, #tpu.memory_space<vmem>> -> memref<1x64xi32, #tpu.memory_space<vmem>>
          %dma_start3A_403 = tpu.memref_squeeze %dma_start3A_402 : memref<1x64xi32, #tpu.memory_space<vmem>> -> memref<64xi32, #tpu.memory_space<vmem>>
          %dma_start3A_404 = tpu.memref_slice %arg3[%mul3A_395] : memref<640000xi32, #tpu.memory_space<hbm>> -> memref<64xi32, #tpu.memory_space<hbm>>
          tpu.enqueue_dma source(%dma_start3A_404 : memref<64xi32, #tpu.memory_space<hbm>>) target(%dma_start3A_403 : memref<64xi32, #tpu.memory_space<vmem>>) target_semaphore(%arg10 : memref<!tpu.dma_semaphore, #tpu.memory_space<semaphore_mem>>)
        } else {
        }
        %dma_wait3A_364 = arith.constant 1 : i32
        %dma_wait3A_365 = arith.constant 0 : i32
        %dma_wait3A_366 = tpu.memref_slice %arg6[%dma_wait3A_364, %dma_wait3A_365] : memref<4x64xi32, #tpu.memory_space<vmem>> -> memref<1x64xi32, #tpu.memory_space<vmem>>
        %dma_wait3A_367 = tpu.memref_squeeze %dma_wait3A_366 : memref<1x64xi32, #tpu.memory_space<vmem>> -> memref<64xi32, #tpu.memory_space<vmem>>
        %dma_wait3A_368 = arith.constant 0 : i32
        %dma_wait3A_369 = tpu.memref_slice %arg3[%dma_wait3A_368] : memref<640000xi32, #tpu.memory_space<hbm>> -> memref<64xi32, #tpu.memory_space<hbm>>
        %dma_wait3A_370 = arith.constant 0 : i32
        %dma_wait3A_371 = tpu.memref_slice %arg6[%dma_wait3A_364, %dma_wait3A_370] : memref<4x64xi32, #tpu.memory_space<vmem>> -> memref<1x64xi32, #tpu.memory_space<vmem>>
        %dma_wait3A_372 = tpu.memref_squeeze %dma_wait3A_371 : memref<1x64xi32, #tpu.memory_space<vmem>> -> memref<64xi32, #tpu.memory_space<vmem>>
        %dma_wait3A_373 = arith.constant 0 : i32
        %dma_wait3A_374 = tpu.memref_slice %arg3[%dma_wait3A_373] : memref<640000xi32, #tpu.memory_space<hbm>> -> memref<64xi32, #tpu.memory_space<hbm>>
        tpu.wait_dma2 semaphore(%arg14 : memref<!tpu.dma_semaphore, #tpu.memory_space<semaphore_mem>>) src(%dma_wait3A_374 : memref<64xi32, #tpu.memory_space<hbm>>) dst(%dma_wait3A_372 : memref<64xi32, #tpu.memory_space<vmem>>)
        %dma_start3A_375 = arith.constant 1 : i32
        %dma_start3A_376 = arith.constant 1 : i32
        %dma_start3A_377 = arith.constant 0 : i32
        %dma_start3A_378 = arith.constant 0 : i32
        %dma_start3A_379 = tpu.memref_slice %arg7[%dma_start3A_375, %dma_start3A_377, %dma_start3A_378] : memref<4x64x128xf32, #tpu.memory_space<vmem>> -> memref<1x64x128xf32, #tpu.memory_space<vmem>>
        %dma_start3A_380 = tpu.memref_squeeze %dma_start3A_379 : memref<1x64x128xf32, #tpu.memory_space<vmem>> -> memref<64x128xf32, #tpu.memory_space<vmem>>
        %dma_start3A_381 = arith.constant 0 : i32
        %dma_start3A_382 = tpu.memref_slice %arg6[%dma_start3A_376, %dma_start3A_381] : memref<4x64xi32, #tpu.memory_space<vmem>> -> memref<1x64xi32, #tpu.memory_space<vmem>>
        %dma_start3A_383 = tpu.memref_squeeze %dma_start3A_382 : memref<1x64xi32, #tpu.memory_space<vmem>> -> memref<64xi32, #tpu.memory_space<vmem>>
        %dma_start3A_384 = arith.constant 0 : i32
        %dma_start3A_385 = arith.constant 0 : i32
        %dma_start3A_386 = tpu.memref_slice %arg8[%dma_start3A_384, %dma_start3A_385] : memref<10240x128xf32, #tpu.memory_space<vmem_shared>> -> memref<10240x128xf32, #tpu.memory_space<vmem_shared>>
        tpu.enqueue_indirect_dma source(%dma_start3A_380 : memref<64x128xf32, #tpu.memory_space<vmem>>) target(%dma_start3A_386 : memref<10240x128xf32, #tpu.memory_space<vmem_shared>>) offsets(%dma_start3A_383 : memref<64xi32, #tpu.memory_space<vmem>>) semaphore(%arg22 : memref<!tpu.dma_semaphore, #tpu.memory_space<semaphore_mem>>) {add = true}
      } else {
      }
      %add3A_300 = arith.constant 2 : i32
      %add3A_301 = arith.addi %add3A_289, %add3A_300 : i32
      %lt3A_302 = arith.cmpi slt, %add3A_301, %select_n3A : i32
      %convert_element_type3A_303 = arith.extui %lt3A_302 : i1 to i32
      %cond3A_304 = arith.constant 0 : i32
      %cond3A_305 = arith.cmpi ne, %convert_element_type3A_303, %cond3A_304 : i32
      scf.if %cond3A_305 {
        %dma_wait3A_344 = arith.constant 2 : i32
        %dma_wait3A_345 = arith.constant 2 : i32
        %dma_wait3A_346 = arith.constant 0 : i32
        %dma_wait3A_347 = arith.constant 0 : i32
        %dma_wait3A_348 = tpu.memref_slice %arg7[%dma_wait3A_345, %dma_wait3A_346, %dma_wait3A_347] : memref<4x64x128xf32, #tpu.memory_space<vmem>> -> memref<1x64x128xf32, #tpu.memory_space<vmem>>
        %dma_wait3A_349 = tpu.memref_squeeze %dma_wait3A_348 : memref<1x64x128xf32, #tpu.memory_space<vmem>> -> memref<64x128xf32, #tpu.memory_space<vmem>>
        %dma_wait3A_350 = arith.constant 0 : i32
        %dma_wait3A_351 = tpu.memref_slice %arg5[%dma_wait3A_344, %dma_wait3A_350] : memref<4x64xi32, #tpu.memory_space<vmem>> -> memref<1x64xi32, #tpu.memory_space<vmem>>
        %dma_wait3A_352 = tpu.memref_squeeze %dma_wait3A_351 : memref<1x64xi32, #tpu.memory_space<vmem>> -> memref<64xi32, #tpu.memory_space<vmem>>
        %dma_wait3A_353 = arith.constant 0 : i32
        %dma_wait3A_354 = arith.constant 0 : i32
        %dma_wait3A_355 = tpu.memref_slice %arg2[%dma_wait3A_353, %dma_wait3A_354] : memref<10000x128xf32, #tpu.memory_space<hbm>> -> memref<10000x128xf32, #tpu.memory_space<hbm>>
        tpu.wait_indirect_dma semaphore(%arg19 : memref<!tpu.dma_semaphore, #tpu.memory_space<semaphore_mem>>) src(%dma_wait3A_355 : memref<10000x128xf32, #tpu.memory_space<hbm>>) dst(%dma_wait3A_349 : memref<64x128xf32, #tpu.memory_space<vmem>>)
        %add3A_356 = arith.constant 2 : i32
        %add3A_357 = arith.addi %add3A_289, %add3A_356 : i32
        %add3A_358 = arith.constant 4 : i32
        %add3A_359 = arith.addi %add3A_357, %add3A_358 : i32
        %lt3A_360 = arith.cmpi slt, %add3A_359, %select_n3A : i32
        %convert_element_type3A_361 = arith.extui %lt3A_360 : i1 to i32
        %cond3A_362 = arith.constant 0 : i32
        %cond3A_363 = arith.cmpi ne, %convert_element_type3A_361, %cond3A_362 : i32
        scf.if %cond3A_363 {
          %add3A_387 = arith.constant 2 : i32
          %add3A_388 = arith.addi %add3A_289, %add3A_387 : i32
          %add3A_389 = arith.constant 4 : i32
          %add3A_390 = arith.addi %add3A_388, %add3A_389 : i32
          %mul3A_391 = arith.constant 32 : i32
          %mul3A_392 = arith.muli %add3A_390, %mul3A_391 : i32
          %add3A_393 = arith.addi %add3A, %mul3A_392 : i32
          %mul3A_394 = arith.constant 64 : i32
          %mul3A_395 = arith.muli %add3A_393, %mul3A_394 : i32
          %dma_start3A_396 = arith.constant 2 : i32
          %dma_start3A_397 = arith.constant 0 : i32
          %dma_start3A_398 = tpu.memref_slice %arg5[%dma_start3A_396, %dma_start3A_397] : memref<4x64xi32, #tpu.memory_space<vmem>> -> memref<1x64xi32, #tpu.memory_space<vmem>>
          %dma_start3A_399 = tpu.memref_squeeze %dma_start3A_398 : memref<1x64xi32, #tpu.memory_space<vmem>> -> memref<64xi32, #tpu.memory_space<vmem>>
          %dma_start3A_400 = tpu.memref_slice %arg3[%mul3A_395] : memref<640000xi32, #tpu.memory_space<hbm>> -> memref<64xi32, #tpu.memory_space<hbm>>
          %dma_start3A_401 = arith.constant 0 : i32
          %dma_start3A_402 = tpu.memref_slice %arg5[%dma_start3A_396, %dma_start3A_401] : memref<4x64xi32, #tpu.memory_space<vmem>> -> memref<1x64xi32, #tpu.memory_space<vmem>>
          %dma_start3A_403 = tpu.memref_squeeze %dma_start3A_402 : memref<1x64xi32, #tpu.memory_space<vmem>> -> memref<64xi32, #tpu.memory_space<vmem>>
          %dma_start3A_404 = tpu.memref_slice %arg3[%mul3A_395] : memref<640000xi32, #tpu.memory_space<hbm>> -> memref<64xi32, #tpu.memory_space<hbm>>
          tpu.enqueue_dma source(%dma_start3A_404 : memref<64xi32, #tpu.memory_space<hbm>>) target(%dma_start3A_403 : memref<64xi32, #tpu.memory_space<vmem>>) target_semaphore(%arg11 : memref<!tpu.dma_semaphore, #tpu.memory_space<semaphore_mem>>)
        } else {
        }
        %dma_wait3A_364 = arith.constant 2 : i32
        %dma_wait3A_365 = arith.constant 0 : i32
        %dma_wait3A_366 = tpu.memref_slice %arg6[%dma_wait3A_364, %dma_wait3A_365] : memref<4x64xi32, #tpu.memory_space<vmem>> -> memref<1x64xi32, #tpu.memory_space<vmem>>
        %dma_wait3A_367 = tpu.memref_squeeze %dma_wait3A_366 : memref<1x64xi32, #tpu.memory_space<vmem>> -> memref<64xi32, #tpu.memory_space<vmem>>
        %dma_wait3A_368 = arith.constant 0 : i32
        %dma_wait3A_369 = tpu.memref_slice %arg3[%dma_wait3A_368] : memref<640000xi32, #tpu.memory_space<hbm>> -> memref<64xi32, #tpu.memory_space<hbm>>
        %dma_wait3A_370 = arith.constant 0 : i32
        %dma_wait3A_371 = tpu.memref_slice %arg6[%dma_wait3A_364, %dma_wait3A_370] : memref<4x64xi32, #tpu.memory_space<vmem>> -> memref<1x64xi32, #tpu.memory_space<vmem>>
        %dma_wait3A_372 = tpu.memref_squeeze %dma_wait3A_371 : memref<1x64xi32, #tpu.memory_space<vmem>> -> memref<64xi32, #tpu.memory_space<vmem>>
        %dma_wait3A_373 = arith.constant 0 : i32
        %dma_wait3A_374 = tpu.memref_slice %arg3[%dma_wait3A_373] : memref<640000xi32, #tpu.memory_space<hbm>> -> memref<64xi32, #tpu.memory_space<hbm>>
        tpu.wait_dma2 semaphore(%arg15 : memref<!tpu.dma_semaphore, #tpu.memory_space<semaphore_mem>>) src(%dma_wait3A_374 : memref<64xi32, #tpu.memory_space<hbm>>) dst(%dma_wait3A_372 : memref<64xi32, #tpu.memory_space<vmem>>)
        %dma_start3A_375 = arith.constant 2 : i32
        %dma_start3A_376 = arith.constant 2 : i32
        %dma_start3A_377 = arith.constant 0 : i32
        %dma_start3A_378 = arith.constant 0 : i32
        %dma_start3A_379 = tpu.memref_slice %arg7[%dma_start3A_375, %dma_start3A_377, %dma_start3A_378] : memref<4x64x128xf32, #tpu.memory_space<vmem>> -> memref<1x64x128xf32, #tpu.memory_space<vmem>>
        %dma_start3A_380 = tpu.memref_squeeze %dma_start3A_379 : memref<1x64x128xf32, #tpu.memory_space<vmem>> -> memref<64x128xf32, #tpu.memory_space<vmem>>
        %dma_start3A_381 = arith.constant 0 : i32
        %dma_start3A_382 = tpu.memref_slice %arg6[%dma_start3A_376, %dma_start3A_381] : memref<4x64xi32, #tpu.memory_space<vmem>> -> memref<1x64xi32, #tpu.memory_space<vmem>>
        %dma_start3A_383 = tpu.memref_squeeze %dma_start3A_382 : memref<1x64xi32, #tpu.memory_space<vmem>> -> memref<64xi32, #tpu.memory_space<vmem>>
        %dma_start3A_384 = arith.constant 0 : i32
        %dma_start3A_385 = arith.constant 0 : i32
        %dma_start3A_386 = tpu.memref_slice %arg8[%dma_start3A_384, %dma_start3A_385] : memref<10240x128xf32, #tpu.memory_space<vmem_shared>> -> memref<10240x128xf32, #tpu.memory_space<vmem_shared>>
        tpu.enqueue_indirect_dma source(%dma_start3A_380 : memref<64x128xf32, #tpu.memory_space<vmem>>) target(%dma_start3A_386 : memref<10240x128xf32, #tpu.memory_space<vmem_shared>>) offsets(%dma_start3A_383 : memref<64xi32, #tpu.memory_space<vmem>>) semaphore(%arg23 : memref<!tpu.dma_semaphore, #tpu.memory_space<semaphore_mem>>) {add = true}
      } else {
      }
      %add3A_306 = arith.constant 3 : i32
      %add3A_307 = arith.addi %add3A_289, %add3A_306 : i32
      %lt3A_308 = arith.cmpi slt, %add3A_307, %select_n3A : i32
      %convert_element_type3A_309 = arith.extui %lt3A_308 : i1 to i32
      %cond3A_310 = arith.constant 0 : i32
      %cond3A_311 = arith.cmpi ne, %convert_element_type3A_309, %cond3A_310 : i32
      scf.if %cond3A_311 {
        %dma_wait3A_344 = arith.constant 3 : i32
        %dma_wait3A_345 = arith.constant 3 : i32
        %dma_wait3A_346 = arith.constant 0 : i32
        %dma_wait3A_347 = arith.constant 0 : i32
        %dma_wait3A_348 = tpu.memref_slice %arg7[%dma_wait3A_345, %dma_wait3A_346, %dma_wait3A_347] : memref<4x64x128xf32, #tpu.memory_space<vmem>> -> memref<1x64x128xf32, #tpu.memory_space<vmem>>
        %dma_wait3A_349 = tpu.memref_squeeze %dma_wait3A_348 : memref<1x64x128xf32, #tpu.memory_space<vmem>> -> memref<64x128xf32, #tpu.memory_space<vmem>>
        %dma_wait3A_350 = arith.constant 0 : i32
        %dma_wait3A_351 = tpu.memref_slice %arg5[%dma_wait3A_344, %dma_wait3A_350] : memref<4x64xi32, #tpu.memory_space<vmem>> -> memref<1x64xi32, #tpu.memory_space<vmem>>
        %dma_wait3A_352 = tpu.memref_squeeze %dma_wait3A_351 : memref<1x64xi32, #tpu.memory_space<vmem>> -> memref<64xi32, #tpu.memory_space<vmem>>
        %dma_wait3A_353 = arith.constant 0 : i32
        %dma_wait3A_354 = arith.constant 0 : i32
        %dma_wait3A_355 = tpu.memref_slice %arg2[%dma_wait3A_353, %dma_wait3A_354] : memref<10000x128xf32, #tpu.memory_space<hbm>> -> memref<10000x128xf32, #tpu.memory_space<hbm>>
        tpu.wait_indirect_dma semaphore(%arg20 : memref<!tpu.dma_semaphore, #tpu.memory_space<semaphore_mem>>) src(%dma_wait3A_355 : memref<10000x128xf32, #tpu.memory_space<hbm>>) dst(%dma_wait3A_349 : memref<64x128xf32, #tpu.memory_space<vmem>>)
        %add3A_356 = arith.constant 3 : i32
        %add3A_357 = arith.addi %add3A_289, %add3A_356 : i32
        %add3A_358 = arith.constant 4 : i32
        %add3A_359 = arith.addi %add3A_357, %add3A_358 : i32
        %lt3A_360 = arith.cmpi slt, %add3A_359, %select_n3A : i32
        %convert_element_type3A_361 = arith.extui %lt3A_360 : i1 to i32
        %cond3A_362 = arith.constant 0 : i32
        %cond3A_363 = arith.cmpi ne, %convert_element_type3A_361, %cond3A_362 : i32
        scf.if %cond3A_363 {
          %add3A_387 = arith.constant 3 : i32
          %add3A_388 = arith.addi %add3A_289, %add3A_387 : i32
          %add3A_389 = arith.constant 4 : i32
          %add3A_390 = arith.addi %add3A_388, %add3A_389 : i32
          %mul3A_391 = arith.constant 32 : i32
          %mul3A_392 = arith.muli %add3A_390, %mul3A_391 : i32
          %add3A_393 = arith.addi %add3A, %mul3A_392 : i32
          %mul3A_394 = arith.constant 64 : i32
          %mul3A_395 = arith.muli %add3A_393, %mul3A_394 : i32
          %dma_start3A_396 = arith.constant 3 : i32
          %dma_start3A_397 = arith.constant 0 : i32
          %dma_start3A_398 = tpu.memref_slice %arg5[%dma_start3A_396, %dma_start3A_397] : memref<4x64xi32, #tpu.memory_space<vmem>> -> memref<1x64xi32, #tpu.memory_space<vmem>>
          %dma_start3A_399 = tpu.memref_squeeze %dma_start3A_398 : memref<1x64xi32, #tpu.memory_space<vmem>> -> memref<64xi32, #tpu.memory_space<vmem>>
          %dma_start3A_400 = tpu.memref_slice %arg3[%mul3A_395] : memref<640000xi32, #tpu.memory_space<hbm>> -> memref<64xi32, #tpu.memory_space<hbm>>
          %dma_start3A_401 = arith.constant 0 : i32
          %dma_start3A_402 = tpu.memref_slice %arg5[%dma_start3A_396, %dma_start3A_401] : memref<4x64xi32, #tpu.memory_space<vmem>> -> memref<1x64xi32, #tpu.memory_space<vmem>>
          %dma_start3A_403 = tpu.memref_squeeze %dma_start3A_402 : memref<1x64xi32, #tpu.memory_space<vmem>> -> memref<64xi32, #tpu.memory_space<vmem>>
          %dma_start3A_404 = tpu.memref_slice %arg3[%mul3A_395] : memref<640000xi32, #tpu.memory_space<hbm>> -> memref<64xi32, #tpu.memory_space<hbm>>
          tpu.enqueue_dma source(%dma_start3A_404 : memref<64xi32, #tpu.memory_space<hbm>>) target(%dma_start3A_403 : memref<64xi32, #tpu.memory_space<vmem>>) target_semaphore(%arg12 : memref<!tpu.dma_semaphore, #tpu.memory_space<semaphore_mem>>)
        } else {
        }
        %dma_wait3A_364 = arith.constant 3 : i32
        %dma_wait3A_365 = arith.constant 0 : i32
        %dma_wait3A_366 = tpu.memref_slice %arg6[%dma_wait3A_364, %dma_wait3A_365] : memref<4x64xi32, #tpu.memory_space<vmem>> -> memref<1x64xi32, #tpu.memory_space<vmem>>
        %dma_wait3A_367 = tpu.memref_squeeze %dma_wait3A_366 : memref<1x64xi32, #tpu.memory_space<vmem>> -> memref<64xi32, #tpu.memory_space<vmem>>
        %dma_wait3A_368 = arith.constant 0 : i32
        %dma_wait3A_369 = tpu.memref_slice %arg3[%dma_wait3A_368] : memref<640000xi32, #tpu.memory_space<hbm>> -> memref<64xi32, #tpu.memory_space<hbm>>
        %dma_wait3A_370 = arith.constant 0 : i32
        %dma_wait3A_371 = tpu.memref_slice %arg6[%dma_wait3A_364, %dma_wait3A_370] : memref<4x64xi32, #tpu.memory_space<vmem>> -> memref<1x64xi32, #tpu.memory_space<vmem>>
        %dma_wait3A_372 = tpu.memref_squeeze %dma_wait3A_371 : memref<1x64xi32, #tpu.memory_space<vmem>> -> memref<64xi32, #tpu.memory_space<vmem>>
        %dma_wait3A_373 = arith.constant 0 : i32
        %dma_wait3A_374 = tpu.memref_slice %arg3[%dma_wait3A_373] : memref<640000xi32, #tpu.memory_space<hbm>> -> memref<64xi32, #tpu.memory_space<hbm>>
        tpu.wait_dma2 semaphore(%arg16 : memref<!tpu.dma_semaphore, #tpu.memory_space<semaphore_mem>>) src(%dma_wait3A_374 : memref<64xi32, #tpu.memory_space<hbm>>) dst(%dma_wait3A_372 : memref<64xi32, #tpu.memory_space<vmem>>)
        %dma_start3A_375 = arith.constant 3 : i32
        %dma_start3A_376 = arith.constant 3 : i32
        %dma_start3A_377 = arith.constant 0 : i32
        %dma_start3A_378 = arith.constant 0 : i32
        %dma_start3A_379 = tpu.memref_slice %arg7[%dma_start3A_375, %dma_start3A_377, %dma_start3A_378] : memref<4x64x128xf32, #tpu.memory_space<vmem>> -> memref<1x64x128xf32, #tpu.memory_space<vmem>>
        %dma_start3A_380 = tpu.memref_squeeze %dma_start3A_379 : memref<1x64x128xf32, #tpu.memory_space<vmem>> -> memref<64x128xf32, #tpu.memory_space<vmem>>
        %dma_start3A_381 = arith.constant 0 : i32
        %dma_start3A_382 = tpu.memref_slice %arg6[%dma_start3A_376, %dma_start3A_381] : memref<4x64xi32, #tpu.memory_space<vmem>> -> memref<1x64xi32, #tpu.memory_space<vmem>>
        %dma_start3A_383 = tpu.memref_squeeze %dma_start3A_382 : memref<1x64xi32, #tpu.memory_space<vmem>> -> memref<64xi32, #tpu.memory_space<vmem>>
        %dma_start3A_384 = arith.constant 0 : i32
        %dma_start3A_385 = arith.constant 0 : i32
        %dma_start3A_386 = tpu.memref_slice %arg8[%dma_start3A_384, %dma_start3A_385] : memref<10240x128xf32, #tpu.memory_space<vmem_shared>> -> memref<10240x128xf32, #tpu.memory_space<vmem_shared>>
        tpu.enqueue_indirect_dma source(%dma_start3A_380 : memref<64x128xf32, #tpu.memory_space<vmem>>) target(%dma_start3A_386 : memref<10240x128xf32, #tpu.memory_space<vmem_shared>>) offsets(%dma_start3A_383 : memref<64xi32, #tpu.memory_space<vmem>>) semaphore(%arg24 : memref<!tpu.dma_semaphore, #tpu.memory_space<semaphore_mem>>) {add = true}
      } else {
      }
      %add3A_312 = arith.constant 0 : i32
      %add3A_313 = arith.addi %add3A_289, %add3A_312 : i32
      %add3A_314 = arith.constant 4 : i32
      %add3A_315 = arith.addi %add3A_313, %add3A_314 : i32
      %lt3A_316 = arith.cmpi slt, %add3A_315, %select_n3A : i32
      %convert_element_type3A_317 = arith.extui %lt3A_316 : i1 to i32
      %cond3A_318 = arith.constant 0 : i32
      %cond3A_319 = arith.cmpi ne, %convert_element_type3A_317, %cond3A_318 : i32
      scf.if %cond3A_319 {
        %dma_wait3A_344 = arith.constant 0 : i32
        %dma_wait3A_345 = arith.constant 0 : i32
        %dma_wait3A_346 = arith.constant 0 : i32
        %dma_wait3A_347 = arith.constant 0 : i32
        %dma_wait3A_348 = tpu.memref_slice %arg7[%dma_wait3A_344, %dma_wait3A_346, %dma_wait3A_347] : memref<4x64x128xf32, #tpu.memory_space<vmem>> -> memref<1x64x128xf32, #tpu.memory_space<vmem>>
        %dma_wait3A_349 = tpu.memref_squeeze %dma_wait3A_348 : memref<1x64x128xf32, #tpu.memory_space<vmem>> -> memref<64x128xf32, #tpu.memory_space<vmem>>
        %dma_wait3A_350 = arith.constant 0 : i32
        %dma_wait3A_351 = tpu.memref_slice %arg6[%dma_wait3A_345, %dma_wait3A_350] : memref<4x64xi32, #tpu.memory_space<vmem>> -> memref<1x64xi32, #tpu.memory_space<vmem>>
        %dma_wait3A_352 = tpu.memref_squeeze %dma_wait3A_351 : memref<1x64xi32, #tpu.memory_space<vmem>> -> memref<64xi32, #tpu.memory_space<vmem>>
        %dma_wait3A_353 = arith.constant 0 : i32
        %dma_wait3A_354 = arith.constant 0 : i32
        %dma_wait3A_355 = tpu.memref_slice %arg8[%dma_wait3A_353, %dma_wait3A_354] : memref<10240x128xf32, #tpu.memory_space<vmem_shared>> -> memref<10240x128xf32, #tpu.memory_space<vmem_shared>>
        tpu.wait_indirect_dma semaphore(%arg21 : memref<!tpu.dma_semaphore, #tpu.memory_space<semaphore_mem>>) src(%dma_wait3A_349 : memref<64x128xf32, #tpu.memory_space<vmem>>) dst(%dma_wait3A_355 : memref<10240x128xf32, #tpu.memory_space<vmem_shared>>)
        %mul3A_356 = arith.constant 32 : i32
        %mul3A_357 = arith.muli %add3A_315, %mul3A_356 : i32
        %add3A_358 = arith.addi %add3A, %mul3A_357 : i32
        %mul3A_359 = arith.constant 64 : i32
        %mul3A_360 = arith.muli %add3A_358, %mul3A_359 : i32
        %add3A_361 = arith.constant 320000 : i32
        %add3A_362 = arith.addi %add3A_361, %mul3A_360 : i32
        %dma_start3A_363 = arith.constant 0 : i32
        %dma_start3A_364 = arith.constant 0 : i32
        %dma_start3A_365 = tpu.memref_slice %arg6[%dma_start3A_363, %dma_start3A_364] : memref<4x64xi32, #tpu.memory_space<vmem>> -> memref<1x64xi32, #tpu.memory_space<vmem>>
        %dma_start3A_366 = tpu.memref_squeeze %dma_start3A_365 : memref<1x64xi32, #tpu.memory_space<vmem>> -> memref<64xi32, #tpu.memory_space<vmem>>
        %dma_start3A_367 = tpu.memref_slice %arg3[%add3A_362] : memref<640000xi32, #tpu.memory_space<hbm>> -> memref<64xi32, #tpu.memory_space<hbm>>
        %dma_start3A_368 = arith.constant 0 : i32
        %dma_start3A_369 = tpu.memref_slice %arg6[%dma_start3A_363, %dma_start3A_368] : memref<4x64xi32, #tpu.memory_space<vmem>> -> memref<1x64xi32, #tpu.memory_space<vmem>>
        %dma_start3A_370 = tpu.memref_squeeze %dma_start3A_369 : memref<1x64xi32, #tpu.memory_space<vmem>> -> memref<64xi32, #tpu.memory_space<vmem>>
        %dma_start3A_371 = tpu.memref_slice %arg3[%add3A_362] : memref<640000xi32, #tpu.memory_space<hbm>> -> memref<64xi32, #tpu.memory_space<hbm>>
        tpu.enqueue_dma source(%dma_start3A_371 : memref<64xi32, #tpu.memory_space<hbm>>) target(%dma_start3A_370 : memref<64xi32, #tpu.memory_space<vmem>>) target_semaphore(%arg13 : memref<!tpu.dma_semaphore, #tpu.memory_space<semaphore_mem>>)
        %dma_wait3A_372 = arith.constant 0 : i32
        %dma_wait3A_373 = arith.constant 0 : i32
        %dma_wait3A_374 = tpu.memref_slice %arg5[%dma_wait3A_372, %dma_wait3A_373] : memref<4x64xi32, #tpu.memory_space<vmem>> -> memref<1x64xi32, #tpu.memory_space<vmem>>
        %dma_wait3A_375 = tpu.memref_squeeze %dma_wait3A_374 : memref<1x64xi32, #tpu.memory_space<vmem>> -> memref<64xi32, #tpu.memory_space<vmem>>
        %dma_wait3A_376 = arith.constant 0 : i32
        %dma_wait3A_377 = tpu.memref_slice %arg3[%dma_wait3A_376] : memref<640000xi32, #tpu.memory_space<hbm>> -> memref<64xi32, #tpu.memory_space<hbm>>
        %dma_wait3A_378 = arith.constant 0 : i32
        %dma_wait3A_379 = tpu.memref_slice %arg5[%dma_wait3A_372, %dma_wait3A_378] : memref<4x64xi32, #tpu.memory_space<vmem>> -> memref<1x64xi32, #tpu.memory_space<vmem>>
        %dma_wait3A_380 = tpu.memref_squeeze %dma_wait3A_379 : memref<1x64xi32, #tpu.memory_space<vmem>> -> memref<64xi32, #tpu.memory_space<vmem>>
        %dma_wait3A_381 = arith.constant 0 : i32
        %dma_wait3A_382 = tpu.memref_slice %arg3[%dma_wait3A_381] : memref<640000xi32, #tpu.memory_space<hbm>> -> memref<64xi32, #tpu.memory_space<hbm>>
        tpu.wait_dma2 semaphore(%arg9 : memref<!tpu.dma_semaphore, #tpu.memory_space<semaphore_mem>>) src(%dma_wait3A_382 : memref<64xi32, #tpu.memory_space<hbm>>) dst(%dma_wait3A_380 : memref<64xi32, #tpu.memory_space<vmem>>)
        %dma_start3A_383 = arith.constant 0 : i32
        %dma_start3A_384 = arith.constant 0 : i32
        %dma_start3A_385 = arith.constant 0 : i32
        %dma_start3A_386 = arith.constant 0 : i32
        %dma_start3A_387 = tpu.memref_slice %arg7[%dma_start3A_384, %dma_start3A_385, %dma_start3A_386] : memref<4x64x128xf32, #tpu.memory_space<vmem>> -> memref<1x64x128xf32, #tpu.memory_space<vmem>>
        %dma_start3A_388 = tpu.memref_squeeze %dma_start3A_387 : memref<1x64x128xf32, #tpu.memory_space<vmem>> -> memref<64x128xf32, #tpu.memory_space<vmem>>
        %dma_start3A_389 = arith.constant 0 : i32
        %dma_start3A_390 = tpu.memref_slice %arg5[%dma_start3A_383, %dma_start3A_389] : memref<4x64xi32, #tpu.memory_space<vmem>> -> memref<1x64xi32, #tpu.memory_space<vmem>>
        %dma_start3A_391 = tpu.memref_squeeze %dma_start3A_390 : memref<1x64xi32, #tpu.memory_space<vmem>> -> memref<64xi32, #tpu.memory_space<vmem>>
        %dma_start3A_392 = arith.constant 0 : i32
        %dma_start3A_393 = arith.constant 0 : i32
        %dma_start3A_394 = tpu.memref_slice %arg2[%dma_start3A_392, %dma_start3A_393] : memref<10000x128xf32, #tpu.memory_space<hbm>> -> memref<10000x128xf32, #tpu.memory_space<hbm>>
        tpu.enqueue_indirect_dma source(%dma_start3A_394 : memref<10000x128xf32, #tpu.memory_space<hbm>>) target(%dma_start3A_388 : memref<64x128xf32, #tpu.memory_space<vmem>>) offsets(%dma_start3A_391 : memref<64xi32, #tpu.memory_space<vmem>>) semaphore(%arg17 : memref<!tpu.dma_semaphore, #tpu.memory_space<semaphore_mem>>)
      } else {
      }
      %add3A_320 = arith.constant 1 : i32
      %add3A_321 = arith.addi %add3A_289, %add3A_320 : i32
      %add3A_322 = arith.constant 4 : i32
      %add3A_323 = arith.addi %add3A_321, %add3A_322 : i32
      %lt3A_324 = arith.cmpi slt, %add3A_323, %select_n3A : i32
      %convert_element_type3A_325 = arith.extui %lt3A_324 : i1 to i32
      %cond3A_326 = arith.constant 0 : i32
      %cond3A_327 = arith.cmpi ne, %convert_element_type3A_325, %cond3A_326 : i32
      scf.if %cond3A_327 {
        %dma_wait3A_344 = arith.constant 1 : i32
        %dma_wait3A_345 = arith.constant 1 : i32
        %dma_wait3A_346 = arith.constant 0 : i32
        %dma_wait3A_347 = arith.constant 0 : i32
        %dma_wait3A_348 = tpu.memref_slice %arg7[%dma_wait3A_344, %dma_wait3A_346, %dma_wait3A_347] : memref<4x64x128xf32, #tpu.memory_space<vmem>> -> memref<1x64x128xf32, #tpu.memory_space<vmem>>
        %dma_wait3A_349 = tpu.memref_squeeze %dma_wait3A_348 : memref<1x64x128xf32, #tpu.memory_space<vmem>> -> memref<64x128xf32, #tpu.memory_space<vmem>>
        %dma_wait3A_350 = arith.constant 0 : i32
        %dma_wait3A_351 = tpu.memref_slice %arg6[%dma_wait3A_345, %dma_wait3A_350] : memref<4x64xi32, #tpu.memory_space<vmem>> -> memref<1x64xi32, #tpu.memory_space<vmem>>
        %dma_wait3A_352 = tpu.memref_squeeze %dma_wait3A_351 : memref<1x64xi32, #tpu.memory_space<vmem>> -> memref<64xi32, #tpu.memory_space<vmem>>
        %dma_wait3A_353 = arith.constant 0 : i32
        %dma_wait3A_354 = arith.constant 0 : i32
        %dma_wait3A_355 = tpu.memref_slice %arg8[%dma_wait3A_353, %dma_wait3A_354] : memref<10240x128xf32, #tpu.memory_space<vmem_shared>> -> memref<10240x128xf32, #tpu.memory_space<vmem_shared>>
        tpu.wait_indirect_dma semaphore(%arg22 : memref<!tpu.dma_semaphore, #tpu.memory_space<semaphore_mem>>) src(%dma_wait3A_349 : memref<64x128xf32, #tpu.memory_space<vmem>>) dst(%dma_wait3A_355 : memref<10240x128xf32, #tpu.memory_space<vmem_shared>>)
        %mul3A_356 = arith.constant 32 : i32
        %mul3A_357 = arith.muli %add3A_323, %mul3A_356 : i32
        %add3A_358 = arith.addi %add3A, %mul3A_357 : i32
        %mul3A_359 = arith.constant 64 : i32
        %mul3A_360 = arith.muli %add3A_358, %mul3A_359 : i32
        %add3A_361 = arith.constant 320000 : i32
        %add3A_362 = arith.addi %add3A_361, %mul3A_360 : i32
        %dma_start3A_363 = arith.constant 1 : i32
        %dma_start3A_364 = arith.constant 0 : i32
        %dma_start3A_365 = tpu.memref_slice %arg6[%dma_start3A_363, %dma_start3A_364] : memref<4x64xi32, #tpu.memory_space<vmem>> -> memref<1x64xi32, #tpu.memory_space<vmem>>
        %dma_start3A_366 = tpu.memref_squeeze %dma_start3A_365 : memref<1x64xi32, #tpu.memory_space<vmem>> -> memref<64xi32, #tpu.memory_space<vmem>>
        %dma_start3A_367 = tpu.memref_slice %arg3[%add3A_362] : memref<640000xi32, #tpu.memory_space<hbm>> -> memref<64xi32, #tpu.memory_space<hbm>>
        %dma_start3A_368 = arith.constant 0 : i32
        %dma_start3A_369 = tpu.memref_slice %arg6[%dma_start3A_363, %dma_start3A_368] : memref<4x64xi32, #tpu.memory_space<vmem>> -> memref<1x64xi32, #tpu.memory_space<vmem>>
        %dma_start3A_370 = tpu.memref_squeeze %dma_start3A_369 : memref<1x64xi32, #tpu.memory_space<vmem>> -> memref<64xi32, #tpu.memory_space<vmem>>
        %dma_start3A_371 = tpu.memref_slice %arg3[%add3A_362] : memref<640000xi32, #tpu.memory_space<hbm>> -> memref<64xi32, #tpu.memory_space<hbm>>
        tpu.enqueue_dma source(%dma_start3A_371 : memref<64xi32, #tpu.memory_space<hbm>>) target(%dma_start3A_370 : memref<64xi32, #tpu.memory_space<vmem>>) target_semaphore(%arg14 : memref<!tpu.dma_semaphore, #tpu.memory_space<semaphore_mem>>)
        %dma_wait3A_372 = arith.constant 1 : i32
        %dma_wait3A_373 = arith.constant 0 : i32
        %dma_wait3A_374 = tpu.memref_slice %arg5[%dma_wait3A_372, %dma_wait3A_373] : memref<4x64xi32, #tpu.memory_space<vmem>> -> memref<1x64xi32, #tpu.memory_space<vmem>>
        %dma_wait3A_375 = tpu.memref_squeeze %dma_wait3A_374 : memref<1x64xi32, #tpu.memory_space<vmem>> -> memref<64xi32, #tpu.memory_space<vmem>>
        %dma_wait3A_376 = arith.constant 0 : i32
        %dma_wait3A_377 = tpu.memref_slice %arg3[%dma_wait3A_376] : memref<640000xi32, #tpu.memory_space<hbm>> -> memref<64xi32, #tpu.memory_space<hbm>>
        %dma_wait3A_378 = arith.constant 0 : i32
        %dma_wait3A_379 = tpu.memref_slice %arg5[%dma_wait3A_372, %dma_wait3A_378] : memref<4x64xi32, #tpu.memory_space<vmem>> -> memref<1x64xi32, #tpu.memory_space<vmem>>
        %dma_wait3A_380 = tpu.memref_squeeze %dma_wait3A_379 : memref<1x64xi32, #tpu.memory_space<vmem>> -> memref<64xi32, #tpu.memory_space<vmem>>
        %dma_wait3A_381 = arith.constant 0 : i32
        %dma_wait3A_382 = tpu.memref_slice %arg3[%dma_wait3A_381] : memref<640000xi32, #tpu.memory_space<hbm>> -> memref<64xi32, #tpu.memory_space<hbm>>
        tpu.wait_dma2 semaphore(%arg10 : memref<!tpu.dma_semaphore, #tpu.memory_space<semaphore_mem>>) src(%dma_wait3A_382 : memref<64xi32, #tpu.memory_space<hbm>>) dst(%dma_wait3A_380 : memref<64xi32, #tpu.memory_space<vmem>>)
        %dma_start3A_383 = arith.constant 1 : i32
        %dma_start3A_384 = arith.constant 1 : i32
        %dma_start3A_385 = arith.constant 0 : i32
        %dma_start3A_386 = arith.constant 0 : i32
        %dma_start3A_387 = tpu.memref_slice %arg7[%dma_start3A_384, %dma_start3A_385, %dma_start3A_386] : memref<4x64x128xf32, #tpu.memory_space<vmem>> -> memref<1x64x128xf32, #tpu.memory_space<vmem>>
        %dma_start3A_388 = tpu.memref_squeeze %dma_start3A_387 : memref<1x64x128xf32, #tpu.memory_space<vmem>> -> memref<64x128xf32, #tpu.memory_space<vmem>>
        %dma_start3A_389 = arith.constant 0 : i32
        %dma_start3A_390 = tpu.memref_slice %arg5[%dma_start3A_383, %dma_start3A_389] : memref<4x64xi32, #tpu.memory_space<vmem>> -> memref<1x64xi32, #tpu.memory_space<vmem>>
        %dma_start3A_391 = tpu.memref_squeeze %dma_start3A_390 : memref<1x64xi32, #tpu.memory_space<vmem>> -> memref<64xi32, #tpu.memory_space<vmem>>
        %dma_start3A_392 = arith.constant 0 : i32
        %dma_start3A_393 = arith.constant 0 : i32
        %dma_start3A_394 = tpu.memref_slice %arg2[%dma_start3A_392, %dma_start3A_393] : memref<10000x128xf32, #tpu.memory_space<hbm>> -> memref<10000x128xf32, #tpu.memory_space<hbm>>
        tpu.enqueue_indirect_dma source(%dma_start3A_394 : memref<10000x128xf32, #tpu.memory_space<hbm>>) target(%dma_start3A_388 : memref<64x128xf32, #tpu.memory_space<vmem>>) offsets(%dma_start3A_391 : memref<64xi32, #tpu.memory_space<vmem>>) semaphore(%arg18 : memref<!tpu.dma_semaphore, #tpu.memory_space<semaphore_mem>>)
      } else {
      }
      %add3A_328 = arith.constant 2 : i32
      %add3A_329 = arith.addi %add3A_289, %add3A_328 : i32
      %add3A_330 = arith.constant 4 : i32
      %add3A_331 = arith.addi %add3A_329, %add3A_330 : i32
      %lt3A_332 = arith.cmpi slt, %add3A_331, %select_n3A : i32
      %convert_element_type3A_333 = arith.extui %lt3A_332 : i1 to i32
      %cond3A_334 = arith.constant 0 : i32
      %cond3A_335 = arith.cmpi ne, %convert_element_type3A_333, %cond3A_334 : i32
      scf.if %cond3A_335 {
        %dma_wait3A_344 = arith.constant 2 : i32
        %dma_wait3A_345 = arith.constant 2 : i32
        %dma_wait3A_346 = arith.constant 0 : i32
        %dma_wait3A_347 = arith.constant 0 : i32
        %dma_wait3A_348 = tpu.memref_slice %arg7[%dma_wait3A_344, %dma_wait3A_346, %dma_wait3A_347] : memref<4x64x128xf32, #tpu.memory_space<vmem>> -> memref<1x64x128xf32, #tpu.memory_space<vmem>>
        %dma_wait3A_349 = tpu.memref_squeeze %dma_wait3A_348 : memref<1x64x128xf32, #tpu.memory_space<vmem>> -> memref<64x128xf32, #tpu.memory_space<vmem>>
        %dma_wait3A_350 = arith.constant 0 : i32
        %dma_wait3A_351 = tpu.memref_slice %arg6[%dma_wait3A_345, %dma_wait3A_350] : memref<4x64xi32, #tpu.memory_space<vmem>> -> memref<1x64xi32, #tpu.memory_space<vmem>>
        %dma_wait3A_352 = tpu.memref_squeeze %dma_wait3A_351 : memref<1x64xi32, #tpu.memory_space<vmem>> -> memref<64xi32, #tpu.memory_space<vmem>>
        %dma_wait3A_353 = arith.constant 0 : i32
        %dma_wait3A_354 = arith.constant 0 : i32
        %dma_wait3A_355 = tpu.memref_slice %arg8[%dma_wait3A_353, %dma_wait3A_354] : memref<10240x128xf32, #tpu.memory_space<vmem_shared>> -> memref<10240x128xf32, #tpu.memory_space<vmem_shared>>
        tpu.wait_indirect_dma semaphore(%arg23 : memref<!tpu.dma_semaphore, #tpu.memory_space<semaphore_mem>>) src(%dma_wait3A_349 : memref<64x128xf32, #tpu.memory_space<vmem>>) dst(%dma_wait3A_355 : memref<10240x128xf32, #tpu.memory_space<vmem_shared>>)
        %mul3A_356 = arith.constant 32 : i32
        %mul3A_357 = arith.muli %add3A_331, %mul3A_356 : i32
        %add3A_358 = arith.addi %add3A, %mul3A_357 : i32
        %mul3A_359 = arith.constant 64 : i32
        %mul3A_360 = arith.muli %add3A_358, %mul3A_359 : i32
        %add3A_361 = arith.constant 320000 : i32
        %add3A_362 = arith.addi %add3A_361, %mul3A_360 : i32
        %dma_start3A_363 = arith.constant 2 : i32
        %dma_start3A_364 = arith.constant 0 : i32
        %dma_start3A_365 = tpu.memref_slice %arg6[%dma_start3A_363, %dma_start3A_364] : memref<4x64xi32, #tpu.memory_space<vmem>> -> memref<1x64xi32, #tpu.memory_space<vmem>>
        %dma_start3A_366 = tpu.memref_squeeze %dma_start3A_365 : memref<1x64xi32, #tpu.memory_space<vmem>> -> memref<64xi32, #tpu.memory_space<vmem>>
        %dma_start3A_367 = tpu.memref_slice %arg3[%add3A_362] : memref<640000xi32, #tpu.memory_space<hbm>> -> memref<64xi32, #tpu.memory_space<hbm>>
        %dma_start3A_368 = arith.constant 0 : i32
        %dma_start3A_369 = tpu.memref_slice %arg6[%dma_start3A_363, %dma_start3A_368] : memref<4x64xi32, #tpu.memory_space<vmem>> -> memref<1x64xi32, #tpu.memory_space<vmem>>
        %dma_start3A_370 = tpu.memref_squeeze %dma_start3A_369 : memref<1x64xi32, #tpu.memory_space<vmem>> -> memref<64xi32, #tpu.memory_space<vmem>>
        %dma_start3A_371 = tpu.memref_slice %arg3[%add3A_362] : memref<640000xi32, #tpu.memory_space<hbm>> -> memref<64xi32, #tpu.memory_space<hbm>>
        tpu.enqueue_dma source(%dma_start3A_371 : memref<64xi32, #tpu.memory_space<hbm>>) target(%dma_start3A_370 : memref<64xi32, #tpu.memory_space<vmem>>) target_semaphore(%arg15 : memref<!tpu.dma_semaphore, #tpu.memory_space<semaphore_mem>>)
        %dma_wait3A_372 = arith.constant 2 : i32
        %dma_wait3A_373 = arith.constant 0 : i32
        %dma_wait3A_374 = tpu.memref_slice %arg5[%dma_wait3A_372, %dma_wait3A_373] : memref<4x64xi32, #tpu.memory_space<vmem>> -> memref<1x64xi32, #tpu.memory_space<vmem>>
        %dma_wait3A_375 = tpu.memref_squeeze %dma_wait3A_374 : memref<1x64xi32, #tpu.memory_space<vmem>> -> memref<64xi32, #tpu.memory_space<vmem>>
        %dma_wait3A_376 = arith.constant 0 : i32
        %dma_wait3A_377 = tpu.memref_slice %arg3[%dma_wait3A_376] : memref<640000xi32, #tpu.memory_space<hbm>> -> memref<64xi32, #tpu.memory_space<hbm>>
        %dma_wait3A_378 = arith.constant 0 : i32
        %dma_wait3A_379 = tpu.memref_slice %arg5[%dma_wait3A_372, %dma_wait3A_378] : memref<4x64xi32, #tpu.memory_space<vmem>> -> memref<1x64xi32, #tpu.memory_space<vmem>>
        %dma_wait3A_380 = tpu.memref_squeeze %dma_wait3A_379 : memref<1x64xi32, #tpu.memory_space<vmem>> -> memref<64xi32, #tpu.memory_space<vmem>>
        %dma_wait3A_381 = arith.constant 0 : i32
        %dma_wait3A_382 = tpu.memref_slice %arg3[%dma_wait3A_381] : memref<640000xi32, #tpu.memory_space<hbm>> -> memref<64xi32, #tpu.memory_space<hbm>>
        tpu.wait_dma2 semaphore(%arg11 : memref<!tpu.dma_semaphore, #tpu.memory_space<semaphore_mem>>) src(%dma_wait3A_382 : memref<64xi32, #tpu.memory_space<hbm>>) dst(%dma_wait3A_380 : memref<64xi32, #tpu.memory_space<vmem>>)
        %dma_start3A_383 = arith.constant 2 : i32
        %dma_start3A_384 = arith.constant 2 : i32
        %dma_start3A_385 = arith.constant 0 : i32
        %dma_start3A_386 = arith.constant 0 : i32
        %dma_start3A_387 = tpu.memref_slice %arg7[%dma_start3A_384, %dma_start3A_385, %dma_start3A_386] : memref<4x64x128xf32, #tpu.memory_space<vmem>> -> memref<1x64x128xf32, #tpu.memory_space<vmem>>
        %dma_start3A_388 = tpu.memref_squeeze %dma_start3A_387 : memref<1x64x128xf32, #tpu.memory_space<vmem>> -> memref<64x128xf32, #tpu.memory_space<vmem>>
        %dma_start3A_389 = arith.constant 0 : i32
        %dma_start3A_390 = tpu.memref_slice %arg5[%dma_start3A_383, %dma_start3A_389] : memref<4x64xi32, #tpu.memory_space<vmem>> -> memref<1x64xi32, #tpu.memory_space<vmem>>
        %dma_start3A_391 = tpu.memref_squeeze %dma_start3A_390 : memref<1x64xi32, #tpu.memory_space<vmem>> -> memref<64xi32, #tpu.memory_space<vmem>>
        %dma_start3A_392 = arith.constant 0 : i32
        %dma_start3A_393 = arith.constant 0 : i32
        %dma_start3A_394 = tpu.memref_slice %arg2[%dma_start3A_392, %dma_start3A_393] : memref<10000x128xf32, #tpu.memory_space<hbm>> -> memref<10000x128xf32, #tpu.memory_space<hbm>>
        tpu.enqueue_indirect_dma source(%dma_start3A_394 : memref<10000x128xf32, #tpu.memory_space<hbm>>) target(%dma_start3A_388 : memref<64x128xf32, #tpu.memory_space<vmem>>) offsets(%dma_start3A_391 : memref<64xi32, #tpu.memory_space<vmem>>) semaphore(%arg19 : memref<!tpu.dma_semaphore, #tpu.memory_space<semaphore_mem>>)
      } else {
      }
      %add3A_336 = arith.constant 3 : i32
      %add3A_337 = arith.addi %add3A_289, %add3A_336 : i32
      %add3A_338 = arith.constant 4 : i32
      %add3A_339 = arith.addi %add3A_337, %add3A_338 : i32
      %lt3A_340 = arith.cmpi slt, %add3A_339, %select_n3A : i32
      %convert_element_type3A_341 = arith.extui %lt3A_340 : i1 to i32
      %cond3A_342 = arith.constant 0 : i32
      %cond3A_343 = arith.cmpi ne, %convert_element_type3A_341, %cond3A_342 : i32
      scf.if %cond3A_343 {
        %dma_wait3A_344 = arith.constant 3 : i32
        %dma_wait3A_345 = arith.constant 3 : i32
        %dma_wait3A_346 = arith.constant 0 : i32
        %dma_wait3A_347 = arith.constant 0 : i32
        %dma_wait3A_348 = tpu.memref_slice %arg7[%dma_wait3A_344, %dma_wait3A_346, %dma_wait3A_347] : memref<4x64x128xf32, #tpu.memory_space<vmem>> -> memref<1x64x128xf32, #tpu.memory_space<vmem>>
        %dma_wait3A_349 = tpu.memref_squeeze %dma_wait3A_348 : memref<1x64x128xf32, #tpu.memory_space<vmem>> -> memref<64x128xf32, #tpu.memory_space<vmem>>
        %dma_wait3A_350 = arith.constant 0 : i32
        %dma_wait3A_351 = tpu.memref_slice %arg6[%dma_wait3A_345, %dma_wait3A_350] : memref<4x64xi32, #tpu.memory_space<vmem>> -> memref<1x64xi32, #tpu.memory_space<vmem>>
        %dma_wait3A_352 = tpu.memref_squeeze %dma_wait3A_351 : memref<1x64xi32, #tpu.memory_space<vmem>> -> memref<64xi32, #tpu.memory_space<vmem>>
        %dma_wait3A_353 = arith.constant 0 : i32
        %dma_wait3A_354 = arith.constant 0 : i32
        %dma_wait3A_355 = tpu.memref_slice %arg8[%dma_wait3A_353, %dma_wait3A_354] : memref<10240x128xf32, #tpu.memory_space<vmem_shared>> -> memref<10240x128xf32, #tpu.memory_space<vmem_shared>>
        tpu.wait_indirect_dma semaphore(%arg24 : memref<!tpu.dma_semaphore, #tpu.memory_space<semaphore_mem>>) src(%dma_wait3A_349 : memref<64x128xf32, #tpu.memory_space<vmem>>) dst(%dma_wait3A_355 : memref<10240x128xf32, #tpu.memory_space<vmem_shared>>)
        %mul3A_356 = arith.constant 32 : i32
        %mul3A_357 = arith.muli %add3A_339, %mul3A_356 : i32
        %add3A_358 = arith.addi %add3A, %mul3A_357 : i32
        %mul3A_359 = arith.constant 64 : i32
        %mul3A_360 = arith.muli %add3A_358, %mul3A_359 : i32
        %add3A_361 = arith.constant 320000 : i32
        %add3A_362 = arith.addi %add3A_361, %mul3A_360 : i32
        %dma_start3A_363 = arith.constant 3 : i32
        %dma_start3A_364 = arith.constant 0 : i32
        %dma_start3A_365 = tpu.memref_slice %arg6[%dma_start3A_363, %dma_start3A_364] : memref<4x64xi32, #tpu.memory_space<vmem>> -> memref<1x64xi32, #tpu.memory_space<vmem>>
        %dma_start3A_366 = tpu.memref_squeeze %dma_start3A_365 : memref<1x64xi32, #tpu.memory_space<vmem>> -> memref<64xi32, #tpu.memory_space<vmem>>
        %dma_start3A_367 = tpu.memref_slice %arg3[%add3A_362] : memref<640000xi32, #tpu.memory_space<hbm>> -> memref<64xi32, #tpu.memory_space<hbm>>
        %dma_start3A_368 = arith.constant 0 : i32
        %dma_start3A_369 = tpu.memref_slice %arg6[%dma_start3A_363, %dma_start3A_368] : memref<4x64xi32, #tpu.memory_space<vmem>> -> memref<1x64xi32, #tpu.memory_space<vmem>>
        %dma_start3A_370 = tpu.memref_squeeze %dma_start3A_369 : memref<1x64xi32, #tpu.memory_space<vmem>> -> memref<64xi32, #tpu.memory_space<vmem>>
        %dma_start3A_371 = tpu.memref_slice %arg3[%add3A_362] : memref<640000xi32, #tpu.memory_space<hbm>> -> memref<64xi32, #tpu.memory_space<hbm>>
        tpu.enqueue_dma source(%dma_start3A_371 : memref<64xi32, #tpu.memory_space<hbm>>) target(%dma_start3A_370 : memref<64xi32, #tpu.memory_space<vmem>>) target_semaphore(%arg16 : memref<!tpu.dma_semaphore, #tpu.memory_space<semaphore_mem>>)
        %dma_wait3A_372 = arith.constant 3 : i32
        %dma_wait3A_373 = arith.constant 0 : i32
        %dma_wait3A_374 = tpu.memref_slice %arg5[%dma_wait3A_372, %dma_wait3A_373] : memref<4x64xi32, #tpu.memory_space<vmem>> -> memref<1x64xi32, #tpu.memory_space<vmem>>
        %dma_wait3A_375 = tpu.memref_squeeze %dma_wait3A_374 : memref<1x64xi32, #tpu.memory_space<vmem>> -> memref<64xi32, #tpu.memory_space<vmem>>
        %dma_wait3A_376 = arith.constant 0 : i32
        %dma_wait3A_377 = tpu.memref_slice %arg3[%dma_wait3A_376] : memref<640000xi32, #tpu.memory_space<hbm>> -> memref<64xi32, #tpu.memory_space<hbm>>
        %dma_wait3A_378 = arith.constant 0 : i32
        %dma_wait3A_379 = tpu.memref_slice %arg5[%dma_wait3A_372, %dma_wait3A_378] : memref<4x64xi32, #tpu.memory_space<vmem>> -> memref<1x64xi32, #tpu.memory_space<vmem>>
        %dma_wait3A_380 = tpu.memref_squeeze %dma_wait3A_379 : memref<1x64xi32, #tpu.memory_space<vmem>> -> memref<64xi32, #tpu.memory_space<vmem>>
        %dma_wait3A_381 = arith.constant 0 : i32
        %dma_wait3A_382 = tpu.memref_slice %arg3[%dma_wait3A_381] : memref<640000xi32, #tpu.memory_space<hbm>> -> memref<64xi32, #tpu.memory_space<hbm>>
        tpu.wait_dma2 semaphore(%arg12 : memref<!tpu.dma_semaphore, #tpu.memory_space<semaphore_mem>>) src(%dma_wait3A_382 : memref<64xi32, #tpu.memory_space<hbm>>) dst(%dma_wait3A_380 : memref<64xi32, #tpu.memory_space<vmem>>)
        %dma_start3A_383 = arith.constant 3 : i32
        %dma_start3A_384 = arith.constant 3 : i32
        %dma_start3A_385 = arith.constant 0 : i32
        %dma_start3A_386 = arith.constant 0 : i32
        %dma_start3A_387 = tpu.memref_slice %arg7[%dma_start3A_384, %dma_start3A_385, %dma_start3A_386] : memref<4x64x128xf32, #tpu.memory_space<vmem>> -> memref<1x64x128xf32, #tpu.memory_space<vmem>>
        %dma_start3A_388 = tpu.memref_squeeze %dma_start3A_387 : memref<1x64x128xf32, #tpu.memory_space<vmem>> -> memref<64x128xf32, #tpu.memory_space<vmem>>
        %dma_start3A_389 = arith.constant 0 : i32
        %dma_start3A_390 = tpu.memref_slice %arg5[%dma_start3A_383, %dma_start3A_389] : memref<4x64xi32, #tpu.memory_space<vmem>> -> memref<1x64xi32, #tpu.memory_space<vmem>>
        %dma_start3A_391 = tpu.memref_squeeze %dma_start3A_390 : memref<1x64xi32, #tpu.memory_space<vmem>> -> memref<64xi32, #tpu.memory_space<vmem>>
        %dma_start3A_392 = arith.constant 0 : i32
        %dma_start3A_393 = arith.constant 0 : i32
        %dma_start3A_394 = tpu.memref_slice %arg2[%dma_start3A_392, %dma_start3A_393] : memref<10000x128xf32, #tpu.memory_space<hbm>> -> memref<10000x128xf32, #tpu.memory_space<hbm>>
        tpu.enqueue_indirect_dma source(%dma_start3A_394 : memref<10000x128xf32, #tpu.memory_space<hbm>>) target(%dma_start3A_388 : memref<64x128xf32, #tpu.memory_space<vmem>>) offsets(%dma_start3A_391 : memref<64xi32, #tpu.memory_space<vmem>>) semaphore(%arg20 : memref<!tpu.dma_semaphore, #tpu.memory_space<semaphore_mem>>)
      } else {
      }
    }
    %dma_wait3A_231 = arith.constant 0 : i32
    %dma_wait3A_232 = arith.constant 0 : i32
    %dma_wait3A_233 = arith.constant 0 : i32
    %dma_wait3A_234 = arith.constant 0 : i32
    %dma_wait3A_235 = tpu.memref_slice %arg7[%dma_wait3A_231, %dma_wait3A_233, %dma_wait3A_234] : memref<4x64x128xf32, #tpu.memory_space<vmem>> -> memref<1x64x128xf32, #tpu.memory_space<vmem>>
    %dma_wait3A_236 = tpu.memref_squeeze %dma_wait3A_235 : memref<1x64x128xf32, #tpu.memory_space<vmem>> -> memref<64x128xf32, #tpu.memory_space<vmem>>
    %dma_wait3A_237 = arith.constant 0 : i32
    %dma_wait3A_238 = tpu.memref_slice %arg6[%dma_wait3A_232, %dma_wait3A_237] : memref<4x64xi32, #tpu.memory_space<vmem>> -> memref<1x64xi32, #tpu.memory_space<vmem>>
    %dma_wait3A_239 = tpu.memref_squeeze %dma_wait3A_238 : memref<1x64xi32, #tpu.memory_space<vmem>> -> memref<64xi32, #tpu.memory_space<vmem>>
    %dma_wait3A_240 = arith.constant 0 : i32
    %dma_wait3A_241 = arith.constant 0 : i32
    %dma_wait3A_242 = tpu.memref_slice %arg8[%dma_wait3A_240, %dma_wait3A_241] : memref<10240x128xf32, #tpu.memory_space<vmem_shared>> -> memref<10240x128xf32, #tpu.memory_space<vmem_shared>>
    tpu.wait_indirect_dma semaphore(%arg21 : memref<!tpu.dma_semaphore, #tpu.memory_space<semaphore_mem>>) src(%dma_wait3A_236 : memref<64x128xf32, #tpu.memory_space<vmem>>) dst(%dma_wait3A_242 : memref<10240x128xf32, #tpu.memory_space<vmem_shared>>)
    %dma_wait3A_243 = arith.constant 1 : i32
    %dma_wait3A_244 = arith.constant 1 : i32
    %dma_wait3A_245 = arith.constant 0 : i32
    %dma_wait3A_246 = arith.constant 0 : i32
    %dma_wait3A_247 = tpu.memref_slice %arg7[%dma_wait3A_243, %dma_wait3A_245, %dma_wait3A_246] : memref<4x64x128xf32, #tpu.memory_space<vmem>> -> memref<1x64x128xf32, #tpu.memory_space<vmem>>
    %dma_wait3A_248 = tpu.memref_squeeze %dma_wait3A_247 : memref<1x64x128xf32, #tpu.memory_space<vmem>> -> memref<64x128xf32, #tpu.memory_space<vmem>>
    %dma_wait3A_249 = arith.constant 0 : i32
    %dma_wait3A_250 = tpu.memref_slice %arg6[%dma_wait3A_244, %dma_wait3A_249] : memref<4x64xi32, #tpu.memory_space<vmem>> -> memref<1x64xi32, #tpu.memory_space<vmem>>
    %dma_wait3A_251 = tpu.memref_squeeze %dma_wait3A_250 : memref<1x64xi32, #tpu.memory_space<vmem>> -> memref<64xi32, #tpu.memory_space<vmem>>
    %dma_wait3A_252 = arith.constant 0 : i32
    %dma_wait3A_253 = arith.constant 0 : i32
    %dma_wait3A_254 = tpu.memref_slice %arg8[%dma_wait3A_252, %dma_wait3A_253] : memref<10240x128xf32, #tpu.memory_space<vmem_shared>> -> memref<10240x128xf32, #tpu.memory_space<vmem_shared>>
    tpu.wait_indirect_dma semaphore(%arg22 : memref<!tpu.dma_semaphore, #tpu.memory_space<semaphore_mem>>) src(%dma_wait3A_248 : memref<64x128xf32, #tpu.memory_space<vmem>>) dst(%dma_wait3A_254 : memref<10240x128xf32, #tpu.memory_space<vmem_shared>>)
    %dma_wait3A_255 = arith.constant 2 : i32
    %dma_wait3A_256 = arith.constant 2 : i32
    %dma_wait3A_257 = arith.constant 0 : i32
    %dma_wait3A_258 = arith.constant 0 : i32
    %dma_wait3A_259 = tpu.memref_slice %arg7[%dma_wait3A_255, %dma_wait3A_257, %dma_wait3A_258] : memref<4x64x128xf32, #tpu.memory_space<vmem>> -> memref<1x64x128xf32, #tpu.memory_space<vmem>>
    %dma_wait3A_260 = tpu.memref_squeeze %dma_wait3A_259 : memref<1x64x128xf32, #tpu.memory_space<vmem>> -> memref<64x128xf32, #tpu.memory_space<vmem>>
    %dma_wait3A_261 = arith.constant 0 : i32
    %dma_wait3A_262 = tpu.memref_slice %arg6[%dma_wait3A_256, %dma_wait3A_261] : memref<4x64xi32, #tpu.memory_space<vmem>> -> memref<1x64xi32, #tpu.memory_space<vmem>>
    %dma_wait3A_263 = tpu.memref_squeeze %dma_wait3A_262 : memref<1x64xi32, #tpu.memory_space<vmem>> -> memref<64xi32, #tpu.memory_space<vmem>>
    %dma_wait3A_264 = arith.constant 0 : i32
    %dma_wait3A_265 = arith.constant 0 : i32
    %dma_wait3A_266 = tpu.memref_slice %arg8[%dma_wait3A_264, %dma_wait3A_265] : memref<10240x128xf32, #tpu.memory_space<vmem_shared>> -> memref<10240x128xf32, #tpu.memory_space<vmem_shared>>
    tpu.wait_indirect_dma semaphore(%arg23 : memref<!tpu.dma_semaphore, #tpu.memory_space<semaphore_mem>>) src(%dma_wait3A_260 : memref<64x128xf32, #tpu.memory_space<vmem>>) dst(%dma_wait3A_266 : memref<10240x128xf32, #tpu.memory_space<vmem_shared>>)
    %dma_wait3A_267 = arith.constant 3 : i32
    %dma_wait3A_268 = arith.constant 3 : i32
    %dma_wait3A_269 = arith.constant 0 : i32
    %dma_wait3A_270 = arith.constant 0 : i32
    %dma_wait3A_271 = tpu.memref_slice %arg7[%dma_wait3A_267, %dma_wait3A_269, %dma_wait3A_270] : memref<4x64x128xf32, #tpu.memory_space<vmem>> -> memref<1x64x128xf32, #tpu.memory_space<vmem>>
    %dma_wait3A_272 = tpu.memref_squeeze %dma_wait3A_271 : memref<1x64x128xf32, #tpu.memory_space<vmem>> -> memref<64x128xf32, #tpu.memory_space<vmem>>
    %dma_wait3A_273 = arith.constant 0 : i32
    %dma_wait3A_274 = tpu.memref_slice %arg6[%dma_wait3A_268, %dma_wait3A_273] : memref<4x64xi32, #tpu.memory_space<vmem>> -> memref<1x64xi32, #tpu.memory_space<vmem>>
    %dma_wait3A_275 = tpu.memref_squeeze %dma_wait3A_274 : memref<1x64xi32, #tpu.memory_space<vmem>> -> memref<64xi32, #tpu.memory_space<vmem>>
    %dma_wait3A_276 = arith.constant 0 : i32
    %dma_wait3A_277 = arith.constant 0 : i32
    %dma_wait3A_278 = tpu.memref_slice %arg8[%dma_wait3A_276, %dma_wait3A_277] : memref<10240x128xf32, #tpu.memory_space<vmem_shared>> -> memref<10240x128xf32, #tpu.memory_space<vmem_shared>>
    tpu.wait_indirect_dma semaphore(%arg24 : memref<!tpu.dma_semaphore, #tpu.memory_space<semaphore_mem>>) src(%dma_wait3A_272 : memref<64x128xf32, #tpu.memory_space<vmem>>) dst(%dma_wait3A_278 : memref<10240x128xf32, #tpu.memory_space<vmem_shared>>)
    %barrier3A_279 = arith.constant 0 : index
    tpu.barrier barrier_id(%barrier3A_279)
    %mul3A_280 = arith.constant 640 : i32
    %mul3A_281 = arith.muli %arg1, %mul3A_280 : i32
    %mul3A_282 = arith.constant 10240 : i32
    %mul3A_283 = arith.muli %arg0, %mul3A_282 : i32
    %mul3A_284 = arith.constant 640 : i32
    %mul3A_285 = arith.muli %arg1, %mul3A_284 : i32
    %add3A_286 = arith.addi %mul3A_283, %mul3A_285 : i32
    "tpu.region"() ({
      %run_scoped3A = tpu.sem_alloc : memref<!tpu.dma_semaphore, #tpu.memory_space<semaphore_mem>>
      %dma_start3A_287 = arith.constant 0 : i32
      %dma_start3A_288 = tpu.memref_slice %arg4[%add3A_286, %dma_start3A_287] : memref<20480x128xf32, #tpu.memory_space<hbm>> -> memref<640x128xf32, #tpu.memory_space<hbm>>
      %dma_start3A_289 = arith.constant 0 : i32
      %dma_start3A_290 = tpu.memref_slice %arg8[%mul3A_281, %dma_start3A_289] : memref<10240x128xf32, #tpu.memory_space<vmem_shared>> -> memref<640x128xf32, #tpu.memory_space<vmem_shared>>
      tpu.enqueue_dma source(%dma_start3A_290 : memref<640x128xf32, #tpu.memory_space<vmem_shared>>) target(%dma_start3A_288 : memref<640x128xf32, #tpu.memory_space<hbm>>) target_semaphore(%run_scoped3A : memref<!tpu.dma_semaphore, #tpu.memory_space<semaphore_mem>>)
      %dma_wait3A_291 = arith.constant 0 : i32
      %dma_wait3A_292 = tpu.memref_slice %arg4[%add3A_286, %dma_wait3A_291] : memref<20480x128xf32, #tpu.memory_space<hbm>> -> memref<640x128xf32, #tpu.memory_space<hbm>>
      %dma_wait3A_293 = arith.constant 0 : i32
      %dma_wait3A_294 = tpu.memref_slice %arg8[%mul3A_281, %dma_wait3A_293] : memref<10240x128xf32, #tpu.memory_space<vmem_shared>> -> memref<640x128xf32, #tpu.memory_space<vmem_shared>>
      tpu.wait_dma2 semaphore(%run_scoped3A : memref<!tpu.dma_semaphore, #tpu.memory_space<semaphore_mem>>) src(%dma_wait3A_294 : memref<640x128xf32, #tpu.memory_space<vmem_shared>>) dst(%dma_wait3A_292 : memref<640x128xf32, #tpu.memory_space<hbm>>)
      tpu.yield
    }) : () -> ()
    return
  }
}

module attributes {stable_mosaic.version = 14 : i64} {
  func.func @_scale_body(%arg0: i32, %arg1: memref<1000x2xf32, #tpu.memory_space<vmem>>, %arg2: memref<1000x128xf32, #tpu.memory_space<vmem>>, %arg3: memref<1000x128xf32, #tpu.memory_space<vmem>>) attributes {dimension_semantics = [#tpu.dimension_semantics<arbitrary>], iteration_bounds = array<i64: 10>, scalar_prefetch = 0 : i64, scratch_operands = 0 : i64, tpu.core_type = #tpu.core_type<tc>, window_params = [{transform_indices = @transform_0, window_bounds = array<i64: 1000, 2>}, {transform_indices = @transform_1, window_bounds = array<i64: 1000, 128>}, {transform_indices = @transform_2, window_bounds = array<i64: 1000, 128>}]} {
    %get3A = arith.constant 0 : index
    %get3A_0 = arith.constant 0 : index
    %get3A_1 = vector.load %arg2[%get3A, %get3A_0] : memref<1000x128xf32, #tpu.memory_space<vmem>>, vector<1000x128xf32>
    %get3A_2 = arith.constant 0 : index
    %get3A_3 = arith.constant 0 : index
    %get3A_4 = vector.load %arg1[%get3A_2, %get3A_3] : memref<1000x2xf32, #tpu.memory_space<vmem>>, vector<1000x1xf32>
    %get3A_5 = arith.constant 0 : index
    %get3A_6 = arith.constant 1 : index
    %get3A_7 = vector.load %arg1[%get3A_5, %get3A_6] : memref<1000x2xf32, #tpu.memory_space<vmem>>, vector<1000x1xf32>
    %add3A = arith.addf %get3A_4, %get3A_7 : vector<1000x1xf32>
    %add3A_8 = arith.constant 1.000000e+00 : f32
    %add3A_9 = vector.broadcast %add3A_8 : f32 to vector<1000x1xf32>
    %add3A_10 = arith.addf %add3A, %add3A_9 : vector<1000x1xf32>
    %rsqrt3A = math.rsqrt %add3A_10 : vector<1000x1xf32>
    %mul3A = vector.broadcast %rsqrt3A : vector<1000x1xf32> to vector<1000x128xf32>
    %mul3A_11 = arith.mulf %get3A_1, %mul3A : vector<1000x128xf32>
    %swap3A = arith.constant 0 : index
    %swap3A_12 = arith.constant 0 : index
    %swap3A_13 = vector.load %arg3[%swap3A, %swap3A_12] : memref<1000x128xf32, #tpu.memory_space<vmem>>, vector<1000x128xf32>
    tpu.vector_store %arg3[%swap3A, %swap3A_12], %mul3A_11 {strides = array<i32>} : memref<1000x128xf32, #tpu.memory_space<vmem>>, vector<1000x128xf32>,
    return
  }
  func.func @transform_0(%arg0: i32) -> (i32, i32) {
    %c0_i32 = arith.constant 0 : i32
    %c0_i32_0 = arith.constant 0 : i32
    return %arg0, %c0_i32 : i32, i32
  }
  func.func @transform_1(%arg0: i32) -> (i32, i32) {
    %c0_i32 = arith.constant 0 : i32
    %c0_i32_0 = arith.constant 0 : i32
    return %arg0, %c0_i32 : i32, i32
  }
  func.func @transform_2(%arg0: i32) -> (i32, i32) {
    %c0_i32 = arith.constant 0 : i32
    %c0_i32_0 = arith.constant 0 : i32
    return %arg0, %c0_i32 : i32, i32
  }
}

module attributes {stable_mosaic.version = 14 : i64} {
  func.func @_mm_body(%arg0: i32, %arg1: memref<1000x2xf32, #tpu.memory_space<vmem>>, %arg2: memref<2x1000x128xf32, #tpu.memory_space<vmem>>, %arg3: memref<1000x128xf32, #tpu.memory_space<vmem>>, %arg4: memref<256x128xf32, #tpu.memory_space<vmem>>, %arg5: memref<1x256xf32, #tpu.memory_space<vmem>>, %arg6: memref<128x256xf32, #tpu.memory_space<vmem>>, %arg7: memref<1000x128xf32, #tpu.memory_space<vmem>>) attributes {dimension_semantics = [#tpu.dimension_semantics<arbitrary>], iteration_bounds = array<i64: 10>, scalar_prefetch = 0 : i64, scratch_operands = 0 : i64, tpu.core_type = #tpu.core_type<tc>, window_params = [{transform_indices = @transform_0, window_bounds = array<i64: 1000, 2>}, {transform_indices = @transform_1, window_bounds = array<i64: 2, 1000, 128>}, {transform_indices = @transform_2, window_bounds = array<i64: 1000, 128>}, {pipeline_mode = #tpu.pipeline_mode<synchronous>, transform_indices = @transform_3, window_bounds = array<i64: 256, 128>}, {pipeline_mode = #tpu.pipeline_mode<synchronous>, transform_indices = @transform_4, window_bounds = array<i64: 1, 256>}, {pipeline_mode = #tpu.pipeline_mode<synchronous>, transform_indices = @transform_5, window_bounds = array<i64: 128, 256>}, {transform_indices = @transform_6, window_bounds = array<i64: 1000, 128>}]} {
    %get3A = arith.constant 0 : index
    %get3A_0 = arith.constant 0 : index
    %get3A_1 = vector.load %arg1[%get3A, %get3A_0] : memref<1000x2xf32, #tpu.memory_space<vmem>>, vector<1000x1xf32>
    %get3A_2 = arith.constant 0 : index
    %get3A_3 = arith.constant 1 : index
    %get3A_4 = vector.load %arg1[%get3A_2, %get3A_3] : memref<1000x2xf32, #tpu.memory_space<vmem>>, vector<1000x1xf32>
    %add3A = arith.addf %get3A_1, %get3A_4 : vector<1000x1xf32>
    %add3A_5 = arith.constant 1.000000e+00 : f32
    %add3A_6 = vector.broadcast %add3A_5 : f32 to vector<1000x1xf32>
    %add3A_7 = arith.addf %add3A, %add3A_6 : vector<1000x1xf32>
    %rsqrt3A = math.rsqrt %add3A_7 : vector<1000x1xf32>
    %get3A_8 = arith.constant 0 : index
    %get3A_9 = arith.constant 0 : index
    %get3A_10 = arith.constant 0 : index
    %get3A_11 = vector.load %arg2[%get3A_8, %get3A_9, %get3A_10] : memref<2x1000x128xf32, #tpu.memory_space<vmem>>, vector<1x1000x128xf32>
    %get3A_12 = vector.shape_cast %get3A_11 : vector<1x1000x128xf32> to vector<1000x128xf32>
    %get3A_13 = arith.constant 1 : index
    %get3A_14 = arith.constant 0 : index
    %get3A_15 = arith.constant 0 : index
    %get3A_16 = vector.load %arg2[%get3A_13, %get3A_14, %get3A_15] : memref<2x1000x128xf32, #tpu.memory_space<vmem>>, vector<1x1000x128xf32>
    %get3A_17 = vector.shape_cast %get3A_16 : vector<1x1000x128xf32> to vector<1000x128xf32>
    %add3A_18 = arith.addf %get3A_12, %get3A_17 : vector<1000x128xf32>
    %get3A_19 = arith.constant 0 : index
    %get3A_20 = arith.constant 0 : index
    %get3A_21 = vector.load %arg3[%get3A_19, %get3A_20] : memref<1000x128xf32, #tpu.memory_space<vmem>>, vector<1000x128xf32>
    %add3A_22 = arith.addf %add3A_18, %get3A_21 : vector<1000x128xf32>
    %mul3A = vector.broadcast %rsqrt3A : vector<1000x1xf32> to vector<1000x128xf32>
    %mul3A_23 = arith.mulf %add3A_22, %mul3A : vector<1000x128xf32>
    %get3A_24 = arith.constant 0 : index
    %get3A_25 = arith.constant 0 : index
    %get3A_26 = vector.load %arg4[%get3A_24, %get3A_25] : memref<256x128xf32, #tpu.memory_space<vmem>>, vector<256x128xf32>
    %dot_general3A = arith.constant dense<0.000000e+00> : vector<1000x256xf32>
    %dot_general3A_27 = tpu.matmul %mul3A_23, %get3A_26, %dot_general3A {dimension_numbers = #tpu.dot_dimension_numbers<[1], [1], [0], [0], [0, 0, 1, 0], [], []>, transpose_lhs_hint = false} : vector<1000x128xf32>, vector<256x128xf32>, vector<1000x256xf32> -> vector<1000x256xf32>
    %get3A_28 = arith.constant 0 : index
    %get3A_29 = arith.constant 0 : index
    %get3A_30 = vector.load %arg5[%get3A_28, %get3A_29] : memref<1x256xf32, #tpu.memory_space<vmem>>, vector<1x256xf32>
    %add3A_31 = vector.broadcast %get3A_30 : vector<1x256xf32> to vector<1000x256xf32>
    %add3A_32 = arith.addf %dot_general3A_27, %add3A_31 : vector<1000x256xf32>
    %max3A = arith.constant 0.000000e+00 : f32
    %max3A_33 = vector.broadcast %max3A : f32 to vector<1000x256xf32>
    %max3A_34 = arith.maximumf %add3A_32, %max3A_33 : vector<1000x256xf32>
    %get3A_35 = arith.constant 0 : index
    %get3A_36 = arith.constant 0 : index
    %get3A_37 = vector.load %arg6[%get3A_35, %get3A_36] : memref<128x256xf32, #tpu.memory_space<vmem>>, vector<128x256xf32>
    %dot_general3A_38 = arith.constant dense<0.000000e+00> : vector<1000x128xf32>
    %dot_general3A_39 = tpu.matmul %max3A_34, %get3A_37, %dot_general3A_38 {dimension_numbers = #tpu.dot_dimension_numbers<[1], [1], [0], [0], [0, 0, 1, 0], [], []>, transpose_lhs_hint = false} : vector<1000x256xf32>, vector<128x256xf32>, vector<1000x128xf32> -> vector<1000x128xf32>
    %mul3A_40 = vector.broadcast %rsqrt3A : vector<1000x1xf32> to vector<1000x128xf32>
    %mul3A_41 = arith.mulf %dot_general3A_39, %mul3A_40 : vector<1000x128xf32>
    %swap3A = arith.constant 0 : index
    %swap3A_42 = arith.constant 0 : index
    %swap3A_43 = vector.load %arg7[%swap3A, %swap3A_42] : memref<1000x128xf32, #tpu.memory_space<vmem>>, vector<1000x128xf32>
    tpu.vector_store %arg7[%swap3A, %swap3A_42], %mul3A_41 {strides = array<i32>} : memref<1000x128xf32, #tpu.memory_space<vmem>>, vector<1000x128xf32>,
    return
  }
  func.func @transform_0(%arg0: i32) -> (i32, i32) {
    %c0_i32 = arith.constant 0 : i32
    %c0_i32_0 = arith.constant 0 : i32
    return %arg0, %c0_i32 : i32, i32
  }
  func.func @transform_1(%arg0: i32) -> (i32, i32, i32) {
    %c0_i32 = arith.constant 0 : i32
    %c0_i32_0 = arith.constant 0 : i32
    %c0_i32_1 = arith.constant 0 : i32
    return %c0_i32, %arg0, %c0_i32_0 : i32, i32, i32
  }
  func.func @transform_2(%arg0: i32) -> (i32, i32) {
    %c0_i32 = arith.constant 0 : i32
    %c0_i32_0 = arith.constant 0 : i32
    return %arg0, %c0_i32 : i32, i32
  }
  func.func @transform_3(%arg0: i32) -> (i32, i32) {
    %c0_i32 = arith.constant 0 : i32
    %c0_i32_0 = arith.constant 0 : i32
    %c0_i32_1 = arith.constant 0 : i32
    return %c0_i32, %c0_i32_0 : i32, i32
  }
  func.func @transform_4(%arg0: i32) -> (i32, i32) {
    %c0_i32 = arith.constant 0 : i32
    %c0_i32_0 = arith.constant 0 : i32
    %c0_i32_1 = arith.constant 0 : i32
    return %c0_i32, %c0_i32_0 : i32, i32
  }
  func.func @transform_5(%arg0: i32) -> (i32, i32) {
    %c0_i32 = arith.constant 0 : i32
    %c0_i32_0 = arith.constant 0 : i32
    %c0_i32_1 = arith.constant 0 : i32
    return %c0_i32, %c0_i32_0 : i32, i32
  }
  func.func @transform_6(%arg0: i32) -> (i32, i32) {
    %c0_i32 = arith.constant 0 : i32
    %c0_i32_0 = arith.constant 0 : i32
    return %arg0, %c0_i32 : i32, i32
  }
}

module attributes {stable_mosaic.version = 14 : i64} {
  func.func @_fin_body(%arg0: i32, %arg1: memref<1000x2xf32, #tpu.memory_space<vmem>>, %arg2: memref<2x1000x128xf32, #tpu.memory_space<vmem>>, %arg3: memref<1000x128xf32, #tpu.memory_space<vmem>>, %arg4: memref<1x128xf32, #tpu.memory_space<vmem>>, %arg5: memref<1000x128xf32, #tpu.memory_space<vmem>>) attributes {dimension_semantics = [#tpu.dimension_semantics<arbitrary>], iteration_bounds = array<i64: 10>, scalar_prefetch = 0 : i64, scratch_operands = 0 : i64, tpu.core_type = #tpu.core_type<tc>, window_params = [{transform_indices = @transform_0, window_bounds = array<i64: 1000, 2>}, {transform_indices = @transform_1, window_bounds = array<i64: 2, 1000, 128>}, {transform_indices = @transform_2, window_bounds = array<i64: 1000, 128>}, {pipeline_mode = #tpu.pipeline_mode<synchronous>, transform_indices = @transform_3, window_bounds = array<i64: 1, 128>}, {transform_indices = @transform_4, window_bounds = array<i64: 1000, 128>}]} {
    %get3A = arith.constant 0 : index
    %get3A_0 = arith.constant 0 : index
    %get3A_1 = vector.load %arg1[%get3A, %get3A_0] : memref<1000x2xf32, #tpu.memory_space<vmem>>, vector<1000x1xf32>
    %get3A_2 = arith.constant 0 : index
    %get3A_3 = arith.constant 1 : index
    %get3A_4 = vector.load %arg1[%get3A_2, %get3A_3] : memref<1000x2xf32, #tpu.memory_space<vmem>>, vector<1000x1xf32>
    %add3A = arith.addf %get3A_1, %get3A_4 : vector<1000x1xf32>
    %add3A_5 = arith.constant 1.000000e+00 : f32
    %add3A_6 = vector.broadcast %add3A_5 : f32 to vector<1000x1xf32>
    %add3A_7 = arith.addf %add3A, %add3A_6 : vector<1000x1xf32>
    %rsqrt3A = math.rsqrt %add3A_7 : vector<1000x1xf32>
    %get3A_8 = arith.constant 0 : index
    %get3A_9 = arith.constant 0 : index
    %get3A_10 = arith.constant 0 : index
    %get3A_11 = vector.load %arg2[%get3A_8, %get3A_9, %get3A_10] : memref<2x1000x128xf32, #tpu.memory_space<vmem>>, vector<1x1000x128xf32>
    %get3A_12 = vector.shape_cast %get3A_11 : vector<1x1000x128xf32> to vector<1000x128xf32>
    %get3A_13 = arith.constant 1 : index
    %get3A_14 = arith.constant 0 : index
    %get3A_15 = arith.constant 0 : index
    %get3A_16 = vector.load %arg2[%get3A_13, %get3A_14, %get3A_15] : memref<2x1000x128xf32, #tpu.memory_space<vmem>>, vector<1x1000x128xf32>
    %get3A_17 = vector.shape_cast %get3A_16 : vector<1x1000x128xf32> to vector<1000x128xf32>
    %add3A_18 = arith.addf %get3A_12, %get3A_17 : vector<1000x128xf32>
    %get3A_19 = arith.constant 0 : index
    %get3A_20 = arith.constant 0 : index
    %get3A_21 = vector.load %arg3[%get3A_19, %get3A_20] : memref<1000x128xf32, #tpu.memory_space<vmem>>, vector<1000x128xf32>
    %add3A_22 = arith.addf %add3A_18, %get3A_21 : vector<1000x128xf32>
    %mul3A = vector.broadcast %rsqrt3A : vector<1000x1xf32> to vector<1000x128xf32>
    %mul3A_23 = arith.mulf %add3A_22, %mul3A : vector<1000x128xf32>
    %get3A_24 = arith.constant 0 : index
    %get3A_25 = arith.constant 0 : index
    %get3A_26 = vector.load %arg4[%get3A_24, %get3A_25] : memref<1x128xf32, #tpu.memory_space<vmem>>, vector<1x128xf32>
    %add3A_27 = vector.broadcast %get3A_26 : vector<1x128xf32> to vector<1000x128xf32>
    %add3A_28 = arith.addf %mul3A_23, %add3A_27 : vector<1000x128xf32>
    %reduce_max3A = arith.constant dense<0xFF800000> : vector<1000xf32>
    %reduce_max3A_29 = vector.multi_reduction <maximumf>, %add3A_28, %reduce_max3A [1] : vector<1000x128xf32> to vector<1000xf32>
    %broadcast_in_dim3A = vector.shape_cast %reduce_max3A_29 : vector<1000xf32> to vector<1000x1xf32>
    %sub3A = vector.broadcast %broadcast_in_dim3A : vector<1000x1xf32> to vector<1000x128xf32>
    %sub3A_30 = arith.subf %add3A_28, %sub3A : vector<1000x128xf32>
    %exp3A = math.exp %sub3A_30 : vector<1000x128xf32>
    %reduce_sum3A = arith.constant dense<0.000000e+00> : vector<1000xf32>
    %reduce_sum3A_31 = vector.multi_reduction <add>, %exp3A, %reduce_sum3A [1] : vector<1000x128xf32> to vector<1000xf32>
    %broadcast_in_dim3A_32 = vector.shape_cast %reduce_sum3A_31 : vector<1000xf32> to vector<1000x1xf32>
    %sub3A_33 = vector.broadcast %broadcast_in_dim3A : vector<1000x1xf32> to vector<1000x128xf32>
    %sub3A_34 = arith.subf %add3A_28, %sub3A_33 : vector<1000x128xf32>
    %log3A = math.log %broadcast_in_dim3A_32 : vector<1000x1xf32>
    %sub3A_35 = vector.broadcast %log3A : vector<1000x1xf32> to vector<1000x128xf32>
    %sub3A_36 = arith.subf %sub3A_34, %sub3A_35 : vector<1000x128xf32>
    %swap3A = arith.constant 0 : index
    %swap3A_37 = arith.constant 0 : index
    %swap3A_38 = vector.load %arg5[%swap3A, %swap3A_37] : memref<1000x128xf32, #tpu.memory_space<vmem>>, vector<1000x128xf32>
    tpu.vector_store %arg5[%swap3A, %swap3A_37], %sub3A_36 {strides = array<i32>} : memref<1000x128xf32, #tpu.memory_space<vmem>>, vector<1000x128xf32>,
    return
  }
  func.func @transform_0(%arg0: i32) -> (i32, i32) {
    %c0_i32 = arith.constant 0 : i32
    %c0_i32_0 = arith.constant 0 : i32
    return %arg0, %c0_i32 : i32, i32
  }
  func.func @transform_1(%arg0: i32) -> (i32, i32, i32) {
    %c0_i32 = arith.constant 0 : i32
    %c0_i32_0 = arith.constant 0 : i32
    %c0_i32_1 = arith.constant 0 : i32
    return %c0_i32, %arg0, %c0_i32_0 : i32, i32, i32
  }
  func.func @transform_2(%arg0: i32) -> (i32, i32) {
    %c0_i32 = arith.constant 0 : i32
    %c0_i32_0 = arith.constant 0 : i32
    return %arg0, %c0_i32 : i32, i32
  }
  func.func @transform_3(%arg0: i32) -> (i32, i32) {
    %c0_i32 = arith.constant 0 : i32
    %c0_i32_0 = arith.constant 0 : i32
    %c0_i32_1 = arith.constant 0 : i32
    return %c0_i32, %c0_i32_0 : i32, i32
  }
  func.func @transform_4(%arg0: i32) -> (i32, i32) {
    %c0_i32 = arith.constant 0 : i32
    %c0_i32_0 = arith.constant 0 : i32
    return %arg0, %c0_i32 : i32, i32
  }
}

</mosaic_0001>

<sc_bundles>
// kernel: kernel.11.cloned.1.call-start
scs
__scs_entry_jumppad:
0x0: {  	(pc) =	sbr.rel $0x88, $3  }
0x1: {  	(tag) =	ssettag $0x0;
	lr =	simm.s32 $0x1  }
0x2: {  	[smem:$0x3F9B] =	sst lr;
	_ =	strace $0xD0000000  }
0x3: {  	_ = 	snop  }
0x4: {  	_ = 	snop  }
0x5: {  	_ = 	snop  }
0x6: {  	_ = 	snop  }
0x7: {  	_ = 	snop  }
__scs_overlays_trampoline_lowered:
0x8: {  	[smem:$0x3FAA] =	sst s0  }
0x9: {  	[smem:$0x3FAB] =	sst s1  }
0xa: {  	[smem:$0x3FAC] =	sst s2  }
0xb: {  	[smem:$0x3FAD] =	sst s3  }
0xc: {  	[smem:$0x3FAE] =	sst s4  }
0xd: {  	[smem:$0x3FAF] =	sst s5  }
0xe: {  	[smem:$0x3FB0] =	sst s6  }
0xf: {  	[smem:$0x3FB1] =	sst s7  }
0x10: {  	[smem:$0x3FB2] =	sst s8  }
0x11: {  	[smem:$0x3FB3] =	sst s9;
	s0 =	simm.s32 @!p0 $0x0  }
0x12: {  	s1 =	sld [smem:$0x3F99];
	s0 =	simm.s32 @p0 $0x1  }
0x13: {  	[smem:$0x3FB4] =	sst s0;
	s0 =	simm.s32 @!p1 $0x0  }
0x14: {  	s2 =	sld [smem:$0x3F98];
	s0 =	simm.s32 @p1 $0x1  }
0x15: {  	[smem:$0x3FB5] =	sst s0;
	s0 =	simm.s32 @!p2 $0x0  }
0x16: {  	s3 =	sld [smem:$0x3FDB];
	s0 =	simm.s32 @p2 $0x1  }
0x17: {  	s4 =	simm.s32 $0x1BF5;
	[smem:$0x3FB7] =	sst s0  }
0x18: {  	s0 =	sld [smem:$0x3F9A];
	_ =	swait.ge [sflag:s4], $0x0  }
0x19: {  	s7 =	sld [smem:$0x3F9B]  }
0x1a: {  	s8 =	sadd.s32 $0xFFFFE003, lr  }
0x1b: {  	s9 =	sadd.s32 $0xFFFFFEF7, lr;
	s5 =	simm.s32 $0xFFFFFFFF;
	p2 =	slt.u32 s8, $0xFFFFF086  }
0x1c: {  	p1 =	slt.u32 s9, $0xF7A;
	s5 =	simm.s32 @!p2 $0x0  }
0x1d: {  	s5 =	simm.s32 @p1 $0x1;
	p0 =	seq.s32 s7, s2  }
0x1e: {  	s7 =	smul.u32 @!p0 $0xF7A, s2;
	p2 =	seq.s32 @!p0 s5, $0x0  }
0x1f: {  	s9 =	smul.u32 $0xF7A, s1;
	s8 =	simm.s32 @!p0 $0x1BF5;
	p2 =	por !p2, p0  }
0x20: {  	[sflag:s8] =	ssyncset.s32 @!p0 $0xFFFFF086;
	s6 =	sadd.s32 @!p0 s3, s7;
	s7 =	simm.s32 @!p0 $0x108  }
0x21: {  	s3 =	sadd.s32 s3, s9;
	s6 =	sadd.s32 @!p0 $0x88, s6;
	s7 =	simm.s32 @p2 $0x1082  }
0x22: {  	[simem:s7], [sflag:s8] =	dma.local @!p0 [hbm:s6], $0xF7A  }
0x23: {  	s9 =	sor.u32 $0xD0000000, s2;
	s6 =	simm.s32 $0x108;
	_ =	swait.ge @!p0 [sflag:s8], $0x0  }
0x24: {  	s3 =	sadd.s32 $0x88, s3;
	s6 =	simm.s32 @!p1 $0x1082;
	[sflag:s4] =	ssyncset.s32 $0xFFFFF086  }
0x25: {  	[simem:s6], [sflag:s4] =	dma.local [hbm:s3], $0xF7A  }
0x26: {  	[smem:$0x3F9B] =	sst s1;
	(tag) =	ssettag s2;
	_ =	strace s9  }
0x27: {  	s1 =	sld [smem:$0x3FAB]  }
0x28: {  	s2 =	sld [smem:$0x3FAC]  }
0x29: {  	s4 =	sld [smem:$0x3FAE]  }
0x2a: {  	p0 =	seq.s32 s5, $0x0;
	s5 =	sld [smem:$0x3FAF]  }
0x2b: {  	s6 =	sld [smem:$0x3FB0]  }
0x2c: {  	s7 =	sld [smem:$0x3FB1]  }
0x2d: {  	s3 =	simm.s32 $0x108;
	s8 =	sld [smem:$0x3FB2]  }
0x2e: {  	s3 =	simm.s32 @!p0 $0x1082;
	s9 =	sld [smem:$0x3FB3]  }
0x2f: {  	lr =	sadd.s32 s0, s3;
	s0 =	sld [smem:$0x3FAA]  }
0x30: {  	s3 =	sld [smem:$0x3FAD]  }
0x31: {  	[smem:$0x3FB6] =	sst s10  }
0x32: {  	s10 =	sld [smem:$0x3FB4];
	_ =	sdelay $0x3  }
0x33: {  	p0 =	seq.s32 s10, $0x1;
	s10 =	sld [smem:$0x3FB6];
	_ =	sdelay $0x3  }
0x34: {  	[smem:$0x3FB6] =	sst s10  }
0x35: {  	s10 =	sld [smem:$0x3FB5];
	_ =	sdelay $0x3  }
0x36: {  	p1 =	seq.s32 s10, $0x1;
	s10 =	sld [smem:$0x3FB6];
	_ =	sdelay $0x3  }
0x37: {  	[smem:$0x3FB6] =	sst s10  }
0x38: {  	s10 =	sld [smem:$0x3FB7]  }
0x39: {  	_ = 	snop;
	(pc) =	sbr.ind lr, $3  }
0x3a: {  	_ = 	snop  }
0x3b: {  	_ = 	snop  }
0x3c: {  	p2 =	seq.s32 s10, $0x1;
	s10 =	sld [smem:$0x3FB6]  }
0x3d: {  	_ =	shalt  }
0x3e: {  	_ =	shalt  }
0x3f: {  	_ =	shalt  }
0x40: {  	_ =	shalt  }
0x41: {  	_ =	shalt  }
0x42: {  	_ =	shalt  }
0x43: {  	_ =	shalt  }
0x44: {  	_ =	shalt  }
0x45: {  	_ =	shalt  }
0x46: {  	_ =	shalt  }
0x47: {  	_ =	shalt  }
0x48: {  	_ =	shalt  }
0x49: {  	_ =	shalt  }
0x4a: {  	_ =	shalt  }
0x4b: {  	_ =	shalt  }
0x4c: {  	_ =	shalt  }
0x4d: {  	_ =	shalt  }
0x4e: {  	_ =	shalt  }
0x4f: {  	_ =	shalt  }
0x50: {  	_ =	shalt  }
0x51: {  	_ =	shalt  }
0x52: {  	_ =	shalt  }
0x53: {  	_ =	shalt  }
0x54: {  	_ =	shalt  }
0x55: {  	_ =	shalt  }
0x56: {  	_ =	shalt  }
0x57: {  	_ =	shalt  }
0x58: {  	_ =	shalt  }
0x59: {  	_ =	shalt  }
0x5a: {  	_ =	shalt  }
0x5b: {  	_ =	shalt  }
0x5c: {  	_ =	shalt  }
0x5d: {  	_ =	shalt  }
0x5e: {  	_ =	shalt  }
0x5f: {  	_ =	shalt  }
0x60: {  	_ =	shalt  }
0x61: {  	_ =	shalt  }
0x62: {  	_ =	shalt  }
0x63: {  	_ =	shalt  }
0x64: {  	_ =	shalt  }
0x65: {  	_ =	shalt  }
0x66: {  	_ =	shalt  }
0x67: {  	_ =	shalt  }
0x68: {  	_ =	shalt  }
0x69: {  	_ =	shalt  }
0x6a: {  	_ =	shalt  }
0x6b: {  	_ =	shalt  }
0x6c: {  	_ =	shalt  }
0x6d: {  	_ =	shalt  }
0x6e: {  	_ =	shalt  }
0x6f: {  	_ =	shalt  }
0x70: {  	_ =	shalt  }
0x71: {  	_ =	shalt  }
0x72: {  	_ =	shalt  }
0x73: {  	_ =	shalt  }
0x74: {  	_ =	shalt  }
0x75: {  	_ =	shalt  }
0x76: {  	_ =	shalt  }
0x77: {  	_ =	shalt  }
0x78: {  	_ =	shalt  }
0x79: {  	_ =	shalt  }
0x7a: {  	_ =	shalt  }
0x7b: {  	_ =	shalt  }
0x7c: {  	_ =	shalt  }
0x7d: {  	_ =	shalt  }
0x7e: {  	_ =	shalt  }
0x7f: {  	_ =	shalt  }
0x80: {  	_ =	shalt  }
0x81: {  	_ =	shalt  }
0x82: {  	_ =	shalt  }
0x83: {  	_ =	shalt  }
0x84: {  	_ =	shalt  }
0x85: {  	_ =	shalt  }
0x86: {  	_ =	shalt  }
0x87: {  	_ =	shalt  }
.Lfunc_end0:
.L_simem_size_0:
called_computation.1_lowered:
.L_overlay_start_0:
0x88: {  	s2 =	sld [smem:$0x3FD9]  }
0x89: {  	s3 =	sld [smem:$0x3FFE];
	_ =	sdelay $0x1  }
0x8a: {  	s1 =	srdreg.scid  }
0x8b: {  	s0 =	sand.u32 $0x1, s1  }
0x8c: {  	s17 =	sshll.u32 s0, $0xA;
	s2 =	sadd.s32 s3, s2  }
0x8d: {  	s2 =	sadd.s32 s2, s17  }
0x8e: {  	[smem:$0x3FC2] =	sst s2  }
0x8f: {  	_ = 	snop  }
0x90: {  	s2 =	sld [smem:$0x3FD0];
	(tm) =	ssettm $0x1  }
0x91: {  	s18 =	sld [smem:$0x3FFB];
	_ =	sdelay $0x3  }
0x92: {  	_ =	strace s18  }
0x93: {  	s3 =	sld [smem:$0x3FFC];
	_ =	sdelay $0x3  }
0x94: {  	_ =	strace s3  }
0x95: {  	s3 =	sld [smem:$0x3FFD];
	_ =	sdelay $0x3  }
0x96: {  	_ =	strace s3  }
0x97: {  	_ =	strace $0x8FFFFFFF  }
0x98: {  	s19 =	sld [smem:$0x3FDB];
	_ =	sdelay $0x1  }
0x99: {  	s4 =	simm.s32 $_scs_section_size  }
0x9a: {  	s5 =	simm.s32 $_size__tile_overlayer_lowered;
	s6 =	simm.s32 $_tile_overlayer_lowered  }
0x9b: {  	s22 =	simm.s32 $0x1BFF;
	s21 =	sshll.u32 s6, $0x1;
	s3 =	sadd.s32 s4, s19  }
0x9c: {  	s7 =	simm.s32 $0x0;
	s20 =	sshll.u32 s5, $0x1;
	s5 =	sadd.s32 s21, s3  }
0x9d: {  	[timem:s7], [sflag:s22] =	dma.local [hbm:s5], s20  }
0x9e: {  	_ =	swait.ge [sflag:s22], s20  }
0x9f: {  	s4 =	ssub.s32 $0x0, s20;
	[sflag:s22] =	ssyncset.done $0x0  }
0xa0: {  	[sflag:s22] =	ssyncadd.s32 s4;
	_ =	sdelay $0x1  }
0xa1: {  	s23 =	simm.s32 $0x1B8B  }
0xa2: {  	_ =	swait.ge [sflag:s23], $0x1  }
0xa3: {  	[sflag:s23] =	ssyncset.done $0x0  }
0xa4: {  	s25 =	simm.s32 $0x1B8E;
	s24 =	sld [smem:$0x3FFE];
	[sflag:s23] =	ssyncadd.s32 $0xFFFFFFFF  }
0xa5: {  	s26 =	simm.s32 $execute0_lowered;
	[smem:$0x3FD2] =	sst s25  }
0xa6: {  	s5 =	sshll.u32 s26, $0x1;
	_ =	strace $0x80000049;
	[dreg:$0x1] =	wrdreg $0xFFFFFFFF  }
0xa7: {  	s28 =	simm.s32 $_size_execute0_lowered;
	s3 =	sadd.s32 s3, s5;
	[dreg:$0x0] =	wrdreg $0x0  }
0xa8: {  	s5 =	sshll.u32 s28, $0x1;
	[dreg:$0x2] =	wrdreg s3  }
0xa9: {  	[dreg:$0x3] =	wrdreg s5  }
0xaa: {  	[dreg:$0x4] =	wrdreg $0xC0  }
0xab: {  	_ =	task [dreg:s7], $0x5FFFF  }
0xac: {  	[dreg:$0x1] =	wrdreg $0xFFFFFFFF  }
0xad: {  	[dreg:$0x0] =	wrdreg $0x60  }
0xae: {  	[dreg:$0x2] =	wrdreg s2  }
0xaf: {  	[dreg:$0x3] =	wrdreg s24  }
0xb0: {  	[dreg:$0x4] =	wrdreg $0x84000  }
0xb1: {  	[dreg:$0x5] =	wrdreg $0x9  }
0xb2: {  	_ =	task.clear_ibuf [dreg:s7], $0x6FFFF;
	_ =	strace $0x90000049  }
0xb3: {  	s29 =	simm.s32 $0x9;
	_ =	strace $0x8000004B  }
0xb4: {  	_ =	swait.ge [sflag:s29], $0x1  }
0xb5: {  	[sflag:s29] =	ssyncadd.s32 $0xFFFFFFFF  }
0xb6: {  	_ =	strace $0x9000004B  }
0xb7: {  	_ =	sfence  }
0xb8: {  	s30 =	sld [smem:$0x0];
	_ =	sdelay $0x2  }
0xb9: {  	s31 =	sshll.u32 s1, $0xD;
	s1 =	sshrl.u32 s1, $0x2  }
0xba: {  	s3 =	sand.u32 $0x4000, s31;
	s1 =	sadd.s32 s1, s30  }
0xbb: {  	s0 =	sor.u32 s3, s0;
	s1 =	sshll.u32 s1, $0x11  }
0xbc: {  	s0 =	sor.u32 s1, s0  }
0xbd: {  	s0 =	sadd.s32 $0x8F2B, s0  }
0xbe: {  	[sflag:s0] =	ssyncadd.remote.s32 $0x1  }
0xbf: {  	_ =	sfence.sel $0xFFFF  }
0xc0: {  	[dreg:$0x0] =	wrdreg $0xFFFFFFFF;
	(pc) =	sbr.abs _section_cstart, $3  }
0xc1: {  	[dreg:$0x1] =	wrdreg $0xFFFFFFFF  }
0xc2: {  	_ =	task.clear_ibuf [dreg:s7], $0x2FFFF;
	_ =	strace $0x9FFFFFFF  }
0xc3: {  	(tm) =	ssettm $0x7FFFFFFF  }
tec
execute0_lowered:
.L_overlay_start_1:
0x0: {  	(tag) =	ssettag $0x1  }
0x1: {  	s1 =	rddreg [dreg:$0x0]  }
0x2: {  	s0 =	rddreg [dreg:$0x1]  }
0x3: {  	s2 =	rddreg [dreg:$0x2];
	s3 =	srdreg.scid;
	s4 =	simm.s32 $0x0  }
0x4: {  	s11 =	stileid.u32;
	s3 =	sand.u32 $0x1, s3;
	[smem:$0x7FF] =	sst s4  }
0x5: {  	s7 =	smul.u32 $0x2800, s11;
	s5 =	sadd.s32 $0x2600, s0;
	s20 =	sshll.u32 s11, $0x6  }
0x6: {  	s6 =	smul.u32 $0x28000, s3;
	s8 =	sshll.u32 s3, $0x4;
	s9 =	ssub.s32 $0x2, s3  }
0x7: {  	_ =	strace $0x8000004A;
	s24 =	sor.u32 s11, s8;
	s25 =	sshrl.u32 s9, $0x1  }
0x8: {  	[dreg:$0x16] =	wrdreg s20;
	s10 =	sshll.u32 s24, $0x3;
	s8 =	ssub.s32 s9, s25  }
0x9: {  	s6 =	sadd.s32 s7, s6;
	s7 =	sadd.s32 s5, s10;
	s21 =	smax.u32 s8, $0x1  }
0xa: {  	s30 =	simm.s32 $0x400;
	s26 =	sadd.s32 $0x9C40, s7;
	[dreg:$0x18] =	wrdreg s21  }
0xb: {  	s12 =	smul.u32 $0x50000, s11;
	s31 =	sadd.s32 $0x100, s7;
	[dreg:$0xf] =	wrdreg s26  }
0xc: {  	s3 =	sshll.u32 s3, $0xA;
	s10 =	sadd.s32 $0x9D40, s7;
	[dreg:$0x10] =	wrdreg s31  }
0xd: {  	p0 =	slt.u32 s24, $0x8;
	s13 =	sadd.s32 $0x9E40, s7;
	[dreg:$0x11] =	wrdreg s10  }
0xe: {  	s9 =	sshrl.u32 s12, $0x2;
	s14 =	sadd.s32 $0x300, s7;
	[dreg:$0x13] =	wrdreg s13  }
0xf: {  	s0 =	sadd.s32 s6, s0;
	s15 =	sadd.s32 $0x9F40, s7;
	[dreg:$0x14] =	wrdreg s14  }
0x10: {  	s6 =	simm.s32 $0x9D;
	s0 =	sadd.s32 $0x16000, s0;
	[dreg:$0x15] =	wrdreg s15  }
0x11: {  	s6 =	simm.s32 @!p0 $0x9C;
	s10 =	sadd.s32 $0x200, s7;
	[dreg:$0x17] =	wrdreg s0  }
0x12: {  	s16 =	sadd.s32 $0xFFFFFFFF, s6;
	s15 =	sadd.s32 s9, s2;
	[dreg:$0x12] =	wrdreg s10  }
0x13: {  	s17 =	sadd.s32 $0xFFFFFFFE, s6;
	s18 =	sshll.u32 s6, $0x8;
	[dreg:$0x4] =	wrdreg s16  }
0x14: {  	s19 =	sadd.s32 $0xFFFFFFFD, s6;
	s0 =	sor.u32 s20, s3;
	[dreg:$0x6] =	wrdreg s17  }
0x15: {  	[dreg:$0x8] =	wrdreg s19;
	s22 =	sadd.s32 $0x2000, s15;
	s23 =	sadd.s32 $0x300, s18  }
0x16: {  	s24 =	sor.u32 $0x3800, s0;
	s25 =	sadd.s32 $0x4000, s15;
	s31 =	sor.u32 $0x3000, s0  }
0x17: {  	s10 =	sor.u32 $0x2800, s0;
	s11 =	sadd.s32 $0x50200, s0;
	s16 =	sadd.s32 $0x50A00, s0  }
0x18: {  	s18 =	sadd.s32 $0x51200, s0;
	s19 =	sadd.s32 $0x51A00, s0;
	[dreg:$0x19] =	wrdreg s22  }
0x19: {  	s28 =	sadd.s32 $0x10000, s15;
	s29 =	sadd.s32 $0x12000, s15;
	[dreg:$0x1a] =	wrdreg s25  }
0x1a: {  	s3 =	sand.u32 $0xBC00, s23;
	s8 =	sshrl.u32 s24, $0x3;
	s9 =	sshrl.u32 s31, $0x3  }
0x1b: {  	s13 =	sshrl.u32 s11, $0x3;
	s17 =	sshrl.u32 s16, $0x3;
	s21 =	sshrl.u32 s19, $0x3  }
0x1c: {  	s22 =	sadd.s32 $0x6000, s15;
	s24 =	sadd.s32 $0x8000, s15;
	s25 =	sadd.s32 $0xA000, s15  }
0x1d: {  	s31 =	sadd.s32 $0xE000, s15;
	s11 =	simm.s32 $0x2;
	[dreg:$0xe] =	wrdreg s3  }
0x1e: {  	s19 =	simm.s32 $0x10;
	s26 =	sadd.s32 s8, s5;
	[dreg:$0x1b] =	wrdreg s22  }
0x1f: {  	s3 =	sadd.s32 s9, s5;
	s8 =	sshrl.u32 s10, $0x3;
	[dreg:$0x1c] =	wrdreg s24  }
0x20: {  	s14 =	sadd.s32 s13, s5;
	s23 =	sadd.s32 s21, s5;
	[dreg:$0x1d] =	wrdreg s25  }
0x21: {  	s22 =	sor.u32 $0x2000, s0;
	[dreg:$0x1f] =	wrdreg s31;
	s24 =	simm.s32 $0x100  }
0x22: {  	s0 =	simm.s32 $0x180;
	s9 =	simm.s32 $0x1;
	[dreg:$0x9] =	wrdreg s26  }
0x23: {  	s10 =	simm.s32 $0x40;
	s13 =	simm.s32 $0x4;
	[dreg:$0x7] =	wrdreg s3  }
0x24: {  	s12 =	sadd.s32 s8, s5;
	[dreg:$0xa] =	wrdreg s14;
	s3 =	sadd.s32 s17, s5  }
0x25: {  	s8 =	sshrl.u32 s18, $0x3;
	[dreg:$0xd] =	wrdreg s23;
	s26 =	sadd.s32 $0xC000, s15  }
0x26: {  	s23 =	simm.s32 $0x80;
	s14 =	simm.s32 $0xD;
	[dreg:$0x5] =	wrdreg s12  }
0x27: {  	s17 =	simm.s32 $0xE;
	s18 =	simm.s32 $0xF;
	[dreg:$0xb] =	wrdreg s3  }
0x28: {  	s20 =	sadd.s32 s8, s5;
	[dreg:$0x1e] =	wrdreg s26;
	s8 =	simm.s32 $0x11  }
0x29: {  	v0 =	vimm.f32 $0.0e+00;
	s12 =	simm.s32 $0x3;
	[dreg:$0xc] =	wrdreg s20;
	s20 =	simm.s32 $0x0  }
.LBB2_1:
0x2a: {  	[tilespmem:s4], [sflag:$0x1] =	stream.linear.gather [hbm4b:s7+s4], $0x40, $0x38;
	[tilespmem:$0x1C400] =	vst v63  }
0x2b: {  	s3 =	rddreg [dreg:$0xf]  }
0x2c: {  	s16 =	simm.s32 $0x200;
	s21 =	rddreg [dreg:$0x10]  }
0x2d: {  	[tilespmem:s16], [sflag:$0x5] =	stream.linear.gather [hbm4b:s3+s4], $0x40, $0x38;
	[tilespmem:$0x1C400] =	vst v63  }
0x2e: {  	s25 =	rddreg [dreg:$0x11]  }
0x2f: {  	[tilespmem:s23], [sflag:$0x2] =	stream.linear.gather [hbm4b:s21+s4], $0x40, $0x38;
	[tilespmem:$0x1C400] =	vst v63  }
0x30: {  	s26 =	simm.s32 $0x280;
	s31 =	rddreg [dreg:$0x12]  }
0x31: {  	[tilespmem:s26], [sflag:$0x6] =	stream.linear.gather [hbm4b:s25+s4], $0x40, $0x38;
	[tilespmem:$0x1C400] =	vst v63  }
0x32: {  	s16 =	rddreg [dreg:$0x13]  }
0x33: {  	[tilespmem:s24], [sflag:$0x3] =	stream.linear.gather [hbm4b:s31+s4], $0x40, $0x38;
	[tilespmem:$0x1C400] =	vst v63  }
0x34: {  	s21 =	simm.s32 $0x300;
	s25 =	rddreg [dreg:$0x14]  }
0x35: {  	[tilespmem:s21], [sflag:$0x7] =	stream.linear.gather [hbm4b:s16+s4], $0x40, $0x38;
	[tilespmem:$0x1C400] =	vst v63  }
0x36: {  	s26 =	rddreg [dreg:$0x15]  }
0x37: {  	[tilespmem:s0], [sflag:$0x4] =	stream.linear.gather [hbm4b:s25+s4], $0x40, $0x38;
	[tilespmem:$0x1C400] =	vst v63  }
0x38: {  	s31 =	simm.s32 $0x380;
	s16 =	simm.s32 $0x0;
	s21 =	simm.s32 $0x200  }
0x39: {  	[tilespmem:s31], [sflag:$0x8] =	stream.linear.gather [hbm4b:s26+s4], $0x40, $0x38;
	[tilespmem:$0x1C400] =	vst v63  }
.LBB2_2:
0x3a: {  	p0 =	sne.s32 s21, $0x7E00;
	[tilespmem:s16+$0x470] =	vst v0  }
0x3b: {  	[tilespmem:s16+$0x400] =	vst v0  }
0x3c: {  	[tilespmem:s16+$0x410] =	vst v0  }
.Ltmp0:
0x3d: {  	[tilespmem:s16+$0x420] =	vst v0;
	(pc) =	sbr.rel @p0 .LBB2_2-.Ltmp0, $4  }
0x3e: {  	[tilespmem:s16+$0x430] =	vst v0  }
0x3f: {  	[tilespmem:s16+$0x440] =	vst v0  }
0x40: {  	[tilespmem:s16+$0x450] =	vst v0  }
0x41: {  	[tilespmem:s16+$0x460] =	vst v0;
	s16 =	sshra.s32 s21, $0x2;
	s21 =	sadd.s32 $0x200, s21  }
0x42: {  	[tilespmem:s16+$0x470] =	vst v0  }
0x43: {  	[tilespmem:s16+$0x400] =	vst v0  }
0x44: {  	[tilespmem:s16+$0x410] =	vst v0  }
0x45: {  	[tilespmem:s16+$0x420] =	vst v0  }
0x46: {  	[tilespmem:s16+$0x430] =	vst v0  }
0x47: {  	[tilespmem:s16+$0x440] =	vst v0  }
0x48: {  	[tilespmem:s16+$0x450] =	vst v0  }
0x49: {  	[tilespmem:s16+$0x460] =	vst v0  }
0x4a: {  	[spmem:s15] =	stream.linear.scatter [tilespmem:s30], [sflag:$0x11], $0x2000, $0x38;
	[tilespmem:$0x1C400] =	vst v63  }
0x4b: {  	_ =	swait.ge [sflag:s8], $0x2000  }
0x4c: {  	[sflag:s8] =	ssyncset.done $0x0  }
0x4d: {  	s3 =	rddreg [dreg:$0x19];
	[sflag:s8] =	ssyncadd.s32 $0xFFFFE000  }
0x4e: {  	[spmem:s3] =	stream.linear.scatter [tilespmem:s30], [sflag:$0x11], $0x2000, $0x38;
	[tilespmem:$0x1C400] =	vst v63  }
0x4f: {  	_ =	swait.ge [sflag:s8], $0x2000  }
0x50: {  	[sflag:s8] =	ssyncset.done $0x0  }
0x51: {  	s21 =	rddreg [dreg:$0x1a];
	[sflag:s8] =	ssyncadd.s32 $0xFFFFE000  }
0x52: {  	[spmem:s21] =	stream.linear.scatter [tilespmem:s30], [sflag:$0x11], $0x2000, $0x38;
	[tilespmem:$0x1C400] =	vst v63  }
0x53: {  	_ =	swait.ge [sflag:s8], $0x2000  }
0x54: {  	[sflag:s8] =	ssyncset.done $0x0  }
0x55: {  	s25 =	rddreg [dreg:$0x1b];
	[sflag:s8] =	ssyncadd.s32 $0xFFFFE000  }
0x56: {  	[spmem:s25] =	stream.linear.scatter [tilespmem:s30], [sflag:$0x11], $0x2000, $0x38;
	[tilespmem:$0x1C400] =	vst v63  }
0x57: {  	_ =	swait.ge [sflag:s8], $0x2000  }
0x58: {  	[sflag:s8] =	ssyncset.done $0x0  }
0x59: {  	s26 =	rddreg [dreg:$0x1c];
	[sflag:s8] =	ssyncadd.s32 $0xFFFFE000  }
0x5a: {  	[spmem:s26] =	stream.linear.scatter [tilespmem:s30], [sflag:$0x11], $0x2000, $0x38;
	[tilespmem:$0x1C400] =	vst v63  }
0x5b: {  	_ =	swait.ge [sflag:s8], $0x2000  }
0x5c: {  	[sflag:s8] =	ssyncset.done $0x0  }
0x5d: {  	s31 =	rddreg [dreg:$0x1d];
	[sflag:s8] =	ssyncadd.s32 $0xFFFFE000  }
0x5e: {  	[spmem:s31] =	stream.linear.scatter [tilespmem:s30], [sflag:$0x11], $0x2000, $0x38;
	[tilespmem:$0x1C400] =	vst v63  }
0x5f: {  	_ =	swait.ge [sflag:s8], $0x2000  }
0x60: {  	[sflag:s8] =	ssyncset.done $0x0  }
0x61: {  	s16 =	rddreg [dreg:$0x1e];
	[sflag:s8] =	ssyncadd.s32 $0xFFFFE000  }
0x62: {  	[spmem:s16] =	stream.linear.scatter [tilespmem:s30], [sflag:$0x11], $0x2000, $0x38;
	[tilespmem:$0x1C400] =	vst v63  }
0x63: {  	_ =	swait.ge [sflag:s8], $0x2000  }
0x64: {  	[sflag:s8] =	ssyncset.done $0x0  }
0x65: {  	s21 =	rddreg [dreg:$0x1f];
	[sflag:s8] =	ssyncadd.s32 $0xFFFFE000  }
0x66: {  	[spmem:s21] =	stream.linear.scatter [tilespmem:s30], [sflag:$0x11], $0x2000, $0x38;
	[tilespmem:$0x1C400] =	vst v63  }
0x67: {  	_ =	swait.ge [sflag:s8], $0x2000  }
0x68: {  	[sflag:s8] =	ssyncset.done $0x0  }
0x69: {  	[sflag:s8] =	ssyncadd.s32 $0xFFFFE000  }
0x6a: {  	[spmem:s28] =	stream.linear.scatter [tilespmem:s30], [sflag:$0x11], $0x2000, $0x38;
	[tilespmem:$0x1C400] =	vst v63  }
0x6b: {  	_ =	swait.ge [sflag:s8], $0x2000  }
0x6c: {  	[sflag:s8] =	ssyncset.done $0x0  }
0x6d: {  	[sflag:s8] =	ssyncadd.s32 $0xFFFFE000  }
0x6e: {  	[spmem:s29] =	stream.linear.scatter [tilespmem:s30], [sflag:$0x11], $0x2000, $0x38;
	[tilespmem:$0x1C400] =	vst v63  }
0x6f: {  	_ =	swait.ge [sflag:s8], $0x2000  }
0x70: {  	[sflag:s8] =	ssyncset.done $0x0  }
0x71: {  	[sflag:s8] =	ssyncadd.s32 $0xFFFFE000  }
0x72: {  	[bflag:$0x0] =	sbarrier.arrive $0xFFFF  }
0x73: {  	_ =	swait.ge [sflag:s9], $0x40  }
0x74: {  	[sflag:s9] =	ssyncset.done $0x0  }
0x75: {  	s16 =	simm.s32 $0x0;
	[sflag:s9] =	ssyncadd.s32 $0xFFFFFFC0  }
0x76: {  	[tilespmem:s30], [sflag:$0x9] =	stream.indirect.gather [hbm4b:s1+s10], $0x80, s16, s10, $0xb8;
	[tilespmem:$0x1C400] =	vst v63  }
0x77: {  	_ =	swait.ge [sflag:s11], $0x40  }
0x78: {  	[sflag:s11] =	ssyncset.done $0x0  }
0x79: {  	s25 =	simm.s32 $0x2400;
	[sflag:s11] =	ssyncadd.s32 $0xFFFFFFC0  }
0x7a: {  	[tilespmem:s25], [sflag:$0xA] =	stream.indirect.gather [hbm4b:s1+s10], $0x80, s23, s10, $0xb8;
	[tilespmem:$0x1C400] =	vst v63  }
0x7b: {  	_ =	swait.ge [sflag:s12], $0x40  }
0x7c: {  	[sflag:s12] =	ssyncset.done $0x0  }
0x7d: {  	s26 =	simm.s32 $0x4400;
	[sflag:s12] =	ssyncadd.s32 $0xFFFFFFC0  }
0x7e: {  	[tilespmem:s26], [sflag:$0xB] =	stream.indirect.gather [hbm4b:s1+s10], $0x80, s24, s10, $0xb8;
	[tilespmem:$0x1C400] =	vst v63  }
0x7f: {  	_ =	swait.ge [sflag:s13], $0x40  }
0x80: {  	s31 =	simm.s32 $0x6400;
	[sflag:s13] =	ssyncset.done $0x0  }
0x81: {  	s21 =	simm.s32 $0x7;
	s25 =	smov.u32 s22;
	[sflag:s13] =	ssyncadd.s32 $0xFFFFFFC0  }
0x82: {  	[tilespmem:s31], [sflag:$0xC] =	stream.indirect.gather [hbm4b:s1+s10], $0x80, s0, s10, $0xb8;
	[tilespmem:$0x1C400] =	vst v63  }
.LBB2_4:
0x83: {  	s23 =	sadd.s32 $0xFFFFFFF9, s21  }
0x84: {  	p0 =	sge.u32 s23, s6  }
0x85: {  	s24 =	sadd.s32 @!p0 $0xFFFFFFFD, s21  }
0x86: {  	s31 =	simm.s32 @!p0 $0x9;
	p1 =	sge.u32 @!p0 s24, s6  }
0x87: {  	_ =	swait.ge @!p0 [sflag:s31], $0x2000;
	p1 =	por p1, p0  }
0x88: {  	[sflag:s31] =	ssyncset.done @!p0 $0x0;
	s24 =	sshrl.u32 @!p1 s25, $0x3  }
0x89: {  	[sflag:s31] =	ssyncadd.s32 @!p0 $0xFFFFE000;
	s31 =	simm.s32 @!p1 $0x0;
	s24 =	sadd.s32 @!p1 s5, s24  }
0x8a: {  	[tilespmem:s31], [sflag:$0x1] =	stream.linear.gather @!p1 [hbm4b:s24+s31], $0x40, $0x38;
	[tilespmem:$0x1C400] =	vst v63  }
0x8b: {  	s24 =	simm.s32 @!p0 $0x5  }
0x8c: {  	_ =	swait.ge @!p0 [sflag:s24], $0x40  }
0x8d: {  	s26 =	simm.s32 @!p0 $0x200;
	s3 =	simm.s32 @!p0 $0x400;
	[sflag:s24] =	ssyncset.done @!p0 $0x0  }
0x8e: {  	s31 =	simm.s32 @!p0 $0x40;
	[sflag:s24] =	ssyncadd.s32 @!p0 $0xFFFFFFC0;
	s24 =	rddreg [dreg:$0x4]  }
0x8f: {  	[spmem:s2] =	stream.indirect.scatter.add.f32 @!p0 [tilespmem:s3], [sflag:$0xD], $0x80, s26, s31, $0xb8;
	[tilespmem:$0x1C400] =	vst v63  }
0x90: {  	p0 =	sge.u32 s23, s24  }
0x91: {  	s3 =	simm.s32 @!p0 $0xA  }
0x92: {  	s24 =	sadd.s32 @!p0 $0xFFFFFFFE, s21;
	_ =	swait.ge @!p0 [sflag:s3], $0x2000  }
0x93: {  	p1 =	sge.u32 @!p0 s24, s6;
	[sflag:s3] =	ssyncset.done @!p0 $0x0  }
0x94: {  	s26 =	rddreg [dreg:$0x5];
	p1 =	por p1, p0;
	[sflag:s3] =	ssyncadd.s32 @!p0 $0xFFFFE000  }
0x95: {  	s3 =	sadd.s32 @!p1 s16, s26;
	s24 =	simm.s32 @!p1 $0x0;
	s26 =	simm.s32 @!p1 $0x80  }
0x96: {  	[tilespmem:s26], [sflag:$0x2] =	stream.linear.gather @!p1 [hbm4b:s3+s24], $0x40, $0x38;
	[tilespmem:$0x1C400] =	vst v63  }
0x97: {  	s3 =	simm.s32 @!p0 $0x6  }
0x98: {  	_ =	swait.ge @!p0 [sflag:s3], $0x40  }
0x99: {  	s31 =	simm.s32 @!p0 $0x2400;
	s24 =	simm.s32 @!p0 $0x40;
	[sflag:s3] =	ssyncset.done @!p0 $0x0  }
0x9a: {  	s26 =	simm.s32 @!p0 $0x280;
	[sflag:s3] =	ssyncadd.s32 @!p0 $0xFFFFFFC0;
	s3 =	rddreg [dreg:$0x6]  }
0x9b: {  	[spmem:s2] =	stream.indirect.scatter.add.f32 @!p0 [tilespmem:s31], [sflag:$0xE], $0x80, s26, s24, $0xb8;
	[tilespmem:$0x1C400] =	vst v63  }
0x9c: {  	p0 =	sge.u32 s23, s3  }
0x9d: {  	s3 =	simm.s32 @!p0 $0xB  }
0x9e: {  	s24 =	sadd.s32 @!p0 $0xFFFFFFFF, s21;
	_ =	swait.ge @!p0 [sflag:s3], $0x2000  }
0x9f: {  	p1 =	sge.u32 @!p0 s24, s6;
	[sflag:s3] =	ssyncset.done @!p0 $0x0  }
0xa0: {  	s26 =	rddreg [dreg:$0x7];
	p1 =	por p1, p0;
	[sflag:s3] =	ssyncadd.s32 @!p0 $0xFFFFE000  }
0xa1: {  	s3 =	sadd.s32 @!p1 s16, s26;
	s24 =	simm.s32 @!p1 $0x0;
	s26 =	simm.s32 @!p1 $0x100  }
0xa2: {  	[tilespmem:s26], [sflag:$0x3] =	stream.linear.gather @!p1 [hbm4b:s3+s24], $0x40, $0x38;
	[tilespmem:$0x1C400] =	vst v63  }
0xa3: {  	s3 =	simm.s32 @!p0 $0x7  }
0xa4: {  	_ =	swait.ge @!p0 [sflag:s3], $0x40  }
0xa5: {  	s31 =	simm.s32 @!p0 $0x4400;
	s24 =	simm.s32 @!p0 $0x40;
	[sflag:s3] =	ssyncset.done @!p0 $0x0  }
0xa6: {  	s26 =	simm.s32 @!p0 $0x300;
	[sflag:s3] =	ssyncadd.s32 @!p0 $0xFFFFFFC0;
	s3 =	rddreg [dreg:$0x8]  }
0xa7: {  	[spmem:s2] =	stream.indirect.scatter.add.f32 @!p0 [tilespmem:s31], [sflag:$0xF], $0x80, s26, s24, $0xb8;
	[tilespmem:$0x1C400] =	vst v63  }
0xa8: {  	p0 =	sge.u32 s23, s3  }
0xa9: {  	s3 =	simm.s32 @!p0 $0xC;
	p1 =	sge.u32 @!p0 s21, s6  }
0xaa: {  	_ =	swait.ge @!p0 [sflag:s3], $0x2000;
	p1 =	por p1, p0  }
0xab: {  	s23 =	rddreg [dreg:$0x9];
	[sflag:s3] =	ssyncset.done @!p0 $0x0;
	s24 =	simm.s32 @!p1 $0x180  }
0xac: {  	[sflag:s3] =	ssyncadd.s32 @!p0 $0xFFFFE000;
	s3 =	sadd.s32 @!p1 s16, s23;
	s23 =	simm.s32 @!p1 $0x0  }
0xad: {  	[tilespmem:s24], [sflag:$0x4] =	stream.linear.gather @!p1 [hbm4b:s3+s23], $0x40, $0x38;
	[tilespmem:$0x1C400] =	vst v63  }
0xae: {  	s3 =	simm.s32 @!p0 $0x8  }
0xaf: {  	_ =	swait.ge @!p0 [sflag:s3], $0x40  }
0xb0: {  	s23 =	simm.s32 @!p0 $0x380;
	[sflag:s3] =	ssyncset.done @!p0 $0x0  }
0xb1: {  	s24 =	simm.s32 @!p0 $0x6400;
	[sflag:s3] =	ssyncadd.s32 @!p0 $0xFFFFFFC0;
	s3 =	simm.s32 @!p0 $0x40  }
0xb2: {  	[spmem:s2] =	stream.indirect.scatter.add.f32 @!p0 [tilespmem:s24], [sflag:$0x10], $0x80, s23, s3, $0xb8;
	[tilespmem:$0x1C400] =	vst v63  }
0xb3: {  	s23 =	sadd.s32 $0xFFFFFFFD, s21  }
0xb4: {  	p0 =	sge.u32 s23, s6  }
0xb5: {  	s3 =	simm.s32 @!p0 $0xD  }
0xb6: {  	_ =	swait.ge @!p0 [sflag:s3], $0x2000  }
0xb7: {  	s24 =	simm.s32 @!p0 $0x200;
	s23 =	rddreg [dreg:$0xa];
	[sflag:s3] =	ssyncset.done @!p0 $0x0  }
0xb8: {  	[sflag:s3] =	ssyncadd.s32 @!p0 $0xFFFFE000;
	s3 =	sadd.s32 @!p0 s16, s23;
	s23 =	simm.s32 @!p0 $0x0  }
0xb9: {  	[tilespmem:s24], [sflag:$0x5] =	stream.linear.gather @!p0 [hbm4b:s3+s23], $0x40, $0x38;
	[tilespmem:$0x1C400] =	vst v63  }
0xba: {  	s3 =	simm.s32 @!p0 $0x1  }
0xbb: {  	_ =	swait.ge @!p0 [sflag:s3], $0x40  }
0xbc: {  	[sflag:s3] =	ssyncset.done @!p0 $0x0  }
0xbd: {  	s24 =	simm.s32 @!p0 $0x400;
	[sflag:s3] =	ssyncadd.s32 @!p0 $0xFFFFFFC0;
	s3 =	simm.s32 @!p0 $0x40  }
0xbe: {  	[tilespmem:s24], [sflag:$0x9] =	stream.indirect.gather @!p0 [hbm4b:s1+s3], $0x80, s23, s3, $0xb8;
	[tilespmem:$0x1C400] =	vst v63  }
0xbf: {  	s24 =	sadd.s32 $0xFFFFFFFE, s21  }
0xc0: {  	p0 =	sge.u32 s24, s6  }
0xc1: {  	s3 =	simm.s32 @!p0 $0xE  }
0xc2: {  	_ =	swait.ge @!p0 [sflag:s3], $0x2000  }
0xc3: {  	s24 =	simm.s32 @!p0 $0x280;
	s23 =	rddreg [dreg:$0xb];
	[sflag:s3] =	ssyncset.done @!p0 $0x0  }
0xc4: {  	[sflag:s3] =	ssyncadd.s32 @!p0 $0xFFFFE000;
	s3 =	sadd.s32 @!p0 s16, s23;
	s23 =	simm.s32 @!p0 $0x0  }
0xc5: {  	[tilespmem:s24], [sflag:$0x6] =	stream.linear.gather @!p0 [hbm4b:s3+s23], $0x40, $0x38;
	[tilespmem:$0x1C400] =	vst v63  }
0xc6: {  	s3 =	simm.s32 @!p0 $0x2  }
0xc7: {  	_ =	swait.ge @!p0 [sflag:s3], $0x40  }
0xc8: {  	s26 =	sadd.s32 $0xFFFFFFFF, s21;
	s23 =	simm.s32 @!p0 $0x80;
	[sflag:s3] =	ssyncset.done @!p0 $0x0  }
0xc9: {  	s24 =	simm.s32 @!p0 $0x2400;
	[sflag:s3] =	ssyncadd.s32 @!p0 $0xFFFFFFC0;
	s3 =	simm.s32 @!p0 $0x40  }
0xca: {  	[tilespmem:s24], [sflag:$0xA] =	stream.indirect.gather @!p0 [hbm4b:s1+s3], $0x80, s23, s3, $0xb8;
	[tilespmem:$0x1C400] =	vst v63  }
0xcb: {  	p0 =	sge.u32 s26, s6  }
0xcc: {  	s3 =	simm.s32 @!p0 $0xF  }
0xcd: {  	_ =	swait.ge @!p0 [sflag:s3], $0x2000  }
0xce: {  	s24 =	simm.s32 @!p0 $0x300;
	s23 =	rddreg [dreg:$0xc];
	[sflag:s3] =	ssyncset.done @!p0 $0x0  }
0xcf: {  	[sflag:s3] =	ssyncadd.s32 @!p0 $0xFFFFE000;
	s3 =	sadd.s32 @!p0 s16, s23;
	s23 =	simm.s32 @!p0 $0x0  }
0xd0: {  	[tilespmem:s24], [sflag:$0x7] =	stream.linear.gather @!p0 [hbm4b:s3+s23], $0x40, $0x38;
	[tilespmem:$0x1C400] =	vst v63  }
0xd1: {  	s3 =	simm.s32 @!p0 $0x3  }
0xd2: {  	_ =	swait.ge @!p0 [sflag:s3], $0x40  }
0xd3: {  	s23 =	simm.s32 @!p0 $0x100;
	[sflag:s3] =	ssyncset.done @!p0 $0x0  }
0xd4: {  	s24 =	simm.s32 @!p0 $0x4400;
	[sflag:s3] =	ssyncadd.s32 @!p0 $0xFFFFFFC0;
	s3 =	simm.s32 @!p0 $0x40  }
0xd5: {  	[tilespmem:s24], [sflag:$0xB] =	stream.indirect.gather @!p0 [hbm4b:s1+s3], $0x80, s23, s3, $0xb8;
	[tilespmem:$0x1C400] =	vst v63  }
0xd6: {  	p0 =	sge.u32 s21, s6  }
0xd7: {  	s3 =	simm.s32 @!p0 $0x10  }
0xd8: {  	_ =	swait.ge @!p0 [sflag:s3], $0x2000  }
0xd9: {  	s24 =	simm.s32 @!p0 $0x380;
	s23 =	rddreg [dreg:$0xd];
	[sflag:s3] =	ssyncset.done @!p0 $0x0  }
0xda: {  	[sflag:s3] =	ssyncadd.s32 @!p0 $0xFFFFE000;
	s3 =	sadd.s32 @!p0 s16, s23;
	s23 =	simm.s32 @!p0 $0x0  }
0xdb: {  	[tilespmem:s24], [sflag:$0x8] =	stream.linear.gather @!p0 [hbm4b:s3+s23], $0x40, $0x38;
	[tilespmem:$0x1C400] =	vst v63  }
0xdc: {  	s3 =	simm.s32 @!p0 $0x4  }
0xdd: {  	s16 =	sadd.s32 $0x400, s16;
	_ =	swait.ge @!p0 [sflag:s3], $0x40  }
0xde: {  	s23 =	simm.s32 @!p0 $0x180;
	s24 =	simm.s32 @!p0 $0x6400;
	[sflag:s3] =	ssyncset.done @!p0 $0x0  }
0xdf: {  	s31 =	rddreg [dreg:$0xe];
	[sflag:s3] =	ssyncadd.s32 @!p0 $0xFFFFFFC0;
	s3 =	simm.s32 @!p0 $0x40  }
0xe0: {  	[tilespmem:s24], [sflag:$0xC] =	stream.indirect.gather @!p0 [hbm4b:s1+s3], $0x80, s23, s3, $0xb8;
	[tilespmem:$0x1C400] =	vst v63  }
0xe1: {  	p0 =	sne.s32 s31, s16  }
.Ltmp1:
0xe2: {  	_ = 	snop;
	(pc) =	sbr.rel @p0 .LBB2_4-.Ltmp1, $2  }
0xe3: {  	_ =	sdelay $0x2  }
0xe4: {  	s25 =	sadd.s32 $0x2000, s25;
	s21 =	sadd.s32 $0x4, s21  }
0xe5: {  	_ =	swait.ge [sflag:s14], $0x2000  }
0xe6: {  	[sflag:s14] =	ssyncset.done $0x0  }
0xe7: {  	[sflag:s14] =	ssyncadd.s32 $0xFFFFE000  }
0xe8: {  	_ =	swait.ge [sflag:s17], $0x2000  }
0xe9: {  	[sflag:s17] =	ssyncset.done $0x0  }
0xea: {  	[sflag:s17] =	ssyncadd.s32 $0xFFFFE000  }
0xeb: {  	_ =	swait.ge [sflag:s18], $0x2000  }
0xec: {  	[sflag:s18] =	ssyncset.done $0x0  }
0xed: {  	[sflag:s18] =	ssyncadd.s32 $0xFFFFE000  }
0xee: {  	_ =	swait.ge [sflag:s19], $0x2000  }
0xef: {  	[sflag:s19] =	ssyncset.done $0x0  }
0xf0: {  	[sflag:s19] =	ssyncadd.s32 $0xFFFFE000  }
0xf1: {  	[bflag:$0x0] =	sbarrier.arrive $0xFFFF  }
0xf2: {  	s3 =	rddreg [dreg:$0x16]  }
0xf3: {  	s16 =	sshrl.u32 s15, $0x3;
	s21 =	rddreg [dreg:$0x17];
	s3 =	sor.u32 $0x1C11, s3  }
0xf4: {  	[hbm:s21], [sflag:s3] =	dma.local [spmem:s16], $0x2800  }
0xf5: {  	_ =	swait.ge [sflag:s8], $0x2800  }
0xf6: {  	s20 =	sadd.s32 $0x1, s20;
	s31 =	rddreg [dreg:$0x18]  }
0xf7: {  	p0 =	sne.s32 s20, s31  }
.Ltmp2:
0xf8: {  	_ = 	snop;
	(pc) =	sbr.rel @p0 .LBB2_1-.Ltmp2, $3  }
0xf9: {  	_ =	sdelay $0x1  }
0xfa: {  	[sflag:s8] =	ssyncset.done $0x0  }
0xfb: {  	s23 =	simm.s32 $0x80;
	s24 =	simm.s32 $0x100;
	[sflag:s8] =	ssyncadd.s32 $0xFFFFD800  }
0xfc: {  	_ =	sfence.sel $0x180000  }
0xfd: {  	[bflag:$0x0] =	sbarrier.arrive $0xFFFF  }
0xfe: {  	_ =	strace $0x9000004A  }
0xff: {  	s0 =	stileid.u32;
	[bflag:$0x2] =	sbarrier.arrive $0xFFFF  }
0x100: {  	p0 =	sne.s32 s0, $0x0;
	s0 =	rddreg [dreg:$0x3]  }
0x101: {  	s0 =	sadd.s32 @!p0 $0x100000, s0  }
0x102: {  	[sflag:s0] =	ssyncadd.tile.s32 @!p0 $0x1;
	_ =	shalt  }
.Lfunc_end2:
_tile_overlayer_lowered:
.L_overlay_start_2:
0x103: {  	(tag) =	ssettag $0x2  }
0x104: {  	s0 =	rddreg [dreg:$0x0];
	s2 =	stileid.u32  }
0x105: {  	s1 =	rddreg [dreg:$0x1];
	p0 =	sne.s32 s2, $0x0  }
0x106: {  	s3 =	rddreg [dreg:$0x2];
	[bflag:$0x3] =	sbarrier.arrive $0xFFFF;
	s2 =	simm.s32 @!p0 $0x1C11  }
0x107: {  	[timem:s3], [sflag:s2] =	dma.local @!p0 [hbm:s0], s1  }
0x108: {  	s0 =	simm.s32 @!p0 $0x11  }
0x109: {  	_ =	swait.ge @!p0 [sflag:s0], s1  }
0x10a: {  	s1 =	ssub.s32 @!p0 $0x0, s1;
	[sflag:s0] =	ssyncset.done @!p0 $0x0  }
0x10b: {  	[sflag:s0] =	ssyncadd.s32 @!p0 s1  }
0x10c: {  	[bflag:$0x3] =	sbarrier.arrive $0xFFFF  }
0x10d: {  	_ =	shalt  }

// kernel: kernel.14.cloned.1.call-start
scs
__scs_entry_jumppad:
0x0: {  	(pc) =	sbr.rel $0x88, $3  }
0x1: {  	(tag) =	ssettag $0x0;
	lr =	simm.s32 $0x1  }
0x2: {  	[smem:$0x3F9B] =	sst lr;
	_ =	strace $0xD0000000  }
0x3: {  	_ = 	snop  }
0x4: {  	_ = 	snop  }
0x5: {  	_ = 	snop  }
0x6: {  	_ = 	snop  }
0x7: {  	_ = 	snop  }
__scs_overlays_trampoline_lowered:
0x8: {  	[smem:$0x3FAA] =	sst s0  }
0x9: {  	[smem:$0x3FAB] =	sst s1  }
0xa: {  	[smem:$0x3FAC] =	sst s2  }
0xb: {  	[smem:$0x3FAD] =	sst s3  }
0xc: {  	[smem:$0x3FAE] =	sst s4  }
0xd: {  	[smem:$0x3FAF] =	sst s5  }
0xe: {  	[smem:$0x3FB0] =	sst s6  }
0xf: {  	[smem:$0x3FB1] =	sst s7  }
0x10: {  	[smem:$0x3FB2] =	sst s8  }
0x11: {  	[smem:$0x3FB3] =	sst s9;
	s0 =	simm.s32 @!p0 $0x0  }
0x12: {  	s1 =	sld [smem:$0x3F99];
	s0 =	simm.s32 @p0 $0x1  }
0x13: {  	[smem:$0x3FB4] =	sst s0;
	s0 =	simm.s32 @!p1 $0x0  }
0x14: {  	s2 =	sld [smem:$0x3F98];
	s0 =	simm.s32 @p1 $0x1  }
0x15: {  	[smem:$0x3FB5] =	sst s0;
	s0 =	simm.s32 @!p2 $0x0  }
0x16: {  	s3 =	sld [smem:$0x3FDB];
	s0 =	simm.s32 @p2 $0x1  }
0x17: {  	s4 =	simm.s32 $0x1BF5;
	[smem:$0x3FB7] =	sst s0  }
0x18: {  	s0 =	sld [smem:$0x3F9A];
	_ =	swait.ge [sflag:s4], $0x0  }
0x19: {  	s7 =	sld [smem:$0x3F9B]  }
0x1a: {  	s8 =	sadd.s32 $0xFFFFE003, lr  }
0x1b: {  	s9 =	sadd.s32 $0xFFFFFEF7, lr;
	s5 =	simm.s32 $0xFFFFFFFF;
	p2 =	slt.u32 s8, $0xFFFFF086  }
0x1c: {  	p1 =	slt.u32 s9, $0xF7A;
	s5 =	simm.s32 @!p2 $0x0  }
0x1d: {  	s5 =	simm.s32 @p1 $0x1;
	p0 =	seq.s32 s7, s2  }
0x1e: {  	s7 =	smul.u32 @!p0 $0xF7A, s2;
	p2 =	seq.s32 @!p0 s5, $0x0  }
0x1f: {  	s9 =	smul.u32 $0xF7A, s1;
	s8 =	simm.s32 @!p0 $0x1BF5;
	p2 =	por !p2, p0  }
0x20: {  	[sflag:s8] =	ssyncset.s32 @!p0 $0xFFFFF086;
	s6 =	sadd.s32 @!p0 s3, s7;
	s7 =	simm.s32 @!p0 $0x108  }
0x21: {  	s3 =	sadd.s32 s3, s9;
	s6 =	sadd.s32 @!p0 $0x88, s6;
	s7 =	simm.s32 @p2 $0x1082  }
0x22: {  	[simem:s7], [sflag:s8] =	dma.local @!p0 [hbm:s6], $0xF7A  }
0x23: {  	s9 =	sor.u32 $0xD0000000, s2;
	s6 =	simm.s32 $0x108;
	_ =	swait.ge @!p0 [sflag:s8], $0x0  }
0x24: {  	s3 =	sadd.s32 $0x88, s3;
	s6 =	simm.s32 @!p1 $0x1082;
	[sflag:s4] =	ssyncset.s32 $0xFFFFF086  }
0x25: {  	[simem:s6], [sflag:s4] =	dma.local [hbm:s3], $0xF7A  }
0x26: {  	[smem:$0x3F9B] =	sst s1;
	(tag) =	ssettag s2;
	_ =	strace s9  }
0x27: {  	s1 =	sld [smem:$0x3FAB]  }
0x28: {  	s2 =	sld [smem:$0x3FAC]  }
0x29: {  	s4 =	sld [smem:$0x3FAE]  }
0x2a: {  	p0 =	seq.s32 s5, $0x0;
	s5 =	sld [smem:$0x3FAF]  }
0x2b: {  	s6 =	sld [smem:$0x3FB0]  }
0x2c: {  	s7 =	sld [smem:$0x3FB1]  }
0x2d: {  	s3 =	simm.s32 $0x108;
	s8 =	sld [smem:$0x3FB2]  }
0x2e: {  	s3 =	simm.s32 @!p0 $0x1082;
	s9 =	sld [smem:$0x3FB3]  }
0x2f: {  	lr =	sadd.s32 s0, s3;
	s0 =	sld [smem:$0x3FAA]  }
0x30: {  	s3 =	sld [smem:$0x3FAD]  }
0x31: {  	[smem:$0x3FB6] =	sst s10  }
0x32: {  	s10 =	sld [smem:$0x3FB4];
	_ =	sdelay $0x3  }
0x33: {  	p0 =	seq.s32 s10, $0x1;
	s10 =	sld [smem:$0x3FB6];
	_ =	sdelay $0x3  }
0x34: {  	[smem:$0x3FB6] =	sst s10  }
0x35: {  	s10 =	sld [smem:$0x3FB5];
	_ =	sdelay $0x3  }
0x36: {  	p1 =	seq.s32 s10, $0x1;
	s10 =	sld [smem:$0x3FB6];
	_ =	sdelay $0x3  }
0x37: {  	[smem:$0x3FB6] =	sst s10  }
0x38: {  	s10 =	sld [smem:$0x3FB7]  }
0x39: {  	_ = 	snop;
	(pc) =	sbr.ind lr, $3  }
0x3a: {  	_ = 	snop  }
0x3b: {  	_ = 	snop  }
0x3c: {  	p2 =	seq.s32 s10, $0x1;
	s10 =	sld [smem:$0x3FB6]  }
0x3d: {  	_ =	shalt  }
0x3e: {  	_ =	shalt  }
0x3f: {  	_ =	shalt  }
0x40: {  	_ =	shalt  }
0x41: {  	_ =	shalt  }
0x42: {  	_ =	shalt  }
0x43: {  	_ =	shalt  }
0x44: {  	_ =	shalt  }
0x45: {  	_ =	shalt  }
0x46: {  	_ =	shalt  }
0x47: {  	_ =	shalt  }
0x48: {  	_ =	shalt  }
0x49: {  	_ =	shalt  }
0x4a: {  	_ =	shalt  }
0x4b: {  	_ =	shalt  }
0x4c: {  	_ =	shalt  }
0x4d: {  	_ =	shalt  }
0x4e: {  	_ =	shalt  }
0x4f: {  	_ =	shalt  }
0x50: {  	_ =	shalt  }
0x51: {  	_ =	shalt  }
0x52: {  	_ =	shalt  }
0x53: {  	_ =	shalt  }
0x54: {  	_ =	shalt  }
0x55: {  	_ =	shalt  }
0x56: {  	_ =	shalt  }
0x57: {  	_ =	shalt  }
0x58: {  	_ =	shalt  }
0x59: {  	_ =	shalt  }
0x5a: {  	_ =	shalt  }
0x5b: {  	_ =	shalt  }
0x5c: {  	_ =	shalt  }
0x5d: {  	_ =	shalt  }
0x5e: {  	_ =	shalt  }
0x5f: {  	_ =	shalt  }
0x60: {  	_ =	shalt  }
0x61: {  	_ =	shalt  }
0x62: {  	_ =	shalt  }
0x63: {  	_ =	shalt  }
0x64: {  	_ =	shalt  }
0x65: {  	_ =	shalt  }
0x66: {  	_ =	shalt  }
0x67: {  	_ =	shalt  }
0x68: {  	_ =	shalt  }
0x69: {  	_ =	shalt  }
0x6a: {  	_ =	shalt  }
0x6b: {  	_ =	shalt  }
0x6c: {  	_ =	shalt  }
0x6d: {  	_ =	shalt  }
0x6e: {  	_ =	shalt  }
0x6f: {  	_ =	shalt  }
0x70: {  	_ =	shalt  }
0x71: {  	_ =	shalt  }
0x72: {  	_ =	shalt  }
0x73: {  	_ =	shalt  }
0x74: {  	_ =	shalt  }
0x75: {  	_ =	shalt  }
0x76: {  	_ =	shalt  }
0x77: {  	_ =	shalt  }
0x78: {  	_ =	shalt  }
0x79: {  	_ =	shalt  }
0x7a: {  	_ =	shalt  }
0x7b: {  	_ =	shalt  }
0x7c: {  	_ =	shalt  }
0x7d: {  	_ =	shalt  }
0x7e: {  	_ =	shalt  }
0x7f: {  	_ =	shalt  }
0x80: {  	_ =	shalt  }
0x81: {  	_ =	shalt  }
0x82: {  	_ =	shalt  }
0x83: {  	_ =	shalt  }
0x84: {  	_ =	shalt  }
0x85: {  	_ =	shalt  }
0x86: {  	_ =	shalt  }
0x87: {  	_ =	shalt  }
.Lfunc_end0:
.L_simem_size_0:
called_computation.2_lowered:
.L_overlay_start_0:
0x88: {  	s2 =	sld [smem:$0x3FD9]  }
0x89: {  	s3 =	sld [smem:$0x3FFE];
	_ =	sdelay $0x1  }
0x8a: {  	s1 =	srdreg.scid  }
0x8b: {  	s0 =	sand.u32 $0x1, s1  }
0x8c: {  	s17 =	sshll.u32 s0, $0xA;
	s2 =	sadd.s32 s3, s2  }
0x8d: {  	s2 =	sadd.s32 s2, s17  }
0x8e: {  	[smem:$0x3FC2] =	sst s2  }
0x8f: {  	_ = 	snop  }
0x90: {  	s2 =	sld [smem:$0x3FD0];
	(tm) =	ssettm $0x1  }
0x91: {  	s18 =	sld [smem:$0x3FFB];
	_ =	sdelay $0x3  }
0x92: {  	_ =	strace s18  }
0x93: {  	s3 =	sld [smem:$0x3FFC];
	_ =	sdelay $0x3  }
0x94: {  	_ =	strace s3  }
0x95: {  	s3 =	sld [smem:$0x3FFD];
	_ =	sdelay $0x3  }
0x96: {  	_ =	strace s3  }
0x97: {  	_ =	strace $0x8FFFFFFF  }
0x98: {  	s19 =	sld [smem:$0x3FDB];
	_ =	sdelay $0x1  }
0x99: {  	s4 =	simm.s32 $_scs_section_size  }
0x9a: {  	s5 =	simm.s32 $_size__tile_overlayer_lowered;
	s6 =	simm.s32 $_tile_overlayer_lowered  }
0x9b: {  	s22 =	simm.s32 $0x1BFF;
	s21 =	sshll.u32 s6, $0x1;
	s3 =	sadd.s32 s4, s19  }
0x9c: {  	s7 =	simm.s32 $0x0;
	s20 =	sshll.u32 s5, $0x1;
	s5 =	sadd.s32 s21, s3  }
0x9d: {  	[timem:s7], [sflag:s22] =	dma.local [hbm:s5], s20  }
0x9e: {  	_ =	swait.ge [sflag:s22], s20  }
0x9f: {  	s4 =	ssub.s32 $0x0, s20;
	[sflag:s22] =	ssyncset.done $0x0  }
0xa0: {  	[sflag:s22] =	ssyncadd.s32 s4;
	_ =	sdelay $0x1  }
0xa1: {  	s23 =	simm.s32 $0x1B8B  }
0xa2: {  	_ =	swait.ge [sflag:s23], $0x1  }
0xa3: {  	[sflag:s23] =	ssyncset.done $0x0  }
0xa4: {  	s25 =	simm.s32 $0x1B8E;
	s24 =	sld [smem:$0x3FFE];
	[sflag:s23] =	ssyncadd.s32 $0xFFFFFFFF  }
0xa5: {  	s26 =	simm.s32 $execute0_lowered;
	[smem:$0x3FD2] =	sst s25  }
0xa6: {  	s5 =	sshll.u32 s26, $0x1;
	_ =	strace $0x8000004C;
	[dreg:$0x1] =	wrdreg $0xFFFFFFFF  }
0xa7: {  	s28 =	simm.s32 $_size_execute0_lowered;
	s3 =	sadd.s32 s3, s5;
	[dreg:$0x0] =	wrdreg $0x0  }
0xa8: {  	s5 =	sshll.u32 s28, $0x1;
	[dreg:$0x2] =	wrdreg s3  }
0xa9: {  	[dreg:$0x3] =	wrdreg s5  }
0xaa: {  	[dreg:$0x4] =	wrdreg $0xC0  }
0xab: {  	_ =	task [dreg:s7], $0x5FFFF  }
0xac: {  	[dreg:$0x1] =	wrdreg $0xFFFFFFFF  }
0xad: {  	[dreg:$0x0] =	wrdreg $0x60  }
0xae: {  	[dreg:$0x2] =	wrdreg s2  }
0xaf: {  	[dreg:$0x3] =	wrdreg s24  }
0xb0: {  	[dreg:$0x4] =	wrdreg $0x84000  }
0xb1: {  	[dreg:$0x5] =	wrdreg $0x9  }
0xb2: {  	_ =	task.clear_ibuf [dreg:s7], $0x6FFFF;
	_ =	strace $0x9000004C  }
0xb3: {  	s29 =	simm.s32 $0x9;
	_ =	strace $0x8000004E  }
0xb4: {  	_ =	swait.ge [sflag:s29], $0x1  }
0xb5: {  	[sflag:s29] =	ssyncadd.s32 $0xFFFFFFFF  }
0xb6: {  	_ =	strace $0x9000004E  }
0xb7: {  	_ =	sfence  }
0xb8: {  	s30 =	sld [smem:$0x0];
	_ =	sdelay $0x2  }
0xb9: {  	s31 =	sshll.u32 s1, $0xD;
	s1 =	sshrl.u32 s1, $0x2  }
0xba: {  	s3 =	sand.u32 $0x4000, s31;
	s1 =	sadd.s32 s1, s30  }
0xbb: {  	s0 =	sor.u32 s3, s0;
	s1 =	sshll.u32 s1, $0x11  }
0xbc: {  	s0 =	sor.u32 s1, s0  }
0xbd: {  	s0 =	sadd.s32 $0x8F2B, s0  }
0xbe: {  	[sflag:s0] =	ssyncadd.remote.s32 $0x1  }
0xbf: {  	_ =	sfence.sel $0xFFFF  }
0xc0: {  	[dreg:$0x0] =	wrdreg $0xFFFFFFFF;
	(pc) =	sbr.abs _section_cstart, $3  }
0xc1: {  	[dreg:$0x1] =	wrdreg $0xFFFFFFFF  }
0xc2: {  	_ =	task.clear_ibuf [dreg:s7], $0x2FFFF;
	_ =	strace $0x9FFFFFFF  }
0xc3: {  	(tm) =	ssettm $0x7FFFFFFF  }
tec
execute0_lowered:
.L_overlay_start_1:
0x0: {  	(tag) =	ssettag $0x1  }
0x1: {  	s1 =	rddreg [dreg:$0x0]  }
0x2: {  	s0 =	rddreg [dreg:$0x1]  }
0x3: {  	s2 =	rddreg [dreg:$0x2];
	s3 =	srdreg.scid;
	s4 =	simm.s32 $0x0  }
0x4: {  	s11 =	stileid.u32;
	s3 =	sand.u32 $0x1, s3;
	[smem:$0x7FF] =	sst s4  }
0x5: {  	s7 =	smul.u32 $0x2800, s11;
	s5 =	sadd.s32 $0x2600, s0;
	s20 =	sshll.u32 s11, $0x6  }
0x6: {  	s6 =	smul.u32 $0x28000, s3;
	s8 =	sshll.u32 s3, $0x4;
	s9 =	ssub.s32 $0x2, s3  }
0x7: {  	_ =	strace $0x8000004D;
	s24 =	sor.u32 s11, s8;
	s25 =	sshrl.u32 s9, $0x1  }
0x8: {  	[dreg:$0x16] =	wrdreg s20;
	s10 =	sshll.u32 s24, $0x3;
	s8 =	ssub.s32 s9, s25  }
0x9: {  	s6 =	sadd.s32 s7, s6;
	s7 =	sadd.s32 s5, s10;
	s21 =	smax.u32 s8, $0x1  }
0xa: {  	s30 =	simm.s32 $0x400;
	s26 =	sadd.s32 $0x9C40, s7;
	[dreg:$0x18] =	wrdreg s21  }
0xb: {  	s12 =	smul.u32 $0x50000, s11;
	s31 =	sadd.s32 $0x100, s7;
	[dreg:$0xf] =	wrdreg s26  }
0xc: {  	s3 =	sshll.u32 s3, $0xA;
	s10 =	sadd.s32 $0x9D40, s7;
	[dreg:$0x10] =	wrdreg s31  }
0xd: {  	p0 =	slt.u32 s24, $0x8;
	s13 =	sadd.s32 $0x9E40, s7;
	[dreg:$0x11] =	wrdreg s10  }
0xe: {  	s9 =	sshrl.u32 s12, $0x2;
	s14 =	sadd.s32 $0x300, s7;
	[dreg:$0x13] =	wrdreg s13  }
0xf: {  	s0 =	sadd.s32 s6, s0;
	s15 =	sadd.s32 $0x9F40, s7;
	[dreg:$0x14] =	wrdreg s14  }
0x10: {  	s6 =	simm.s32 $0x9D;
	s0 =	sadd.s32 $0x16000, s0;
	[dreg:$0x15] =	wrdreg s15  }
0x11: {  	s6 =	simm.s32 @!p0 $0x9C;
	s10 =	sadd.s32 $0x200, s7;
	[dreg:$0x17] =	wrdreg s0  }
0x12: {  	s16 =	sadd.s32 $0xFFFFFFFF, s6;
	s15 =	sadd.s32 s9, s2;
	[dreg:$0x12] =	wrdreg s10  }
0x13: {  	s17 =	sadd.s32 $0xFFFFFFFE, s6;
	s18 =	sshll.u32 s6, $0x8;
	[dreg:$0x4] =	wrdreg s16  }
0x14: {  	s19 =	sadd.s32 $0xFFFFFFFD, s6;
	s0 =	sor.u32 s20, s3;
	[dreg:$0x6] =	wrdreg s17  }
0x15: {  	[dreg:$0x8] =	wrdreg s19;
	s22 =	sadd.s32 $0x2000, s15;
	s23 =	sadd.s32 $0x300, s18  }
0x16: {  	s24 =	sor.u32 $0x3800, s0;
	s25 =	sadd.s32 $0x4000, s15;
	s31 =	sor.u32 $0x3000, s0  }
0x17: {  	s10 =	sor.u32 $0x2800, s0;
	s11 =	sadd.s32 $0x50200, s0;
	s16 =	sadd.s32 $0x50A00, s0  }
0x18: {  	s18 =	sadd.s32 $0x51200, s0;
	s19 =	sadd.s32 $0x51A00, s0;
	[dreg:$0x19] =	wrdreg s22  }
0x19: {  	s28 =	sadd.s32 $0x10000, s15;
	s29 =	sadd.s32 $0x12000, s15;
	[dreg:$0x1a] =	wrdreg s25  }
0x1a: {  	s3 =	sand.u32 $0xBC00, s23;
	s8 =	sshrl.u32 s24, $0x3;
	s9 =	sshrl.u32 s31, $0x3  }
0x1b: {  	s13 =	sshrl.u32 s11, $0x3;
	s17 =	sshrl.u32 s16, $0x3;
	s21 =	sshrl.u32 s19, $0x3  }
0x1c: {  	s22 =	sadd.s32 $0x6000, s15;
	s24 =	sadd.s32 $0x8000, s15;
	s25 =	sadd.s32 $0xA000, s15  }
0x1d: {  	s31 =	sadd.s32 $0xE000, s15;
	s11 =	simm.s32 $0x2;
	[dreg:$0xe] =	wrdreg s3  }
0x1e: {  	s19 =	simm.s32 $0x10;
	s26 =	sadd.s32 s8, s5;
	[dreg:$0x1b] =	wrdreg s22  }
0x1f: {  	s3 =	sadd.s32 s9, s5;
	s8 =	sshrl.u32 s10, $0x3;
	[dreg:$0x1c] =	wrdreg s24  }
0x20: {  	s14 =	sadd.s32 s13, s5;
	s23 =	sadd.s32 s21, s5;
	[dreg:$0x1d] =	wrdreg s25  }
0x21: {  	s22 =	sor.u32 $0x2000, s0;
	[dreg:$0x1f] =	wrdreg s31;
	s24 =	simm.s32 $0x100  }
0x22: {  	s0 =	simm.s32 $0x180;
	s9 =	simm.s32 $0x1;
	[dreg:$0x9] =	wrdreg s26  }
0x23: {  	s10 =	simm.s32 $0x40;
	s13 =	simm.s32 $0x4;
	[dreg:$0x7] =	wrdreg s3  }
0x24: {  	s12 =	sadd.s32 s8, s5;
	[dreg:$0xa] =	wrdreg s14;
	s3 =	sadd.s32 s17, s5  }
0x25: {  	s8 =	sshrl.u32 s18, $0x3;
	[dreg:$0xd] =	wrdreg s23;
	s26 =	sadd.s32 $0xC000, s15  }
0x26: {  	s23 =	simm.s32 $0x80;
	s14 =	simm.s32 $0xD;
	[dreg:$0x5] =	wrdreg s12  }
0x27: {  	s17 =	simm.s32 $0xE;
	s18 =	simm.s32 $0xF;
	[dreg:$0xb] =	wrdreg s3  }
0x28: {  	s20 =	sadd.s32 s8, s5;
	[dreg:$0x1e] =	wrdreg s26;
	s8 =	simm.s32 $0x11  }
0x29: {  	v0 =	vimm.f32 $0.0e+00;
	s12 =	simm.s32 $0x3;
	[dreg:$0xc] =	wrdreg s20;
	s20 =	simm.s32 $0x0  }
.LBB2_1:
0x2a: {  	[tilespmem:s4], [sflag:$0x1] =	stream.linear.gather [hbm4b:s7+s4], $0x40, $0x38;
	[tilespmem:$0x1C400] =	vst v63  }
0x2b: {  	s3 =	rddreg [dreg:$0xf]  }
0x2c: {  	s16 =	simm.s32 $0x200;
	s21 =	rddreg [dreg:$0x10]  }
0x2d: {  	[tilespmem:s16], [sflag:$0x5] =	stream.linear.gather [hbm4b:s3+s4], $0x40, $0x38;
	[tilespmem:$0x1C400] =	vst v63  }
0x2e: {  	s25 =	rddreg [dreg:$0x11]  }
0x2f: {  	[tilespmem:s23], [sflag:$0x2] =	stream.linear.gather [hbm4b:s21+s4], $0x40, $0x38;
	[tilespmem:$0x1C400] =	vst v63  }
0x30: {  	s26 =	simm.s32 $0x280;
	s31 =	rddreg [dreg:$0x12]  }
0x31: {  	[tilespmem:s26], [sflag:$0x6] =	stream.linear.gather [hbm4b:s25+s4], $0x40, $0x38;
	[tilespmem:$0x1C400] =	vst v63  }
0x32: {  	s16 =	rddreg [dreg:$0x13]  }
0x33: {  	[tilespmem:s24], [sflag:$0x3] =	stream.linear.gather [hbm4b:s31+s4], $0x40, $0x38;
	[tilespmem:$0x1C400] =	vst v63  }
0x34: {  	s21 =	simm.s32 $0x300;
	s25 =	rddreg [dreg:$0x14]  }
0x35: {  	[tilespmem:s21], [sflag:$0x7] =	stream.linear.gather [hbm4b:s16+s4], $0x40, $0x38;
	[tilespmem:$0x1C400] =	vst v63  }
0x36: {  	s26 =	rddreg [dreg:$0x15]  }
0x37: {  	[tilespmem:s0], [sflag:$0x4] =	stream.linear.gather [hbm4b:s25+s4], $0x40, $0x38;
	[tilespmem:$0x1C400] =	vst v63  }
0x38: {  	s31 =	simm.s32 $0x380;
	s16 =	simm.s32 $0x0;
	s21 =	simm.s32 $0x200  }
0x39: {  	[tilespmem:s31], [sflag:$0x8] =	stream.linear.gather [hbm4b:s26+s4], $0x40, $0x38;
	[tilespmem:$0x1C400] =	vst v63  }
.LBB2_2:
0x3a: {  	p0 =	sne.s32 s21, $0x7E00;
	[tilespmem:s16+$0x470] =	vst v0  }
0x3b: {  	[tilespmem:s16+$0x400] =	vst v0  }
0x3c: {  	[tilespmem:s16+$0x410] =	vst v0  }
.Ltmp0:
0x3d: {  	[tilespmem:s16+$0x420] =	vst v0;
	(pc) =	sbr.rel @p0 .LBB2_2-.Ltmp0, $4  }
0x3e: {  	[tilespmem:s16+$0x430] =	vst v0  }
0x3f: {  	[tilespmem:s16+$0x440] =	vst v0  }
0x40: {  	[tilespmem:s16+$0x450] =	vst v0  }
0x41: {  	[tilespmem:s16+$0x460] =	vst v0;
	s16 =	sshra.s32 s21, $0x2;
	s21 =	sadd.s32 $0x200, s21  }
0x42: {  	[tilespmem:s16+$0x470] =	vst v0  }
0x43: {  	[tilespmem:s16+$0x400] =	vst v0  }
0x44: {  	[tilespmem:s16+$0x410] =	vst v0  }
0x45: {  	[tilespmem:s16+$0x420] =	vst v0  }
0x46: {  	[tilespmem:s16+$0x430] =	vst v0  }
0x47: {  	[tilespmem:s16+$0x440] =	vst v0  }
0x48: {  	[tilespmem:s16+$0x450] =	vst v0  }
0x49: {  	[tilespmem:s16+$0x460] =	vst v0  }
0x4a: {  	[spmem:s15] =	stream.linear.scatter [tilespmem:s30], [sflag:$0x11], $0x2000, $0x38;
	[tilespmem:$0x1C400] =	vst v63  }
0x4b: {  	_ =	swait.ge [sflag:s8], $0x2000  }
0x4c: {  	[sflag:s8] =	ssyncset.done $0x0  }
0x4d: {  	s3 =	rddreg [dreg:$0x19];
	[sflag:s8] =	ssyncadd.s32 $0xFFFFE000  }
0x4e: {  	[spmem:s3] =	stream.linear.scatter [tilespmem:s30], [sflag:$0x11], $0x2000, $0x38;
	[tilespmem:$0x1C400] =	vst v63  }
0x4f: {  	_ =	swait.ge [sflag:s8], $0x2000  }
0x50: {  	[sflag:s8] =	ssyncset.done $0x0  }
0x51: {  	s21 =	rddreg [dreg:$0x1a];
	[sflag:s8] =	ssyncadd.s32 $0xFFFFE000  }
0x52: {  	[spmem:s21] =	stream.linear.scatter [tilespmem:s30], [sflag:$0x11], $0x2000, $0x38;
	[tilespmem:$0x1C400] =	vst v63  }
0x53: {  	_ =	swait.ge [sflag:s8], $0x2000  }
0x54: {  	[sflag:s8] =	ssyncset.done $0x0  }
0x55: {  	s25 =	rddreg [dreg:$0x1b];
	[sflag:s8] =	ssyncadd.s32 $0xFFFFE000  }
0x56: {  	[spmem:s25] =	stream.linear.scatter [tilespmem:s30], [sflag:$0x11], $0x2000, $0x38;
	[tilespmem:$0x1C400] =	vst v63  }
0x57: {  	_ =	swait.ge [sflag:s8], $0x2000  }
0x58: {  	[sflag:s8] =	ssyncset.done $0x0  }
0x59: {  	s26 =	rddreg [dreg:$0x1c];
	[sflag:s8] =	ssyncadd.s32 $0xFFFFE000  }
0x5a: {  	[spmem:s26] =	stream.linear.scatter [tilespmem:s30], [sflag:$0x11], $0x2000, $0x38;
	[tilespmem:$0x1C400] =	vst v63  }
0x5b: {  	_ =	swait.ge [sflag:s8], $0x2000  }
0x5c: {  	[sflag:s8] =	ssyncset.done $0x0  }
0x5d: {  	s31 =	rddreg [dreg:$0x1d];
	[sflag:s8] =	ssyncadd.s32 $0xFFFFE000  }
0x5e: {  	[spmem:s31] =	stream.linear.scatter [tilespmem:s30], [sflag:$0x11], $0x2000, $0x38;
	[tilespmem:$0x1C400] =	vst v63  }
0x5f: {  	_ =	swait.ge [sflag:s8], $0x2000  }
0x60: {  	[sflag:s8] =	ssyncset.done $0x0  }
0x61: {  	s16 =	rddreg [dreg:$0x1e];
	[sflag:s8] =	ssyncadd.s32 $0xFFFFE000  }
0x62: {  	[spmem:s16] =	stream.linear.scatter [tilespmem:s30], [sflag:$0x11], $0x2000, $0x38;
	[tilespmem:$0x1C400] =	vst v63  }
0x63: {  	_ =	swait.ge [sflag:s8], $0x2000  }
0x64: {  	[sflag:s8] =	ssyncset.done $0x0  }
0x65: {  	s21 =	rddreg [dreg:$0x1f];
	[sflag:s8] =	ssyncadd.s32 $0xFFFFE000  }
0x66: {  	[spmem:s21] =	stream.linear.scatter [tilespmem:s30], [sflag:$0x11], $0x2000, $0x38;
	[tilespmem:$0x1C400] =	vst v63  }
0x67: {  	_ =	swait.ge [sflag:s8], $0x2000  }
0x68: {  	[sflag:s8] =	ssyncset.done $0x0  }
0x69: {  	[sflag:s8] =	ssyncadd.s32 $0xFFFFE000  }
0x6a: {  	[spmem:s28] =	stream.linear.scatter [tilespmem:s30], [sflag:$0x11], $0x2000, $0x38;
	[tilespmem:$0x1C400] =	vst v63  }
0x6b: {  	_ =	swait.ge [sflag:s8], $0x2000  }
0x6c: {  	[sflag:s8] =	ssyncset.done $0x0  }
0x6d: {  	[sflag:s8] =	ssyncadd.s32 $0xFFFFE000  }
0x6e: {  	[spmem:s29] =	stream.linear.scatter [tilespmem:s30], [sflag:$0x11], $0x2000, $0x38;
	[tilespmem:$0x1C400] =	vst v63  }
0x6f: {  	_ =	swait.ge [sflag:s8], $0x2000  }
0x70: {  	[sflag:s8] =	ssyncset.done $0x0  }
0x71: {  	[sflag:s8] =	ssyncadd.s32 $0xFFFFE000  }
0x72: {  	[bflag:$0x0] =	sbarrier.arrive $0xFFFF  }
0x73: {  	_ =	swait.ge [sflag:s9], $0x40  }
0x74: {  	[sflag:s9] =	ssyncset.done $0x0  }
0x75: {  	s16 =	simm.s32 $0x0;
	[sflag:s9] =	ssyncadd.s32 $0xFFFFFFC0  }
0x76: {  	[tilespmem:s30], [sflag:$0x9] =	stream.indirect.gather [hbm4b:s1+s10], $0x80, s16, s10, $0xb8;
	[tilespmem:$0x1C400] =	vst v63  }
0x77: {  	_ =	swait.ge [sflag:s11], $0x40  }
0x78: {  	[sflag:s11] =	ssyncset.done $0x0  }
0x79: {  	s25 =	simm.s32 $0x2400;
	[sflag:s11] =	ssyncadd.s32 $0xFFFFFFC0  }
0x7a: {  	[tilespmem:s25], [sflag:$0xA] =	stream.indirect.gather [hbm4b:s1+s10], $0x80, s23, s10, $0xb8;
	[tilespmem:$0x1C400] =	vst v63  }
0x7b: {  	_ =	swait.ge [sflag:s12], $0x40  }
0x7c: {  	[sflag:s12] =	ssyncset.done $0x0  }
0x7d: {  	s26 =	simm.s32 $0x4400;
	[sflag:s12] =	ssyncadd.s32 $0xFFFFFFC0  }
0x7e: {  	[tilespmem:s26], [sflag:$0xB] =	stream.indirect.gather [hbm4b:s1+s10], $0x80, s24, s10, $0xb8;
	[tilespmem:$0x1C400] =	vst v63  }
0x7f: {  	_ =	swait.ge [sflag:s13], $0x40  }
0x80: {  	s31 =	simm.s32 $0x6400;
	[sflag:s13] =	ssyncset.done $0x0  }
0x81: {  	s21 =	simm.s32 $0x7;
	s25 =	smov.u32 s22;
	[sflag:s13] =	ssyncadd.s32 $0xFFFFFFC0  }
0x82: {  	[tilespmem:s31], [sflag:$0xC] =	stream.indirect.gather [hbm4b:s1+s10], $0x80, s0, s10, $0xb8;
	[tilespmem:$0x1C400] =	vst v63  }
.LBB2_4:
0x83: {  	s23 =	sadd.s32 $0xFFFFFFF9, s21  }
0x84: {  	p0 =	sge.u32 s23, s6  }
0x85: {  	s24 =	sadd.s32 @!p0 $0xFFFFFFFD, s21  }
0x86: {  	s31 =	simm.s32 @!p0 $0x9;
	p1 =	sge.u32 @!p0 s24, s6  }
0x87: {  	_ =	swait.ge @!p0 [sflag:s31], $0x2000;
	p1 =	por p1, p0  }
0x88: {  	[sflag:s31] =	ssyncset.done @!p0 $0x0;
	s24 =	sshrl.u32 @!p1 s25, $0x3  }
0x89: {  	[sflag:s31] =	ssyncadd.s32 @!p0 $0xFFFFE000;
	s31 =	simm.s32 @!p1 $0x0;
	s24 =	sadd.s32 @!p1 s5, s24  }
0x8a: {  	[tilespmem:s31], [sflag:$0x1] =	stream.linear.gather @!p1 [hbm4b:s24+s31], $0x40, $0x38;
	[tilespmem:$0x1C400] =	vst v63  }
0x8b: {  	s24 =	simm.s32 @!p0 $0x5  }
0x8c: {  	_ =	swait.ge @!p0 [sflag:s24], $0x40  }
0x8d: {  	s26 =	simm.s32 @!p0 $0x200;
	s3 =	simm.s32 @!p0 $0x400;
	[sflag:s24] =	ssyncset.done @!p0 $0x0  }
0x8e: {  	s31 =	simm.s32 @!p0 $0x40;
	[sflag:s24] =	ssyncadd.s32 @!p0 $0xFFFFFFC0;
	s24 =	rddreg [dreg:$0x4]  }
0x8f: {  	[spmem:s2] =	stream.indirect.scatter.add.f32 @!p0 [tilespmem:s3], [sflag:$0xD], $0x80, s26, s31, $0xb8;
	[tilespmem:$0x1C400] =	vst v63  }
0x90: {  	p0 =	sge.u32 s23, s24  }
0x91: {  	s3 =	simm.s32 @!p0 $0xA  }
0x92: {  	s24 =	sadd.s32 @!p0 $0xFFFFFFFE, s21;
	_ =	swait.ge @!p0 [sflag:s3], $0x2000  }
0x93: {  	p1 =	sge.u32 @!p0 s24, s6;
	[sflag:s3] =	ssyncset.done @!p0 $0x0  }
0x94: {  	s26 =	rddreg [dreg:$0x5];
	p1 =	por p1, p0;
	[sflag:s3] =	ssyncadd.s32 @!p0 $0xFFFFE000  }
0x95: {  	s3 =	sadd.s32 @!p1 s16, s26;
	s24 =	simm.s32 @!p1 $0x0;
	s26 =	simm.s32 @!p1 $0x80  }
0x96: {  	[tilespmem:s26], [sflag:$0x2] =	stream.linear.gather @!p1 [hbm4b:s3+s24], $0x40, $0x38;
	[tilespmem:$0x1C400] =	vst v63  }
0x97: {  	s3 =	simm.s32 @!p0 $0x6  }
0x98: {  	_ =	swait.ge @!p0 [sflag:s3], $0x40  }
0x99: {  	s31 =	simm.s32 @!p0 $0x2400;
	s24 =	simm.s32 @!p0 $0x40;
	[sflag:s3] =	ssyncset.done @!p0 $0x0  }
0x9a: {  	s26 =	simm.s32 @!p0 $0x280;
	[sflag:s3] =	ssyncadd.s32 @!p0 $0xFFFFFFC0;
	s3 =	rddreg [dreg:$0x6]  }
0x9b: {  	[spmem:s2] =	stream.indirect.scatter.add.f32 @!p0 [tilespmem:s31], [sflag:$0xE], $0x80, s26, s24, $0xb8;
	[tilespmem:$0x1C400] =	vst v63  }
0x9c: {  	p0 =	sge.u32 s23, s3  }
0x9d: {  	s3 =	simm.s32 @!p0 $0xB  }
0x9e: {  	s24 =	sadd.s32 @!p0 $0xFFFFFFFF, s21;
	_ =	swait.ge @!p0 [sflag:s3], $0x2000  }
0x9f: {  	p1 =	sge.u32 @!p0 s24, s6;
	[sflag:s3] =	ssyncset.done @!p0 $0x0  }
0xa0: {  	s26 =	rddreg [dreg:$0x7];
	p1 =	por p1, p0;
	[sflag:s3] =	ssyncadd.s32 @!p0 $0xFFFFE000  }
0xa1: {  	s3 =	sadd.s32 @!p1 s16, s26;
	s24 =	simm.s32 @!p1 $0x0;
	s26 =	simm.s32 @!p1 $0x100  }
0xa2: {  	[tilespmem:s26], [sflag:$0x3] =	stream.linear.gather @!p1 [hbm4b:s3+s24], $0x40, $0x38;
	[tilespmem:$0x1C400] =	vst v63  }
0xa3: {  	s3 =	simm.s32 @!p0 $0x7  }
0xa4: {  	_ =	swait.ge @!p0 [sflag:s3], $0x40  }
0xa5: {  	s31 =	simm.s32 @!p0 $0x4400;
	s24 =	simm.s32 @!p0 $0x40;
	[sflag:s3] =	ssyncset.done @!p0 $0x0  }
0xa6: {  	s26 =	simm.s32 @!p0 $0x300;
	[sflag:s3] =	ssyncadd.s32 @!p0 $0xFFFFFFC0;
	s3 =	rddreg [dreg:$0x8]  }
0xa7: {  	[spmem:s2] =	stream.indirect.scatter.add.f32 @!p0 [tilespmem:s31], [sflag:$0xF], $0x80, s26, s24, $0xb8;
	[tilespmem:$0x1C400] =	vst v63  }
0xa8: {  	p0 =	sge.u32 s23, s3  }
0xa9: {  	s3 =	simm.s32 @!p0 $0xC;
	p1 =	sge.u32 @!p0 s21, s6  }
0xaa: {  	_ =	swait.ge @!p0 [sflag:s3], $0x2000;
	p1 =	por p1, p0  }
0xab: {  	s23 =	rddreg [dreg:$0x9];
	[sflag:s3] =	ssyncset.done @!p0 $0x0;
	s24 =	simm.s32 @!p1 $0x180  }
0xac: {  	[sflag:s3] =	ssyncadd.s32 @!p0 $0xFFFFE000;
	s3 =	sadd.s32 @!p1 s16, s23;
	s23 =	simm.s32 @!p1 $0x0  }
0xad: {  	[tilespmem:s24], [sflag:$0x4] =	stream.linear.gather @!p1 [hbm4b:s3+s23], $0x40, $0x38;
	[tilespmem:$0x1C400] =	vst v63  }
0xae: {  	s3 =	simm.s32 @!p0 $0x8  }
0xaf: {  	_ =	swait.ge @!p0 [sflag:s3], $0x40  }
0xb0: {  	s23 =	simm.s32 @!p0 $0x380;
	[sflag:s3] =	ssyncset.done @!p0 $0x0  }
0xb1: {  	s24 =	simm.s32 @!p0 $0x6400;
	[sflag:s3] =	ssyncadd.s32 @!p0 $0xFFFFFFC0;
	s3 =	simm.s32 @!p0 $0x40  }
0xb2: {  	[spmem:s2] =	stream.indirect.scatter.add.f32 @!p0 [tilespmem:s24], [sflag:$0x10], $0x80, s23, s3, $0xb8;
	[tilespmem:$0x1C400] =	vst v63  }
0xb3: {  	s23 =	sadd.s32 $0xFFFFFFFD, s21  }
0xb4: {  	p0 =	sge.u32 s23, s6  }
0xb5: {  	s3 =	simm.s32 @!p0 $0xD  }
0xb6: {  	_ =	swait.ge @!p0 [sflag:s3], $0x2000  }
0xb7: {  	s24 =	simm.s32 @!p0 $0x200;
	s23 =	rddreg [dreg:$0xa];
	[sflag:s3] =	ssyncset.done @!p0 $0x0  }
0xb8: {  	[sflag:s3] =	ssyncadd.s32 @!p0 $0xFFFFE000;
	s3 =	sadd.s32 @!p0 s16, s23;
	s23 =	simm.s32 @!p0 $0x0  }
0xb9: {  	[tilespmem:s24], [sflag:$0x5] =	stream.linear.gather @!p0 [hbm4b:s3+s23], $0x40, $0x38;
	[tilespmem:$0x1C400] =	vst v63  }
0xba: {  	s3 =	simm.s32 @!p0 $0x1  }
0xbb: {  	_ =	swait.ge @!p0 [sflag:s3], $0x40  }
0xbc: {  	[sflag:s3] =	ssyncset.done @!p0 $0x0  }
0xbd: {  	s24 =	simm.s32 @!p0 $0x400;
	[sflag:s3] =	ssyncadd.s32 @!p0 $0xFFFFFFC0;
	s3 =	simm.s32 @!p0 $0x40  }
0xbe: {  	[tilespmem:s24], [sflag:$0x9] =	stream.indirect.gather @!p0 [hbm4b:s1+s3], $0x80, s23, s3, $0xb8;
	[tilespmem:$0x1C400] =	vst v63  }
0xbf: {  	s24 =	sadd.s32 $0xFFFFFFFE, s21  }
0xc0: {  	p0 =	sge.u32 s24, s6  }
0xc1: {  	s3 =	simm.s32 @!p0 $0xE  }
0xc2: {  	_ =	swait.ge @!p0 [sflag:s3], $0x2000  }
0xc3: {  	s24 =	simm.s32 @!p0 $0x280;
	s23 =	rddreg [dreg:$0xb];
	[sflag:s3] =	ssyncset.done @!p0 $0x0  }
0xc4: {  	[sflag:s3] =	ssyncadd.s32 @!p0 $0xFFFFE000;
	s3 =	sadd.s32 @!p0 s16, s23;
	s23 =	simm.s32 @!p0 $0x0  }
0xc5: {  	[tilespmem:s24], [sflag:$0x6] =	stream.linear.gather @!p0 [hbm4b:s3+s23], $0x40, $0x38;
	[tilespmem:$0x1C400] =	vst v63  }
0xc6: {  	s3 =	simm.s32 @!p0 $0x2  }
0xc7: {  	_ =	swait.ge @!p0 [sflag:s3], $0x40  }
0xc8: {  	s26 =	sadd.s32 $0xFFFFFFFF, s21;
	s23 =	simm.s32 @!p0 $0x80;
	[sflag:s3] =	ssyncset.done @!p0 $0x0  }
0xc9: {  	s24 =	simm.s32 @!p0 $0x2400;
	[sflag:s3] =	ssyncadd.s32 @!p0 $0xFFFFFFC0;
	s3 =	simm.s32 @!p0 $0x40  }
0xca: {  	[tilespmem:s24], [sflag:$0xA] =	stream.indirect.gather @!p0 [hbm4b:s1+s3], $0x80, s23, s3, $0xb8;
	[tilespmem:$0x1C400] =	vst v63  }
0xcb: {  	p0 =	sge.u32 s26, s6  }
0xcc: {  	s3 =	simm.s32 @!p0 $0xF  }
0xcd: {  	_ =	swait.ge @!p0 [sflag:s3], $0x2000  }
0xce: {  	s24 =	simm.s32 @!p0 $0x300;
	s23 =	rddreg [dreg:$0xc];
	[sflag:s3] =	ssyncset.done @!p0 $0x0  }
0xcf: {  	[sflag:s3] =	ssyncadd.s32 @!p0 $0xFFFFE000;
	s3 =	sadd.s32 @!p0 s16, s23;
	s23 =	simm.s32 @!p0 $0x0  }
0xd0: {  	[tilespmem:s24], [sflag:$0x7] =	stream.linear.gather @!p0 [hbm4b:s3+s23], $0x40, $0x38;
	[tilespmem:$0x1C400] =	vst v63  }
0xd1: {  	s3 =	simm.s32 @!p0 $0x3  }
0xd2: {  	_ =	swait.ge @!p0 [sflag:s3], $0x40  }
0xd3: {  	s23 =	simm.s32 @!p0 $0x100;
	[sflag:s3] =	ssyncset.done @!p0 $0x0  }
0xd4: {  	s24 =	simm.s32 @!p0 $0x4400;
	[sflag:s3] =	ssyncadd.s32 @!p0 $0xFFFFFFC0;
	s3 =	simm.s32 @!p0 $0x40  }
0xd5: {  	[tilespmem:s24], [sflag:$0xB] =	stream.indirect.gather @!p0 [hbm4b:s1+s3], $0x80, s23, s3, $0xb8;
	[tilespmem:$0x1C400] =	vst v63  }
0xd6: {  	p0 =	sge.u32 s21, s6  }
0xd7: {  	s3 =	simm.s32 @!p0 $0x10  }
0xd8: {  	_ =	swait.ge @!p0 [sflag:s3], $0x2000  }
0xd9: {  	s24 =	simm.s32 @!p0 $0x380;
	s23 =	rddreg [dreg:$0xd];
	[sflag:s3] =	ssyncset.done @!p0 $0x0  }
0xda: {  	[sflag:s3] =	ssyncadd.s32 @!p0 $0xFFFFE000;
	s3 =	sadd.s32 @!p0 s16, s23;
	s23 =	simm.s32 @!p0 $0x0  }
0xdb: {  	[tilespmem:s24], [sflag:$0x8] =	stream.linear.gather @!p0 [hbm4b:s3+s23], $0x40, $0x38;
	[tilespmem:$0x1C400] =	vst v63  }
0xdc: {  	s3 =	simm.s32 @!p0 $0x4  }
0xdd: {  	s16 =	sadd.s32 $0x400, s16;
	_ =	swait.ge @!p0 [sflag:s3], $0x40  }
0xde: {  	s23 =	simm.s32 @!p0 $0x180;
	s24 =	simm.s32 @!p0 $0x6400;
	[sflag:s3] =	ssyncset.done @!p0 $0x0  }
0xdf: {  	s31 =	rddreg [dreg:$0xe];
	[sflag:s3] =	ssyncadd.s32 @!p0 $0xFFFFFFC0;
	s3 =	simm.s32 @!p0 $0x40  }
0xe0: {  	[tilespmem:s24], [sflag:$0xC] =	stream.indirect.gather @!p0 [hbm4b:s1+s3], $0x80, s23, s3, $0xb8;
	[tilespmem:$0x1C400] =	vst v63  }
0xe1: {  	p0 =	sne.s32 s31, s16  }
.Ltmp1:
0xe2: {  	_ = 	snop;
	(pc) =	sbr.rel @p0 .LBB2_4-.Ltmp1, $2  }
0xe3: {  	_ =	sdelay $0x2  }
0xe4: {  	s25 =	sadd.s32 $0x2000, s25;
	s21 =	sadd.s32 $0x4, s21  }
0xe5: {  	_ =	swait.ge [sflag:s14], $0x2000  }
0xe6: {  	[sflag:s14] =	ssyncset.done $0x0  }
0xe7: {  	[sflag:s14] =	ssyncadd.s32 $0xFFFFE000  }
0xe8: {  	_ =	swait.ge [sflag:s17], $0x2000  }
0xe9: {  	[sflag:s17] =	ssyncset.done $0x0  }
0xea: {  	[sflag:s17] =	ssyncadd.s32 $0xFFFFE000  }
0xeb: {  	_ =	swait.ge [sflag:s18], $0x2000  }
0xec: {  	[sflag:s18] =	ssyncset.done $0x0  }
0xed: {  	[sflag:s18] =	ssyncadd.s32 $0xFFFFE000  }
0xee: {  	_ =	swait.ge [sflag:s19], $0x2000  }
0xef: {  	[sflag:s19] =	ssyncset.done $0x0  }
0xf0: {  	[sflag:s19] =	ssyncadd.s32 $0xFFFFE000  }
0xf1: {  	[bflag:$0x0] =	sbarrier.arrive $0xFFFF  }
0xf2: {  	s3 =	rddreg [dreg:$0x16]  }
0xf3: {  	s16 =	sshrl.u32 s15, $0x3;
	s21 =	rddreg [dreg:$0x17];
	s3 =	sor.u32 $0x1C11, s3  }
0xf4: {  	[hbm:s21], [sflag:s3] =	dma.local [spmem:s16], $0x2800  }
0xf5: {  	_ =	swait.ge [sflag:s8], $0x2800  }
0xf6: {  	s20 =	sadd.s32 $0x1, s20;
	s31 =	rddreg [dreg:$0x18]  }
0xf7: {  	p0 =	sne.s32 s20, s31  }
.Ltmp2:
0xf8: {  	_ = 	snop;
	(pc) =	sbr.rel @p0 .LBB2_1-.Ltmp2, $3  }
0xf9: {  	_ =	sdelay $0x1  }
0xfa: {  	[sflag:s8] =	ssyncset.done $0x0  }
0xfb: {  	s23 =	simm.s32 $0x80;
	s24 =	simm.s32 $0x100;
	[sflag:s8] =	ssyncadd.s32 $0xFFFFD800  }
0xfc: {  	_ =	sfence.sel $0x180000  }
0xfd: {  	[bflag:$0x0] =	sbarrier.arrive $0xFFFF  }
0xfe: {  	_ =	strace $0x9000004D  }
0xff: {  	s0 =	stileid.u32;
	[bflag:$0x2] =	sbarrier.arrive $0xFFFF  }
0x100: {  	p0 =	sne.s32 s0, $0x0;
	s0 =	rddreg [dreg:$0x3]  }
0x101: {  	s0 =	sadd.s32 @!p0 $0x100000, s0  }
0x102: {  	[sflag:s0] =	ssyncadd.tile.s32 @!p0 $0x1;
	_ =	shalt  }
.Lfunc_end2:
_tile_overlayer_lowered:
.L_overlay_start_2:
0x103: {  	(tag) =	ssettag $0x2  }
0x104: {  	s0 =	rddreg [dreg:$0x0];
	s2 =	stileid.u32  }
0x105: {  	s1 =	rddreg [dreg:$0x1];
	p0 =	sne.s32 s2, $0x0  }
0x106: {  	s3 =	rddreg [dreg:$0x2];
	[bflag:$0x3] =	sbarrier.arrive $0xFFFF;
	s2 =	simm.s32 @!p0 $0x1C11  }
0x107: {  	[timem:s3], [sflag:s2] =	dma.local @!p0 [hbm:s0], s1  }
0x108: {  	s0 =	simm.s32 @!p0 $0x11  }
0x109: {  	_ =	swait.ge @!p0 [sflag:s0], s1  }
0x10a: {  	s1 =	ssub.s32 @!p0 $0x0, s1;
	[sflag:s0] =	ssyncset.done @!p0 $0x0  }
0x10b: {  	[sflag:s0] =	ssyncadd.s32 @!p0 s1  }
0x10c: {  	[bflag:$0x3] =	sbarrier.arrive $0xFFFF  }
0x10d: {  	_ =	shalt  }

// kernel: kernel.8.cloned.1.call-start
scs
__scs_entry_jumppad:
0x0: {  	(pc) =	sbr.rel $0x88, $3  }
0x1: {  	(tag) =	ssettag $0x0;
	lr =	simm.s32 $0x1  }
0x2: {  	[smem:$0x3F9B] =	sst lr;
	_ =	strace $0xD0000000  }
0x3: {  	_ = 	snop  }
0x4: {  	_ = 	snop  }
0x5: {  	_ = 	snop  }
0x6: {  	_ = 	snop  }
0x7: {  	_ = 	snop  }
__scs_overlays_trampoline_lowered:
0x8: {  	[smem:$0x3FAA] =	sst s0  }
0x9: {  	[smem:$0x3FAB] =	sst s1  }
0xa: {  	[smem:$0x3FAC] =	sst s2  }
0xb: {  	[smem:$0x3FAD] =	sst s3  }
0xc: {  	[smem:$0x3FAE] =	sst s4  }
0xd: {  	[smem:$0x3FAF] =	sst s5  }
0xe: {  	[smem:$0x3FB0] =	sst s6  }
0xf: {  	[smem:$0x3FB1] =	sst s7  }
0x10: {  	[smem:$0x3FB2] =	sst s8  }
0x11: {  	[smem:$0x3FB3] =	sst s9;
	s0 =	simm.s32 @!p0 $0x0  }
0x12: {  	s1 =	sld [smem:$0x3F99];
	s0 =	simm.s32 @p0 $0x1  }
0x13: {  	[smem:$0x3FB4] =	sst s0;
	s0 =	simm.s32 @!p1 $0x0  }
0x14: {  	s2 =	sld [smem:$0x3F98];
	s0 =	simm.s32 @p1 $0x1  }
0x15: {  	[smem:$0x3FB5] =	sst s0;
	s0 =	simm.s32 @!p2 $0x0  }
0x16: {  	s3 =	sld [smem:$0x3FDB];
	s0 =	simm.s32 @p2 $0x1  }
0x17: {  	s4 =	simm.s32 $0x1BF5;
	[smem:$0x3FB7] =	sst s0  }
0x18: {  	s0 =	sld [smem:$0x3F9A];
	_ =	swait.ge [sflag:s4], $0x0  }
0x19: {  	s7 =	sld [smem:$0x3F9B]  }
0x1a: {  	s8 =	sadd.s32 $0xFFFFE003, lr  }
0x1b: {  	s9 =	sadd.s32 $0xFFFFFEF7, lr;
	s5 =	simm.s32 $0xFFFFFFFF;
	p2 =	slt.u32 s8, $0xFFFFF086  }
0x1c: {  	p1 =	slt.u32 s9, $0xF7A;
	s5 =	simm.s32 @!p2 $0x0  }
0x1d: {  	s5 =	simm.s32 @p1 $0x1;
	p0 =	seq.s32 s7, s2  }
0x1e: {  	s7 =	smul.u32 @!p0 $0xF7A, s2;
	p2 =	seq.s32 @!p0 s5, $0x0  }
0x1f: {  	s9 =	smul.u32 $0xF7A, s1;
	s8 =	simm.s32 @!p0 $0x1BF5;
	p2 =	por !p2, p0  }
0x20: {  	[sflag:s8] =	ssyncset.s32 @!p0 $0xFFFFF086;
	s6 =	sadd.s32 @!p0 s3, s7;
	s7 =	simm.s32 @!p0 $0x108  }
0x21: {  	s3 =	sadd.s32 s3, s9;
	s6 =	sadd.s32 @!p0 $0x88, s6;
	s7 =	simm.s32 @p2 $0x1082  }
0x22: {  	[simem:s7], [sflag:s8] =	dma.local @!p0 [hbm:s6], $0xF7A  }
0x23: {  	s9 =	sor.u32 $0xD0000000, s2;
	s6 =	simm.s32 $0x108;
	_ =	swait.ge @!p0 [sflag:s8], $0x0  }
0x24: {  	s3 =	sadd.s32 $0x88, s3;
	s6 =	simm.s32 @!p1 $0x1082;
	[sflag:s4] =	ssyncset.s32 $0xFFFFF086  }
0x25: {  	[simem:s6], [sflag:s4] =	dma.local [hbm:s3], $0xF7A  }
0x26: {  	[smem:$0x3F9B] =	sst s1;
	(tag) =	ssettag s2;
	_ =	strace s9  }
0x27: {  	s1 =	sld [smem:$0x3FAB]  }
0x28: {  	s2 =	sld [smem:$0x3FAC]  }
0x29: {  	s4 =	sld [smem:$0x3FAE]  }
0x2a: {  	p0 =	seq.s32 s5, $0x0;
	s5 =	sld [smem:$0x3FAF]  }
0x2b: {  	s6 =	sld [smem:$0x3FB0]  }
0x2c: {  	s7 =	sld [smem:$0x3FB1]  }
0x2d: {  	s3 =	simm.s32 $0x108;
	s8 =	sld [smem:$0x3FB2]  }
0x2e: {  	s3 =	simm.s32 @!p0 $0x1082;
	s9 =	sld [smem:$0x3FB3]  }
0x2f: {  	lr =	sadd.s32 s0, s3;
	s0 =	sld [smem:$0x3FAA]  }
0x30: {  	s3 =	sld [smem:$0x3FAD]  }
0x31: {  	[smem:$0x3FB6] =	sst s10  }
0x32: {  	s10 =	sld [smem:$0x3FB4];
	_ =	sdelay $0x3  }
0x33: {  	p0 =	seq.s32 s10, $0x1;
	s10 =	sld [smem:$0x3FB6];
	_ =	sdelay $0x3  }
0x34: {  	[smem:$0x3FB6] =	sst s10  }
0x35: {  	s10 =	sld [smem:$0x3FB5];
	_ =	sdelay $0x3  }
0x36: {  	p1 =	seq.s32 s10, $0x1;
	s10 =	sld [smem:$0x3FB6];
	_ =	sdelay $0x3  }
0x37: {  	[smem:$0x3FB6] =	sst s10  }
0x38: {  	s10 =	sld [smem:$0x3FB7]  }
0x39: {  	_ = 	snop;
	(pc) =	sbr.ind lr, $3  }
0x3a: {  	_ = 	snop  }
0x3b: {  	_ = 	snop  }
0x3c: {  	p2 =	seq.s32 s10, $0x1;
	s10 =	sld [smem:$0x3FB6]  }
0x3d: {  	_ =	shalt  }
0x3e: {  	_ =	shalt  }
0x3f: {  	_ =	shalt  }
0x40: {  	_ =	shalt  }
0x41: {  	_ =	shalt  }
0x42: {  	_ =	shalt  }
0x43: {  	_ =	shalt  }
0x44: {  	_ =	shalt  }
0x45: {  	_ =	shalt  }
0x46: {  	_ =	shalt  }
0x47: {  	_ =	shalt  }
0x48: {  	_ =	shalt  }
0x49: {  	_ =	shalt  }
0x4a: {  	_ =	shalt  }
0x4b: {  	_ =	shalt  }
0x4c: {  	_ =	shalt  }
0x4d: {  	_ =	shalt  }
0x4e: {  	_ =	shalt  }
0x4f: {  	_ =	shalt  }
0x50: {  	_ =	shalt  }
0x51: {  	_ =	shalt  }
0x52: {  	_ =	shalt  }
0x53: {  	_ =	shalt  }
0x54: {  	_ =	shalt  }
0x55: {  	_ =	shalt  }
0x56: {  	_ =	shalt  }
0x57: {  	_ =	shalt  }
0x58: {  	_ =	shalt  }
0x59: {  	_ =	shalt  }
0x5a: {  	_ =	shalt  }
0x5b: {  	_ =	shalt  }
0x5c: {  	_ =	shalt  }
0x5d: {  	_ =	shalt  }
0x5e: {  	_ =	shalt  }
0x5f: {  	_ =	shalt  }
0x60: {  	_ =	shalt  }
0x61: {  	_ =	shalt  }
0x62: {  	_ =	shalt  }
0x63: {  	_ =	shalt  }
0x64: {  	_ =	shalt  }
0x65: {  	_ =	shalt  }
0x66: {  	_ =	shalt  }
0x67: {  	_ =	shalt  }
0x68: {  	_ =	shalt  }
0x69: {  	_ =	shalt  }
0x6a: {  	_ =	shalt  }
0x6b: {  	_ =	shalt  }
0x6c: {  	_ =	shalt  }
0x6d: {  	_ =	shalt  }
0x6e: {  	_ =	shalt  }
0x6f: {  	_ =	shalt  }
0x70: {  	_ =	shalt  }
0x71: {  	_ =	shalt  }
0x72: {  	_ =	shalt  }
0x73: {  	_ =	shalt  }
0x74: {  	_ =	shalt  }
0x75: {  	_ =	shalt  }
0x76: {  	_ =	shalt  }
0x77: {  	_ =	shalt  }
0x78: {  	_ =	shalt  }
0x79: {  	_ =	shalt  }
0x7a: {  	_ =	shalt  }
0x7b: {  	_ =	shalt  }
0x7c: {  	_ =	shalt  }
0x7d: {  	_ =	shalt  }
0x7e: {  	_ =	shalt  }
0x7f: {  	_ =	shalt  }
0x80: {  	_ =	shalt  }
0x81: {  	_ =	shalt  }
0x82: {  	_ =	shalt  }
0x83: {  	_ =	shalt  }
0x84: {  	_ =	shalt  }
0x85: {  	_ =	shalt  }
0x86: {  	_ =	shalt  }
0x87: {  	_ =	shalt  }
.Lfunc_end0:
.L_simem_size_0:
called_computation_lowered:
.L_overlay_start_0:
0x88: {  	s2 =	sld [smem:$0x3FD9]  }
0x89: {  	s3 =	sld [smem:$0x3FFE];
	_ =	sdelay $0x1  }
0x8a: {  	s1 =	srdreg.scid  }
0x8b: {  	s0 =	sand.u32 $0x1, s1  }
0x8c: {  	s17 =	sshll.u32 s0, $0xA;
	s2 =	sadd.s32 s3, s2  }
0x8d: {  	s2 =	sadd.s32 s2, s17  }
0x8e: {  	[smem:$0x3FC2] =	sst s2  }
0x8f: {  	_ = 	snop  }
0x90: {  	s2 =	sld [smem:$0x3FD0];
	(tm) =	ssettm $0x1  }
0x91: {  	s18 =	sld [smem:$0x3FFB];
	_ =	sdelay $0x3  }
0x92: {  	_ =	strace s18  }
0x93: {  	s3 =	sld [smem:$0x3FFC];
	_ =	sdelay $0x3  }
0x94: {  	_ =	strace s3  }
0x95: {  	s3 =	sld [smem:$0x3FFD];
	_ =	sdelay $0x3  }
0x96: {  	_ =	strace s3  }
0x97: {  	_ =	strace $0x8FFFFFFF  }
0x98: {  	s19 =	sld [smem:$0x3FDB];
	_ =	sdelay $0x1  }
0x99: {  	s4 =	simm.s32 $_scs_section_size  }
0x9a: {  	s5 =	simm.s32 $_size__tile_overlayer_lowered;
	s6 =	simm.s32 $_tile_overlayer_lowered  }
0x9b: {  	s22 =	simm.s32 $0x1BFF;
	s21 =	sshll.u32 s6, $0x1;
	s3 =	sadd.s32 s4, s19  }
0x9c: {  	s7 =	simm.s32 $0x0;
	s20 =	sshll.u32 s5, $0x1;
	s5 =	sadd.s32 s21, s3  }
0x9d: {  	[timem:s7], [sflag:s22] =	dma.local [hbm:s5], s20  }
0x9e: {  	_ =	swait.ge [sflag:s22], s20  }
0x9f: {  	s4 =	ssub.s32 $0x0, s20;
	[sflag:s22] =	ssyncset.done $0x0  }
0xa0: {  	[sflag:s22] =	ssyncadd.s32 s4;
	_ =	sdelay $0x1  }
0xa1: {  	s23 =	simm.s32 $0x1B8B  }
0xa2: {  	_ =	swait.ge [sflag:s23], $0x1  }
0xa3: {  	[sflag:s23] =	ssyncset.done $0x0  }
0xa4: {  	s25 =	simm.s32 $0x1B8E;
	s24 =	sld [smem:$0x3FFE];
	[sflag:s23] =	ssyncadd.s32 $0xFFFFFFFF  }
0xa5: {  	s26 =	simm.s32 $execute0_lowered;
	[smem:$0x3FD2] =	sst s25  }
0xa6: {  	s5 =	sshll.u32 s26, $0x1;
	_ =	strace $0x80000046;
	[dreg:$0x1] =	wrdreg $0xFFFFFFFF  }
0xa7: {  	s28 =	simm.s32 $_size_execute0_lowered;
	s3 =	sadd.s32 s3, s5;
	[dreg:$0x0] =	wrdreg $0x0  }
0xa8: {  	s5 =	sshll.u32 s28, $0x1;
	[dreg:$0x2] =	wrdreg s3  }
0xa9: {  	[dreg:$0x3] =	wrdreg s5  }
0xaa: {  	[dreg:$0x4] =	wrdreg $0xC0  }
0xab: {  	_ =	task [dreg:s7], $0x5FFFF  }
0xac: {  	[dreg:$0x1] =	wrdreg $0xFFFFFFFF  }
0xad: {  	[dreg:$0x0] =	wrdreg $0x60  }
0xae: {  	[dreg:$0x2] =	wrdreg s24  }
0xaf: {  	[dreg:$0x3] =	wrdreg s2  }
0xb0: {  	[dreg:$0x4] =	wrdreg $0x2E800  }
0xb1: {  	[dreg:$0x5] =	wrdreg $0x9  }
0xb2: {  	_ =	task.clear_ibuf [dreg:s7], $0x6FFFF;
	_ =	strace $0x90000046  }
0xb3: {  	s29 =	simm.s32 $0x9;
	_ =	strace $0x80000048  }
0xb4: {  	_ =	swait.ge [sflag:s29], $0x1  }
0xb5: {  	[sflag:s29] =	ssyncadd.s32 $0xFFFFFFFF  }
0xb6: {  	_ =	strace $0x90000048  }
0xb7: {  	_ =	sfence  }
0xb8: {  	s30 =	sld [smem:$0x0];
	_ =	sdelay $0x2  }
0xb9: {  	s31 =	sshll.u32 s1, $0xD;
	s1 =	sshrl.u32 s1, $0x2  }
0xba: {  	s3 =	sand.u32 $0x4000, s31;
	s1 =	sadd.s32 s1, s30  }
0xbb: {  	s0 =	sor.u32 s3, s0;
	s1 =	sshll.u32 s1, $0x11  }
0xbc: {  	s0 =	sor.u32 s1, s0  }
0xbd: {  	s0 =	sadd.s32 $0x8F2B, s0  }
0xbe: {  	[sflag:s0] =	ssyncadd.remote.s32 $0x1  }
0xbf: {  	_ =	sfence.sel $0xFFFF  }
0xc0: {  	[dreg:$0x0] =	wrdreg $0xFFFFFFFF;
	(pc) =	sbr.abs _section_cstart, $3  }
0xc1: {  	[dreg:$0x1] =	wrdreg $0xFFFFFFFF  }
0xc2: {  	_ =	task.clear_ibuf [dreg:s7], $0x2FFFF;
	_ =	strace $0x9FFFFFFF  }
0xc3: {  	(tm) =	ssettm $0x7FFFFFFF  }
tec
execute0_lowered:
.L_overlay_start_1:
0x0: {  	(tag) =	ssettag $0x1  }
0x1: {  	s5 =	rddreg [dreg:$0x0]  }
0x2: {  	s0 =	srdreg.scid;
	s6 =	rddreg [dreg:$0x1]  }
0x3: {  	s2 =	rddreg [dreg:$0x2];
	s3 =	simm.s32 $0x0;
	s11 =	simm.s32 $0x50  }
0x4: {  	s12 =	simm.s32 $0x2780;
	s13 =	simm.s32 $0x2B80;
	s14 =	simm.s32 $0x2800  }
0x5: {  	s15 =	simm.s32 $0x2880;
	s16 =	simm.s32 $0x2900;
	s17 =	simm.s32 $0x2980  }
0x6: {  	s18 =	simm.s32 $0x2;
	s19 =	simm.s32 $0x3;
	s20 =	simm.s32 $0x4  }
0x7: {  	s21 =	simm.s32 $0x5;
	s22 =	simm.s32 $0x6;
	s4 =	sand.u32 $0x1, s0  }
0x8: {  	s25 =	simm.s32 $0x0;
	s0 =	stileid.u32;
	s1 =	sshll.u32 s4, $0x4  }
0x9: {  	[smem:$0x7FF] =	sst s3;
	s8 =	smul.u32 $0x280, s0;
	s1 =	sor.u32 s0, s1  }
0xa: {  	s9 =	ssub.s32 $0x2, s4;
	s23 =	sshll.u32 s0, $0x6;
	s7 =	smul.u32 $0x2710, s1  }
0xb: {  	s4 =	smul.u32 $0x2800, s4;
	s10 =	sshrl.u32 s9, $0x1;
	s23 =	sor.u32 $0x1C07, s23  }
0xc: {  	s1 =	rddreg [dreg:$0x3];
	_ =	strace $0x80000047;
	s7 =	sshrl.u32 s7, $0x3  }
0xd: {  	s9 =	ssub.s32 s9, s10;
	s31 =	sadd.s32 s8, s4;
	s5 =	sadd.s32 s5, s7  }
0xe: {  	s10 =	simm.s32 $0x1;
	s7 =	sshrl.u32 s31, $0x3;
	s4 =	sadd.s32 $0xC240, s5  }
0xf: {  	s5 =	sadd.s32 s8, s2;
	s6 =	sadd.s32 s6, s7;
	s7 =	smax.u32 s9, $0x1  }
0x10: {  	v0 =	vimm.f32 $1.000000000e+00;
	v1 =	vimm.f32 $0.0e+00;
	s8 =	simm.s32 $0x2C00;
	s9 =	simm.s32 $0x7;
	s24 =	sshrl.u32 s5, $0x3  }
.LBB2_1:
0x11: {  	[tilespmem:s3], [sflag:$0x1] =	stream.linear.gather [hbm4b:s4+s3], $0x2710, $0x38;
	[tilespmem:$0x3100] =	vst v63  }
0x12: {  	[tilespmem:$0x2B80] =	vst v0  }
0x13: {  	[tilespmem:$0x2B90] =	vst v0  }
0x14: {  	[tilespmem:$0x2BA0] =	vst v0  }
0x15: {  	[tilespmem:$0x2BB0] =	vst v0  }
0x16: {  	[tilespmem:$0x2BC0] =	vst v0  }
0x17: {  	[tilespmem:$0x2C00] =	vst v1  }
0x18: {  	[tilespmem:$0x2C10] =	vst v1  }
0x19: {  	[tilespmem:$0x2C20] =	vst v1  }
0x1a: {  	[tilespmem:$0x2C30] =	vst v1  }
0x1b: {  	[tilespmem:$0x2C40] =	vst v1  }
0x1c: {  	[tilespmem:$0x2C50] =	vst v1  }
0x1d: {  	[tilespmem:$0x2C60] =	vst v1  }
0x1e: {  	[tilespmem:$0x2C70] =	vst v1  }
0x1f: {  	[tilespmem:$0x2C80] =	vst v1  }
0x20: {  	[tilespmem:$0x2C90] =	vst v1  }
0x21: {  	[tilespmem:$0x2CA0] =	vst v1  }
0x22: {  	[tilespmem:$0x2CB0] =	vst v1  }
0x23: {  	[tilespmem:$0x2CC0] =	vst v1  }
0x24: {  	[tilespmem:$0x2CD0] =	vst v1  }
0x25: {  	[tilespmem:$0x2CE0] =	vst v1  }
0x26: {  	[tilespmem:$0x2CF0] =	vst v1  }
0x27: {  	[tilespmem:$0x2D00] =	vst v1  }
0x28: {  	[tilespmem:$0x2D10] =	vst v1  }
0x29: {  	[tilespmem:$0x2D20] =	vst v1  }
0x2a: {  	[tilespmem:$0x2D30] =	vst v1  }
0x2b: {  	[tilespmem:$0x2D40] =	vst v1  }
0x2c: {  	[tilespmem:$0x2D50] =	vst v1  }
0x2d: {  	[tilespmem:$0x2D60] =	vst v1  }
0x2e: {  	[tilespmem:$0x2D70] =	vst v1  }
0x2f: {  	[tilespmem:$0x2D80] =	vst v1  }
0x30: {  	[tilespmem:$0x2D90] =	vst v1  }
0x31: {  	[tilespmem:$0x2DA0] =	vst v1  }
0x32: {  	[tilespmem:$0x2DB0] =	vst v1  }
0x33: {  	[tilespmem:$0x2DC0] =	vst v1  }
0x34: {  	[tilespmem:$0x2DD0] =	vst v1  }
0x35: {  	[tilespmem:$0x2DE0] =	vst v1  }
0x36: {  	[tilespmem:$0x2DF0] =	vst v1  }
0x37: {  	[tilespmem:$0x2E00] =	vst v1  }
0x38: {  	[tilespmem:$0x2E10] =	vst v1  }
0x39: {  	[tilespmem:$0x2E20] =	vst v1  }
0x3a: {  	[tilespmem:$0x2E30] =	vst v1  }
0x3b: {  	[tilespmem:$0x2E40] =	vst v1  }
0x3c: {  	[tilespmem:$0x2E50] =	vst v1  }
0x3d: {  	[tilespmem:$0x2E60] =	vst v1  }
0x3e: {  	[tilespmem:$0x2E70] =	vst v1  }
0x3f: {  	[spmem:s5] =	stream.linear.scatter [tilespmem:s8], [sflag:$0x7], $0x280, $0x38;
	[tilespmem:$0x3100] =	vst v63  }
0x40: {  	_ =	swait.ge [sflag:s9], $0x280  }
0x41: {  	[sflag:s9] =	ssyncset.done $0x0  }
0x42: {  	[sflag:s9] =	ssyncadd.s32 $0xFFFFFD80  }
0x43: {  	[bflag:$0x0] =	sbarrier.arrive $0xFFFF  }
0x44: {  	_ =	swait.ge [sflag:s10], $0x2710  }
0x45: {  	[sflag:s10] =	ssyncset.done $0x0  }
0x46: {  	[sflag:s10] =	ssyncadd.s32 $0xFFFFD8F0  }
0x47: {  	v2 =	vld [tilespmem:$0x0]  }
0x48: {  	v3 =	vld [tilespmem:$0x10]  }
0x49: {  	v4 =	vld [tilespmem:$0x20]  }
0x4a: {  	v5 =	vld [tilespmem:$0x30]  }
0x4b: {  	v6 =	vld [tilespmem:$0x40]  }
0x4c: {  	[tilespmem:$0x2780] =	vst v2  }
0x4d: {  	[tilespmem:$0x2790] =	vst v3  }
0x4e: {  	[tilespmem:$0x27A0] =	vst v4  }
0x4f: {  	[tilespmem:$0x27B0] =	vst v5  }
0x50: {  	[tilespmem:$0x27C0] =	vst v6  }
0x51: {  	[spmem:s2] =	stream.indirect.scatter.add.f32 [tilespmem:s13], [sflag:$0x2], $0x1, s12, s11, $0xb8;
	[tilespmem:$0x3100] =	vst v63  }
0x52: {  	v2 =	vld [tilespmem:$0x50]  }
0x53: {  	v3 =	vld [tilespmem:$0x60]  }
0x54: {  	v52 =	vld [tilespmem:$0x70]  }
0x55: {  	v53 =	vld [tilespmem:$0x80]  }
0x56: {  	v54 =	vld [tilespmem:$0x90]  }
0x57: {  	[tilespmem:$0x2800] =	vst v2  }
0x58: {  	[tilespmem:$0x2810] =	vst v3  }
0x59: {  	[tilespmem:$0x2820] =	vst v52  }
0x5a: {  	[tilespmem:$0x2830] =	vst v53  }
0x5b: {  	[tilespmem:$0x2840] =	vst v54  }
0x5c: {  	[spmem:s2] =	stream.indirect.scatter.add.f32 [tilespmem:s13], [sflag:$0x3], $0x1, s14, s11, $0xb8;
	[tilespmem:$0x3100] =	vst v63  }
0x5d: {  	v2 =	vld [tilespmem:$0xA0]  }
0x5e: {  	v3 =	vld [tilespmem:$0xB0]  }
0x5f: {  	v55 =	vld [tilespmem:$0xC0]  }
0x60: {  	v56 =	vld [tilespmem:$0xD0]  }
0x61: {  	v57 =	vld [tilespmem:$0xE0]  }
0x62: {  	[tilespmem:$0x2880] =	vst v2  }
0x63: {  	[tilespmem:$0x2890] =	vst v3  }
0x64: {  	[tilespmem:$0x28A0] =	vst v55  }
0x65: {  	[tilespmem:$0x28B0] =	vst v56  }
0x66: {  	[tilespmem:$0x28C0] =	vst v57  }
0x67: {  	[spmem:s2] =	stream.indirect.scatter.add.f32 [tilespmem:s13], [sflag:$0x4], $0x1, s15, s11, $0xb8;
	[tilespmem:$0x3100] =	vst v63  }
0x68: {  	v2 =	vld [tilespmem:$0xF0]  }
0x69: {  	v3 =	vld [tilespmem:$0x100]  }
0x6a: {  	v58 =	vld [tilespmem:$0x110]  }
0x6b: {  	v59 =	vld [tilespmem:$0x120]  }
0x6c: {  	v60 =	vld [tilespmem:$0x130]  }
0x6d: {  	[tilespmem:$0x2900] =	vst v2  }
0x6e: {  	[tilespmem:$0x2910] =	vst v3  }
0x6f: {  	[tilespmem:$0x2920] =	vst v58  }
0x70: {  	[tilespmem:$0x2930] =	vst v59  }
0x71: {  	[tilespmem:$0x2940] =	vst v60  }
0x72: {  	[spmem:s2] =	stream.indirect.scatter.add.f32 [tilespmem:s13], [sflag:$0x5], $0x1, s16, s11, $0xb8;
	[tilespmem:$0x3100] =	vst v63  }
0x73: {  	v2 =	vld [tilespmem:$0x140]  }
0x74: {  	v3 =	vld [tilespmem:$0x150]  }
0x75: {  	v61 =	vld [tilespmem:$0x160]  }
0x76: {  	v62 =	vld [tilespmem:$0x170]  }
0x77: {  	v63 =	vld [tilespmem:$0x180]  }
0x78: {  	[tilespmem:$0x2980] =	vst v2  }
0x79: {  	[tilespmem:$0x2990] =	vst v3  }
0x7a: {  	[tilespmem:$0x29A0] =	vst v61  }
0x7b: {  	[tilespmem:$0x29B0] =	vst v62  }
0x7c: {  	[tilespmem:$0x29C0] =	vst v63  }
0x7d: {  	[spmem:s2] =	stream.indirect.scatter.add.f32 [tilespmem:s13], [sflag:$0x6], $0x1, s17, s11, $0xb8;
	[tilespmem:$0x3100] =	vst v63  }
0x7e: {  	_ =	swait.ge [sflag:s18], $0x50  }
0x7f: {  	[sflag:s18] =	ssyncset.done $0x0  }
0x80: {  	s26 =	simm.s32 $0x310;
	[sflag:s18] =	ssyncadd.s32 $0xFFFFFFB0  }
0x81: {  	v2 =	vld [tilespmem:s26+$0xFFFFFE80];
	_ =	sdelay $0x4  }
0x82: {  	[tilespmem:$0x2780] =	vst v2  }
0x83: {  	v2 =	vld [tilespmem:s26+$0xFFFFFE90];
	_ =	sdelay $0x4  }
0x84: {  	[tilespmem:$0x2790] =	vst v2  }
0x85: {  	v2 =	vld [tilespmem:s26+$0xFFFFFEA0];
	_ =	sdelay $0x4  }
0x86: {  	[tilespmem:$0x27A0] =	vst v2  }
0x87: {  	v2 =	vld [tilespmem:s26+$0xFFFFFEB0];
	_ =	sdelay $0x4  }
0x88: {  	[tilespmem:$0x27B0] =	vst v2  }
0x89: {  	v2 =	vld [tilespmem:s26+$0xFFFFFEC0];
	_ =	sdelay $0x4  }
0x8a: {  	[tilespmem:$0x27C0] =	vst v2  }
0x8b: {  	[spmem:s2] =	stream.indirect.scatter.add.f32 [tilespmem:s13], [sflag:$0x2], $0x1, s12, s11, $0xb8;
	[tilespmem:$0x3100] =	vst v63  }
0x8c: {  	_ =	swait.ge [sflag:s19], $0x50  }
0x8d: {  	[sflag:s19] =	ssyncset.done $0x0  }
0x8e: {  	[sflag:s19] =	ssyncadd.s32 $0xFFFFFFB0  }
0x8f: {  	v2 =	vld [tilespmem:s26+$0xFFFFFED0];
	_ =	sdelay $0x4  }
0x90: {  	[tilespmem:$0x2800] =	vst v2  }
0x91: {  	v2 =	vld [tilespmem:s26+$0xFFFFFEE0];
	_ =	sdelay $0x4  }
0x92: {  	s28 =	sand.u32 $0x3FF0, s3;
	[tilespmem:$0x2810] =	vst v2  }
0x93: {  	v2 =	vld [tilespmem:s28+$0x200];
	_ =	sdelay $0x4  }
0x94: {  	[tilespmem:$0x2820] =	vst v2  }
0x95: {  	v2 =	vld [tilespmem:s26+$0xFFFFFF00];
	_ =	sdelay $0x4  }
0x96: {  	[tilespmem:$0x2830] =	vst v2  }
0x97: {  	v2 =	vld [tilespmem:s26+$0xFFFFFF10];
	_ =	sdelay $0x4  }
0x98: {  	[tilespmem:$0x2840] =	vst v2  }
0x99: {  	[spmem:s2] =	stream.indirect.scatter.add.f32 [tilespmem:s13], [sflag:$0x3], $0x1, s14, s11, $0xb8;
	[tilespmem:$0x3100] =	vst v63  }
0x9a: {  	_ =	swait.ge [sflag:s20], $0x50  }
0x9b: {  	[sflag:s20] =	ssyncset.done $0x0  }
0x9c: {  	[sflag:s20] =	ssyncadd.s32 $0xFFFFFFB0  }
0x9d: {  	v2 =	vld [tilespmem:s26+$0xFFFFFF20];
	_ =	sdelay $0x4  }
0x9e: {  	[tilespmem:$0x2880] =	vst v2  }
0x9f: {  	v2 =	vld [tilespmem:s26+$0xFFFFFF30];
	_ =	sdelay $0x4  }
0xa0: {  	[tilespmem:$0x2890] =	vst v2  }
0xa1: {  	v2 =	vld [tilespmem:s26+$0xFFFFFF40];
	_ =	sdelay $0x4  }
0xa2: {  	[tilespmem:$0x28A0] =	vst v2  }
0xa3: {  	v2 =	vld [tilespmem:s26+$0xFFFFFF50];
	_ =	sdelay $0x4  }
0xa4: {  	[tilespmem:$0x28B0] =	vst v2  }
0xa5: {  	v2 =	vld [tilespmem:s26+$0xFFFFFF60];
	_ =	sdelay $0x4  }
0xa6: {  	[tilespmem:$0x28C0] =	vst v2  }
0xa7: {  	[spmem:s2] =	stream.indirect.scatter.add.f32 [tilespmem:s13], [sflag:$0x4], $0x1, s15, s11, $0xb8;
	[tilespmem:$0x3100] =	vst v63  }
0xa8: {  	_ =	swait.ge [sflag:s21], $0x50  }
0xa9: {  	[sflag:s21] =	ssyncset.done $0x0  }
0xaa: {  	[sflag:s21] =	ssyncadd.s32 $0xFFFFFFB0  }
0xab: {  	v2 =	vld [tilespmem:s28+$0x280];
	_ =	sdelay $0x4  }
0xac: {  	[tilespmem:$0x2900] =	vst v2  }
0xad: {  	v2 =	vld [tilespmem:s26+$0xFFFFFF80];
	_ =	sdelay $0x4  }
0xae: {  	[tilespmem:$0x2910] =	vst v2  }
0xaf: {  	v2 =	vld [tilespmem:s26+$0xFFFFFF90];
	_ =	sdelay $0x4  }
0xb0: {  	[tilespmem:$0x2920] =	vst v2  }
0xb1: {  	v2 =	vld [tilespmem:s26+$0xFFFFFFA0];
	_ =	sdelay $0x4  }
0xb2: {  	[tilespmem:$0x2930] =	vst v2  }
0xb3: {  	v2 =	vld [tilespmem:s26+$0xFFFFFFB0];
	_ =	sdelay $0x4  }
0xb4: {  	[tilespmem:$0x2940] =	vst v2  }
0xb5: {  	[spmem:s2] =	stream.indirect.scatter.add.f32 [tilespmem:s13], [sflag:$0x5], $0x1, s16, s11, $0xb8;
	[tilespmem:$0x3100] =	vst v63  }
0xb6: {  	_ =	swait.ge [sflag:s22], $0x50  }
0xb7: {  	[sflag:s22] =	ssyncset.done $0x0  }
0xb8: {  	[sflag:s22] =	ssyncadd.s32 $0xFFFFFFB0  }
0xb9: {  	v2 =	vld [tilespmem:s26+$0xFFFFFFC0];
	_ =	sdelay $0x4  }
0xba: {  	[tilespmem:$0x2980] =	vst v2  }
0xbb: {  	v2 =	vld [tilespmem:s26+$0xFFFFFFD0];
	_ =	sdelay $0x4  }
0xbc: {  	[tilespmem:$0x2990] =	vst v2  }
0xbd: {  	v2 =	vld [tilespmem:s26+$0xFFFFFFE0];
	_ =	sdelay $0x4  }
0xbe: {  	[tilespmem:$0x29A0] =	vst v2  }
0xbf: {  	v2 =	vld [tilespmem:s28+$0x300];
	_ =	sdelay $0x4  }
0xc0: {  	[tilespmem:$0x29B0] =	vst v2  }
0xc1: {  	v2 =	vld [tilespmem:s26+$0x0];
	_ =	sdelay $0x4  }
0xc2: {  	s28 =	simm.s32 $0x4A0;
	s26 =	simm.s32 $0x190;
	[tilespmem:$0x29C0] =	vst v2  }
.LBB2_2:
0xc3: {  	[spmem:s2] =	stream.indirect.scatter.add.f32 [tilespmem:s13], [sflag:$0x6], $0x1, s17, s11, $0xb8;
	[tilespmem:$0x3100] =	vst v63  }
0xc4: {  	s29 =	smov.u32 s26  }
0xc5: {  	p0 =	sne.s32 s26, $0x23F0;
	s26 =	sadd.s32 $0x190, s26;
	_ =	swait.ge [sflag:s18], $0x50  }
0xc6: {  	[sflag:s18] =	ssyncset.done $0x0  }
0xc7: {  	[sflag:s18] =	ssyncadd.s32 $0xFFFFFFB0  }
0xc8: {  	v2 =	vld [tilespmem:s28+$0xFFFFFE80];
	_ =	sdelay $0x4  }
0xc9: {  	[tilespmem:$0x2780] =	vst v2  }
0xca: {  	v2 =	vld [tilespmem:s28+$0xFFFFFE90];
	_ =	sdelay $0x4  }
0xcb: {  	[tilespmem:$0x2790] =	vst v2  }
0xcc: {  	v2 =	vld [tilespmem:s28+$0xFFFFFEA0];
	_ =	sdelay $0x4  }
0xcd: {  	[tilespmem:$0x27A0] =	vst v2  }
0xce: {  	v2 =	vld [tilespmem:s28+$0xFFFFFEB0];
	_ =	sdelay $0x4  }
0xcf: {  	[tilespmem:$0x27B0] =	vst v2  }
0xd0: {  	v2 =	vld [tilespmem:s28+$0xFFFFFEC0];
	_ =	sdelay $0x4  }
0xd1: {  	[tilespmem:$0x27C0] =	vst v2  }
0xd2: {  	[spmem:s2] =	stream.indirect.scatter.add.f32 [tilespmem:s13], [sflag:$0x2], $0x1, s12, s11, $0xb8;
	[tilespmem:$0x3100] =	vst v63  }
0xd3: {  	_ =	swait.ge [sflag:s19], $0x50  }
0xd4: {  	[sflag:s19] =	ssyncset.done $0x0  }
0xd5: {  	[sflag:s19] =	ssyncadd.s32 $0xFFFFFFB0  }
0xd6: {  	v2 =	vld [tilespmem:s28+$0xFFFFFED0];
	_ =	sdelay $0x4  }
0xd7: {  	[tilespmem:$0x2800] =	vst v2  }
0xd8: {  	v2 =	vld [tilespmem:s28+$0xFFFFFEE0];
	_ =	sdelay $0x4  }
0xd9: {  	s29 =	sand.u32 $0x3FF0, s29;
	[tilespmem:$0x2810] =	vst v2  }
0xda: {  	v2 =	vld [tilespmem:s29+$0x200];
	_ =	sdelay $0x4  }
0xdb: {  	[tilespmem:$0x2820] =	vst v2  }
0xdc: {  	v2 =	vld [tilespmem:s28+$0xFFFFFF00];
	_ =	sdelay $0x4  }
0xdd: {  	[tilespmem:$0x2830] =	vst v2  }
0xde: {  	v2 =	vld [tilespmem:s28+$0xFFFFFF10];
	_ =	sdelay $0x4  }
0xdf: {  	[tilespmem:$0x2840] =	vst v2  }
0xe0: {  	[spmem:s2] =	stream.indirect.scatter.add.f32 [tilespmem:s13], [sflag:$0x3], $0x1, s14, s11, $0xb8;
	[tilespmem:$0x3100] =	vst v63  }
0xe1: {  	_ =	swait.ge [sflag:s20], $0x50  }
0xe2: {  	[sflag:s20] =	ssyncset.done $0x0  }
0xe3: {  	[sflag:s20] =	ssyncadd.s32 $0xFFFFFFB0  }
0xe4: {  	v2 =	vld [tilespmem:s28+$0xFFFFFF20];
	_ =	sdelay $0x4  }
0xe5: {  	[tilespmem:$0x2880] =	vst v2  }
0xe6: {  	v2 =	vld [tilespmem:s28+$0xFFFFFF30];
	_ =	sdelay $0x4  }
0xe7: {  	[tilespmem:$0x2890] =	vst v2  }
0xe8: {  	v2 =	vld [tilespmem:s28+$0xFFFFFF40];
	_ =	sdelay $0x4  }
0xe9: {  	[tilespmem:$0x28A0] =	vst v2  }
0xea: {  	v2 =	vld [tilespmem:s28+$0xFFFFFF50];
	_ =	sdelay $0x4  }
0xeb: {  	[tilespmem:$0x28B0] =	vst v2  }
0xec: {  	v2 =	vld [tilespmem:s28+$0xFFFFFF60];
	_ =	sdelay $0x4  }
0xed: {  	[tilespmem:$0x28C0] =	vst v2  }
0xee: {  	[spmem:s2] =	stream.indirect.scatter.add.f32 [tilespmem:s13], [sflag:$0x4], $0x1, s15, s11, $0xb8;
	[tilespmem:$0x3100] =	vst v63  }
0xef: {  	_ =	swait.ge [sflag:s21], $0x50  }
0xf0: {  	[sflag:s21] =	ssyncset.done $0x0  }
0xf1: {  	[sflag:s21] =	ssyncadd.s32 $0xFFFFFFB0  }
0xf2: {  	v2 =	vld [tilespmem:s29+$0x280];
	_ =	sdelay $0x4  }
0xf3: {  	[tilespmem:$0x2900] =	vst v2  }
0xf4: {  	v2 =	vld [tilespmem:s28+$0xFFFFFF80];
	_ =	sdelay $0x4  }
0xf5: {  	[tilespmem:$0x2910] =	vst v2  }
0xf6: {  	v2 =	vld [tilespmem:s28+$0xFFFFFF90];
	_ =	sdelay $0x4  }
0xf7: {  	[tilespmem:$0x2920] =	vst v2  }
0xf8: {  	v2 =	vld [tilespmem:s28+$0xFFFFFFA0];
	_ =	sdelay $0x4  }
0xf9: {  	[tilespmem:$0x2930] =	vst v2  }
0xfa: {  	v2 =	vld [tilespmem:s28+$0xFFFFFFB0];
	_ =	sdelay $0x4  }
0xfb: {  	[tilespmem:$0x2940] =	vst v2  }
0xfc: {  	[spmem:s2] =	stream.indirect.scatter.add.f32 [tilespmem:s13], [sflag:$0x5], $0x1, s16, s11, $0xb8;
	[tilespmem:$0x3100] =	vst v63  }
0xfd: {  	_ =	swait.ge [sflag:s22], $0x50  }
0xfe: {  	[sflag:s22] =	ssyncset.done $0x0  }
0xff: {  	[sflag:s22] =	ssyncadd.s32 $0xFFFFFFB0  }
0x100: {  	v2 =	vld [tilespmem:s28+$0xFFFFFFC0];
	_ =	sdelay $0x4  }
0x101: {  	[tilespmem:$0x2980] =	vst v2  }
0x102: {  	v2 =	vld [tilespmem:s28+$0xFFFFFFD0];
	_ =	sdelay $0x4  }
0x103: {  	[tilespmem:$0x2990] =	vst v2  }
0x104: {  	v2 =	vld [tilespmem:s28+$0xFFFFFFE0];
	_ =	sdelay $0x4  }
0x105: {  	[tilespmem:$0x29A0] =	vst v2  }
0x106: {  	v2 =	vld [tilespmem:s29+$0x300];
	_ =	sdelay $0x4  }
0x107: {  	[tilespmem:$0x29B0] =	vst v2  }
0x108: {  	v2 =	vld [tilespmem:s28+$0x0]  }
.Ltmp0:
0x109: {  	(pc) =	sbr.rel @p0 .LBB2_2-.Ltmp0, $2  }
0x10a: {  	_ =	sdelay $0x2  }
0x10b: {  	s28 =	sadd.s32 $0x190, s28;
	[tilespmem:$0x29C0] =	vst v2  }
0x10c: {  	[spmem:s2] =	stream.indirect.scatter.add.f32 [tilespmem:s13], [sflag:$0x6], $0x1, s17, s11, $0xb8;
	[tilespmem:$0x3100] =	vst v63  }
0x10d: {  	_ =	swait.ge [sflag:s18], $0x50  }
0x10e: {  	[sflag:s18] =	ssyncset.done $0x0  }
0x10f: {  	[sflag:s18] =	ssyncadd.s32 $0xFFFFFFB0  }
0x110: {  	_ =	swait.ge [sflag:s19], $0x50  }
0x111: {  	[sflag:s19] =	ssyncset.done $0x0  }
0x112: {  	[sflag:s19] =	ssyncadd.s32 $0xFFFFFFB0  }
0x113: {  	_ =	swait.ge [sflag:s20], $0x50  }
0x114: {  	[sflag:s20] =	ssyncset.done $0x0  }
0x115: {  	[sflag:s20] =	ssyncadd.s32 $0xFFFFFFB0  }
0x116: {  	_ =	swait.ge [sflag:s21], $0x50  }
0x117: {  	[sflag:s21] =	ssyncset.done $0x0  }
0x118: {  	[sflag:s21] =	ssyncadd.s32 $0xFFFFFFB0  }
0x119: {  	_ =	swait.ge [sflag:s22], $0x50  }
0x11a: {  	s25 =	sadd.s32 $0x1, s25;
	[sflag:s22] =	ssyncset.done $0x0  }
0x11b: {  	p0 =	sne.s32 s25, s7;
	[sflag:s22] =	ssyncadd.s32 $0xFFFFFFB0  }
.Ltmp1:
0x11c: {  	[bflag:$0x0] =	sbarrier.arrive $0xFFFF;
	(pc) =	sbr.rel @p0 .LBB2_1-.Ltmp1, $4  }
0x11d: {  	[hbm:s6], [sflag:s23] =	dma.local [spmem:s24], $0x50  }
0x11e: {  	_ =	swait.ge [sflag:s9], $0x50  }
0x11f: {  	[sflag:s9] =	ssyncset.done $0x0  }
0x120: {  	[sflag:s9] =	ssyncadd.s32 $0xFFFFFFB0  }
0x121: {  	_ =	sfence.sel $0x180000  }
0x122: {  	[bflag:$0x0] =	sbarrier.arrive $0xFFFF  }
0x123: {  	p0 =	sne.s32 s0, $0x0;
	_ =	strace $0x90000047  }
0x124: {  	s0 =	sadd.s32 @!p0 $0x100000, s1;
	[bflag:$0x2] =	sbarrier.arrive $0xFFFF  }
0x125: {  	[sflag:s0] =	ssyncadd.tile.s32 @!p0 $0x1;
	_ =	shalt  }
.Lfunc_end2:
_tile_overlayer_lowered:
.L_overlay_start_2:
0x126: {  	(tag) =	ssettag $0x2  }
0x127: {  	s0 =	rddreg [dreg:$0x0];
	s2 =	stileid.u32  }
0x128: {  	s1 =	rddreg [dreg:$0x1];
	p0 =	sne.s32 s2, $0x0  }
0x129: {  	s3 =	rddreg [dreg:$0x2];
	[bflag:$0x3] =	sbarrier.arrive $0xFFFF;
	s2 =	simm.s32 @!p0 $0x1C07  }
0x12a: {  	[timem:s3], [sflag:s2] =	dma.local @!p0 [hbm:s0], s1  }
0x12b: {  	s0 =	simm.s32 @!p0 $0x7  }
0x12c: {  	_ =	swait.ge @!p0 [sflag:s0], s1  }
0x12d: {  	s1 =	ssub.s32 @!p0 $0x0, s1;
	[sflag:s0] =	ssyncset.done @!p0 $0x0  }
0x12e: {  	[sflag:s0] =	ssyncadd.s32 @!p0 s1  }
0x12f: {  	[bflag:$0x3] =	sbarrier.arrive $0xFFFF  }
0x130: {  	_ =	shalt  }

</sc_bundles>
